<compile_context>
chip_gen: v7x
topology: tpu7x:2x2x1
jax: 0.10.2.dev20260603
libtpu: 0.0.44.dev20260713+nightly
codegen_flags: <defaults>
</compile_context>

<pallas_src>
import functools

import jax
import jax.numpy as jnp
from jax import lax
from jax.experimental import pallas as pl
from jax.experimental.pallas import tpu as pltpu
from jax.experimental.pallas import tpu_sc as plsc

N_NODES = 10000
D = 128

NC = 2
NS = 16

CHUNK = 128
CH = 80
E_PAD = NC * NS * CH * CHUNK
IBLK = 16
NIB_C = (9, 1)
CH_C = (NIB_C[0] * IBLK, max(NIB_C[1], 1) * IBLK)
NIB_DEG = 5

ACC_ROWS = 10240
DUMP_ROW = N_NODES
ACC_PER_SUB = ACC_ROWS // NS

_mesh = lambda: plsc.VectorSubcoreMesh(core_axis_name="c", subcore_axis_name="s")


def _fill_vmem(buf, n_rows, width, value):
    def row(i, carry):
        for k in range(width // 16):
            buf[i, pl.ds(k * 16, 16)] = jnp.full((16,), value, jnp.float32)
        return carry
    lax.fori_loop(0, n_rows, row, 0)


def _zero_vmem(buf, n_rows, width):
    _fill_vmem(buf, n_rows, width, 0.0)


NBUF = 2


def _agg_body(p_hbm, src_hbm, dst_hbm, out_hbm,
              src_v, dst_v, rows0, rows1, agg_sh,
              gs0, gs1, ss0, ss1):
    c = lax.axis_index("c")
    s = lax.axis_index("s")
    bufs = (rows0, rows1)
    gsem = (gs0, gs1)
    ssem = (ss0, ss1)

    _zero_vmem(rows0, CHUNK, D)
    zbase = s * ACC_PER_SUB
    def zcp(j, carry):
        pltpu.sync_copy(rows0, agg_sh.at[pl.ds(zbase + j * CHUNK, CHUNK)])
        return carry
    lax.fori_loop(0, ACC_PER_SUB // CHUNK, zcp, 0)
    plsc.subcore_barrier()

    nib = jnp.where(c == 0, NIB_C[0], NIB_C[1])
    def blk(b, carry):
        pltpu.sync_copy(src_hbm.at[c, s, pl.ds(b * IBLK, IBLK)], src_v)
        pltpu.sync_copy(dst_hbm.at[c, s, pl.ds(b * IBLK, IBLK)], dst_v)

        for k in range(NBUF):
            pltpu.async_copy(p_hbm.at[src_v.at[k]], bufs[k], gsem[k])

        def step(jj, carry2):
            base = jj * NBUF
            for k in range(NBUF):
                pltpu.make_async_copy(p_hbm.at[src_v.at[base + k]],
                                      bufs[k], gsem[k]).wait()
                pltpu.async_copy(bufs[k], agg_sh.at[dst_v.at[base + k]],
                                 ssem[k], add=True)
            for k in range(NBUF):
                nxt = base + NBUF + k
                pltpu.make_async_copy(bufs[k], agg_sh.at[dst_v.at[base + k]],
                                      ssem[k]).wait()
                pltpu.async_copy(p_hbm.at[src_v.at[nxt]], bufs[k], gsem[k])
            return carry2
        lax.fori_loop(0, IBLK // NBUF - 1, step, 0)

        last = IBLK - NBUF
        for k in range(NBUF):
            pltpu.make_async_copy(p_hbm.at[src_v.at[last + k]],
                                  bufs[k], gsem[k]).wait()
            pltpu.async_copy(bufs[k], agg_sh.at[dst_v.at[last + k]],
                             ssem[k], add=True)
        for k in range(NBUF):
            pltpu.make_async_copy(bufs[k], agg_sh.at[dst_v.at[last + k]],
                                  ssem[k]).wait()
        return carry
    lax.fori_loop(0, nib, blk, 0)

    plsc.subcore_barrier()

    def ocp(j, carry):
        r0 = zbase + j * CHUNK
        pltpu.sync_copy(agg_sh.at[pl.ds(r0, CHUNK)], rows0)
        pltpu.sync_copy(rows0, out_hbm.at[c, pl.ds(r0, CHUNK)])
        return carry
    lax.fori_loop(0, ACC_PER_SUB // CHUNK, ocp, 0)


def _sc_aggregate(p, src_r, dst_r):
    return pl.kernel(
        _agg_body,
        out_type=jax.ShapeDtypeStruct((NC, ACC_ROWS, D), jnp.float32),
        mesh=_mesh(),
        scratch_types=[
            pltpu.VMEM((IBLK, CHUNK), jnp.int32),
            pltpu.VMEM((IBLK, CHUNK), jnp.int32),
            pltpu.VMEM((CHUNK, D), jnp.float32),
            pltpu.VMEM((CHUNK, D), jnp.float32),
            pltpu.VMEM_SHARED((ACC_ROWS, D), jnp.float32),
            pltpu.SemaphoreType.DMA,
            pltpu.SemaphoreType.DMA,
            pltpu.SemaphoreType.DMA,
            pltpu.SemaphoreType.DMA,
        ],
    )(p, src_r, dst_r)


def _deg_body(dst_hbm, out_hbm, dst_v, ones_v, agg_sh):
    c = lax.axis_index("c")
    s = lax.axis_index("s")

    _zero_vmem(ones_v, CHUNK, D)
    zbase = s * ACC_PER_SUB
    def zcp(j, carry):
        pltpu.sync_copy(ones_v, agg_sh.at[pl.ds(zbase + j * CHUNK, CHUNK)])
        return carry
    lax.fori_loop(0, ACC_PER_SUB // CHUNK, zcp, 0)

    _fill_vmem(ones_v, CHUNK, D, 1.0)
    plsc.subcore_barrier()

    def blk(b, carry):
        pltpu.sync_copy(dst_hbm.at[c, s, pl.ds(b * IBLK, IBLK)], dst_v)
        def step(j, carry2):
            pltpu.sync_copy(ones_v, agg_sh.at[dst_v.at[j]], add=True)
            return carry2
        lax.fori_loop(0, IBLK, step, 0)
        return carry
    lax.fori_loop(0, NIB_DEG, blk, 0)

    plsc.subcore_barrier()

    def ocp(j, carry):
        r0 = zbase + j * CHUNK
        pltpu.sync_copy(agg_sh.at[pl.ds(r0, CHUNK)], ones_v)
        pltpu.sync_copy(ones_v, out_hbm.at[c, pl.ds(r0, CHUNK)])
        return carry
    lax.fori_loop(0, ACC_PER_SUB // CHUNK, ocp, 0)


def _sc_degrees(dst_r):
    return pl.kernel(
        _deg_body,
        out_type=jax.ShapeDtypeStruct((NC, ACC_ROWS, D), jnp.float32),
        mesh=_mesh(),
        scratch_types=[
            pltpu.VMEM((IBLK, CHUNK), jnp.int32),
            pltpu.VMEM((CHUNK, D), jnp.float32),
            pltpu.VMEM_SHARED((ACC_ROWS, D), jnp.float32),
        ],
    )(dst_r)



RB = 2000
GRID = N_NODES // RB


def _matmul_body(h_ref, w_ref, o_ref):
    o_ref[...] = jnp.dot(h_ref[...], w_ref[...],
                         preferred_element_type=jnp.float32)


def _tc_matmul(h, w):
    return pl.pallas_call(
        _matmul_body,
        grid=(GRID,),
        in_specs=[
            pl.BlockSpec((RB, D), lambda i: (i, 0)),
            pl.BlockSpec((D, D), lambda i: (0, 0)),
        ],
        out_specs=pl.BlockSpec((RB, D), lambda i: (i, 0)),
        out_shape=jax.ShapeDtypeStruct((N_NODES, D), jnp.float32),
    )(h, w)


def _combine_body(apply_relu, h_ref, w_ref, b_ref, parts_ref, deg_ref, o_ref):
    agg = parts_ref[0] + parts_ref[1]
    deg = deg_ref[0, :, 0:1] + deg_ref[1, :, 0:1]
    inv = 1.0 / jnp.maximum(deg, 1.0)
    out = jnp.dot(h_ref[...], w_ref[...],
                  preferred_element_type=jnp.float32)
    out = out + b_ref[...] + inv * agg
    if apply_relu:
        out = jnp.maximum(out, 0.0)
    o_ref[...] = out


def _tc_combine(h, w_self, b, parts, deg_parts, apply_relu):
    return pl.pallas_call(
        functools.partial(_combine_body, apply_relu),
        grid=(GRID,),
        in_specs=[
            pl.BlockSpec((RB, D), lambda i: (i, 0)),
            pl.BlockSpec((D, D), lambda i: (0, 0)),
            pl.BlockSpec((1, D), lambda i: (0, 0)),
            pl.BlockSpec((NC, RB, D), lambda i: (0, i, 0)),
            pl.BlockSpec((NC, RB, D), lambda i: (0, i, 0)),
        ],
        out_specs=pl.BlockSpec((RB, D), lambda i: (i, 0)),
        out_shape=jax.ShapeDtypeStruct((N_NODES, D), jnp.float32),
    )(h, w_self, b.reshape(1, D), parts, deg_parts)


def kernel(x, edge_index, W_self0, W_neigh0, b0, W_self1, W_neigh1, b1,
           W_self2, W_neigh2, b2):
    src = edge_index[0].astype(jnp.int32)
    dst = edge_index[1].astype(jnp.int32)
    pad = E_PAD - src.shape[0]
    arange_pad = jnp.arange(pad, dtype=jnp.int32) % CHUNK
    src_p = jnp.concatenate([src, jnp.zeros((pad,), jnp.int32)])
    dst_p = jnp.concatenate([dst, DUMP_ROW + arange_pad])

    n0 = NS * CH_C[0] * CHUNK
    ch1 = NIB_C[1] * IBLK
    filler_i = jnp.zeros((NS, CH_C[0] - ch1, CHUNK), jnp.int32)
    filler_d = jnp.full((NS, CH_C[0] - ch1, CHUNK), DUMP_ROW, jnp.int32)
    src_r = jnp.stack([
        src_p[:n0].reshape(NS, CH_C[0], CHUNK),
        jnp.concatenate(
            [src_p[n0:].reshape(NS, ch1, CHUNK), filler_i], axis=1)])
    dst_r = jnp.stack([
        dst_p[:n0].reshape(NS, CH_C[0], CHUNK),
        jnp.concatenate(
            [dst_p[n0:].reshape(NS, ch1, CHUNK), filler_d], axis=1)])

    dst_deg = dst_p.reshape(NC, NS, CH, CHUNK)
    deg_parts = _sc_degrees(dst_deg)

    h = x
    for (w_s, w_n, b, relu) in (
            (W_self0, W_neigh0, b0, True),
            (W_self1, W_neigh1, b1, True),
            (W_self2, W_neigh2, b2, False)):
        p = _tc_matmul(h, w_n)
        parts = _sc_aggregate(p, src_r, dst_r)
        h = _tc_combine(h, w_s, b, parts, deg_parts, relu)
    return h

# --- scband reference (transcript-rebuilt; emitter-appended) ---
"""Pipeline reference for scband-sage-14723147891355 (READ-ONLY COPY).

The authoritative reference and input builder live on the scoring server;
editing this copy changes nothing except your own understanding.
"""

import jax, jax.numpy as jnp
import numpy as np

N_NODES = 10000
N_EDGES = 320000
D_IN = 128
D_HID = 128
D_OUT = 128


def setup_inputs(seed: int = 0) -> dict:
    key = jax.random.key(seed)
    ks = jax.random.split(key, 12)
    x = jax.random.normal(ks[0], (N_NODES, D_IN), dtype=jnp.float32)
    edge_index = jax.random.randint(ks[1], (2, N_EDGES), 0, N_NODES, dtype=jnp.int64)
    def glorot(k, fan_in, fan_out):
        lim = jnp.sqrt(6.0 / (fan_in + fan_out))
        return jax.random.uniform(k, (fan_in, fan_out), dtype=jnp.float32, minval=-lim, maxval=lim)
    W_self0 = glorot(ks[2], D_IN, D_HID)
    W_neigh0 = glorot(ks[3], D_IN, D_HID)
    b0 = jnp.zeros((D_HID,), dtype=jnp.float32)
    W_self1 = glorot(ks[4], D_HID, D_HID)
    W_neigh1 = glorot(ks[5], D_HID, D_HID)
    b1 = jnp.zeros((D_HID,), dtype=jnp.float32)
    W_self2 = glorot(ks[6], D_HID, D_OUT)
    W_neigh2 = glorot(ks[7], D_HID, D_OUT)
    b2 = jnp.zeros((D_OUT,), dtype=jnp.float32)
    return {
        "x": x, "edge_index": edge_index,
        "W_self0": W_self0, "W_neigh0": W_neigh0, "b0": b0,
        "W_self1": W_self1, "W_neigh1": W_neigh1, "b1": b1,
        "W_self2": W_self2, "W_neigh2": W_neigh2, "b2": b2,
    }


def _sage_conv_mean(h, src, dst, W_self, W_neigh, b):
    # DGL SAGEConv with 'mean' aggregator: fc_self(h) + fc_neigh(mean_neigh(h)) + bias
    msgs = h[src]  # gather source features  [E, d]
    agg = jax.ops.segment_sum(msgs, dst, num_segments=N_NODES)  # scatter-add by dst
    deg = jax.ops.segment_sum(jnp.ones((src.shape[0],), dtype=h.dtype), dst, num_segments=N_NODES)
    h_neigh = agg / jnp.clip(deg, 1.0, None)[:, None]
    return h @ W_self + h_neigh @ W_neigh + b


def reference(x, edge_index, W_self0, W_neigh0, b0, W_self1, W_neigh1, b1, W_self2, W_neigh2, b2):
    src = edge_index[0]
    dst = edge_index[1]
    h = _sage_conv_mean(x, src, dst, W_self0, W_neigh0, b0)
    h = jax.nn.relu(h)  # dropout is identity in eval mode
    h = _sage_conv_mean(h, src, dst, W_self1, W_neigh1, b1)
    h = jax.nn.relu(h)
    h = _sage_conv_mean(h, src, dst, W_self2, W_neigh2, b2)
    return h

if __name__ == "__main__":
    import jax
    _d = setup_inputs()
    print(jax.jit(kernel)(*tuple(_d.values())))

</pallas_src>

<mosaic_0001>
#map = affine_map<(d0, d1) -> (0, 0)>
#map1 = affine_map<(d0, d1) -> (0, 0, 0, 0)>
#map2 = affine_map<(d0, d1) -> (0, 0, 0)>
module attributes {stable_mosaic.version = 14 : i64} {
  func.func @_agg_body(%arg0: i32, %arg1: i32, %arg2: memref<10000x128xf32, #tpu.memory_space<hbm>>, %arg3: memref<2x16x144x128xi32, #tpu.memory_space<hbm>>, %arg4: memref<2x16x144x128xi32, #tpu.memory_space<hbm>>, %arg5: memref<2x10240x128xf32, #tpu.memory_space<hbm>>, %arg6: memref<16x128xi32, #tpu.memory_space<vmem>>, %arg7: memref<16x128xi32, #tpu.memory_space<vmem>>, %arg8: memref<128x128xf32, #tpu.memory_space<vmem>>, %arg9: memref<128x128xf32, #tpu.memory_space<vmem>>, %arg10: memref<10240x128xf32, #tpu.memory_space<vmem_shared>>, %arg11: memref<!tpu.dma_semaphore, #tpu.memory_space<semaphore_mem>>, %arg12: memref<!tpu.dma_semaphore, #tpu.memory_space<semaphore_mem>>, %arg13: memref<!tpu.dma_semaphore, #tpu.memory_space<semaphore_mem>>, %arg14: memref<!tpu.dma_semaphore, #tpu.memory_space<semaphore_mem>>) attributes {dimension_semantics = [#tpu.dimension_semantics<core_parallel>, #tpu.dimension_semantics<subcore_parallel>], iteration_bounds = array<i64: 2, 16>, scalar_prefetch = 0 : i64, scratch_operands = 9 : i64, tpu.core_type = #tpu.core_type<sc_vector_subcore>, window_params = [{transform_indices = #map}, {transform_indices = #map1}, {transform_indices = #map1}, {transform_indices = #map2}]} {
    %scan3A = arith.constant 0 : i32
    %scan3A_0 = arith.constant 0 : i32
    %scan3A_1 = arith.constant 128 : i32
    %scan3A_2 = arith.addi %scan3A_0, %scan3A_1 : i32
    %scan3A_3 = arith.constant 1 : i32
    scf.for %scan3A_30 = %scan3A_0 to %scan3A_2 step %scan3A_3  : i32 {
      %broadcast_in_dim3A = arith.constant 0.000000e+00 : f32
      %broadcast_in_dim3A_31 = vector.broadcast %broadcast_in_dim3A : f32 to vector<16xf32>
      %swap3A = arith.index_cast %scan3A_30 : i32 to index
      %swap3A_32 = arith.constant 0 : index
      %swap3A_33 = tpu.vector_load %arg8[%swap3A, %swap3A_32] {strides = array<i32>} : memref<128x128xf32, #tpu.memory_space<vmem>>, vector<1x16xf32>,
      %swap3A_34 = vector.shape_cast %swap3A_33 : vector<1x16xf32> to vector<16xf32>
      %swap3A_35 = vector.shape_cast %broadcast_in_dim3A_31 : vector<16xf32> to vector<1x16xf32>
      tpu.vector_store %arg8[%swap3A, %swap3A_32], %swap3A_35 {strides = array<i32>} : memref<128x128xf32, #tpu.memory_space<vmem>>, vector<1x16xf32>,
      %broadcast_in_dim3A_36 = arith.constant 0.000000e+00 : f32
      %broadcast_in_dim3A_37 = vector.broadcast %broadcast_in_dim3A_36 : f32 to vector<16xf32>
      %swap3A_38 = arith.index_cast %scan3A_30 : i32 to index
      %swap3A_39 = arith.constant 16 : index
      %swap3A_40 = tpu.vector_load %arg8[%swap3A_38, %swap3A_39] {strides = array<i32>} : memref<128x128xf32, #tpu.memory_space<vmem>>, vector<1x16xf32>,
      %swap3A_41 = vector.shape_cast %swap3A_40 : vector<1x16xf32> to vector<16xf32>
      %swap3A_42 = vector.shape_cast %broadcast_in_dim3A_37 : vector<16xf32> to vector<1x16xf32>
      tpu.vector_store %arg8[%swap3A_38, %swap3A_39], %swap3A_42 {strides = array<i32>} : memref<128x128xf32, #tpu.memory_space<vmem>>, vector<1x16xf32>,
      %broadcast_in_dim3A_43 = arith.constant 0.000000e+00 : f32
      %broadcast_in_dim3A_44 = vector.broadcast %broadcast_in_dim3A_43 : f32 to vector<16xf32>
      %swap3A_45 = arith.index_cast %scan3A_30 : i32 to index
      %swap3A_46 = arith.constant 32 : index
      %swap3A_47 = tpu.vector_load %arg8[%swap3A_45, %swap3A_46] {strides = array<i32>} : memref<128x128xf32, #tpu.memory_space<vmem>>, vector<1x16xf32>,
      %swap3A_48 = vector.shape_cast %swap3A_47 : vector<1x16xf32> to vector<16xf32>
      %swap3A_49 = vector.shape_cast %broadcast_in_dim3A_44 : vector<16xf32> to vector<1x16xf32>
      tpu.vector_store %arg8[%swap3A_45, %swap3A_46], %swap3A_49 {strides = array<i32>} : memref<128x128xf32, #tpu.memory_space<vmem>>, vector<1x16xf32>,
      %broadcast_in_dim3A_50 = arith.constant 0.000000e+00 : f32
      %broadcast_in_dim3A_51 = vector.broadcast %broadcast_in_dim3A_50 : f32 to vector<16xf32>
      %swap3A_52 = arith.index_cast %scan3A_30 : i32 to index
      %swap3A_53 = arith.constant 48 : index
      %swap3A_54 = tpu.vector_load %arg8[%swap3A_52, %swap3A_53] {strides = array<i32>} : memref<128x128xf32, #tpu.memory_space<vmem>>, vector<1x16xf32>,
      %swap3A_55 = vector.shape_cast %swap3A_54 : vector<1x16xf32> to vector<16xf32>
      %swap3A_56 = vector.shape_cast %broadcast_in_dim3A_51 : vector<16xf32> to vector<1x16xf32>
      tpu.vector_store %arg8[%swap3A_52, %swap3A_53], %swap3A_56 {strides = array<i32>} : memref<128x128xf32, #tpu.memory_space<vmem>>, vector<1x16xf32>,
      %broadcast_in_dim3A_57 = arith.constant 0.000000e+00 : f32
      %broadcast_in_dim3A_58 = vector.broadcast %broadcast_in_dim3A_57 : f32 to vector<16xf32>
      %swap3A_59 = arith.index_cast %scan3A_30 : i32 to index
      %swap3A_60 = arith.constant 64 : index
      %swap3A_61 = tpu.vector_load %arg8[%swap3A_59, %swap3A_60] {strides = array<i32>} : memref<128x128xf32, #tpu.memory_space<vmem>>, vector<1x16xf32>,
      %swap3A_62 = vector.shape_cast %swap3A_61 : vector<1x16xf32> to vector<16xf32>
      %swap3A_63 = vector.shape_cast %broadcast_in_dim3A_58 : vector<16xf32> to vector<1x16xf32>
      tpu.vector_store %arg8[%swap3A_59, %swap3A_60], %swap3A_63 {strides = array<i32>} : memref<128x128xf32, #tpu.memory_space<vmem>>, vector<1x16xf32>,
      %broadcast_in_dim3A_64 = arith.constant 0.000000e+00 : f32
      %broadcast_in_dim3A_65 = vector.broadcast %broadcast_in_dim3A_64 : f32 to vector<16xf32>
      %swap3A_66 = arith.index_cast %scan3A_30 : i32 to index
      %swap3A_67 = arith.constant 80 : index
      %swap3A_68 = tpu.vector_load %arg8[%swap3A_66, %swap3A_67] {strides = array<i32>} : memref<128x128xf32, #tpu.memory_space<vmem>>, vector<1x16xf32>,
      %swap3A_69 = vector.shape_cast %swap3A_68 : vector<1x16xf32> to vector<16xf32>
      %swap3A_70 = vector.shape_cast %broadcast_in_dim3A_65 : vector<16xf32> to vector<1x16xf32>
      tpu.vector_store %arg8[%swap3A_66, %swap3A_67], %swap3A_70 {strides = array<i32>} : memref<128x128xf32, #tpu.memory_space<vmem>>, vector<1x16xf32>,
      %broadcast_in_dim3A_71 = arith.constant 0.000000e+00 : f32
      %broadcast_in_dim3A_72 = vector.broadcast %broadcast_in_dim3A_71 : f32 to vector<16xf32>
      %swap3A_73 = arith.index_cast %scan3A_30 : i32 to index
      %swap3A_74 = arith.constant 96 : index
      %swap3A_75 = tpu.vector_load %arg8[%swap3A_73, %swap3A_74] {strides = array<i32>} : memref<128x128xf32, #tpu.memory_space<vmem>>, vector<1x16xf32>,
      %swap3A_76 = vector.shape_cast %swap3A_75 : vector<1x16xf32> to vector<16xf32>
      %swap3A_77 = vector.shape_cast %broadcast_in_dim3A_72 : vector<16xf32> to vector<1x16xf32>
      tpu.vector_store %arg8[%swap3A_73, %swap3A_74], %swap3A_77 {strides = array<i32>} : memref<128x128xf32, #tpu.memory_space<vmem>>, vector<1x16xf32>,
      %broadcast_in_dim3A_78 = arith.constant 0.000000e+00 : f32
      %broadcast_in_dim3A_79 = vector.broadcast %broadcast_in_dim3A_78 : f32 to vector<16xf32>
      %swap3A_80 = arith.index_cast %scan3A_30 : i32 to index
      %swap3A_81 = arith.constant 112 : index
      %swap3A_82 = tpu.vector_load %arg8[%swap3A_80, %swap3A_81] {strides = array<i32>} : memref<128x128xf32, #tpu.memory_space<vmem>>, vector<1x16xf32>,
      %swap3A_83 = vector.shape_cast %swap3A_82 : vector<1x16xf32> to vector<16xf32>
      %swap3A_84 = vector.shape_cast %broadcast_in_dim3A_79 : vector<16xf32> to vector<1x16xf32>
      tpu.vector_store %arg8[%swap3A_80, %swap3A_81], %swap3A_84 {strides = array<i32>} : memref<128x128xf32, #tpu.memory_space<vmem>>, vector<1x16xf32>,
    }
    %scan3A_4 = arith.constant 128 : i32
    %mul3A = arith.constant 640 : i32
    %mul3A_5 = arith.muli %arg1, %mul3A : i32
    %scan3A_6 = arith.constant 0 : i32
    %scan3A_7 = arith.constant 0 : i32
    %scan3A_8 = arith.constant 5 : i32
    %scan3A_9 = arith.addi %scan3A_7, %scan3A_8 : i32
    %scan3A_10 = arith.constant 1 : i32
    scf.for %scan3A_30 = %scan3A_7 to %scan3A_9 step %scan3A_10  : i32 {
      %mul3A_31 = arith.constant 128 : i32
      %mul3A_32 = arith.muli %scan3A_30, %mul3A_31 : i32
      %add3A = arith.addi %mul3A_5, %mul3A_32 : i32
      "tpu.region"() ({
        %run_scoped3A = tpu.sem_alloc : memref<!tpu.dma_semaphore, #tpu.memory_space<semaphore_mem>>
        %dma_start3A = arith.constant 0 : i32
        %dma_start3A_33 = tpu.memref_slice %arg10[%add3A, %dma_start3A] : memref<10240x128xf32, #tpu.memory_space<vmem_shared>> -> memref<128x128xf32, #tpu.memory_space<vmem_shared>>
        %dma_start3A_34 = arith.constant 0 : i32
        %dma_start3A_35 = tpu.memref_slice %arg10[%add3A, %dma_start3A_34] : memref<10240x128xf32, #tpu.memory_space<vmem_shared>> -> memref<128x128xf32, #tpu.memory_space<vmem_shared>>
        tpu.enqueue_dma source(%arg8 : memref<128x128xf32, #tpu.memory_space<vmem>>) target(%dma_start3A_35 : memref<128x128xf32, #tpu.memory_space<vmem_shared>>) target_semaphore(%run_scoped3A : memref<!tpu.dma_semaphore, #tpu.memory_space<semaphore_mem>>)
        %dma_wait3A = arith.constant 0 : i32
        %dma_wait3A_36 = tpu.memref_slice %arg10[%add3A, %dma_wait3A] : memref<10240x128xf32, #tpu.memory_space<vmem_shared>> -> memref<128x128xf32, #tpu.memory_space<vmem_shared>>
        %dma_wait3A_37 = arith.constant 0 : i32
        %dma_wait3A_38 = tpu.memref_slice %arg10[%add3A, %dma_wait3A_37] : memref<10240x128xf32, #tpu.memory_space<vmem_shared>> -> memref<128x128xf32, #tpu.memory_space<vmem_shared>>
        tpu.wait_dma2 semaphore(%run_scoped3A : memref<!tpu.dma_semaphore, #tpu.memory_space<semaphore_mem>>) src(%arg8 : memref<128x128xf32, #tpu.memory_space<vmem>>) dst(%dma_wait3A_38 : memref<128x128xf32, #tpu.memory_space<vmem_shared>>)
        tpu.yield
      }) : () -> ()
    }
    %scan3A_11 = arith.constant 5 : i32
    %barrier3A = arith.constant 0 : index
    tpu.barrier barrier_id(%barrier3A)
    %eq3A = arith.constant 0 : i32
    %eq3A_12 = arith.cmpi eq, %arg0, %eq3A : i32
    %jit3A = arith.constant 9 : i32
    %jit3A_13 = arith.constant 1 : i32
    %select_n3A = arith.select %eq3A_12, %jit3A, %jit3A_13 : i32
    %while3A = arith.constant 0 : i32
    %while3A_14 = arith.constant 0 : i32
    %while3A_15 = arith.subi %select_n3A, %while3A_14 : i32
    %while3A_16 = arith.addi %while3A_14, %while3A_15 : i32
    %while3A_17 = arith.constant 1 : i32
    %while3A_18 = arith.divsi %while3A_15, %while3A_17 : i32
    %while3A_19 = arith.muli %while3A_18, %while3A_17 : i32
    %while3A_20 = arith.addi %while3A_14, %while3A_19 : i32
    %while3A_21 = arith.constant 1 : i32
    scf.for %while3A_30 = %while3A_14 to %while3A_20 step %while3A_21  : i32 {
      %mul3A_31 = arith.constant 16 : i32
      %mul3A_32 = arith.muli %while3A_30, %mul3A_31 : i32
      "tpu.region"() ({
        %run_scoped3A = tpu.sem_alloc : memref<!tpu.dma_semaphore, #tpu.memory_space<semaphore_mem>>
        %dma_start3A_95 = arith.constant 0 : i32
        %dma_start3A_96 = tpu.memref_slice %arg3[%arg0, %arg1, %mul3A_32, %dma_start3A_95] : memref<2x16x144x128xi32, #tpu.memory_space<hbm>> -> memref<1x1x16x128xi32, #tpu.memory_space<hbm>>
        %dma_start3A_97 = tpu.memref_squeeze %dma_start3A_96 : memref<1x1x16x128xi32, #tpu.memory_space<hbm>> -> memref<16x128xi32, #tpu.memory_space<hbm>>
        %dma_start3A_98 = arith.constant 0 : i32
        %dma_start3A_99 = tpu.memref_slice %arg3[%arg0, %arg1, %mul3A_32, %dma_start3A_98] : memref<2x16x144x128xi32, #tpu.memory_space<hbm>> -> memref<1x1x16x128xi32, #tpu.memory_space<hbm>>
        %dma_start3A_100 = tpu.memref_squeeze %dma_start3A_99 : memref<1x1x16x128xi32, #tpu.memory_space<hbm>> -> memref<16x128xi32, #tpu.memory_space<hbm>>
        tpu.enqueue_dma source(%dma_start3A_100 : memref<16x128xi32, #tpu.memory_space<hbm>>) target(%arg6 : memref<16x128xi32, #tpu.memory_space<vmem>>) target_semaphore(%run_scoped3A : memref<!tpu.dma_semaphore, #tpu.memory_space<semaphore_mem>>)
        %dma_wait3A_101 = arith.constant 0 : i32
        %dma_wait3A_102 = tpu.memref_slice %arg3[%arg0, %arg1, %mul3A_32, %dma_wait3A_101] : memref<2x16x144x128xi32, #tpu.memory_space<hbm>> -> memref<1x1x16x128xi32, #tpu.memory_space<hbm>>
        %dma_wait3A_103 = tpu.memref_squeeze %dma_wait3A_102 : memref<1x1x16x128xi32, #tpu.memory_space<hbm>> -> memref<16x128xi32, #tpu.memory_space<hbm>>
        %dma_wait3A_104 = arith.constant 0 : i32
        %dma_wait3A_105 = tpu.memref_slice %arg3[%arg0, %arg1, %mul3A_32, %dma_wait3A_104] : memref<2x16x144x128xi32, #tpu.memory_space<hbm>> -> memref<1x1x16x128xi32, #tpu.memory_space<hbm>>
        %dma_wait3A_106 = tpu.memref_squeeze %dma_wait3A_105 : memref<1x1x16x128xi32, #tpu.memory_space<hbm>> -> memref<16x128xi32, #tpu.memory_space<hbm>>
        tpu.wait_dma2 semaphore(%run_scoped3A : memref<!tpu.dma_semaphore, #tpu.memory_space<semaphore_mem>>) src(%dma_wait3A_106 : memref<16x128xi32, #tpu.memory_space<hbm>>) dst(%arg6 : memref<16x128xi32, #tpu.memory_space<vmem>>)
        tpu.yield
      }) : () -> ()
      %mul3A_33 = arith.constant 16 : i32
      %mul3A_34 = arith.muli %while3A_30, %mul3A_33 : i32
      "tpu.region"() ({
        %run_scoped3A = tpu.sem_alloc : memref<!tpu.dma_semaphore, #tpu.memory_space<semaphore_mem>>
        %dma_start3A_95 = arith.constant 0 : i32
        %dma_start3A_96 = tpu.memref_slice %arg4[%arg0, %arg1, %mul3A_34, %dma_start3A_95] : memref<2x16x144x128xi32, #tpu.memory_space<hbm>> -> memref<1x1x16x128xi32, #tpu.memory_space<hbm>>
        %dma_start3A_97 = tpu.memref_squeeze %dma_start3A_96 : memref<1x1x16x128xi32, #tpu.memory_space<hbm>> -> memref<16x128xi32, #tpu.memory_space<hbm>>
        %dma_start3A_98 = arith.constant 0 : i32
        %dma_start3A_99 = tpu.memref_slice %arg4[%arg0, %arg1, %mul3A_34, %dma_start3A_98] : memref<2x16x144x128xi32, #tpu.memory_space<hbm>> -> memref<1x1x16x128xi32, #tpu.memory_space<hbm>>
        %dma_start3A_100 = tpu.memref_squeeze %dma_start3A_99 : memref<1x1x16x128xi32, #tpu.memory_space<hbm>> -> memref<16x128xi32, #tpu.memory_space<hbm>>
        tpu.enqueue_dma source(%dma_start3A_100 : memref<16x128xi32, #tpu.memory_space<hbm>>) target(%arg7 : memref<16x128xi32, #tpu.memory_space<vmem>>) target_semaphore(%run_scoped3A : memref<!tpu.dma_semaphore, #tpu.memory_space<semaphore_mem>>)
        %dma_wait3A_101 = arith.constant 0 : i32
        %dma_wait3A_102 = tpu.memref_slice %arg4[%arg0, %arg1, %mul3A_34, %dma_wait3A_101] : memref<2x16x144x128xi32, #tpu.memory_space<hbm>> -> memref<1x1x16x128xi32, #tpu.memory_space<hbm>>
        %dma_wait3A_103 = tpu.memref_squeeze %dma_wait3A_102 : memref<1x1x16x128xi32, #tpu.memory_space<hbm>> -> memref<16x128xi32, #tpu.memory_space<hbm>>
        %dma_wait3A_104 = arith.constant 0 : i32
        %dma_wait3A_105 = tpu.memref_slice %arg4[%arg0, %arg1, %mul3A_34, %dma_wait3A_104] : memref<2x16x144x128xi32, #tpu.memory_space<hbm>> -> memref<1x1x16x128xi32, #tpu.memory_space<hbm>>
        %dma_wait3A_106 = tpu.memref_squeeze %dma_wait3A_105 : memref<1x1x16x128xi32, #tpu.memory_space<hbm>> -> memref<16x128xi32, #tpu.memory_space<hbm>>
        tpu.wait_dma2 semaphore(%run_scoped3A : memref<!tpu.dma_semaphore, #tpu.memory_space<semaphore_mem>>) src(%dma_wait3A_106 : memref<16x128xi32, #tpu.memory_space<hbm>>) dst(%arg7 : memref<16x128xi32, #tpu.memory_space<vmem>>)
        tpu.yield
      }) : () -> ()
      %dma_start3A = arith.constant 0 : i32
      %dma_start3A_35 = arith.constant 0 : i32
      %dma_start3A_36 = tpu.memref_slice %arg6[%dma_start3A, %dma_start3A_35] : memref<16x128xi32, #tpu.memory_space<vmem>> -> memref<1x128xi32, #tpu.memory_space<vmem>>
      %dma_start3A_37 = tpu.memref_squeeze %dma_start3A_36 : memref<1x128xi32, #tpu.memory_space<vmem>> -> memref<128xi32, #tpu.memory_space<vmem>>
      %dma_start3A_38 = arith.constant 0 : i32
      %dma_start3A_39 = arith.constant 0 : i32
      %dma_start3A_40 = tpu.memref_slice %arg2[%dma_start3A_38, %dma_start3A_39] : memref<10000x128xf32, #tpu.memory_space<hbm>> -> memref<10000x128xf32, #tpu.memory_space<hbm>>
      tpu.enqueue_indirect_dma source(%dma_start3A_40 : memref<10000x128xf32, #tpu.memory_space<hbm>>) target(%arg8 : memref<128x128xf32, #tpu.memory_space<vmem>>) offsets(%dma_start3A_37 : memref<128xi32, #tpu.memory_space<vmem>>) semaphore(%arg11 : memref<!tpu.dma_semaphore, #tpu.memory_space<semaphore_mem>>)
      %dma_start3A_41 = arith.constant 1 : i32
      %dma_start3A_42 = arith.constant 0 : i32
      %dma_start3A_43 = tpu.memref_slice %arg6[%dma_start3A_41, %dma_start3A_42] : memref<16x128xi32, #tpu.memory_space<vmem>> -> memref<1x128xi32, #tpu.memory_space<vmem>>
      %dma_start3A_44 = tpu.memref_squeeze %dma_start3A_43 : memref<1x128xi32, #tpu.memory_space<vmem>> -> memref<128xi32, #tpu.memory_space<vmem>>
      %dma_start3A_45 = arith.constant 0 : i32
      %dma_start3A_46 = arith.constant 0 : i32
      %dma_start3A_47 = tpu.memref_slice %arg2[%dma_start3A_45, %dma_start3A_46] : memref<10000x128xf32, #tpu.memory_space<hbm>> -> memref<10000x128xf32, #tpu.memory_space<hbm>>
      tpu.enqueue_indirect_dma source(%dma_start3A_47 : memref<10000x128xf32, #tpu.memory_space<hbm>>) target(%arg9 : memref<128x128xf32, #tpu.memory_space<vmem>>) offsets(%dma_start3A_44 : memref<128xi32, #tpu.memory_space<vmem>>) semaphore(%arg12 : memref<!tpu.dma_semaphore, #tpu.memory_space<semaphore_mem>>)
      %scan3A_48 = arith.constant 0 : i32
      %scan3A_49 = arith.constant 0 : i32
      %scan3A_50 = arith.constant 7 : i32
      %scan3A_51 = arith.addi %scan3A_49, %scan3A_50 : i32
      %scan3A_52 = arith.constant 1 : i32
      scf.for %scan3A_95 = %scan3A_49 to %scan3A_51 step %scan3A_52  : i32 {
        %mul3A_96 = arith.constant 2 : i32
        %mul3A_97 = arith.muli %scan3A_95, %mul3A_96 : i32
        %add3A = arith.constant 0 : i32
        %add3A_98 = arith.addi %mul3A_97, %add3A : i32
        %dma_wait3A_99 = arith.constant 0 : i32
        %dma_wait3A_100 = tpu.memref_slice %arg6[%add3A_98, %dma_wait3A_99] : memref<16x128xi32, #tpu.memory_space<vmem>> -> memref<1x128xi32, #tpu.memory_space<vmem>>
        %dma_wait3A_101 = tpu.memref_squeeze %dma_wait3A_100 : memref<1x128xi32, #tpu.memory_space<vmem>> -> memref<128xi32, #tpu.memory_space<vmem>>
        %dma_wait3A_102 = arith.constant 0 : i32
        %dma_wait3A_103 = arith.constant 0 : i32
        %dma_wait3A_104 = tpu.memref_slice %arg2[%dma_wait3A_102, %dma_wait3A_103] : memref<10000x128xf32, #tpu.memory_space<hbm>> -> memref<10000x128xf32, #tpu.memory_space<hbm>>
        tpu.wait_indirect_dma semaphore(%arg11 : memref<!tpu.dma_semaphore, #tpu.memory_space<semaphore_mem>>) src(%dma_wait3A_104 : memref<10000x128xf32, #tpu.memory_space<hbm>>) dst(%arg8 : memref<128x128xf32, #tpu.memory_space<vmem>>)
        %add3A_105 = arith.constant 0 : i32
        %add3A_106 = arith.addi %mul3A_97, %add3A_105 : i32
        %dma_start3A_107 = arith.constant 0 : i32
        %dma_start3A_108 = tpu.memref_slice %arg7[%add3A_106, %dma_start3A_107] : memref<16x128xi32, #tpu.memory_space<vmem>> -> memref<1x128xi32, #tpu.memory_space<vmem>>
        %dma_start3A_109 = tpu.memref_squeeze %dma_start3A_108 : memref<1x128xi32, #tpu.memory_space<vmem>> -> memref<128xi32, #tpu.memory_space<vmem>>
        %dma_start3A_110 = arith.constant 0 : i32
        %dma_start3A_111 = arith.constant 0 : i32
        %dma_start3A_112 = tpu.memref_slice %arg10[%dma_start3A_110, %dma_start3A_111] : memref<10240x128xf32, #tpu.memory_space<vmem_shared>> -> memref<10240x128xf32, #tpu.memory_space<vmem_shared>>
        tpu.enqueue_indirect_dma source(%arg8 : memref<128x128xf32, #tpu.memory_space<vmem>>) target(%dma_start3A_112 : memref<10240x128xf32, #tpu.memory_space<vmem_shared>>) offsets(%dma_start3A_109 : memref<128xi32, #tpu.memory_space<vmem>>) semaphore(%arg13 : memref<!tpu.dma_semaphore, #tpu.memory_space<semaphore_mem>>) {add = true}
        %add3A_113 = arith.constant 1 : i32
        %add3A_114 = arith.addi %mul3A_97, %add3A_113 : i32
        %dma_wait3A_115 = arith.constant 0 : i32
        %dma_wait3A_116 = tpu.memref_slice %arg6[%add3A_114, %dma_wait3A_115] : memref<16x128xi32, #tpu.memory_space<vmem>> -> memref<1x128xi32, #tpu.memory_space<vmem>>
        %dma_wait3A_117 = tpu.memref_squeeze %dma_wait3A_116 : memref<1x128xi32, #tpu.memory_space<vmem>> -> memref<128xi32, #tpu.memory_space<vmem>>
        %dma_wait3A_118 = arith.constant 0 : i32
        %dma_wait3A_119 = arith.constant 0 : i32
        %dma_wait3A_120 = tpu.memref_slice %arg2[%dma_wait3A_118, %dma_wait3A_119] : memref<10000x128xf32, #tpu.memory_space<hbm>> -> memref<10000x128xf32, #tpu.memory_space<hbm>>
        tpu.wait_indirect_dma semaphore(%arg12 : memref<!tpu.dma_semaphore, #tpu.memory_space<semaphore_mem>>) src(%dma_wait3A_120 : memref<10000x128xf32, #tpu.memory_space<hbm>>) dst(%arg9 : memref<128x128xf32, #tpu.memory_space<vmem>>)
        %add3A_121 = arith.constant 1 : i32
        %add3A_122 = arith.addi %mul3A_97, %add3A_121 : i32
        %dma_start3A_123 = arith.constant 0 : i32
        %dma_start3A_124 = tpu.memref_slice %arg7[%add3A_122, %dma_start3A_123] : memref<16x128xi32, #tpu.memory_space<vmem>> -> memref<1x128xi32, #tpu.memory_space<vmem>>
        %dma_start3A_125 = tpu.memref_squeeze %dma_start3A_124 : memref<1x128xi32, #tpu.memory_space<vmem>> -> memref<128xi32, #tpu.memory_space<vmem>>
        %dma_start3A_126 = arith.constant 0 : i32
        %dma_start3A_127 = arith.constant 0 : i32
        %dma_start3A_128 = tpu.memref_slice %arg10[%dma_start3A_126, %dma_start3A_127] : memref<10240x128xf32, #tpu.memory_space<vmem_shared>> -> memref<10240x128xf32, #tpu.memory_space<vmem_shared>>
        tpu.enqueue_indirect_dma source(%arg9 : memref<128x128xf32, #tpu.memory_space<vmem>>) target(%dma_start3A_128 : memref<10240x128xf32, #tpu.memory_space<vmem_shared>>) offsets(%dma_start3A_125 : memref<128xi32, #tpu.memory_space<vmem>>) semaphore(%arg14 : memref<!tpu.dma_semaphore, #tpu.memory_space<semaphore_mem>>) {add = true}
        %add3A_129 = arith.constant 2 : i32
        %add3A_130 = arith.addi %mul3A_97, %add3A_129 : i32
        %add3A_131 = arith.constant 0 : i32
        %add3A_132 = arith.addi %add3A_130, %add3A_131 : i32
        %add3A_133 = arith.constant 0 : i32
        %add3A_134 = arith.addi %mul3A_97, %add3A_133 : i32
        %dma_wait3A_135 = arith.constant 0 : i32
        %dma_wait3A_136 = tpu.memref_slice %arg7[%add3A_134, %dma_wait3A_135] : memref<16x128xi32, #tpu.memory_space<vmem>> -> memref<1x128xi32, #tpu.memory_space<vmem>>
        %dma_wait3A_137 = tpu.memref_squeeze %dma_wait3A_136 : memref<1x128xi32, #tpu.memory_space<vmem>> -> memref<128xi32, #tpu.memory_space<vmem>>
        %dma_wait3A_138 = arith.constant 0 : i32
        %dma_wait3A_139 = arith.constant 0 : i32
        %dma_wait3A_140 = tpu.memref_slice %arg10[%dma_wait3A_138, %dma_wait3A_139] : memref<10240x128xf32, #tpu.memory_space<vmem_shared>> -> memref<10240x128xf32, #tpu.memory_space<vmem_shared>>
        tpu.wait_indirect_dma semaphore(%arg13 : memref<!tpu.dma_semaphore, #tpu.memory_space<semaphore_mem>>) src(%arg8 : memref<128x128xf32, #tpu.memory_space<vmem>>) dst(%dma_wait3A_140 : memref<10240x128xf32, #tpu.memory_space<vmem_shared>>)
        %dma_start3A_141 = arith.constant 0 : i32
        %dma_start3A_142 = tpu.memref_slice %arg6[%add3A_132, %dma_start3A_141] : memref<16x128xi32, #tpu.memory_space<vmem>> -> memref<1x128xi32, #tpu.memory_space<vmem>>
        %dma_start3A_143 = tpu.memref_squeeze %dma_start3A_142 : memref<1x128xi32, #tpu.memory_space<vmem>> -> memref<128xi32, #tpu.memory_space<vmem>>
        %dma_start3A_144 = arith.constant 0 : i32
        %dma_start3A_145 = arith.constant 0 : i32
        %dma_start3A_146 = tpu.memref_slice %arg2[%dma_start3A_144, %dma_start3A_145] : memref<10000x128xf32, #tpu.memory_space<hbm>> -> memref<10000x128xf32, #tpu.memory_space<hbm>>
        tpu.enqueue_indirect_dma source(%dma_start3A_146 : memref<10000x128xf32, #tpu.memory_space<hbm>>) target(%arg8 : memref<128x128xf32, #tpu.memory_space<vmem>>) offsets(%dma_start3A_143 : memref<128xi32, #tpu.memory_space<vmem>>) semaphore(%arg11 : memref<!tpu.dma_semaphore, #tpu.memory_space<semaphore_mem>>)
        %add3A_147 = arith.constant 2 : i32
        %add3A_148 = arith.addi %mul3A_97, %add3A_147 : i32
        %add3A_149 = arith.constant 1 : i32
        %add3A_150 = arith.addi %add3A_148, %add3A_149 : i32
        %add3A_151 = arith.constant 1 : i32
        %add3A_152 = arith.addi %mul3A_97, %add3A_151 : i32
        %dma_wait3A_153 = arith.constant 0 : i32
        %dma_wait3A_154 = tpu.memref_slice %arg7[%add3A_152, %dma_wait3A_153] : memref<16x128xi32, #tpu.memory_space<vmem>> -> memref<1x128xi32, #tpu.memory_space<vmem>>
        %dma_wait3A_155 = tpu.memref_squeeze %dma_wait3A_154 : memref<1x128xi32, #tpu.memory_space<vmem>> -> memref<128xi32, #tpu.memory_space<vmem>>
        %dma_wait3A_156 = arith.constant 0 : i32
        %dma_wait3A_157 = arith.constant 0 : i32
        %dma_wait3A_158 = tpu.memref_slice %arg10[%dma_wait3A_156, %dma_wait3A_157] : memref<10240x128xf32, #tpu.memory_space<vmem_shared>> -> memref<10240x128xf32, #tpu.memory_space<vmem_shared>>
        tpu.wait_indirect_dma semaphore(%arg14 : memref<!tpu.dma_semaphore, #tpu.memory_space<semaphore_mem>>) src(%arg9 : memref<128x128xf32, #tpu.memory_space<vmem>>) dst(%dma_wait3A_158 : memref<10240x128xf32, #tpu.memory_space<vmem_shared>>)
        %dma_start3A_159 = arith.constant 0 : i32
        %dma_start3A_160 = tpu.memref_slice %arg6[%add3A_150, %dma_start3A_159] : memref<16x128xi32, #tpu.memory_space<vmem>> -> memref<1x128xi32, #tpu.memory_space<vmem>>
        %dma_start3A_161 = tpu.memref_squeeze %dma_start3A_160 : memref<1x128xi32, #tpu.memory_space<vmem>> -> memref<128xi32, #tpu.memory_space<vmem>>
        %dma_start3A_162 = arith.constant 0 : i32
        %dma_start3A_163 = arith.constant 0 : i32
        %dma_start3A_164 = tpu.memref_slice %arg2[%dma_start3A_162, %dma_start3A_163] : memref<10000x128xf32, #tpu.memory_space<hbm>> -> memref<10000x128xf32, #tpu.memory_space<hbm>>
        tpu.enqueue_indirect_dma source(%dma_start3A_164 : memref<10000x128xf32, #tpu.memory_space<hbm>>) target(%arg9 : memref<128x128xf32, #tpu.memory_space<vmem>>) offsets(%dma_start3A_161 : memref<128xi32, #tpu.memory_space<vmem>>) semaphore(%arg12 : memref<!tpu.dma_semaphore, #tpu.memory_space<semaphore_mem>>)
      }
      %scan3A_53 = arith.constant 7 : i32
      %dma_wait3A = arith.constant 14 : i32
      %dma_wait3A_54 = arith.constant 0 : i32
      %dma_wait3A_55 = tpu.memref_slice %arg6[%dma_wait3A, %dma_wait3A_54] : memref<16x128xi32, #tpu.memory_space<vmem>> -> memref<1x128xi32, #tpu.memory_space<vmem>>
      %dma_wait3A_56 = tpu.memref_squeeze %dma_wait3A_55 : memref<1x128xi32, #tpu.memory_space<vmem>> -> memref<128xi32, #tpu.memory_space<vmem>>
      %dma_wait3A_57 = arith.constant 0 : i32
      %dma_wait3A_58 = arith.constant 0 : i32
      %dma_wait3A_59 = tpu.memref_slice %arg2[%dma_wait3A_57, %dma_wait3A_58] : memref<10000x128xf32, #tpu.memory_space<hbm>> -> memref<10000x128xf32, #tpu.memory_space<hbm>>
      tpu.wait_indirect_dma semaphore(%arg11 : memref<!tpu.dma_semaphore, #tpu.memory_space<semaphore_mem>>) src(%dma_wait3A_59 : memref<10000x128xf32, #tpu.memory_space<hbm>>) dst(%arg8 : memref<128x128xf32, #tpu.memory_space<vmem>>)
      %dma_start3A_60 = arith.constant 14 : i32
      %dma_start3A_61 = arith.constant 0 : i32
      %dma_start3A_62 = tpu.memref_slice %arg7[%dma_start3A_60, %dma_start3A_61] : memref<16x128xi32, #tpu.memory_space<vmem>> -> memref<1x128xi32, #tpu.memory_space<vmem>>
      %dma_start3A_63 = tpu.memref_squeeze %dma_start3A_62 : memref<1x128xi32, #tpu.memory_space<vmem>> -> memref<128xi32, #tpu.memory_space<vmem>>
      %dma_start3A_64 = arith.constant 0 : i32
      %dma_start3A_65 = arith.constant 0 : i32
      %dma_start3A_66 = tpu.memref_slice %arg10[%dma_start3A_64, %dma_start3A_65] : memref<10240x128xf32, #tpu.memory_space<vmem_shared>> -> memref<10240x128xf32, #tpu.memory_space<vmem_shared>>
      tpu.enqueue_indirect_dma source(%arg8 : memref<128x128xf32, #tpu.memory_space<vmem>>) target(%dma_start3A_66 : memref<10240x128xf32, #tpu.memory_space<vmem_shared>>) offsets(%dma_start3A_63 : memref<128xi32, #tpu.memory_space<vmem>>) semaphore(%arg13 : memref<!tpu.dma_semaphore, #tpu.memory_space<semaphore_mem>>) {add = true}
      %dma_wait3A_67 = arith.constant 15 : i32
      %dma_wait3A_68 = arith.constant 0 : i32
      %dma_wait3A_69 = tpu.memref_slice %arg6[%dma_wait3A_67, %dma_wait3A_68] : memref<16x128xi32, #tpu.memory_space<vmem>> -> memref<1x128xi32, #tpu.memory_space<vmem>>
      %dma_wait3A_70 = tpu.memref_squeeze %dma_wait3A_69 : memref<1x128xi32, #tpu.memory_space<vmem>> -> memref<128xi32, #tpu.memory_space<vmem>>
      %dma_wait3A_71 = arith.constant 0 : i32
      %dma_wait3A_72 = arith.constant 0 : i32
      %dma_wait3A_73 = tpu.memref_slice %arg2[%dma_wait3A_71, %dma_wait3A_72] : memref<10000x128xf32, #tpu.memory_space<hbm>> -> memref<10000x128xf32, #tpu.memory_space<hbm>>
      tpu.wait_indirect_dma semaphore(%arg12 : memref<!tpu.dma_semaphore, #tpu.memory_space<semaphore_mem>>) src(%dma_wait3A_73 : memref<10000x128xf32, #tpu.memory_space<hbm>>) dst(%arg9 : memref<128x128xf32, #tpu.memory_space<vmem>>)
      %dma_start3A_74 = arith.constant 15 : i32
      %dma_start3A_75 = arith.constant 0 : i32
      %dma_start3A_76 = tpu.memref_slice %arg7[%dma_start3A_74, %dma_start3A_75] : memref<16x128xi32, #tpu.memory_space<vmem>> -> memref<1x128xi32, #tpu.memory_space<vmem>>
      %dma_start3A_77 = tpu.memref_squeeze %dma_start3A_76 : memref<1x128xi32, #tpu.memory_space<vmem>> -> memref<128xi32, #tpu.memory_space<vmem>>
      %dma_start3A_78 = arith.constant 0 : i32
      %dma_start3A_79 = arith.constant 0 : i32
      %dma_start3A_80 = tpu.memref_slice %arg10[%dma_start3A_78, %dma_start3A_79] : memref<10240x128xf32, #tpu.memory_space<vmem_shared>> -> memref<10240x128xf32, #tpu.memory_space<vmem_shared>>
      tpu.enqueue_indirect_dma source(%arg9 : memref<128x128xf32, #tpu.memory_space<vmem>>) target(%dma_start3A_80 : memref<10240x128xf32, #tpu.memory_space<vmem_shared>>) offsets(%dma_start3A_77 : memref<128xi32, #tpu.memory_space<vmem>>) semaphore(%arg14 : memref<!tpu.dma_semaphore, #tpu.memory_space<semaphore_mem>>) {add = true}
      %dma_wait3A_81 = arith.constant 14 : i32
      %dma_wait3A_82 = arith.constant 0 : i32
      %dma_wait3A_83 = tpu.memref_slice %arg7[%dma_wait3A_81, %dma_wait3A_82] : memref<16x128xi32, #tpu.memory_space<vmem>> -> memref<1x128xi32, #tpu.memory_space<vmem>>
      %dma_wait3A_84 = tpu.memref_squeeze %dma_wait3A_83 : memref<1x128xi32, #tpu.memory_space<vmem>> -> memref<128xi32, #tpu.memory_space<vmem>>
      %dma_wait3A_85 = arith.constant 0 : i32
      %dma_wait3A_86 = arith.constant 0 : i32
      %dma_wait3A_87 = tpu.memref_slice %arg10[%dma_wait3A_85, %dma_wait3A_86] : memref<10240x128xf32, #tpu.memory_space<vmem_shared>> -> memref<10240x128xf32, #tpu.memory_space<vmem_shared>>
      tpu.wait_indirect_dma semaphore(%arg13 : memref<!tpu.dma_semaphore, #tpu.memory_space<semaphore_mem>>) src(%arg8 : memref<128x128xf32, #tpu.memory_space<vmem>>) dst(%dma_wait3A_87 : memref<10240x128xf32, #tpu.memory_space<vmem_shared>>)
      %dma_wait3A_88 = arith.constant 15 : i32
      %dma_wait3A_89 = arith.constant 0 : i32
      %dma_wait3A_90 = tpu.memref_slice %arg7[%dma_wait3A_88, %dma_wait3A_89] : memref<16x128xi32, #tpu.memory_space<vmem>> -> memref<1x128xi32, #tpu.memory_space<vmem>>
      %dma_wait3A_91 = tpu.memref_squeeze %dma_wait3A_90 : memref<1x128xi32, #tpu.memory_space<vmem>> -> memref<128xi32, #tpu.memory_space<vmem>>
      %dma_wait3A_92 = arith.constant 0 : i32
      %dma_wait3A_93 = arith.constant 0 : i32
      %dma_wait3A_94 = tpu.memref_slice %arg10[%dma_wait3A_92, %dma_wait3A_93] : memref<10240x128xf32, #tpu.memory_space<vmem_shared>> -> memref<10240x128xf32, #tpu.memory_space<vmem_shared>>
      tpu.wait_indirect_dma semaphore(%arg14 : memref<!tpu.dma_semaphore, #tpu.memory_space<semaphore_mem>>) src(%arg9 : memref<128x128xf32, #tpu.memory_space<vmem>>) dst(%dma_wait3A_94 : memref<10240x128xf32, #tpu.memory_space<vmem_shared>>)
    }
    %while3A_22 = arith.constant 1 : i32
    scf.for %while3A_30 = %while3A_20 to %while3A_16 step %while3A_22  : i32 {
      %mul3A_31 = arith.constant 16 : i32
      %mul3A_32 = arith.muli %while3A_30, %mul3A_31 : i32
      "tpu.region"() ({
        %run_scoped3A = tpu.sem_alloc : memref<!tpu.dma_semaphore, #tpu.memory_space<semaphore_mem>>
        %dma_start3A_95 = arith.constant 0 : i32
        %dma_start3A_96 = tpu.memref_slice %arg3[%arg0, %arg1, %mul3A_32, %dma_start3A_95] : memref<2x16x144x128xi32, #tpu.memory_space<hbm>> -> memref<1x1x16x128xi32, #tpu.memory_space<hbm>>
        %dma_start3A_97 = tpu.memref_squeeze %dma_start3A_96 : memref<1x1x16x128xi32, #tpu.memory_space<hbm>> -> memref<16x128xi32, #tpu.memory_space<hbm>>
        %dma_start3A_98 = arith.constant 0 : i32
        %dma_start3A_99 = tpu.memref_slice %arg3[%arg0, %arg1, %mul3A_32, %dma_start3A_98] : memref<2x16x144x128xi32, #tpu.memory_space<hbm>> -> memref<1x1x16x128xi32, #tpu.memory_space<hbm>>
        %dma_start3A_100 = tpu.memref_squeeze %dma_start3A_99 : memref<1x1x16x128xi32, #tpu.memory_space<hbm>> -> memref<16x128xi32, #tpu.memory_space<hbm>>
        tpu.enqueue_dma source(%dma_start3A_100 : memref<16x128xi32, #tpu.memory_space<hbm>>) target(%arg6 : memref<16x128xi32, #tpu.memory_space<vmem>>) target_semaphore(%run_scoped3A : memref<!tpu.dma_semaphore, #tpu.memory_space<semaphore_mem>>)
        %dma_wait3A_101 = arith.constant 0 : i32
        %dma_wait3A_102 = tpu.memref_slice %arg3[%arg0, %arg1, %mul3A_32, %dma_wait3A_101] : memref<2x16x144x128xi32, #tpu.memory_space<hbm>> -> memref<1x1x16x128xi32, #tpu.memory_space<hbm>>
        %dma_wait3A_103 = tpu.memref_squeeze %dma_wait3A_102 : memref<1x1x16x128xi32, #tpu.memory_space<hbm>> -> memref<16x128xi32, #tpu.memory_space<hbm>>
        %dma_wait3A_104 = arith.constant 0 : i32
        %dma_wait3A_105 = tpu.memref_slice %arg3[%arg0, %arg1, %mul3A_32, %dma_wait3A_104] : memref<2x16x144x128xi32, #tpu.memory_space<hbm>> -> memref<1x1x16x128xi32, #tpu.memory_space<hbm>>
        %dma_wait3A_106 = tpu.memref_squeeze %dma_wait3A_105 : memref<1x1x16x128xi32, #tpu.memory_space<hbm>> -> memref<16x128xi32, #tpu.memory_space<hbm>>
        tpu.wait_dma2 semaphore(%run_scoped3A : memref<!tpu.dma_semaphore, #tpu.memory_space<semaphore_mem>>) src(%dma_wait3A_106 : memref<16x128xi32, #tpu.memory_space<hbm>>) dst(%arg6 : memref<16x128xi32, #tpu.memory_space<vmem>>)
        tpu.yield
      }) : () -> ()
      %mul3A_33 = arith.constant 16 : i32
      %mul3A_34 = arith.muli %while3A_30, %mul3A_33 : i32
      "tpu.region"() ({
        %run_scoped3A = tpu.sem_alloc : memref<!tpu.dma_semaphore, #tpu.memory_space<semaphore_mem>>
        %dma_start3A_95 = arith.constant 0 : i32
        %dma_start3A_96 = tpu.memref_slice %arg4[%arg0, %arg1, %mul3A_34, %dma_start3A_95] : memref<2x16x144x128xi32, #tpu.memory_space<hbm>> -> memref<1x1x16x128xi32, #tpu.memory_space<hbm>>
        %dma_start3A_97 = tpu.memref_squeeze %dma_start3A_96 : memref<1x1x16x128xi32, #tpu.memory_space<hbm>> -> memref<16x128xi32, #tpu.memory_space<hbm>>
        %dma_start3A_98 = arith.constant 0 : i32
        %dma_start3A_99 = tpu.memref_slice %arg4[%arg0, %arg1, %mul3A_34, %dma_start3A_98] : memref<2x16x144x128xi32, #tpu.memory_space<hbm>> -> memref<1x1x16x128xi32, #tpu.memory_space<hbm>>
        %dma_start3A_100 = tpu.memref_squeeze %dma_start3A_99 : memref<1x1x16x128xi32, #tpu.memory_space<hbm>> -> memref<16x128xi32, #tpu.memory_space<hbm>>
        tpu.enqueue_dma source(%dma_start3A_100 : memref<16x128xi32, #tpu.memory_space<hbm>>) target(%arg7 : memref<16x128xi32, #tpu.memory_space<vmem>>) target_semaphore(%run_scoped3A : memref<!tpu.dma_semaphore, #tpu.memory_space<semaphore_mem>>)
        %dma_wait3A_101 = arith.constant 0 : i32
        %dma_wait3A_102 = tpu.memref_slice %arg4[%arg0, %arg1, %mul3A_34, %dma_wait3A_101] : memref<2x16x144x128xi32, #tpu.memory_space<hbm>> -> memref<1x1x16x128xi32, #tpu.memory_space<hbm>>
        %dma_wait3A_103 = tpu.memref_squeeze %dma_wait3A_102 : memref<1x1x16x128xi32, #tpu.memory_space<hbm>> -> memref<16x128xi32, #tpu.memory_space<hbm>>
        %dma_wait3A_104 = arith.constant 0 : i32
        %dma_wait3A_105 = tpu.memref_slice %arg4[%arg0, %arg1, %mul3A_34, %dma_wait3A_104] : memref<2x16x144x128xi32, #tpu.memory_space<hbm>> -> memref<1x1x16x128xi32, #tpu.memory_space<hbm>>
        %dma_wait3A_106 = tpu.memref_squeeze %dma_wait3A_105 : memref<1x1x16x128xi32, #tpu.memory_space<hbm>> -> memref<16x128xi32, #tpu.memory_space<hbm>>
        tpu.wait_dma2 semaphore(%run_scoped3A : memref<!tpu.dma_semaphore, #tpu.memory_space<semaphore_mem>>) src(%dma_wait3A_106 : memref<16x128xi32, #tpu.memory_space<hbm>>) dst(%arg7 : memref<16x128xi32, #tpu.memory_space<vmem>>)
        tpu.yield
      }) : () -> ()
      %dma_start3A = arith.constant 0 : i32
      %dma_start3A_35 = arith.constant 0 : i32
      %dma_start3A_36 = tpu.memref_slice %arg6[%dma_start3A, %dma_start3A_35] : memref<16x128xi32, #tpu.memory_space<vmem>> -> memref<1x128xi32, #tpu.memory_space<vmem>>
      %dma_start3A_37 = tpu.memref_squeeze %dma_start3A_36 : memref<1x128xi32, #tpu.memory_space<vmem>> -> memref<128xi32, #tpu.memory_space<vmem>>
      %dma_start3A_38 = arith.constant 0 : i32
      %dma_start3A_39 = arith.constant 0 : i32
      %dma_start3A_40 = tpu.memref_slice %arg2[%dma_start3A_38, %dma_start3A_39] : memref<10000x128xf32, #tpu.memory_space<hbm>> -> memref<10000x128xf32, #tpu.memory_space<hbm>>
      tpu.enqueue_indirect_dma source(%dma_start3A_40 : memref<10000x128xf32, #tpu.memory_space<hbm>>) target(%arg8 : memref<128x128xf32, #tpu.memory_space<vmem>>) offsets(%dma_start3A_37 : memref<128xi32, #tpu.memory_space<vmem>>) semaphore(%arg11 : memref<!tpu.dma_semaphore, #tpu.memory_space<semaphore_mem>>)
      %dma_start3A_41 = arith.constant 1 : i32
      %dma_start3A_42 = arith.constant 0 : i32
      %dma_start3A_43 = tpu.memref_slice %arg6[%dma_start3A_41, %dma_start3A_42] : memref<16x128xi32, #tpu.memory_space<vmem>> -> memref<1x128xi32, #tpu.memory_space<vmem>>
      %dma_start3A_44 = tpu.memref_squeeze %dma_start3A_43 : memref<1x128xi32, #tpu.memory_space<vmem>> -> memref<128xi32, #tpu.memory_space<vmem>>
      %dma_start3A_45 = arith.constant 0 : i32
      %dma_start3A_46 = arith.constant 0 : i32
      %dma_start3A_47 = tpu.memref_slice %arg2[%dma_start3A_45, %dma_start3A_46] : memref<10000x128xf32, #tpu.memory_space<hbm>> -> memref<10000x128xf32, #tpu.memory_space<hbm>>
      tpu.enqueue_indirect_dma source(%dma_start3A_47 : memref<10000x128xf32, #tpu.memory_space<hbm>>) target(%arg9 : memref<128x128xf32, #tpu.memory_space<vmem>>) offsets(%dma_start3A_44 : memref<128xi32, #tpu.memory_space<vmem>>) semaphore(%arg12 : memref<!tpu.dma_semaphore, #tpu.memory_space<semaphore_mem>>)
      %scan3A_48 = arith.constant 0 : i32
      %scan3A_49 = arith.constant 0 : i32
      %scan3A_50 = arith.constant 7 : i32
      %scan3A_51 = arith.addi %scan3A_49, %scan3A_50 : i32
      %scan3A_52 = arith.constant 1 : i32
      scf.for %scan3A_95 = %scan3A_49 to %scan3A_51 step %scan3A_52  : i32 {
        %mul3A_96 = arith.constant 2 : i32
        %mul3A_97 = arith.muli %scan3A_95, %mul3A_96 : i32
        %add3A = arith.constant 0 : i32
        %add3A_98 = arith.addi %mul3A_97, %add3A : i32
        %dma_wait3A_99 = arith.constant 0 : i32
        %dma_wait3A_100 = tpu.memref_slice %arg6[%add3A_98, %dma_wait3A_99] : memref<16x128xi32, #tpu.memory_space<vmem>> -> memref<1x128xi32, #tpu.memory_space<vmem>>
        %dma_wait3A_101 = tpu.memref_squeeze %dma_wait3A_100 : memref<1x128xi32, #tpu.memory_space<vmem>> -> memref<128xi32, #tpu.memory_space<vmem>>
        %dma_wait3A_102 = arith.constant 0 : i32
        %dma_wait3A_103 = arith.constant 0 : i32
        %dma_wait3A_104 = tpu.memref_slice %arg2[%dma_wait3A_102, %dma_wait3A_103] : memref<10000x128xf32, #tpu.memory_space<hbm>> -> memref<10000x128xf32, #tpu.memory_space<hbm>>
        tpu.wait_indirect_dma semaphore(%arg11 : memref<!tpu.dma_semaphore, #tpu.memory_space<semaphore_mem>>) src(%dma_wait3A_104 : memref<10000x128xf32, #tpu.memory_space<hbm>>) dst(%arg8 : memref<128x128xf32, #tpu.memory_space<vmem>>)
        %add3A_105 = arith.constant 0 : i32
        %add3A_106 = arith.addi %mul3A_97, %add3A_105 : i32
        %dma_start3A_107 = arith.constant 0 : i32
        %dma_start3A_108 = tpu.memref_slice %arg7[%add3A_106, %dma_start3A_107] : memref<16x128xi32, #tpu.memory_space<vmem>> -> memref<1x128xi32, #tpu.memory_space<vmem>>
        %dma_start3A_109 = tpu.memref_squeeze %dma_start3A_108 : memref<1x128xi32, #tpu.memory_space<vmem>> -> memref<128xi32, #tpu.memory_space<vmem>>
        %dma_start3A_110 = arith.constant 0 : i32
        %dma_start3A_111 = arith.constant 0 : i32
        %dma_start3A_112 = tpu.memref_slice %arg10[%dma_start3A_110, %dma_start3A_111] : memref<10240x128xf32, #tpu.memory_space<vmem_shared>> -> memref<10240x128xf32, #tpu.memory_space<vmem_shared>>
        tpu.enqueue_indirect_dma source(%arg8 : memref<128x128xf32, #tpu.memory_space<vmem>>) target(%dma_start3A_112 : memref<10240x128xf32, #tpu.memory_space<vmem_shared>>) offsets(%dma_start3A_109 : memref<128xi32, #tpu.memory_space<vmem>>) semaphore(%arg13 : memref<!tpu.dma_semaphore, #tpu.memory_space<semaphore_mem>>) {add = true}
        %add3A_113 = arith.constant 1 : i32
        %add3A_114 = arith.addi %mul3A_97, %add3A_113 : i32
        %dma_wait3A_115 = arith.constant 0 : i32
        %dma_wait3A_116 = tpu.memref_slice %arg6[%add3A_114, %dma_wait3A_115] : memref<16x128xi32, #tpu.memory_space<vmem>> -> memref<1x128xi32, #tpu.memory_space<vmem>>
        %dma_wait3A_117 = tpu.memref_squeeze %dma_wait3A_116 : memref<1x128xi32, #tpu.memory_space<vmem>> -> memref<128xi32, #tpu.memory_space<vmem>>
        %dma_wait3A_118 = arith.constant 0 : i32
        %dma_wait3A_119 = arith.constant 0 : i32
        %dma_wait3A_120 = tpu.memref_slice %arg2[%dma_wait3A_118, %dma_wait3A_119] : memref<10000x128xf32, #tpu.memory_space<hbm>> -> memref<10000x128xf32, #tpu.memory_space<hbm>>
        tpu.wait_indirect_dma semaphore(%arg12 : memref<!tpu.dma_semaphore, #tpu.memory_space<semaphore_mem>>) src(%dma_wait3A_120 : memref<10000x128xf32, #tpu.memory_space<hbm>>) dst(%arg9 : memref<128x128xf32, #tpu.memory_space<vmem>>)
        %add3A_121 = arith.constant 1 : i32
        %add3A_122 = arith.addi %mul3A_97, %add3A_121 : i32
        %dma_start3A_123 = arith.constant 0 : i32
        %dma_start3A_124 = tpu.memref_slice %arg7[%add3A_122, %dma_start3A_123] : memref<16x128xi32, #tpu.memory_space<vmem>> -> memref<1x128xi32, #tpu.memory_space<vmem>>
        %dma_start3A_125 = tpu.memref_squeeze %dma_start3A_124 : memref<1x128xi32, #tpu.memory_space<vmem>> -> memref<128xi32, #tpu.memory_space<vmem>>
        %dma_start3A_126 = arith.constant 0 : i32
        %dma_start3A_127 = arith.constant 0 : i32
        %dma_start3A_128 = tpu.memref_slice %arg10[%dma_start3A_126, %dma_start3A_127] : memref<10240x128xf32, #tpu.memory_space<vmem_shared>> -> memref<10240x128xf32, #tpu.memory_space<vmem_shared>>
        tpu.enqueue_indirect_dma source(%arg9 : memref<128x128xf32, #tpu.memory_space<vmem>>) target(%dma_start3A_128 : memref<10240x128xf32, #tpu.memory_space<vmem_shared>>) offsets(%dma_start3A_125 : memref<128xi32, #tpu.memory_space<vmem>>) semaphore(%arg14 : memref<!tpu.dma_semaphore, #tpu.memory_space<semaphore_mem>>) {add = true}
        %add3A_129 = arith.constant 2 : i32
        %add3A_130 = arith.addi %mul3A_97, %add3A_129 : i32
        %add3A_131 = arith.constant 0 : i32
        %add3A_132 = arith.addi %add3A_130, %add3A_131 : i32
        %add3A_133 = arith.constant 0 : i32
        %add3A_134 = arith.addi %mul3A_97, %add3A_133 : i32
        %dma_wait3A_135 = arith.constant 0 : i32
        %dma_wait3A_136 = tpu.memref_slice %arg7[%add3A_134, %dma_wait3A_135] : memref<16x128xi32, #tpu.memory_space<vmem>> -> memref<1x128xi32, #tpu.memory_space<vmem>>
        %dma_wait3A_137 = tpu.memref_squeeze %dma_wait3A_136 : memref<1x128xi32, #tpu.memory_space<vmem>> -> memref<128xi32, #tpu.memory_space<vmem>>
        %dma_wait3A_138 = arith.constant 0 : i32
        %dma_wait3A_139 = arith.constant 0 : i32
        %dma_wait3A_140 = tpu.memref_slice %arg10[%dma_wait3A_138, %dma_wait3A_139] : memref<10240x128xf32, #tpu.memory_space<vmem_shared>> -> memref<10240x128xf32, #tpu.memory_space<vmem_shared>>
        tpu.wait_indirect_dma semaphore(%arg13 : memref<!tpu.dma_semaphore, #tpu.memory_space<semaphore_mem>>) src(%arg8 : memref<128x128xf32, #tpu.memory_space<vmem>>) dst(%dma_wait3A_140 : memref<10240x128xf32, #tpu.memory_space<vmem_shared>>)
        %dma_start3A_141 = arith.constant 0 : i32
        %dma_start3A_142 = tpu.memref_slice %arg6[%add3A_132, %dma_start3A_141] : memref<16x128xi32, #tpu.memory_space<vmem>> -> memref<1x128xi32, #tpu.memory_space<vmem>>
        %dma_start3A_143 = tpu.memref_squeeze %dma_start3A_142 : memref<1x128xi32, #tpu.memory_space<vmem>> -> memref<128xi32, #tpu.memory_space<vmem>>
        %dma_start3A_144 = arith.constant 0 : i32
        %dma_start3A_145 = arith.constant 0 : i32
        %dma_start3A_146 = tpu.memref_slice %arg2[%dma_start3A_144, %dma_start3A_145] : memref<10000x128xf32, #tpu.memory_space<hbm>> -> memref<10000x128xf32, #tpu.memory_space<hbm>>
        tpu.enqueue_indirect_dma source(%dma_start3A_146 : memref<10000x128xf32, #tpu.memory_space<hbm>>) target(%arg8 : memref<128x128xf32, #tpu.memory_space<vmem>>) offsets(%dma_start3A_143 : memref<128xi32, #tpu.memory_space<vmem>>) semaphore(%arg11 : memref<!tpu.dma_semaphore, #tpu.memory_space<semaphore_mem>>)
        %add3A_147 = arith.constant 2 : i32
        %add3A_148 = arith.addi %mul3A_97, %add3A_147 : i32
        %add3A_149 = arith.constant 1 : i32
        %add3A_150 = arith.addi %add3A_148, %add3A_149 : i32
        %add3A_151 = arith.constant 1 : i32
        %add3A_152 = arith.addi %mul3A_97, %add3A_151 : i32
        %dma_wait3A_153 = arith.constant 0 : i32
        %dma_wait3A_154 = tpu.memref_slice %arg7[%add3A_152, %dma_wait3A_153] : memref<16x128xi32, #tpu.memory_space<vmem>> -> memref<1x128xi32, #tpu.memory_space<vmem>>
        %dma_wait3A_155 = tpu.memref_squeeze %dma_wait3A_154 : memref<1x128xi32, #tpu.memory_space<vmem>> -> memref<128xi32, #tpu.memory_space<vmem>>
        %dma_wait3A_156 = arith.constant 0 : i32
        %dma_wait3A_157 = arith.constant 0 : i32
        %dma_wait3A_158 = tpu.memref_slice %arg10[%dma_wait3A_156, %dma_wait3A_157] : memref<10240x128xf32, #tpu.memory_space<vmem_shared>> -> memref<10240x128xf32, #tpu.memory_space<vmem_shared>>
        tpu.wait_indirect_dma semaphore(%arg14 : memref<!tpu.dma_semaphore, #tpu.memory_space<semaphore_mem>>) src(%arg9 : memref<128x128xf32, #tpu.memory_space<vmem>>) dst(%dma_wait3A_158 : memref<10240x128xf32, #tpu.memory_space<vmem_shared>>)
        %dma_start3A_159 = arith.constant 0 : i32
        %dma_start3A_160 = tpu.memref_slice %arg6[%add3A_150, %dma_start3A_159] : memref<16x128xi32, #tpu.memory_space<vmem>> -> memref<1x128xi32, #tpu.memory_space<vmem>>
        %dma_start3A_161 = tpu.memref_squeeze %dma_start3A_160 : memref<1x128xi32, #tpu.memory_space<vmem>> -> memref<128xi32, #tpu.memory_space<vmem>>
        %dma_start3A_162 = arith.constant 0 : i32
        %dma_start3A_163 = arith.constant 0 : i32
        %dma_start3A_164 = tpu.memref_slice %arg2[%dma_start3A_162, %dma_start3A_163] : memref<10000x128xf32, #tpu.memory_space<hbm>> -> memref<10000x128xf32, #tpu.memory_space<hbm>>
        tpu.enqueue_indirect_dma source(%dma_start3A_164 : memref<10000x128xf32, #tpu.memory_space<hbm>>) target(%arg9 : memref<128x128xf32, #tpu.memory_space<vmem>>) offsets(%dma_start3A_161 : memref<128xi32, #tpu.memory_space<vmem>>) semaphore(%arg12 : memref<!tpu.dma_semaphore, #tpu.memory_space<semaphore_mem>>)
      }
      %scan3A_53 = arith.constant 7 : i32
      %dma_wait3A = arith.constant 14 : i32
      %dma_wait3A_54 = arith.constant 0 : i32
      %dma_wait3A_55 = tpu.memref_slice %arg6[%dma_wait3A, %dma_wait3A_54] : memref<16x128xi32, #tpu.memory_space<vmem>> -> memref<1x128xi32, #tpu.memory_space<vmem>>
      %dma_wait3A_56 = tpu.memref_squeeze %dma_wait3A_55 : memref<1x128xi32, #tpu.memory_space<vmem>> -> memref<128xi32, #tpu.memory_space<vmem>>
      %dma_wait3A_57 = arith.constant 0 : i32
      %dma_wait3A_58 = arith.constant 0 : i32
      %dma_wait3A_59 = tpu.memref_slice %arg2[%dma_wait3A_57, %dma_wait3A_58] : memref<10000x128xf32, #tpu.memory_space<hbm>> -> memref<10000x128xf32, #tpu.memory_space<hbm>>
      tpu.wait_indirect_dma semaphore(%arg11 : memref<!tpu.dma_semaphore, #tpu.memory_space<semaphore_mem>>) src(%dma_wait3A_59 : memref<10000x128xf32, #tpu.memory_space<hbm>>) dst(%arg8 : memref<128x128xf32, #tpu.memory_space<vmem>>)
      %dma_start3A_60 = arith.constant 14 : i32
      %dma_start3A_61 = arith.constant 0 : i32
      %dma_start3A_62 = tpu.memref_slice %arg7[%dma_start3A_60, %dma_start3A_61] : memref<16x128xi32, #tpu.memory_space<vmem>> -> memref<1x128xi32, #tpu.memory_space<vmem>>
      %dma_start3A_63 = tpu.memref_squeeze %dma_start3A_62 : memref<1x128xi32, #tpu.memory_space<vmem>> -> memref<128xi32, #tpu.memory_space<vmem>>
      %dma_start3A_64 = arith.constant 0 : i32
      %dma_start3A_65 = arith.constant 0 : i32
      %dma_start3A_66 = tpu.memref_slice %arg10[%dma_start3A_64, %dma_start3A_65] : memref<10240x128xf32, #tpu.memory_space<vmem_shared>> -> memref<10240x128xf32, #tpu.memory_space<vmem_shared>>
      tpu.enqueue_indirect_dma source(%arg8 : memref<128x128xf32, #tpu.memory_space<vmem>>) target(%dma_start3A_66 : memref<10240x128xf32, #tpu.memory_space<vmem_shared>>) offsets(%dma_start3A_63 : memref<128xi32, #tpu.memory_space<vmem>>) semaphore(%arg13 : memref<!tpu.dma_semaphore, #tpu.memory_space<semaphore_mem>>) {add = true}
      %dma_wait3A_67 = arith.constant 15 : i32
      %dma_wait3A_68 = arith.constant 0 : i32
      %dma_wait3A_69 = tpu.memref_slice %arg6[%dma_wait3A_67, %dma_wait3A_68] : memref<16x128xi32, #tpu.memory_space<vmem>> -> memref<1x128xi32, #tpu.memory_space<vmem>>
      %dma_wait3A_70 = tpu.memref_squeeze %dma_wait3A_69 : memref<1x128xi32, #tpu.memory_space<vmem>> -> memref<128xi32, #tpu.memory_space<vmem>>
      %dma_wait3A_71 = arith.constant 0 : i32
      %dma_wait3A_72 = arith.constant 0 : i32
      %dma_wait3A_73 = tpu.memref_slice %arg2[%dma_wait3A_71, %dma_wait3A_72] : memref<10000x128xf32, #tpu.memory_space<hbm>> -> memref<10000x128xf32, #tpu.memory_space<hbm>>
      tpu.wait_indirect_dma semaphore(%arg12 : memref<!tpu.dma_semaphore, #tpu.memory_space<semaphore_mem>>) src(%dma_wait3A_73 : memref<10000x128xf32, #tpu.memory_space<hbm>>) dst(%arg9 : memref<128x128xf32, #tpu.memory_space<vmem>>)
      %dma_start3A_74 = arith.constant 15 : i32
      %dma_start3A_75 = arith.constant 0 : i32
      %dma_start3A_76 = tpu.memref_slice %arg7[%dma_start3A_74, %dma_start3A_75] : memref<16x128xi32, #tpu.memory_space<vmem>> -> memref<1x128xi32, #tpu.memory_space<vmem>>
      %dma_start3A_77 = tpu.memref_squeeze %dma_start3A_76 : memref<1x128xi32, #tpu.memory_space<vmem>> -> memref<128xi32, #tpu.memory_space<vmem>>
      %dma_start3A_78 = arith.constant 0 : i32
      %dma_start3A_79 = arith.constant 0 : i32
      %dma_start3A_80 = tpu.memref_slice %arg10[%dma_start3A_78, %dma_start3A_79] : memref<10240x128xf32, #tpu.memory_space<vmem_shared>> -> memref<10240x128xf32, #tpu.memory_space<vmem_shared>>
      tpu.enqueue_indirect_dma source(%arg9 : memref<128x128xf32, #tpu.memory_space<vmem>>) target(%dma_start3A_80 : memref<10240x128xf32, #tpu.memory_space<vmem_shared>>) offsets(%dma_start3A_77 : memref<128xi32, #tpu.memory_space<vmem>>) semaphore(%arg14 : memref<!tpu.dma_semaphore, #tpu.memory_space<semaphore_mem>>) {add = true}
      %dma_wait3A_81 = arith.constant 14 : i32
      %dma_wait3A_82 = arith.constant 0 : i32
      %dma_wait3A_83 = tpu.memref_slice %arg7[%dma_wait3A_81, %dma_wait3A_82] : memref<16x128xi32, #tpu.memory_space<vmem>> -> memref<1x128xi32, #tpu.memory_space<vmem>>
      %dma_wait3A_84 = tpu.memref_squeeze %dma_wait3A_83 : memref<1x128xi32, #tpu.memory_space<vmem>> -> memref<128xi32, #tpu.memory_space<vmem>>
      %dma_wait3A_85 = arith.constant 0 : i32
      %dma_wait3A_86 = arith.constant 0 : i32
      %dma_wait3A_87 = tpu.memref_slice %arg10[%dma_wait3A_85, %dma_wait3A_86] : memref<10240x128xf32, #tpu.memory_space<vmem_shared>> -> memref<10240x128xf32, #tpu.memory_space<vmem_shared>>
      tpu.wait_indirect_dma semaphore(%arg13 : memref<!tpu.dma_semaphore, #tpu.memory_space<semaphore_mem>>) src(%arg8 : memref<128x128xf32, #tpu.memory_space<vmem>>) dst(%dma_wait3A_87 : memref<10240x128xf32, #tpu.memory_space<vmem_shared>>)
      %dma_wait3A_88 = arith.constant 15 : i32
      %dma_wait3A_89 = arith.constant 0 : i32
      %dma_wait3A_90 = tpu.memref_slice %arg7[%dma_wait3A_88, %dma_wait3A_89] : memref<16x128xi32, #tpu.memory_space<vmem>> -> memref<1x128xi32, #tpu.memory_space<vmem>>
      %dma_wait3A_91 = tpu.memref_squeeze %dma_wait3A_90 : memref<1x128xi32, #tpu.memory_space<vmem>> -> memref<128xi32, #tpu.memory_space<vmem>>
      %dma_wait3A_92 = arith.constant 0 : i32
      %dma_wait3A_93 = arith.constant 0 : i32
      %dma_wait3A_94 = tpu.memref_slice %arg10[%dma_wait3A_92, %dma_wait3A_93] : memref<10240x128xf32, #tpu.memory_space<vmem_shared>> -> memref<10240x128xf32, #tpu.memory_space<vmem_shared>>
      tpu.wait_indirect_dma semaphore(%arg14 : memref<!tpu.dma_semaphore, #tpu.memory_space<semaphore_mem>>) src(%arg9 : memref<128x128xf32, #tpu.memory_space<vmem>>) dst(%dma_wait3A_94 : memref<10240x128xf32, #tpu.memory_space<vmem_shared>>)
    }
    %barrier3A_23 = arith.constant 0 : index
    tpu.barrier barrier_id(%barrier3A_23)
    %scan3A_24 = arith.constant 0 : i32
    %scan3A_25 = arith.constant 0 : i32
    %scan3A_26 = arith.constant 5 : i32
    %scan3A_27 = arith.addi %scan3A_25, %scan3A_26 : i32
    %scan3A_28 = arith.constant 1 : i32
    scf.for %scan3A_30 = %scan3A_25 to %scan3A_27 step %scan3A_28  : i32 {
      %mul3A_31 = arith.constant 128 : i32
      %mul3A_32 = arith.muli %scan3A_30, %mul3A_31 : i32
      %add3A = arith.addi %mul3A_5, %mul3A_32 : i32
      "tpu.region"() ({
        %run_scoped3A = tpu.sem_alloc : memref<!tpu.dma_semaphore, #tpu.memory_space<semaphore_mem>>
        %dma_start3A = arith.constant 0 : i32
        %dma_start3A_33 = tpu.memref_slice %arg10[%add3A, %dma_start3A] : memref<10240x128xf32, #tpu.memory_space<vmem_shared>> -> memref<128x128xf32, #tpu.memory_space<vmem_shared>>
        %dma_start3A_34 = arith.constant 0 : i32
        %dma_start3A_35 = tpu.memref_slice %arg10[%add3A, %dma_start3A_34] : memref<10240x128xf32, #tpu.memory_space<vmem_shared>> -> memref<128x128xf32, #tpu.memory_space<vmem_shared>>
        tpu.enqueue_dma source(%dma_start3A_35 : memref<128x128xf32, #tpu.memory_space<vmem_shared>>) target(%arg8 : memref<128x128xf32, #tpu.memory_space<vmem>>) target_semaphore(%run_scoped3A : memref<!tpu.dma_semaphore, #tpu.memory_space<semaphore_mem>>)
        %dma_wait3A = arith.constant 0 : i32
        %dma_wait3A_36 = tpu.memref_slice %arg10[%add3A, %dma_wait3A] : memref<10240x128xf32, #tpu.memory_space<vmem_shared>> -> memref<128x128xf32, #tpu.memory_space<vmem_shared>>
        %dma_wait3A_37 = arith.constant 0 : i32
        %dma_wait3A_38 = tpu.memref_slice %arg10[%add3A, %dma_wait3A_37] : memref<10240x128xf32, #tpu.memory_space<vmem_shared>> -> memref<128x128xf32, #tpu.memory_space<vmem_shared>>
        tpu.wait_dma2 semaphore(%run_scoped3A : memref<!tpu.dma_semaphore, #tpu.memory_space<semaphore_mem>>) src(%dma_wait3A_38 : memref<128x128xf32, #tpu.memory_space<vmem_shared>>) dst(%arg8 : memref<128x128xf32, #tpu.memory_space<vmem>>)
        tpu.yield
      }) : () -> ()
      "tpu.region"() ({
        %run_scoped3A = tpu.sem_alloc : memref<!tpu.dma_semaphore, #tpu.memory_space<semaphore_mem>>
        %dma_start3A = arith.constant 0 : i32
        %dma_start3A_33 = tpu.memref_slice %arg5[%arg0, %add3A, %dma_start3A] : memref<2x10240x128xf32, #tpu.memory_space<hbm>> -> memref<1x128x128xf32, #tpu.memory_space<hbm>>
        %dma_start3A_34 = tpu.memref_squeeze %dma_start3A_33 : memref<1x128x128xf32, #tpu.memory_space<hbm>> -> memref<128x128xf32, #tpu.memory_space<hbm>>
        %dma_start3A_35 = arith.constant 0 : i32
        %dma_start3A_36 = tpu.memref_slice %arg5[%arg0, %add3A, %dma_start3A_35] : memref<2x10240x128xf32, #tpu.memory_space<hbm>> -> memref<1x128x128xf32, #tpu.memory_space<hbm>>
        %dma_start3A_37 = tpu.memref_squeeze %dma_start3A_36 : memref<1x128x128xf32, #tpu.memory_space<hbm>> -> memref<128x128xf32, #tpu.memory_space<hbm>>
        tpu.enqueue_dma source(%arg8 : memref<128x128xf32, #tpu.memory_space<vmem>>) target(%dma_start3A_37 : memref<128x128xf32, #tpu.memory_space<hbm>>) target_semaphore(%run_scoped3A : memref<!tpu.dma_semaphore, #tpu.memory_space<semaphore_mem>>)
        %dma_wait3A = arith.constant 0 : i32
        %dma_wait3A_38 = tpu.memref_slice %arg5[%arg0, %add3A, %dma_wait3A] : memref<2x10240x128xf32, #tpu.memory_space<hbm>> -> memref<1x128x128xf32, #tpu.memory_space<hbm>>
        %dma_wait3A_39 = tpu.memref_squeeze %dma_wait3A_38 : memref<1x128x128xf32, #tpu.memory_space<hbm>> -> memref<128x128xf32, #tpu.memory_space<hbm>>
        %dma_wait3A_40 = arith.constant 0 : i32
        %dma_wait3A_41 = tpu.memref_slice %arg5[%arg0, %add3A, %dma_wait3A_40] : memref<2x10240x128xf32, #tpu.memory_space<hbm>> -> memref<1x128x128xf32, #tpu.memory_space<hbm>>
        %dma_wait3A_42 = tpu.memref_squeeze %dma_wait3A_41 : memref<1x128x128xf32, #tpu.memory_space<hbm>> -> memref<128x128xf32, #tpu.memory_space<hbm>>
        tpu.wait_dma2 semaphore(%run_scoped3A : memref<!tpu.dma_semaphore, #tpu.memory_space<semaphore_mem>>) src(%arg8 : memref<128x128xf32, #tpu.memory_space<vmem>>) dst(%dma_wait3A_42 : memref<128x128xf32, #tpu.memory_space<hbm>>)
        tpu.yield
      }) : () -> ()
    }
    %scan3A_29 = arith.constant 5 : i32
    return
  }
}

#map = affine_map<(d0, d1) -> (0, 0)>
#map1 = affine_map<(d0, d1) -> (0, 0, 0, 0)>
#map2 = affine_map<(d0, d1) -> (0, 0, 0)>
module attributes {stable_mosaic.version = 14 : i64} {
  func.func @_agg_body(%arg0: i32, %arg1: i32, %arg2: memref<10000x128xf32, #tpu.memory_space<hbm>>, %arg3: memref<2x16x144x128xi32, #tpu.memory_space<hbm>>, %arg4: memref<2x16x144x128xi32, #tpu.memory_space<hbm>>, %arg5: memref<2x10240x128xf32, #tpu.memory_space<hbm>>, %arg6: memref<16x128xi32, #tpu.memory_space<vmem>>, %arg7: memref<16x128xi32, #tpu.memory_space<vmem>>, %arg8: memref<128x128xf32, #tpu.memory_space<vmem>>, %arg9: memref<128x128xf32, #tpu.memory_space<vmem>>, %arg10: memref<10240x128xf32, #tpu.memory_space<vmem_shared>>, %arg11: memref<!tpu.dma_semaphore, #tpu.memory_space<semaphore_mem>>, %arg12: memref<!tpu.dma_semaphore, #tpu.memory_space<semaphore_mem>>, %arg13: memref<!tpu.dma_semaphore, #tpu.memory_space<semaphore_mem>>, %arg14: memref<!tpu.dma_semaphore, #tpu.memory_space<semaphore_mem>>) attributes {dimension_semantics = [#tpu.dimension_semantics<core_parallel>, #tpu.dimension_semantics<subcore_parallel>], iteration_bounds = array<i64: 2, 16>, scalar_prefetch = 0 : i64, scratch_operands = 9 : i64, tpu.core_type = #tpu.core_type<sc_vector_subcore>, window_params = [{transform_indices = #map}, {transform_indices = #map1}, {transform_indices = #map1}, {transform_indices = #map2}]} {
    %scan3A = arith.constant 0 : i32
    %scan3A_0 = arith.constant 0 : i32
    %scan3A_1 = arith.constant 128 : i32
    %scan3A_2 = arith.addi %scan3A_0, %scan3A_1 : i32
    %scan3A_3 = arith.constant 1 : i32
    scf.for %scan3A_30 = %scan3A_0 to %scan3A_2 step %scan3A_3  : i32 {
      %broadcast_in_dim3A = arith.constant 0.000000e+00 : f32
      %broadcast_in_dim3A_31 = vector.broadcast %broadcast_in_dim3A : f32 to vector<16xf32>
      %swap3A = arith.index_cast %scan3A_30 : i32 to index
      %swap3A_32 = arith.constant 0 : index
      %swap3A_33 = tpu.vector_load %arg8[%swap3A, %swap3A_32] {strides = array<i32>} : memref<128x128xf32, #tpu.memory_space<vmem>>, vector<1x16xf32>,
      %swap3A_34 = vector.shape_cast %swap3A_33 : vector<1x16xf32> to vector<16xf32>
      %swap3A_35 = vector.shape_cast %broadcast_in_dim3A_31 : vector<16xf32> to vector<1x16xf32>
      tpu.vector_store %arg8[%swap3A, %swap3A_32], %swap3A_35 {strides = array<i32>} : memref<128x128xf32, #tpu.memory_space<vmem>>, vector<1x16xf32>,
      %broadcast_in_dim3A_36 = arith.constant 0.000000e+00 : f32
      %broadcast_in_dim3A_37 = vector.broadcast %broadcast_in_dim3A_36 : f32 to vector<16xf32>
      %swap3A_38 = arith.index_cast %scan3A_30 : i32 to index
      %swap3A_39 = arith.constant 16 : index
      %swap3A_40 = tpu.vector_load %arg8[%swap3A_38, %swap3A_39] {strides = array<i32>} : memref<128x128xf32, #tpu.memory_space<vmem>>, vector<1x16xf32>,
      %swap3A_41 = vector.shape_cast %swap3A_40 : vector<1x16xf32> to vector<16xf32>
      %swap3A_42 = vector.shape_cast %broadcast_in_dim3A_37 : vector<16xf32> to vector<1x16xf32>
      tpu.vector_store %arg8[%swap3A_38, %swap3A_39], %swap3A_42 {strides = array<i32>} : memref<128x128xf32, #tpu.memory_space<vmem>>, vector<1x16xf32>,
      %broadcast_in_dim3A_43 = arith.constant 0.000000e+00 : f32
      %broadcast_in_dim3A_44 = vector.broadcast %broadcast_in_dim3A_43 : f32 to vector<16xf32>
      %swap3A_45 = arith.index_cast %scan3A_30 : i32 to index
      %swap3A_46 = arith.constant 32 : index
      %swap3A_47 = tpu.vector_load %arg8[%swap3A_45, %swap3A_46] {strides = array<i32>} : memref<128x128xf32, #tpu.memory_space<vmem>>, vector<1x16xf32>,
      %swap3A_48 = vector.shape_cast %swap3A_47 : vector<1x16xf32> to vector<16xf32>
      %swap3A_49 = vector.shape_cast %broadcast_in_dim3A_44 : vector<16xf32> to vector<1x16xf32>
      tpu.vector_store %arg8[%swap3A_45, %swap3A_46], %swap3A_49 {strides = array<i32>} : memref<128x128xf32, #tpu.memory_space<vmem>>, vector<1x16xf32>,
      %broadcast_in_dim3A_50 = arith.constant 0.000000e+00 : f32
      %broadcast_in_dim3A_51 = vector.broadcast %broadcast_in_dim3A_50 : f32 to vector<16xf32>
      %swap3A_52 = arith.index_cast %scan3A_30 : i32 to index
      %swap3A_53 = arith.constant 48 : index
      %swap3A_54 = tpu.vector_load %arg8[%swap3A_52, %swap3A_53] {strides = array<i32>} : memref<128x128xf32, #tpu.memory_space<vmem>>, vector<1x16xf32>,
      %swap3A_55 = vector.shape_cast %swap3A_54 : vector<1x16xf32> to vector<16xf32>
      %swap3A_56 = vector.shape_cast %broadcast_in_dim3A_51 : vector<16xf32> to vector<1x16xf32>
      tpu.vector_store %arg8[%swap3A_52, %swap3A_53], %swap3A_56 {strides = array<i32>} : memref<128x128xf32, #tpu.memory_space<vmem>>, vector<1x16xf32>,
      %broadcast_in_dim3A_57 = arith.constant 0.000000e+00 : f32
      %broadcast_in_dim3A_58 = vector.broadcast %broadcast_in_dim3A_57 : f32 to vector<16xf32>
      %swap3A_59 = arith.index_cast %scan3A_30 : i32 to index
      %swap3A_60 = arith.constant 64 : index
      %swap3A_61 = tpu.vector_load %arg8[%swap3A_59, %swap3A_60] {strides = array<i32>} : memref<128x128xf32, #tpu.memory_space<vmem>>, vector<1x16xf32>,
      %swap3A_62 = vector.shape_cast %swap3A_61 : vector<1x16xf32> to vector<16xf32>
      %swap3A_63 = vector.shape_cast %broadcast_in_dim3A_58 : vector<16xf32> to vector<1x16xf32>
      tpu.vector_store %arg8[%swap3A_59, %swap3A_60], %swap3A_63 {strides = array<i32>} : memref<128x128xf32, #tpu.memory_space<vmem>>, vector<1x16xf32>,
      %broadcast_in_dim3A_64 = arith.constant 0.000000e+00 : f32
      %broadcast_in_dim3A_65 = vector.broadcast %broadcast_in_dim3A_64 : f32 to vector<16xf32>
      %swap3A_66 = arith.index_cast %scan3A_30 : i32 to index
      %swap3A_67 = arith.constant 80 : index
      %swap3A_68 = tpu.vector_load %arg8[%swap3A_66, %swap3A_67] {strides = array<i32>} : memref<128x128xf32, #tpu.memory_space<vmem>>, vector<1x16xf32>,
      %swap3A_69 = vector.shape_cast %swap3A_68 : vector<1x16xf32> to vector<16xf32>
      %swap3A_70 = vector.shape_cast %broadcast_in_dim3A_65 : vector<16xf32> to vector<1x16xf32>
      tpu.vector_store %arg8[%swap3A_66, %swap3A_67], %swap3A_70 {strides = array<i32>} : memref<128x128xf32, #tpu.memory_space<vmem>>, vector<1x16xf32>,
      %broadcast_in_dim3A_71 = arith.constant 0.000000e+00 : f32
      %broadcast_in_dim3A_72 = vector.broadcast %broadcast_in_dim3A_71 : f32 to vector<16xf32>
      %swap3A_73 = arith.index_cast %scan3A_30 : i32 to index
      %swap3A_74 = arith.constant 96 : index
      %swap3A_75 = tpu.vector_load %arg8[%swap3A_73, %swap3A_74] {strides = array<i32>} : memref<128x128xf32, #tpu.memory_space<vmem>>, vector<1x16xf32>,
      %swap3A_76 = vector.shape_cast %swap3A_75 : vector<1x16xf32> to vector<16xf32>
      %swap3A_77 = vector.shape_cast %broadcast_in_dim3A_72 : vector<16xf32> to vector<1x16xf32>
      tpu.vector_store %arg8[%swap3A_73, %swap3A_74], %swap3A_77 {strides = array<i32>} : memref<128x128xf32, #tpu.memory_space<vmem>>, vector<1x16xf32>,
      %broadcast_in_dim3A_78 = arith.constant 0.000000e+00 : f32
      %broadcast_in_dim3A_79 = vector.broadcast %broadcast_in_dim3A_78 : f32 to vector<16xf32>
      %swap3A_80 = arith.index_cast %scan3A_30 : i32 to index
      %swap3A_81 = arith.constant 112 : index
      %swap3A_82 = tpu.vector_load %arg8[%swap3A_80, %swap3A_81] {strides = array<i32>} : memref<128x128xf32, #tpu.memory_space<vmem>>, vector<1x16xf32>,
      %swap3A_83 = vector.shape_cast %swap3A_82 : vector<1x16xf32> to vector<16xf32>
      %swap3A_84 = vector.shape_cast %broadcast_in_dim3A_79 : vector<16xf32> to vector<1x16xf32>
      tpu.vector_store %arg8[%swap3A_80, %swap3A_81], %swap3A_84 {strides = array<i32>} : memref<128x128xf32, #tpu.memory_space<vmem>>, vector<1x16xf32>,
    }
    %scan3A_4 = arith.constant 128 : i32
    %mul3A = arith.constant 640 : i32
    %mul3A_5 = arith.muli %arg1, %mul3A : i32
    %scan3A_6 = arith.constant 0 : i32
    %scan3A_7 = arith.constant 0 : i32
    %scan3A_8 = arith.constant 5 : i32
    %scan3A_9 = arith.addi %scan3A_7, %scan3A_8 : i32
    %scan3A_10 = arith.constant 1 : i32
    scf.for %scan3A_30 = %scan3A_7 to %scan3A_9 step %scan3A_10  : i32 {
      %mul3A_31 = arith.constant 128 : i32
      %mul3A_32 = arith.muli %scan3A_30, %mul3A_31 : i32
      %add3A = arith.addi %mul3A_5, %mul3A_32 : i32
      "tpu.region"() ({
        %run_scoped3A = tpu.sem_alloc : memref<!tpu.dma_semaphore, #tpu.memory_space<semaphore_mem>>
        %dma_start3A = arith.constant 0 : i32
        %dma_start3A_33 = tpu.memref_slice %arg10[%add3A, %dma_start3A] : memref<10240x128xf32, #tpu.memory_space<vmem_shared>> -> memref<128x128xf32, #tpu.memory_space<vmem_shared>>
        %dma_start3A_34 = arith.constant 0 : i32
        %dma_start3A_35 = tpu.memref_slice %arg10[%add3A, %dma_start3A_34] : memref<10240x128xf32, #tpu.memory_space<vmem_shared>> -> memref<128x128xf32, #tpu.memory_space<vmem_shared>>
        tpu.enqueue_dma source(%arg8 : memref<128x128xf32, #tpu.memory_space<vmem>>) target(%dma_start3A_35 : memref<128x128xf32, #tpu.memory_space<vmem_shared>>) target_semaphore(%run_scoped3A : memref<!tpu.dma_semaphore, #tpu.memory_space<semaphore_mem>>)
        %dma_wait3A = arith.constant 0 : i32
        %dma_wait3A_36 = tpu.memref_slice %arg10[%add3A, %dma_wait3A] : memref<10240x128xf32, #tpu.memory_space<vmem_shared>> -> memref<128x128xf32, #tpu.memory_space<vmem_shared>>
        %dma_wait3A_37 = arith.constant 0 : i32
        %dma_wait3A_38 = tpu.memref_slice %arg10[%add3A, %dma_wait3A_37] : memref<10240x128xf32, #tpu.memory_space<vmem_shared>> -> memref<128x128xf32, #tpu.memory_space<vmem_shared>>
        tpu.wait_dma2 semaphore(%run_scoped3A : memref<!tpu.dma_semaphore, #tpu.memory_space<semaphore_mem>>) src(%arg8 : memref<128x128xf32, #tpu.memory_space<vmem>>) dst(%dma_wait3A_38 : memref<128x128xf32, #tpu.memory_space<vmem_shared>>)
        tpu.yield
      }) : () -> ()
    }
    %scan3A_11 = arith.constant 5 : i32
    %barrier3A = arith.constant 0 : index
    tpu.barrier barrier_id(%barrier3A)
    %eq3A = arith.constant 0 : i32
    %eq3A_12 = arith.cmpi eq, %arg0, %eq3A : i32
    %jit3A = arith.constant 9 : i32
    %jit3A_13 = arith.constant 1 : i32
    %select_n3A = arith.select %eq3A_12, %jit3A, %jit3A_13 : i32
    %while3A = arith.constant 0 : i32
    %while3A_14 = arith.constant 0 : i32
    %while3A_15 = arith.subi %select_n3A, %while3A_14 : i32
    %while3A_16 = arith.addi %while3A_14, %while3A_15 : i32
    %while3A_17 = arith.constant 1 : i32
    %while3A_18 = arith.divsi %while3A_15, %while3A_17 : i32
    %while3A_19 = arith.muli %while3A_18, %while3A_17 : i32
    %while3A_20 = arith.addi %while3A_14, %while3A_19 : i32
    %while3A_21 = arith.constant 1 : i32
    scf.for %while3A_30 = %while3A_14 to %while3A_20 step %while3A_21  : i32 {
      %mul3A_31 = arith.constant 16 : i32
      %mul3A_32 = arith.muli %while3A_30, %mul3A_31 : i32
      "tpu.region"() ({
        %run_scoped3A = tpu.sem_alloc : memref<!tpu.dma_semaphore, #tpu.memory_space<semaphore_mem>>
        %dma_start3A_95 = arith.constant 0 : i32
        %dma_start3A_96 = tpu.memref_slice %arg3[%arg0, %arg1, %mul3A_32, %dma_start3A_95] : memref<2x16x144x128xi32, #tpu.memory_space<hbm>> -> memref<1x1x16x128xi32, #tpu.memory_space<hbm>>
        %dma_start3A_97 = tpu.memref_squeeze %dma_start3A_96 : memref<1x1x16x128xi32, #tpu.memory_space<hbm>> -> memref<16x128xi32, #tpu.memory_space<hbm>>
        %dma_start3A_98 = arith.constant 0 : i32
        %dma_start3A_99 = tpu.memref_slice %arg3[%arg0, %arg1, %mul3A_32, %dma_start3A_98] : memref<2x16x144x128xi32, #tpu.memory_space<hbm>> -> memref<1x1x16x128xi32, #tpu.memory_space<hbm>>
        %dma_start3A_100 = tpu.memref_squeeze %dma_start3A_99 : memref<1x1x16x128xi32, #tpu.memory_space<hbm>> -> memref<16x128xi32, #tpu.memory_space<hbm>>
        tpu.enqueue_dma source(%dma_start3A_100 : memref<16x128xi32, #tpu.memory_space<hbm>>) target(%arg6 : memref<16x128xi32, #tpu.memory_space<vmem>>) target_semaphore(%run_scoped3A : memref<!tpu.dma_semaphore, #tpu.memory_space<semaphore_mem>>)
        %dma_wait3A_101 = arith.constant 0 : i32
        %dma_wait3A_102 = tpu.memref_slice %arg3[%arg0, %arg1, %mul3A_32, %dma_wait3A_101] : memref<2x16x144x128xi32, #tpu.memory_space<hbm>> -> memref<1x1x16x128xi32, #tpu.memory_space<hbm>>
        %dma_wait3A_103 = tpu.memref_squeeze %dma_wait3A_102 : memref<1x1x16x128xi32, #tpu.memory_space<hbm>> -> memref<16x128xi32, #tpu.memory_space<hbm>>
        %dma_wait3A_104 = arith.constant 0 : i32
        %dma_wait3A_105 = tpu.memref_slice %arg3[%arg0, %arg1, %mul3A_32, %dma_wait3A_104] : memref<2x16x144x128xi32, #tpu.memory_space<hbm>> -> memref<1x1x16x128xi32, #tpu.memory_space<hbm>>
        %dma_wait3A_106 = tpu.memref_squeeze %dma_wait3A_105 : memref<1x1x16x128xi32, #tpu.memory_space<hbm>> -> memref<16x128xi32, #tpu.memory_space<hbm>>
        tpu.wait_dma2 semaphore(%run_scoped3A : memref<!tpu.dma_semaphore, #tpu.memory_space<semaphore_mem>>) src(%dma_wait3A_106 : memref<16x128xi32, #tpu.memory_space<hbm>>) dst(%arg6 : memref<16x128xi32, #tpu.memory_space<vmem>>)
        tpu.yield
      }) : () -> ()
      %mul3A_33 = arith.constant 16 : i32
      %mul3A_34 = arith.muli %while3A_30, %mul3A_33 : i32
      "tpu.region"() ({
        %run_scoped3A = tpu.sem_alloc : memref<!tpu.dma_semaphore, #tpu.memory_space<semaphore_mem>>
        %dma_start3A_95 = arith.constant 0 : i32
        %dma_start3A_96 = tpu.memref_slice %arg4[%arg0, %arg1, %mul3A_34, %dma_start3A_95] : memref<2x16x144x128xi32, #tpu.memory_space<hbm>> -> memref<1x1x16x128xi32, #tpu.memory_space<hbm>>
        %dma_start3A_97 = tpu.memref_squeeze %dma_start3A_96 : memref<1x1x16x128xi32, #tpu.memory_space<hbm>> -> memref<16x128xi32, #tpu.memory_space<hbm>>
        %dma_start3A_98 = arith.constant 0 : i32
        %dma_start3A_99 = tpu.memref_slice %arg4[%arg0, %arg1, %mul3A_34, %dma_start3A_98] : memref<2x16x144x128xi32, #tpu.memory_space<hbm>> -> memref<1x1x16x128xi32, #tpu.memory_space<hbm>>
        %dma_start3A_100 = tpu.memref_squeeze %dma_start3A_99 : memref<1x1x16x128xi32, #tpu.memory_space<hbm>> -> memref<16x128xi32, #tpu.memory_space<hbm>>
        tpu.enqueue_dma source(%dma_start3A_100 : memref<16x128xi32, #tpu.memory_space<hbm>>) target(%arg7 : memref<16x128xi32, #tpu.memory_space<vmem>>) target_semaphore(%run_scoped3A : memref<!tpu.dma_semaphore, #tpu.memory_space<semaphore_mem>>)
        %dma_wait3A_101 = arith.constant 0 : i32
        %dma_wait3A_102 = tpu.memref_slice %arg4[%arg0, %arg1, %mul3A_34, %dma_wait3A_101] : memref<2x16x144x128xi32, #tpu.memory_space<hbm>> -> memref<1x1x16x128xi32, #tpu.memory_space<hbm>>
        %dma_wait3A_103 = tpu.memref_squeeze %dma_wait3A_102 : memref<1x1x16x128xi32, #tpu.memory_space<hbm>> -> memref<16x128xi32, #tpu.memory_space<hbm>>
        %dma_wait3A_104 = arith.constant 0 : i32
        %dma_wait3A_105 = tpu.memref_slice %arg4[%arg0, %arg1, %mul3A_34, %dma_wait3A_104] : memref<2x16x144x128xi32, #tpu.memory_space<hbm>> -> memref<1x1x16x128xi32, #tpu.memory_space<hbm>>
        %dma_wait3A_106 = tpu.memref_squeeze %dma_wait3A_105 : memref<1x1x16x128xi32, #tpu.memory_space<hbm>> -> memref<16x128xi32, #tpu.memory_space<hbm>>
        tpu.wait_dma2 semaphore(%run_scoped3A : memref<!tpu.dma_semaphore, #tpu.memory_space<semaphore_mem>>) src(%dma_wait3A_106 : memref<16x128xi32, #tpu.memory_space<hbm>>) dst(%arg7 : memref<16x128xi32, #tpu.memory_space<vmem>>)
        tpu.yield
      }) : () -> ()
      %dma_start3A = arith.constant 0 : i32
      %dma_start3A_35 = arith.constant 0 : i32
      %dma_start3A_36 = tpu.memref_slice %arg6[%dma_start3A, %dma_start3A_35] : memref<16x128xi32, #tpu.memory_space<vmem>> -> memref<1x128xi32, #tpu.memory_space<vmem>>
      %dma_start3A_37 = tpu.memref_squeeze %dma_start3A_36 : memref<1x128xi32, #tpu.memory_space<vmem>> -> memref<128xi32, #tpu.memory_space<vmem>>
      %dma_start3A_38 = arith.constant 0 : i32
      %dma_start3A_39 = arith.constant 0 : i32
      %dma_start3A_40 = tpu.memref_slice %arg2[%dma_start3A_38, %dma_start3A_39] : memref<10000x128xf32, #tpu.memory_space<hbm>> -> memref<10000x128xf32, #tpu.memory_space<hbm>>
      tpu.enqueue_indirect_dma source(%dma_start3A_40 : memref<10000x128xf32, #tpu.memory_space<hbm>>) target(%arg8 : memref<128x128xf32, #tpu.memory_space<vmem>>) offsets(%dma_start3A_37 : memref<128xi32, #tpu.memory_space<vmem>>) semaphore(%arg11 : memref<!tpu.dma_semaphore, #tpu.memory_space<semaphore_mem>>)
      %dma_start3A_41 = arith.constant 1 : i32
      %dma_start3A_42 = arith.constant 0 : i32
      %dma_start3A_43 = tpu.memref_slice %arg6[%dma_start3A_41, %dma_start3A_42] : memref<16x128xi32, #tpu.memory_space<vmem>> -> memref<1x128xi32, #tpu.memory_space<vmem>>
      %dma_start3A_44 = tpu.memref_squeeze %dma_start3A_43 : memref<1x128xi32, #tpu.memory_space<vmem>> -> memref<128xi32, #tpu.memory_space<vmem>>
      %dma_start3A_45 = arith.constant 0 : i32
      %dma_start3A_46 = arith.constant 0 : i32
      %dma_start3A_47 = tpu.memref_slice %arg2[%dma_start3A_45, %dma_start3A_46] : memref<10000x128xf32, #tpu.memory_space<hbm>> -> memref<10000x128xf32, #tpu.memory_space<hbm>>
      tpu.enqueue_indirect_dma source(%dma_start3A_47 : memref<10000x128xf32, #tpu.memory_space<hbm>>) target(%arg9 : memref<128x128xf32, #tpu.memory_space<vmem>>) offsets(%dma_start3A_44 : memref<128xi32, #tpu.memory_space<vmem>>) semaphore(%arg12 : memref<!tpu.dma_semaphore, #tpu.memory_space<semaphore_mem>>)
      %scan3A_48 = arith.constant 0 : i32
      %scan3A_49 = arith.constant 0 : i32
      %scan3A_50 = arith.constant 7 : i32
      %scan3A_51 = arith.addi %scan3A_49, %scan3A_50 : i32
      %scan3A_52 = arith.constant 1 : i32
      scf.for %scan3A_95 = %scan3A_49 to %scan3A_51 step %scan3A_52  : i32 {
        %mul3A_96 = arith.constant 2 : i32
        %mul3A_97 = arith.muli %scan3A_95, %mul3A_96 : i32
        %add3A = arith.constant 0 : i32
        %add3A_98 = arith.addi %mul3A_97, %add3A : i32
        %dma_wait3A_99 = arith.constant 0 : i32
        %dma_wait3A_100 = tpu.memref_slice %arg6[%add3A_98, %dma_wait3A_99] : memref<16x128xi32, #tpu.memory_space<vmem>> -> memref<1x128xi32, #tpu.memory_space<vmem>>
        %dma_wait3A_101 = tpu.memref_squeeze %dma_wait3A_100 : memref<1x128xi32, #tpu.memory_space<vmem>> -> memref<128xi32, #tpu.memory_space<vmem>>
        %dma_wait3A_102 = arith.constant 0 : i32
        %dma_wait3A_103 = arith.constant 0 : i32
        %dma_wait3A_104 = tpu.memref_slice %arg2[%dma_wait3A_102, %dma_wait3A_103] : memref<10000x128xf32, #tpu.memory_space<hbm>> -> memref<10000x128xf32, #tpu.memory_space<hbm>>
        tpu.wait_indirect_dma semaphore(%arg11 : memref<!tpu.dma_semaphore, #tpu.memory_space<semaphore_mem>>) src(%dma_wait3A_104 : memref<10000x128xf32, #tpu.memory_space<hbm>>) dst(%arg8 : memref<128x128xf32, #tpu.memory_space<vmem>>)
        %add3A_105 = arith.constant 0 : i32
        %add3A_106 = arith.addi %mul3A_97, %add3A_105 : i32
        %dma_start3A_107 = arith.constant 0 : i32
        %dma_start3A_108 = tpu.memref_slice %arg7[%add3A_106, %dma_start3A_107] : memref<16x128xi32, #tpu.memory_space<vmem>> -> memref<1x128xi32, #tpu.memory_space<vmem>>
        %dma_start3A_109 = tpu.memref_squeeze %dma_start3A_108 : memref<1x128xi32, #tpu.memory_space<vmem>> -> memref<128xi32, #tpu.memory_space<vmem>>
        %dma_start3A_110 = arith.constant 0 : i32
        %dma_start3A_111 = arith.constant 0 : i32
        %dma_start3A_112 = tpu.memref_slice %arg10[%dma_start3A_110, %dma_start3A_111] : memref<10240x128xf32, #tpu.memory_space<vmem_shared>> -> memref<10240x128xf32, #tpu.memory_space<vmem_shared>>
        tpu.enqueue_indirect_dma source(%arg8 : memref<128x128xf32, #tpu.memory_space<vmem>>) target(%dma_start3A_112 : memref<10240x128xf32, #tpu.memory_space<vmem_shared>>) offsets(%dma_start3A_109 : memref<128xi32, #tpu.memory_space<vmem>>) semaphore(%arg13 : memref<!tpu.dma_semaphore, #tpu.memory_space<semaphore_mem>>) {add = true}
        %add3A_113 = arith.constant 1 : i32
        %add3A_114 = arith.addi %mul3A_97, %add3A_113 : i32
        %dma_wait3A_115 = arith.constant 0 : i32
        %dma_wait3A_116 = tpu.memref_slice %arg6[%add3A_114, %dma_wait3A_115] : memref<16x128xi32, #tpu.memory_space<vmem>> -> memref<1x128xi32, #tpu.memory_space<vmem>>
        %dma_wait3A_117 = tpu.memref_squeeze %dma_wait3A_116 : memref<1x128xi32, #tpu.memory_space<vmem>> -> memref<128xi32, #tpu.memory_space<vmem>>
        %dma_wait3A_118 = arith.constant 0 : i32
        %dma_wait3A_119 = arith.constant 0 : i32
        %dma_wait3A_120 = tpu.memref_slice %arg2[%dma_wait3A_118, %dma_wait3A_119] : memref<10000x128xf32, #tpu.memory_space<hbm>> -> memref<10000x128xf32, #tpu.memory_space<hbm>>
        tpu.wait_indirect_dma semaphore(%arg12 : memref<!tpu.dma_semaphore, #tpu.memory_space<semaphore_mem>>) src(%dma_wait3A_120 : memref<10000x128xf32, #tpu.memory_space<hbm>>) dst(%arg9 : memref<128x128xf32, #tpu.memory_space<vmem>>)
        %add3A_121 = arith.constant 1 : i32
        %add3A_122 = arith.addi %mul3A_97, %add3A_121 : i32
        %dma_start3A_123 = arith.constant 0 : i32
        %dma_start3A_124 = tpu.memref_slice %arg7[%add3A_122, %dma_start3A_123] : memref<16x128xi32, #tpu.memory_space<vmem>> -> memref<1x128xi32, #tpu.memory_space<vmem>>
        %dma_start3A_125 = tpu.memref_squeeze %dma_start3A_124 : memref<1x128xi32, #tpu.memory_space<vmem>> -> memref<128xi32, #tpu.memory_space<vmem>>
        %dma_start3A_126 = arith.constant 0 : i32
        %dma_start3A_127 = arith.constant 0 : i32
        %dma_start3A_128 = tpu.memref_slice %arg10[%dma_start3A_126, %dma_start3A_127] : memref<10240x128xf32, #tpu.memory_space<vmem_shared>> -> memref<10240x128xf32, #tpu.memory_space<vmem_shared>>
        tpu.enqueue_indirect_dma source(%arg9 : memref<128x128xf32, #tpu.memory_space<vmem>>) target(%dma_start3A_128 : memref<10240x128xf32, #tpu.memory_space<vmem_shared>>) offsets(%dma_start3A_125 : memref<128xi32, #tpu.memory_space<vmem>>) semaphore(%arg14 : memref<!tpu.dma_semaphore, #tpu.memory_space<semaphore_mem>>) {add = true}
        %add3A_129 = arith.constant 2 : i32
        %add3A_130 = arith.addi %mul3A_97, %add3A_129 : i32
        %add3A_131 = arith.constant 0 : i32
        %add3A_132 = arith.addi %add3A_130, %add3A_131 : i32
        %add3A_133 = arith.constant 0 : i32
        %add3A_134 = arith.addi %mul3A_97, %add3A_133 : i32
        %dma_wait3A_135 = arith.constant 0 : i32
        %dma_wait3A_136 = tpu.memref_slice %arg7[%add3A_134, %dma_wait3A_135] : memref<16x128xi32, #tpu.memory_space<vmem>> -> memref<1x128xi32, #tpu.memory_space<vmem>>
        %dma_wait3A_137 = tpu.memref_squeeze %dma_wait3A_136 : memref<1x128xi32, #tpu.memory_space<vmem>> -> memref<128xi32, #tpu.memory_space<vmem>>
        %dma_wait3A_138 = arith.constant 0 : i32
        %dma_wait3A_139 = arith.constant 0 : i32
        %dma_wait3A_140 = tpu.memref_slice %arg10[%dma_wait3A_138, %dma_wait3A_139] : memref<10240x128xf32, #tpu.memory_space<vmem_shared>> -> memref<10240x128xf32, #tpu.memory_space<vmem_shared>>
        tpu.wait_indirect_dma semaphore(%arg13 : memref<!tpu.dma_semaphore, #tpu.memory_space<semaphore_mem>>) src(%arg8 : memref<128x128xf32, #tpu.memory_space<vmem>>) dst(%dma_wait3A_140 : memref<10240x128xf32, #tpu.memory_space<vmem_shared>>)
        %dma_start3A_141 = arith.constant 0 : i32
        %dma_start3A_142 = tpu.memref_slice %arg6[%add3A_132, %dma_start3A_141] : memref<16x128xi32, #tpu.memory_space<vmem>> -> memref<1x128xi32, #tpu.memory_space<vmem>>
        %dma_start3A_143 = tpu.memref_squeeze %dma_start3A_142 : memref<1x128xi32, #tpu.memory_space<vmem>> -> memref<128xi32, #tpu.memory_space<vmem>>
        %dma_start3A_144 = arith.constant 0 : i32
        %dma_start3A_145 = arith.constant 0 : i32
        %dma_start3A_146 = tpu.memref_slice %arg2[%dma_start3A_144, %dma_start3A_145] : memref<10000x128xf32, #tpu.memory_space<hbm>> -> memref<10000x128xf32, #tpu.memory_space<hbm>>
        tpu.enqueue_indirect_dma source(%dma_start3A_146 : memref<10000x128xf32, #tpu.memory_space<hbm>>) target(%arg8 : memref<128x128xf32, #tpu.memory_space<vmem>>) offsets(%dma_start3A_143 : memref<128xi32, #tpu.memory_space<vmem>>) semaphore(%arg11 : memref<!tpu.dma_semaphore, #tpu.memory_space<semaphore_mem>>)
        %add3A_147 = arith.constant 2 : i32
        %add3A_148 = arith.addi %mul3A_97, %add3A_147 : i32
        %add3A_149 = arith.constant 1 : i32
        %add3A_150 = arith.addi %add3A_148, %add3A_149 : i32
        %add3A_151 = arith.constant 1 : i32
        %add3A_152 = arith.addi %mul3A_97, %add3A_151 : i32
        %dma_wait3A_153 = arith.constant 0 : i32
        %dma_wait3A_154 = tpu.memref_slice %arg7[%add3A_152, %dma_wait3A_153] : memref<16x128xi32, #tpu.memory_space<vmem>> -> memref<1x128xi32, #tpu.memory_space<vmem>>
        %dma_wait3A_155 = tpu.memref_squeeze %dma_wait3A_154 : memref<1x128xi32, #tpu.memory_space<vmem>> -> memref<128xi32, #tpu.memory_space<vmem>>
        %dma_wait3A_156 = arith.constant 0 : i32
        %dma_wait3A_157 = arith.constant 0 : i32
        %dma_wait3A_158 = tpu.memref_slice %arg10[%dma_wait3A_156, %dma_wait3A_157] : memref<10240x128xf32, #tpu.memory_space<vmem_shared>> -> memref<10240x128xf32, #tpu.memory_space<vmem_shared>>
        tpu.wait_indirect_dma semaphore(%arg14 : memref<!tpu.dma_semaphore, #tpu.memory_space<semaphore_mem>>) src(%arg9 : memref<128x128xf32, #tpu.memory_space<vmem>>) dst(%dma_wait3A_158 : memref<10240x128xf32, #tpu.memory_space<vmem_shared>>)
        %dma_start3A_159 = arith.constant 0 : i32
        %dma_start3A_160 = tpu.memref_slice %arg6[%add3A_150, %dma_start3A_159] : memref<16x128xi32, #tpu.memory_space<vmem>> -> memref<1x128xi32, #tpu.memory_space<vmem>>
        %dma_start3A_161 = tpu.memref_squeeze %dma_start3A_160 : memref<1x128xi32, #tpu.memory_space<vmem>> -> memref<128xi32, #tpu.memory_space<vmem>>
        %dma_start3A_162 = arith.constant 0 : i32
        %dma_start3A_163 = arith.constant 0 : i32
        %dma_start3A_164 = tpu.memref_slice %arg2[%dma_start3A_162, %dma_start3A_163] : memref<10000x128xf32, #tpu.memory_space<hbm>> -> memref<10000x128xf32, #tpu.memory_space<hbm>>
        tpu.enqueue_indirect_dma source(%dma_start3A_164 : memref<10000x128xf32, #tpu.memory_space<hbm>>) target(%arg9 : memref<128x128xf32, #tpu.memory_space<vmem>>) offsets(%dma_start3A_161 : memref<128xi32, #tpu.memory_space<vmem>>) semaphore(%arg12 : memref<!tpu.dma_semaphore, #tpu.memory_space<semaphore_mem>>)
      }
      %scan3A_53 = arith.constant 7 : i32
      %dma_wait3A = arith.constant 14 : i32
      %dma_wait3A_54 = arith.constant 0 : i32
      %dma_wait3A_55 = tpu.memref_slice %arg6[%dma_wait3A, %dma_wait3A_54] : memref<16x128xi32, #tpu.memory_space<vmem>> -> memref<1x128xi32, #tpu.memory_space<vmem>>
      %dma_wait3A_56 = tpu.memref_squeeze %dma_wait3A_55 : memref<1x128xi32, #tpu.memory_space<vmem>> -> memref<128xi32, #tpu.memory_space<vmem>>
      %dma_wait3A_57 = arith.constant 0 : i32
      %dma_wait3A_58 = arith.constant 0 : i32
      %dma_wait3A_59 = tpu.memref_slice %arg2[%dma_wait3A_57, %dma_wait3A_58] : memref<10000x128xf32, #tpu.memory_space<hbm>> -> memref<10000x128xf32, #tpu.memory_space<hbm>>
      tpu.wait_indirect_dma semaphore(%arg11 : memref<!tpu.dma_semaphore, #tpu.memory_space<semaphore_mem>>) src(%dma_wait3A_59 : memref<10000x128xf32, #tpu.memory_space<hbm>>) dst(%arg8 : memref<128x128xf32, #tpu.memory_space<vmem>>)
      %dma_start3A_60 = arith.constant 14 : i32
      %dma_start3A_61 = arith.constant 0 : i32
      %dma_start3A_62 = tpu.memref_slice %arg7[%dma_start3A_60, %dma_start3A_61] : memref<16x128xi32, #tpu.memory_space<vmem>> -> memref<1x128xi32, #tpu.memory_space<vmem>>
      %dma_start3A_63 = tpu.memref_squeeze %dma_start3A_62 : memref<1x128xi32, #tpu.memory_space<vmem>> -> memref<128xi32, #tpu.memory_space<vmem>>
      %dma_start3A_64 = arith.constant 0 : i32
      %dma_start3A_65 = arith.constant 0 : i32
      %dma_start3A_66 = tpu.memref_slice %arg10[%dma_start3A_64, %dma_start3A_65] : memref<10240x128xf32, #tpu.memory_space<vmem_shared>> -> memref<10240x128xf32, #tpu.memory_space<vmem_shared>>
      tpu.enqueue_indirect_dma source(%arg8 : memref<128x128xf32, #tpu.memory_space<vmem>>) target(%dma_start3A_66 : memref<10240x128xf32, #tpu.memory_space<vmem_shared>>) offsets(%dma_start3A_63 : memref<128xi32, #tpu.memory_space<vmem>>) semaphore(%arg13 : memref<!tpu.dma_semaphore, #tpu.memory_space<semaphore_mem>>) {add = true}
      %dma_wait3A_67 = arith.constant 15 : i32
      %dma_wait3A_68 = arith.constant 0 : i32
      %dma_wait3A_69 = tpu.memref_slice %arg6[%dma_wait3A_67, %dma_wait3A_68] : memref<16x128xi32, #tpu.memory_space<vmem>> -> memref<1x128xi32, #tpu.memory_space<vmem>>
      %dma_wait3A_70 = tpu.memref_squeeze %dma_wait3A_69 : memref<1x128xi32, #tpu.memory_space<vmem>> -> memref<128xi32, #tpu.memory_space<vmem>>
      %dma_wait3A_71 = arith.constant 0 : i32
      %dma_wait3A_72 = arith.constant 0 : i32
      %dma_wait3A_73 = tpu.memref_slice %arg2[%dma_wait3A_71, %dma_wait3A_72] : memref<10000x128xf32, #tpu.memory_space<hbm>> -> memref<10000x128xf32, #tpu.memory_space<hbm>>
      tpu.wait_indirect_dma semaphore(%arg12 : memref<!tpu.dma_semaphore, #tpu.memory_space<semaphore_mem>>) src(%dma_wait3A_73 : memref<10000x128xf32, #tpu.memory_space<hbm>>) dst(%arg9 : memref<128x128xf32, #tpu.memory_space<vmem>>)
      %dma_start3A_74 = arith.constant 15 : i32
      %dma_start3A_75 = arith.constant 0 : i32
      %dma_start3A_76 = tpu.memref_slice %arg7[%dma_start3A_74, %dma_start3A_75] : memref<16x128xi32, #tpu.memory_space<vmem>> -> memref<1x128xi32, #tpu.memory_space<vmem>>
      %dma_start3A_77 = tpu.memref_squeeze %dma_start3A_76 : memref<1x128xi32, #tpu.memory_space<vmem>> -> memref<128xi32, #tpu.memory_space<vmem>>
      %dma_start3A_78 = arith.constant 0 : i32
      %dma_start3A_79 = arith.constant 0 : i32
      %dma_start3A_80 = tpu.memref_slice %arg10[%dma_start3A_78, %dma_start3A_79] : memref<10240x128xf32, #tpu.memory_space<vmem_shared>> -> memref<10240x128xf32, #tpu.memory_space<vmem_shared>>
      tpu.enqueue_indirect_dma source(%arg9 : memref<128x128xf32, #tpu.memory_space<vmem>>) target(%dma_start3A_80 : memref<10240x128xf32, #tpu.memory_space<vmem_shared>>) offsets(%dma_start3A_77 : memref<128xi32, #tpu.memory_space<vmem>>) semaphore(%arg14 : memref<!tpu.dma_semaphore, #tpu.memory_space<semaphore_mem>>) {add = true}
      %dma_wait3A_81 = arith.constant 14 : i32
      %dma_wait3A_82 = arith.constant 0 : i32
      %dma_wait3A_83 = tpu.memref_slice %arg7[%dma_wait3A_81, %dma_wait3A_82] : memref<16x128xi32, #tpu.memory_space<vmem>> -> memref<1x128xi32, #tpu.memory_space<vmem>>
      %dma_wait3A_84 = tpu.memref_squeeze %dma_wait3A_83 : memref<1x128xi32, #tpu.memory_space<vmem>> -> memref<128xi32, #tpu.memory_space<vmem>>
      %dma_wait3A_85 = arith.constant 0 : i32
      %dma_wait3A_86 = arith.constant 0 : i32
      %dma_wait3A_87 = tpu.memref_slice %arg10[%dma_wait3A_85, %dma_wait3A_86] : memref<10240x128xf32, #tpu.memory_space<vmem_shared>> -> memref<10240x128xf32, #tpu.memory_space<vmem_shared>>
      tpu.wait_indirect_dma semaphore(%arg13 : memref<!tpu.dma_semaphore, #tpu.memory_space<semaphore_mem>>) src(%arg8 : memref<128x128xf32, #tpu.memory_space<vmem>>) dst(%dma_wait3A_87 : memref<10240x128xf32, #tpu.memory_space<vmem_shared>>)
      %dma_wait3A_88 = arith.constant 15 : i32
      %dma_wait3A_89 = arith.constant 0 : i32
      %dma_wait3A_90 = tpu.memref_slice %arg7[%dma_wait3A_88, %dma_wait3A_89] : memref<16x128xi32, #tpu.memory_space<vmem>> -> memref<1x128xi32, #tpu.memory_space<vmem>>
      %dma_wait3A_91 = tpu.memref_squeeze %dma_wait3A_90 : memref<1x128xi32, #tpu.memory_space<vmem>> -> memref<128xi32, #tpu.memory_space<vmem>>
      %dma_wait3A_92 = arith.constant 0 : i32
      %dma_wait3A_93 = arith.constant 0 : i32
      %dma_wait3A_94 = tpu.memref_slice %arg10[%dma_wait3A_92, %dma_wait3A_93] : memref<10240x128xf32, #tpu.memory_space<vmem_shared>> -> memref<10240x128xf32, #tpu.memory_space<vmem_shared>>
      tpu.wait_indirect_dma semaphore(%arg14 : memref<!tpu.dma_semaphore, #tpu.memory_space<semaphore_mem>>) src(%arg9 : memref<128x128xf32, #tpu.memory_space<vmem>>) dst(%dma_wait3A_94 : memref<10240x128xf32, #tpu.memory_space<vmem_shared>>)
    }
    %while3A_22 = arith.constant 1 : i32
    scf.for %while3A_30 = %while3A_20 to %while3A_16 step %while3A_22  : i32 {
      %mul3A_31 = arith.constant 16 : i32
      %mul3A_32 = arith.muli %while3A_30, %mul3A_31 : i32
      "tpu.region"() ({
        %run_scoped3A = tpu.sem_alloc : memref<!tpu.dma_semaphore, #tpu.memory_space<semaphore_mem>>
        %dma_start3A_95 = arith.constant 0 : i32
        %dma_start3A_96 = tpu.memref_slice %arg3[%arg0, %arg1, %mul3A_32, %dma_start3A_95] : memref<2x16x144x128xi32, #tpu.memory_space<hbm>> -> memref<1x1x16x128xi32, #tpu.memory_space<hbm>>
        %dma_start3A_97 = tpu.memref_squeeze %dma_start3A_96 : memref<1x1x16x128xi32, #tpu.memory_space<hbm>> -> memref<16x128xi32, #tpu.memory_space<hbm>>
        %dma_start3A_98 = arith.constant 0 : i32
        %dma_start3A_99 = tpu.memref_slice %arg3[%arg0, %arg1, %mul3A_32, %dma_start3A_98] : memref<2x16x144x128xi32, #tpu.memory_space<hbm>> -> memref<1x1x16x128xi32, #tpu.memory_space<hbm>>
        %dma_start3A_100 = tpu.memref_squeeze %dma_start3A_99 : memref<1x1x16x128xi32, #tpu.memory_space<hbm>> -> memref<16x128xi32, #tpu.memory_space<hbm>>
        tpu.enqueue_dma source(%dma_start3A_100 : memref<16x128xi32, #tpu.memory_space<hbm>>) target(%arg6 : memref<16x128xi32, #tpu.memory_space<vmem>>) target_semaphore(%run_scoped3A : memref<!tpu.dma_semaphore, #tpu.memory_space<semaphore_mem>>)
        %dma_wait3A_101 = arith.constant 0 : i32
        %dma_wait3A_102 = tpu.memref_slice %arg3[%arg0, %arg1, %mul3A_32, %dma_wait3A_101] : memref<2x16x144x128xi32, #tpu.memory_space<hbm>> -> memref<1x1x16x128xi32, #tpu.memory_space<hbm>>
        %dma_wait3A_103 = tpu.memref_squeeze %dma_wait3A_102 : memref<1x1x16x128xi32, #tpu.memory_space<hbm>> -> memref<16x128xi32, #tpu.memory_space<hbm>>
        %dma_wait3A_104 = arith.constant 0 : i32
        %dma_wait3A_105 = tpu.memref_slice %arg3[%arg0, %arg1, %mul3A_32, %dma_wait3A_104] : memref<2x16x144x128xi32, #tpu.memory_space<hbm>> -> memref<1x1x16x128xi32, #tpu.memory_space<hbm>>
        %dma_wait3A_106 = tpu.memref_squeeze %dma_wait3A_105 : memref<1x1x16x128xi32, #tpu.memory_space<hbm>> -> memref<16x128xi32, #tpu.memory_space<hbm>>
        tpu.wait_dma2 semaphore(%run_scoped3A : memref<!tpu.dma_semaphore, #tpu.memory_space<semaphore_mem>>) src(%dma_wait3A_106 : memref<16x128xi32, #tpu.memory_space<hbm>>) dst(%arg6 : memref<16x128xi32, #tpu.memory_space<vmem>>)
        tpu.yield
      }) : () -> ()
      %mul3A_33 = arith.constant 16 : i32
      %mul3A_34 = arith.muli %while3A_30, %mul3A_33 : i32
      "tpu.region"() ({
        %run_scoped3A = tpu.sem_alloc : memref<!tpu.dma_semaphore, #tpu.memory_space<semaphore_mem>>
        %dma_start3A_95 = arith.constant 0 : i32
        %dma_start3A_96 = tpu.memref_slice %arg4[%arg0, %arg1, %mul3A_34, %dma_start3A_95] : memref<2x16x144x128xi32, #tpu.memory_space<hbm>> -> memref<1x1x16x128xi32, #tpu.memory_space<hbm>>
        %dma_start3A_97 = tpu.memref_squeeze %dma_start3A_96 : memref<1x1x16x128xi32, #tpu.memory_space<hbm>> -> memref<16x128xi32, #tpu.memory_space<hbm>>
        %dma_start3A_98 = arith.constant 0 : i32
        %dma_start3A_99 = tpu.memref_slice %arg4[%arg0, %arg1, %mul3A_34, %dma_start3A_98] : memref<2x16x144x128xi32, #tpu.memory_space<hbm>> -> memref<1x1x16x128xi32, #tpu.memory_space<hbm>>
        %dma_start3A_100 = tpu.memref_squeeze %dma_start3A_99 : memref<1x1x16x128xi32, #tpu.memory_space<hbm>> -> memref<16x128xi32, #tpu.memory_space<hbm>>
        tpu.enqueue_dma source(%dma_start3A_100 : memref<16x128xi32, #tpu.memory_space<hbm>>) target(%arg7 : memref<16x128xi32, #tpu.memory_space<vmem>>) target_semaphore(%run_scoped3A : memref<!tpu.dma_semaphore, #tpu.memory_space<semaphore_mem>>)
        %dma_wait3A_101 = arith.constant 0 : i32
        %dma_wait3A_102 = tpu.memref_slice %arg4[%arg0, %arg1, %mul3A_34, %dma_wait3A_101] : memref<2x16x144x128xi32, #tpu.memory_space<hbm>> -> memref<1x1x16x128xi32, #tpu.memory_space<hbm>>
        %dma_wait3A_103 = tpu.memref_squeeze %dma_wait3A_102 : memref<1x1x16x128xi32, #tpu.memory_space<hbm>> -> memref<16x128xi32, #tpu.memory_space<hbm>>
        %dma_wait3A_104 = arith.constant 0 : i32
        %dma_wait3A_105 = tpu.memref_slice %arg4[%arg0, %arg1, %mul3A_34, %dma_wait3A_104] : memref<2x16x144x128xi32, #tpu.memory_space<hbm>> -> memref<1x1x16x128xi32, #tpu.memory_space<hbm>>
        %dma_wait3A_106 = tpu.memref_squeeze %dma_wait3A_105 : memref<1x1x16x128xi32, #tpu.memory_space<hbm>> -> memref<16x128xi32, #tpu.memory_space<hbm>>
        tpu.wait_dma2 semaphore(%run_scoped3A : memref<!tpu.dma_semaphore, #tpu.memory_space<semaphore_mem>>) src(%dma_wait3A_106 : memref<16x128xi32, #tpu.memory_space<hbm>>) dst(%arg7 : memref<16x128xi32, #tpu.memory_space<vmem>>)
        tpu.yield
      }) : () -> ()
      %dma_start3A = arith.constant 0 : i32
      %dma_start3A_35 = arith.constant 0 : i32
      %dma_start3A_36 = tpu.memref_slice %arg6[%dma_start3A, %dma_start3A_35] : memref<16x128xi32, #tpu.memory_space<vmem>> -> memref<1x128xi32, #tpu.memory_space<vmem>>
      %dma_start3A_37 = tpu.memref_squeeze %dma_start3A_36 : memref<1x128xi32, #tpu.memory_space<vmem>> -> memref<128xi32, #tpu.memory_space<vmem>>
      %dma_start3A_38 = arith.constant 0 : i32
      %dma_start3A_39 = arith.constant 0 : i32
      %dma_start3A_40 = tpu.memref_slice %arg2[%dma_start3A_38, %dma_start3A_39] : memref<10000x128xf32, #tpu.memory_space<hbm>> -> memref<10000x128xf32, #tpu.memory_space<hbm>>
      tpu.enqueue_indirect_dma source(%dma_start3A_40 : memref<10000x128xf32, #tpu.memory_space<hbm>>) target(%arg8 : memref<128x128xf32, #tpu.memory_space<vmem>>) offsets(%dma_start3A_37 : memref<128xi32, #tpu.memory_space<vmem>>) semaphore(%arg11 : memref<!tpu.dma_semaphore, #tpu.memory_space<semaphore_mem>>)
      %dma_start3A_41 = arith.constant 1 : i32
      %dma_start3A_42 = arith.constant 0 : i32
      %dma_start3A_43 = tpu.memref_slice %arg6[%dma_start3A_41, %dma_start3A_42] : memref<16x128xi32, #tpu.memory_space<vmem>> -> memref<1x128xi32, #tpu.memory_space<vmem>>
      %dma_start3A_44 = tpu.memref_squeeze %dma_start3A_43 : memref<1x128xi32, #tpu.memory_space<vmem>> -> memref<128xi32, #tpu.memory_space<vmem>>
      %dma_start3A_45 = arith.constant 0 : i32
      %dma_start3A_46 = arith.constant 0 : i32
      %dma_start3A_47 = tpu.memref_slice %arg2[%dma_start3A_45, %dma_start3A_46] : memref<10000x128xf32, #tpu.memory_space<hbm>> -> memref<10000x128xf32, #tpu.memory_space<hbm>>
      tpu.enqueue_indirect_dma source(%dma_start3A_47 : memref<10000x128xf32, #tpu.memory_space<hbm>>) target(%arg9 : memref<128x128xf32, #tpu.memory_space<vmem>>) offsets(%dma_start3A_44 : memref<128xi32, #tpu.memory_space<vmem>>) semaphore(%arg12 : memref<!tpu.dma_semaphore, #tpu.memory_space<semaphore_mem>>)
      %scan3A_48 = arith.constant 0 : i32
      %scan3A_49 = arith.constant 0 : i32
      %scan3A_50 = arith.constant 7 : i32
      %scan3A_51 = arith.addi %scan3A_49, %scan3A_50 : i32
      %scan3A_52 = arith.constant 1 : i32
      scf.for %scan3A_95 = %scan3A_49 to %scan3A_51 step %scan3A_52  : i32 {
        %mul3A_96 = arith.constant 2 : i32
        %mul3A_97 = arith.muli %scan3A_95, %mul3A_96 : i32
        %add3A = arith.constant 0 : i32
        %add3A_98 = arith.addi %mul3A_97, %add3A : i32
        %dma_wait3A_99 = arith.constant 0 : i32
        %dma_wait3A_100 = tpu.memref_slice %arg6[%add3A_98, %dma_wait3A_99] : memref<16x128xi32, #tpu.memory_space<vmem>> -> memref<1x128xi32, #tpu.memory_space<vmem>>
        %dma_wait3A_101 = tpu.memref_squeeze %dma_wait3A_100 : memref<1x128xi32, #tpu.memory_space<vmem>> -> memref<128xi32, #tpu.memory_space<vmem>>
        %dma_wait3A_102 = arith.constant 0 : i32
        %dma_wait3A_103 = arith.constant 0 : i32
        %dma_wait3A_104 = tpu.memref_slice %arg2[%dma_wait3A_102, %dma_wait3A_103] : memref<10000x128xf32, #tpu.memory_space<hbm>> -> memref<10000x128xf32, #tpu.memory_space<hbm>>
        tpu.wait_indirect_dma semaphore(%arg11 : memref<!tpu.dma_semaphore, #tpu.memory_space<semaphore_mem>>) src(%dma_wait3A_104 : memref<10000x128xf32, #tpu.memory_space<hbm>>) dst(%arg8 : memref<128x128xf32, #tpu.memory_space<vmem>>)
        %add3A_105 = arith.constant 0 : i32
        %add3A_106 = arith.addi %mul3A_97, %add3A_105 : i32
        %dma_start3A_107 = arith.constant 0 : i32
        %dma_start3A_108 = tpu.memref_slice %arg7[%add3A_106, %dma_start3A_107] : memref<16x128xi32, #tpu.memory_space<vmem>> -> memref<1x128xi32, #tpu.memory_space<vmem>>
        %dma_start3A_109 = tpu.memref_squeeze %dma_start3A_108 : memref<1x128xi32, #tpu.memory_space<vmem>> -> memref<128xi32, #tpu.memory_space<vmem>>
        %dma_start3A_110 = arith.constant 0 : i32
        %dma_start3A_111 = arith.constant 0 : i32
        %dma_start3A_112 = tpu.memref_slice %arg10[%dma_start3A_110, %dma_start3A_111] : memref<10240x128xf32, #tpu.memory_space<vmem_shared>> -> memref<10240x128xf32, #tpu.memory_space<vmem_shared>>
        tpu.enqueue_indirect_dma source(%arg8 : memref<128x128xf32, #tpu.memory_space<vmem>>) target(%dma_start3A_112 : memref<10240x128xf32, #tpu.memory_space<vmem_shared>>) offsets(%dma_start3A_109 : memref<128xi32, #tpu.memory_space<vmem>>) semaphore(%arg13 : memref<!tpu.dma_semaphore, #tpu.memory_space<semaphore_mem>>) {add = true}
        %add3A_113 = arith.constant 1 : i32
        %add3A_114 = arith.addi %mul3A_97, %add3A_113 : i32
        %dma_wait3A_115 = arith.constant 0 : i32
        %dma_wait3A_116 = tpu.memref_slice %arg6[%add3A_114, %dma_wait3A_115] : memref<16x128xi32, #tpu.memory_space<vmem>> -> memref<1x128xi32, #tpu.memory_space<vmem>>
        %dma_wait3A_117 = tpu.memref_squeeze %dma_wait3A_116 : memref<1x128xi32, #tpu.memory_space<vmem>> -> memref<128xi32, #tpu.memory_space<vmem>>
        %dma_wait3A_118 = arith.constant 0 : i32
        %dma_wait3A_119 = arith.constant 0 : i32
        %dma_wait3A_120 = tpu.memref_slice %arg2[%dma_wait3A_118, %dma_wait3A_119] : memref<10000x128xf32, #tpu.memory_space<hbm>> -> memref<10000x128xf32, #tpu.memory_space<hbm>>
        tpu.wait_indirect_dma semaphore(%arg12 : memref<!tpu.dma_semaphore, #tpu.memory_space<semaphore_mem>>) src(%dma_wait3A_120 : memref<10000x128xf32, #tpu.memory_space<hbm>>) dst(%arg9 : memref<128x128xf32, #tpu.memory_space<vmem>>)
        %add3A_121 = arith.constant 1 : i32
        %add3A_122 = arith.addi %mul3A_97, %add3A_121 : i32
        %dma_start3A_123 = arith.constant 0 : i32
        %dma_start3A_124 = tpu.memref_slice %arg7[%add3A_122, %dma_start3A_123] : memref<16x128xi32, #tpu.memory_space<vmem>> -> memref<1x128xi32, #tpu.memory_space<vmem>>
        %dma_start3A_125 = tpu.memref_squeeze %dma_start3A_124 : memref<1x128xi32, #tpu.memory_space<vmem>> -> memref<128xi32, #tpu.memory_space<vmem>>
        %dma_start3A_126 = arith.constant 0 : i32
        %dma_start3A_127 = arith.constant 0 : i32
        %dma_start3A_128 = tpu.memref_slice %arg10[%dma_start3A_126, %dma_start3A_127] : memref<10240x128xf32, #tpu.memory_space<vmem_shared>> -> memref<10240x128xf32, #tpu.memory_space<vmem_shared>>
        tpu.enqueue_indirect_dma source(%arg9 : memref<128x128xf32, #tpu.memory_space<vmem>>) target(%dma_start3A_128 : memref<10240x128xf32, #tpu.memory_space<vmem_shared>>) offsets(%dma_start3A_125 : memref<128xi32, #tpu.memory_space<vmem>>) semaphore(%arg14 : memref<!tpu.dma_semaphore, #tpu.memory_space<semaphore_mem>>) {add = true}
        %add3A_129 = arith.constant 2 : i32
        %add3A_130 = arith.addi %mul3A_97, %add3A_129 : i32
        %add3A_131 = arith.constant 0 : i32
        %add3A_132 = arith.addi %add3A_130, %add3A_131 : i32
        %add3A_133 = arith.constant 0 : i32
        %add3A_134 = arith.addi %mul3A_97, %add3A_133 : i32
        %dma_wait3A_135 = arith.constant 0 : i32
        %dma_wait3A_136 = tpu.memref_slice %arg7[%add3A_134, %dma_wait3A_135] : memref<16x128xi32, #tpu.memory_space<vmem>> -> memref<1x128xi32, #tpu.memory_space<vmem>>
        %dma_wait3A_137 = tpu.memref_squeeze %dma_wait3A_136 : memref<1x128xi32, #tpu.memory_space<vmem>> -> memref<128xi32, #tpu.memory_space<vmem>>
        %dma_wait3A_138 = arith.constant 0 : i32
        %dma_wait3A_139 = arith.constant 0 : i32
        %dma_wait3A_140 = tpu.memref_slice %arg10[%dma_wait3A_138, %dma_wait3A_139] : memref<10240x128xf32, #tpu.memory_space<vmem_shared>> -> memref<10240x128xf32, #tpu.memory_space<vmem_shared>>
        tpu.wait_indirect_dma semaphore(%arg13 : memref<!tpu.dma_semaphore, #tpu.memory_space<semaphore_mem>>) src(%arg8 : memref<128x128xf32, #tpu.memory_space<vmem>>) dst(%dma_wait3A_140 : memref<10240x128xf32, #tpu.memory_space<vmem_shared>>)
        %dma_start3A_141 = arith.constant 0 : i32
        %dma_start3A_142 = tpu.memref_slice %arg6[%add3A_132, %dma_start3A_141] : memref<16x128xi32, #tpu.memory_space<vmem>> -> memref<1x128xi32, #tpu.memory_space<vmem>>
        %dma_start3A_143 = tpu.memref_squeeze %dma_start3A_142 : memref<1x128xi32, #tpu.memory_space<vmem>> -> memref<128xi32, #tpu.memory_space<vmem>>
        %dma_start3A_144 = arith.constant 0 : i32
        %dma_start3A_145 = arith.constant 0 : i32
        %dma_start3A_146 = tpu.memref_slice %arg2[%dma_start3A_144, %dma_start3A_145] : memref<10000x128xf32, #tpu.memory_space<hbm>> -> memref<10000x128xf32, #tpu.memory_space<hbm>>
        tpu.enqueue_indirect_dma source(%dma_start3A_146 : memref<10000x128xf32, #tpu.memory_space<hbm>>) target(%arg8 : memref<128x128xf32, #tpu.memory_space<vmem>>) offsets(%dma_start3A_143 : memref<128xi32, #tpu.memory_space<vmem>>) semaphore(%arg11 : memref<!tpu.dma_semaphore, #tpu.memory_space<semaphore_mem>>)
        %add3A_147 = arith.constant 2 : i32
        %add3A_148 = arith.addi %mul3A_97, %add3A_147 : i32
        %add3A_149 = arith.constant 1 : i32
        %add3A_150 = arith.addi %add3A_148, %add3A_149 : i32
        %add3A_151 = arith.constant 1 : i32
        %add3A_152 = arith.addi %mul3A_97, %add3A_151 : i32
        %dma_wait3A_153 = arith.constant 0 : i32
        %dma_wait3A_154 = tpu.memref_slice %arg7[%add3A_152, %dma_wait3A_153] : memref<16x128xi32, #tpu.memory_space<vmem>> -> memref<1x128xi32, #tpu.memory_space<vmem>>
        %dma_wait3A_155 = tpu.memref_squeeze %dma_wait3A_154 : memref<1x128xi32, #tpu.memory_space<vmem>> -> memref<128xi32, #tpu.memory_space<vmem>>
        %dma_wait3A_156 = arith.constant 0 : i32
        %dma_wait3A_157 = arith.constant 0 : i32
        %dma_wait3A_158 = tpu.memref_slice %arg10[%dma_wait3A_156, %dma_wait3A_157] : memref<10240x128xf32, #tpu.memory_space<vmem_shared>> -> memref<10240x128xf32, #tpu.memory_space<vmem_shared>>
        tpu.wait_indirect_dma semaphore(%arg14 : memref<!tpu.dma_semaphore, #tpu.memory_space<semaphore_mem>>) src(%arg9 : memref<128x128xf32, #tpu.memory_space<vmem>>) dst(%dma_wait3A_158 : memref<10240x128xf32, #tpu.memory_space<vmem_shared>>)
        %dma_start3A_159 = arith.constant 0 : i32
        %dma_start3A_160 = tpu.memref_slice %arg6[%add3A_150, %dma_start3A_159] : memref<16x128xi32, #tpu.memory_space<vmem>> -> memref<1x128xi32, #tpu.memory_space<vmem>>
        %dma_start3A_161 = tpu.memref_squeeze %dma_start3A_160 : memref<1x128xi32, #tpu.memory_space<vmem>> -> memref<128xi32, #tpu.memory_space<vmem>>
        %dma_start3A_162 = arith.constant 0 : i32
        %dma_start3A_163 = arith.constant 0 : i32
        %dma_start3A_164 = tpu.memref_slice %arg2[%dma_start3A_162, %dma_start3A_163] : memref<10000x128xf32, #tpu.memory_space<hbm>> -> memref<10000x128xf32, #tpu.memory_space<hbm>>
        tpu.enqueue_indirect_dma source(%dma_start3A_164 : memref<10000x128xf32, #tpu.memory_space<hbm>>) target(%arg9 : memref<128x128xf32, #tpu.memory_space<vmem>>) offsets(%dma_start3A_161 : memref<128xi32, #tpu.memory_space<vmem>>) semaphore(%arg12 : memref<!tpu.dma_semaphore, #tpu.memory_space<semaphore_mem>>)
      }
      %scan3A_53 = arith.constant 7 : i32
      %dma_wait3A = arith.constant 14 : i32
      %dma_wait3A_54 = arith.constant 0 : i32
      %dma_wait3A_55 = tpu.memref_slice %arg6[%dma_wait3A, %dma_wait3A_54] : memref<16x128xi32, #tpu.memory_space<vmem>> -> memref<1x128xi32, #tpu.memory_space<vmem>>
      %dma_wait3A_56 = tpu.memref_squeeze %dma_wait3A_55 : memref<1x128xi32, #tpu.memory_space<vmem>> -> memref<128xi32, #tpu.memory_space<vmem>>
      %dma_wait3A_57 = arith.constant 0 : i32
      %dma_wait3A_58 = arith.constant 0 : i32
      %dma_wait3A_59 = tpu.memref_slice %arg2[%dma_wait3A_57, %dma_wait3A_58] : memref<10000x128xf32, #tpu.memory_space<hbm>> -> memref<10000x128xf32, #tpu.memory_space<hbm>>
      tpu.wait_indirect_dma semaphore(%arg11 : memref<!tpu.dma_semaphore, #tpu.memory_space<semaphore_mem>>) src(%dma_wait3A_59 : memref<10000x128xf32, #tpu.memory_space<hbm>>) dst(%arg8 : memref<128x128xf32, #tpu.memory_space<vmem>>)
      %dma_start3A_60 = arith.constant 14 : i32
      %dma_start3A_61 = arith.constant 0 : i32
      %dma_start3A_62 = tpu.memref_slice %arg7[%dma_start3A_60, %dma_start3A_61] : memref<16x128xi32, #tpu.memory_space<vmem>> -> memref<1x128xi32, #tpu.memory_space<vmem>>
      %dma_start3A_63 = tpu.memref_squeeze %dma_start3A_62 : memref<1x128xi32, #tpu.memory_space<vmem>> -> memref<128xi32, #tpu.memory_space<vmem>>
      %dma_start3A_64 = arith.constant 0 : i32
      %dma_start3A_65 = arith.constant 0 : i32
      %dma_start3A_66 = tpu.memref_slice %arg10[%dma_start3A_64, %dma_start3A_65] : memref<10240x128xf32, #tpu.memory_space<vmem_shared>> -> memref<10240x128xf32, #tpu.memory_space<vmem_shared>>
      tpu.enqueue_indirect_dma source(%arg8 : memref<128x128xf32, #tpu.memory_space<vmem>>) target(%dma_start3A_66 : memref<10240x128xf32, #tpu.memory_space<vmem_shared>>) offsets(%dma_start3A_63 : memref<128xi32, #tpu.memory_space<vmem>>) semaphore(%arg13 : memref<!tpu.dma_semaphore, #tpu.memory_space<semaphore_mem>>) {add = true}
      %dma_wait3A_67 = arith.constant 15 : i32
      %dma_wait3A_68 = arith.constant 0 : i32
      %dma_wait3A_69 = tpu.memref_slice %arg6[%dma_wait3A_67, %dma_wait3A_68] : memref<16x128xi32, #tpu.memory_space<vmem>> -> memref<1x128xi32, #tpu.memory_space<vmem>>
      %dma_wait3A_70 = tpu.memref_squeeze %dma_wait3A_69 : memref<1x128xi32, #tpu.memory_space<vmem>> -> memref<128xi32, #tpu.memory_space<vmem>>
      %dma_wait3A_71 = arith.constant 0 : i32
      %dma_wait3A_72 = arith.constant 0 : i32
      %dma_wait3A_73 = tpu.memref_slice %arg2[%dma_wait3A_71, %dma_wait3A_72] : memref<10000x128xf32, #tpu.memory_space<hbm>> -> memref<10000x128xf32, #tpu.memory_space<hbm>>
      tpu.wait_indirect_dma semaphore(%arg12 : memref<!tpu.dma_semaphore, #tpu.memory_space<semaphore_mem>>) src(%dma_wait3A_73 : memref<10000x128xf32, #tpu.memory_space<hbm>>) dst(%arg9 : memref<128x128xf32, #tpu.memory_space<vmem>>)
      %dma_start3A_74 = arith.constant 15 : i32
      %dma_start3A_75 = arith.constant 0 : i32
      %dma_start3A_76 = tpu.memref_slice %arg7[%dma_start3A_74, %dma_start3A_75] : memref<16x128xi32, #tpu.memory_space<vmem>> -> memref<1x128xi32, #tpu.memory_space<vmem>>
      %dma_start3A_77 = tpu.memref_squeeze %dma_start3A_76 : memref<1x128xi32, #tpu.memory_space<vmem>> -> memref<128xi32, #tpu.memory_space<vmem>>
      %dma_start3A_78 = arith.constant 0 : i32
      %dma_start3A_79 = arith.constant 0 : i32
      %dma_start3A_80 = tpu.memref_slice %arg10[%dma_start3A_78, %dma_start3A_79] : memref<10240x128xf32, #tpu.memory_space<vmem_shared>> -> memref<10240x128xf32, #tpu.memory_space<vmem_shared>>
      tpu.enqueue_indirect_dma source(%arg9 : memref<128x128xf32, #tpu.memory_space<vmem>>) target(%dma_start3A_80 : memref<10240x128xf32, #tpu.memory_space<vmem_shared>>) offsets(%dma_start3A_77 : memref<128xi32, #tpu.memory_space<vmem>>) semaphore(%arg14 : memref<!tpu.dma_semaphore, #tpu.memory_space<semaphore_mem>>) {add = true}
      %dma_wait3A_81 = arith.constant 14 : i32
      %dma_wait3A_82 = arith.constant 0 : i32
      %dma_wait3A_83 = tpu.memref_slice %arg7[%dma_wait3A_81, %dma_wait3A_82] : memref<16x128xi32, #tpu.memory_space<vmem>> -> memref<1x128xi32, #tpu.memory_space<vmem>>
      %dma_wait3A_84 = tpu.memref_squeeze %dma_wait3A_83 : memref<1x128xi32, #tpu.memory_space<vmem>> -> memref<128xi32, #tpu.memory_space<vmem>>
      %dma_wait3A_85 = arith.constant 0 : i32
      %dma_wait3A_86 = arith.constant 0 : i32
      %dma_wait3A_87 = tpu.memref_slice %arg10[%dma_wait3A_85, %dma_wait3A_86] : memref<10240x128xf32, #tpu.memory_space<vmem_shared>> -> memref<10240x128xf32, #tpu.memory_space<vmem_shared>>
      tpu.wait_indirect_dma semaphore(%arg13 : memref<!tpu.dma_semaphore, #tpu.memory_space<semaphore_mem>>) src(%arg8 : memref<128x128xf32, #tpu.memory_space<vmem>>) dst(%dma_wait3A_87 : memref<10240x128xf32, #tpu.memory_space<vmem_shared>>)
      %dma_wait3A_88 = arith.constant 15 : i32
      %dma_wait3A_89 = arith.constant 0 : i32
      %dma_wait3A_90 = tpu.memref_slice %arg7[%dma_wait3A_88, %dma_wait3A_89] : memref<16x128xi32, #tpu.memory_space<vmem>> -> memref<1x128xi32, #tpu.memory_space<vmem>>
      %dma_wait3A_91 = tpu.memref_squeeze %dma_wait3A_90 : memref<1x128xi32, #tpu.memory_space<vmem>> -> memref<128xi32, #tpu.memory_space<vmem>>
      %dma_wait3A_92 = arith.constant 0 : i32
      %dma_wait3A_93 = arith.constant 0 : i32
      %dma_wait3A_94 = tpu.memref_slice %arg10[%dma_wait3A_92, %dma_wait3A_93] : memref<10240x128xf32, #tpu.memory_space<vmem_shared>> -> memref<10240x128xf32, #tpu.memory_space<vmem_shared>>
      tpu.wait_indirect_dma semaphore(%arg14 : memref<!tpu.dma_semaphore, #tpu.memory_space<semaphore_mem>>) src(%arg9 : memref<128x128xf32, #tpu.memory_space<vmem>>) dst(%dma_wait3A_94 : memref<10240x128xf32, #tpu.memory_space<vmem_shared>>)
    }
    %barrier3A_23 = arith.constant 0 : index
    tpu.barrier barrier_id(%barrier3A_23)
    %scan3A_24 = arith.constant 0 : i32
    %scan3A_25 = arith.constant 0 : i32
    %scan3A_26 = arith.constant 5 : i32
    %scan3A_27 = arith.addi %scan3A_25, %scan3A_26 : i32
    %scan3A_28 = arith.constant 1 : i32
    scf.for %scan3A_30 = %scan3A_25 to %scan3A_27 step %scan3A_28  : i32 {
      %mul3A_31 = arith.constant 128 : i32
      %mul3A_32 = arith.muli %scan3A_30, %mul3A_31 : i32
      %add3A = arith.addi %mul3A_5, %mul3A_32 : i32
      "tpu.region"() ({
        %run_scoped3A = tpu.sem_alloc : memref<!tpu.dma_semaphore, #tpu.memory_space<semaphore_mem>>
        %dma_start3A = arith.constant 0 : i32
        %dma_start3A_33 = tpu.memref_slice %arg10[%add3A, %dma_start3A] : memref<10240x128xf32, #tpu.memory_space<vmem_shared>> -> memref<128x128xf32, #tpu.memory_space<vmem_shared>>
        %dma_start3A_34 = arith.constant 0 : i32
        %dma_start3A_35 = tpu.memref_slice %arg10[%add3A, %dma_start3A_34] : memref<10240x128xf32, #tpu.memory_space<vmem_shared>> -> memref<128x128xf32, #tpu.memory_space<vmem_shared>>
        tpu.enqueue_dma source(%dma_start3A_35 : memref<128x128xf32, #tpu.memory_space<vmem_shared>>) target(%arg8 : memref<128x128xf32, #tpu.memory_space<vmem>>) target_semaphore(%run_scoped3A : memref<!tpu.dma_semaphore, #tpu.memory_space<semaphore_mem>>)
        %dma_wait3A = arith.constant 0 : i32
        %dma_wait3A_36 = tpu.memref_slice %arg10[%add3A, %dma_wait3A] : memref<10240x128xf32, #tpu.memory_space<vmem_shared>> -> memref<128x128xf32, #tpu.memory_space<vmem_shared>>
        %dma_wait3A_37 = arith.constant 0 : i32
        %dma_wait3A_38 = tpu.memref_slice %arg10[%add3A, %dma_wait3A_37] : memref<10240x128xf32, #tpu.memory_space<vmem_shared>> -> memref<128x128xf32, #tpu.memory_space<vmem_shared>>
        tpu.wait_dma2 semaphore(%run_scoped3A : memref<!tpu.dma_semaphore, #tpu.memory_space<semaphore_mem>>) src(%dma_wait3A_38 : memref<128x128xf32, #tpu.memory_space<vmem_shared>>) dst(%arg8 : memref<128x128xf32, #tpu.memory_space<vmem>>)
        tpu.yield
      }) : () -> ()
      "tpu.region"() ({
        %run_scoped3A = tpu.sem_alloc : memref<!tpu.dma_semaphore, #tpu.memory_space<semaphore_mem>>
        %dma_start3A = arith.constant 0 : i32
        %dma_start3A_33 = tpu.memref_slice %arg5[%arg0, %add3A, %dma_start3A] : memref<2x10240x128xf32, #tpu.memory_space<hbm>> -> memref<1x128x128xf32, #tpu.memory_space<hbm>>
        %dma_start3A_34 = tpu.memref_squeeze %dma_start3A_33 : memref<1x128x128xf32, #tpu.memory_space<hbm>> -> memref<128x128xf32, #tpu.memory_space<hbm>>
        %dma_start3A_35 = arith.constant 0 : i32
        %dma_start3A_36 = tpu.memref_slice %arg5[%arg0, %add3A, %dma_start3A_35] : memref<2x10240x128xf32, #tpu.memory_space<hbm>> -> memref<1x128x128xf32, #tpu.memory_space<hbm>>
        %dma_start3A_37 = tpu.memref_squeeze %dma_start3A_36 : memref<1x128x128xf32, #tpu.memory_space<hbm>> -> memref<128x128xf32, #tpu.memory_space<hbm>>
        tpu.enqueue_dma source(%arg8 : memref<128x128xf32, #tpu.memory_space<vmem>>) target(%dma_start3A_37 : memref<128x128xf32, #tpu.memory_space<hbm>>) target_semaphore(%run_scoped3A : memref<!tpu.dma_semaphore, #tpu.memory_space<semaphore_mem>>)
        %dma_wait3A = arith.constant 0 : i32
        %dma_wait3A_38 = tpu.memref_slice %arg5[%arg0, %add3A, %dma_wait3A] : memref<2x10240x128xf32, #tpu.memory_space<hbm>> -> memref<1x128x128xf32, #tpu.memory_space<hbm>>
        %dma_wait3A_39 = tpu.memref_squeeze %dma_wait3A_38 : memref<1x128x128xf32, #tpu.memory_space<hbm>> -> memref<128x128xf32, #tpu.memory_space<hbm>>
        %dma_wait3A_40 = arith.constant 0 : i32
        %dma_wait3A_41 = tpu.memref_slice %arg5[%arg0, %add3A, %dma_wait3A_40] : memref<2x10240x128xf32, #tpu.memory_space<hbm>> -> memref<1x128x128xf32, #tpu.memory_space<hbm>>
        %dma_wait3A_42 = tpu.memref_squeeze %dma_wait3A_41 : memref<1x128x128xf32, #tpu.memory_space<hbm>> -> memref<128x128xf32, #tpu.memory_space<hbm>>
        tpu.wait_dma2 semaphore(%run_scoped3A : memref<!tpu.dma_semaphore, #tpu.memory_space<semaphore_mem>>) src(%arg8 : memref<128x128xf32, #tpu.memory_space<vmem>>) dst(%dma_wait3A_42 : memref<128x128xf32, #tpu.memory_space<hbm>>)
        tpu.yield
      }) : () -> ()
    }
    %scan3A_29 = arith.constant 5 : i32
    return
  }
}

#map = affine_map<(d0, d1) -> (0, 0)>
#map1 = affine_map<(d0, d1) -> (0, 0, 0, 0)>
#map2 = affine_map<(d0, d1) -> (0, 0, 0)>
module attributes {stable_mosaic.version = 14 : i64} {
  func.func @_agg_body(%arg0: i32, %arg1: i32, %arg2: memref<10000x128xf32, #tpu.memory_space<hbm>>, %arg3: memref<2x16x144x128xi32, #tpu.memory_space<hbm>>, %arg4: memref<2x16x144x128xi32, #tpu.memory_space<hbm>>, %arg5: memref<2x10240x128xf32, #tpu.memory_space<hbm>>, %arg6: memref<16x128xi32, #tpu.memory_space<vmem>>, %arg7: memref<16x128xi32, #tpu.memory_space<vmem>>, %arg8: memref<128x128xf32, #tpu.memory_space<vmem>>, %arg9: memref<128x128xf32, #tpu.memory_space<vmem>>, %arg10: memref<10240x128xf32, #tpu.memory_space<vmem_shared>>, %arg11: memref<!tpu.dma_semaphore, #tpu.memory_space<semaphore_mem>>, %arg12: memref<!tpu.dma_semaphore, #tpu.memory_space<semaphore_mem>>, %arg13: memref<!tpu.dma_semaphore, #tpu.memory_space<semaphore_mem>>, %arg14: memref<!tpu.dma_semaphore, #tpu.memory_space<semaphore_mem>>) attributes {dimension_semantics = [#tpu.dimension_semantics<core_parallel>, #tpu.dimension_semantics<subcore_parallel>], iteration_bounds = array<i64: 2, 16>, scalar_prefetch = 0 : i64, scratch_operands = 9 : i64, tpu.core_type = #tpu.core_type<sc_vector_subcore>, window_params = [{transform_indices = #map}, {transform_indices = #map1}, {transform_indices = #map1}, {transform_indices = #map2}]} {
    %scan3A = arith.constant 0 : i32
    %scan3A_0 = arith.constant 0 : i32
    %scan3A_1 = arith.constant 128 : i32
    %scan3A_2 = arith.addi %scan3A_0, %scan3A_1 : i32
    %scan3A_3 = arith.constant 1 : i32
    scf.for %scan3A_30 = %scan3A_0 to %scan3A_2 step %scan3A_3  : i32 {
      %broadcast_in_dim3A = arith.constant 0.000000e+00 : f32
      %broadcast_in_dim3A_31 = vector.broadcast %broadcast_in_dim3A : f32 to vector<16xf32>
      %swap3A = arith.index_cast %scan3A_30 : i32 to index
      %swap3A_32 = arith.constant 0 : index
      %swap3A_33 = tpu.vector_load %arg8[%swap3A, %swap3A_32] {strides = array<i32>} : memref<128x128xf32, #tpu.memory_space<vmem>>, vector<1x16xf32>,
      %swap3A_34 = vector.shape_cast %swap3A_33 : vector<1x16xf32> to vector<16xf32>
      %swap3A_35 = vector.shape_cast %broadcast_in_dim3A_31 : vector<16xf32> to vector<1x16xf32>
      tpu.vector_store %arg8[%swap3A, %swap3A_32], %swap3A_35 {strides = array<i32>} : memref<128x128xf32, #tpu.memory_space<vmem>>, vector<1x16xf32>,
      %broadcast_in_dim3A_36 = arith.constant 0.000000e+00 : f32
      %broadcast_in_dim3A_37 = vector.broadcast %broadcast_in_dim3A_36 : f32 to vector<16xf32>
      %swap3A_38 = arith.index_cast %scan3A_30 : i32 to index
      %swap3A_39 = arith.constant 16 : index
      %swap3A_40 = tpu.vector_load %arg8[%swap3A_38, %swap3A_39] {strides = array<i32>} : memref<128x128xf32, #tpu.memory_space<vmem>>, vector<1x16xf32>,
      %swap3A_41 = vector.shape_cast %swap3A_40 : vector<1x16xf32> to vector<16xf32>
      %swap3A_42 = vector.shape_cast %broadcast_in_dim3A_37 : vector<16xf32> to vector<1x16xf32>
      tpu.vector_store %arg8[%swap3A_38, %swap3A_39], %swap3A_42 {strides = array<i32>} : memref<128x128xf32, #tpu.memory_space<vmem>>, vector<1x16xf32>,
      %broadcast_in_dim3A_43 = arith.constant 0.000000e+00 : f32
      %broadcast_in_dim3A_44 = vector.broadcast %broadcast_in_dim3A_43 : f32 to vector<16xf32>
      %swap3A_45 = arith.index_cast %scan3A_30 : i32 to index
      %swap3A_46 = arith.constant 32 : index
      %swap3A_47 = tpu.vector_load %arg8[%swap3A_45, %swap3A_46] {strides = array<i32>} : memref<128x128xf32, #tpu.memory_space<vmem>>, vector<1x16xf32>,
      %swap3A_48 = vector.shape_cast %swap3A_47 : vector<1x16xf32> to vector<16xf32>
      %swap3A_49 = vector.shape_cast %broadcast_in_dim3A_44 : vector<16xf32> to vector<1x16xf32>
      tpu.vector_store %arg8[%swap3A_45, %swap3A_46], %swap3A_49 {strides = array<i32>} : memref<128x128xf32, #tpu.memory_space<vmem>>, vector<1x16xf32>,
      %broadcast_in_dim3A_50 = arith.constant 0.000000e+00 : f32
      %broadcast_in_dim3A_51 = vector.broadcast %broadcast_in_dim3A_50 : f32 to vector<16xf32>
      %swap3A_52 = arith.index_cast %scan3A_30 : i32 to index
      %swap3A_53 = arith.constant 48 : index
      %swap3A_54 = tpu.vector_load %arg8[%swap3A_52, %swap3A_53] {strides = array<i32>} : memref<128x128xf32, #tpu.memory_space<vmem>>, vector<1x16xf32>,
      %swap3A_55 = vector.shape_cast %swap3A_54 : vector<1x16xf32> to vector<16xf32>
      %swap3A_56 = vector.shape_cast %broadcast_in_dim3A_51 : vector<16xf32> to vector<1x16xf32>
      tpu.vector_store %arg8[%swap3A_52, %swap3A_53], %swap3A_56 {strides = array<i32>} : memref<128x128xf32, #tpu.memory_space<vmem>>, vector<1x16xf32>,
      %broadcast_in_dim3A_57 = arith.constant 0.000000e+00 : f32
      %broadcast_in_dim3A_58 = vector.broadcast %broadcast_in_dim3A_57 : f32 to vector<16xf32>
      %swap3A_59 = arith.index_cast %scan3A_30 : i32 to index
      %swap3A_60 = arith.constant 64 : index
      %swap3A_61 = tpu.vector_load %arg8[%swap3A_59, %swap3A_60] {strides = array<i32>} : memref<128x128xf32, #tpu.memory_space<vmem>>, vector<1x16xf32>,
      %swap3A_62 = vector.shape_cast %swap3A_61 : vector<1x16xf32> to vector<16xf32>
      %swap3A_63 = vector.shape_cast %broadcast_in_dim3A_58 : vector<16xf32> to vector<1x16xf32>
      tpu.vector_store %arg8[%swap3A_59, %swap3A_60], %swap3A_63 {strides = array<i32>} : memref<128x128xf32, #tpu.memory_space<vmem>>, vector<1x16xf32>,
      %broadcast_in_dim3A_64 = arith.constant 0.000000e+00 : f32
      %broadcast_in_dim3A_65 = vector.broadcast %broadcast_in_dim3A_64 : f32 to vector<16xf32>
      %swap3A_66 = arith.index_cast %scan3A_30 : i32 to index
      %swap3A_67 = arith.constant 80 : index
      %swap3A_68 = tpu.vector_load %arg8[%swap3A_66, %swap3A_67] {strides = array<i32>} : memref<128x128xf32, #tpu.memory_space<vmem>>, vector<1x16xf32>,
      %swap3A_69 = vector.shape_cast %swap3A_68 : vector<1x16xf32> to vector<16xf32>
      %swap3A_70 = vector.shape_cast %broadcast_in_dim3A_65 : vector<16xf32> to vector<1x16xf32>
      tpu.vector_store %arg8[%swap3A_66, %swap3A_67], %swap3A_70 {strides = array<i32>} : memref<128x128xf32, #tpu.memory_space<vmem>>, vector<1x16xf32>,
      %broadcast_in_dim3A_71 = arith.constant 0.000000e+00 : f32
      %broadcast_in_dim3A_72 = vector.broadcast %broadcast_in_dim3A_71 : f32 to vector<16xf32>
      %swap3A_73 = arith.index_cast %scan3A_30 : i32 to index
      %swap3A_74 = arith.constant 96 : index
      %swap3A_75 = tpu.vector_load %arg8[%swap3A_73, %swap3A_74] {strides = array<i32>} : memref<128x128xf32, #tpu.memory_space<vmem>>, vector<1x16xf32>,
      %swap3A_76 = vector.shape_cast %swap3A_75 : vector<1x16xf32> to vector<16xf32>
      %swap3A_77 = vector.shape_cast %broadcast_in_dim3A_72 : vector<16xf32> to vector<1x16xf32>
      tpu.vector_store %arg8[%swap3A_73, %swap3A_74], %swap3A_77 {strides = array<i32>} : memref<128x128xf32, #tpu.memory_space<vmem>>, vector<1x16xf32>,
      %broadcast_in_dim3A_78 = arith.constant 0.000000e+00 : f32
      %broadcast_in_dim3A_79 = vector.broadcast %broadcast_in_dim3A_78 : f32 to vector<16xf32>
      %swap3A_80 = arith.index_cast %scan3A_30 : i32 to index
      %swap3A_81 = arith.constant 112 : index
      %swap3A_82 = tpu.vector_load %arg8[%swap3A_80, %swap3A_81] {strides = array<i32>} : memref<128x128xf32, #tpu.memory_space<vmem>>, vector<1x16xf32>,
      %swap3A_83 = vector.shape_cast %swap3A_82 : vector<1x16xf32> to vector<16xf32>
      %swap3A_84 = vector.shape_cast %broadcast_in_dim3A_79 : vector<16xf32> to vector<1x16xf32>
      tpu.vector_store %arg8[%swap3A_80, %swap3A_81], %swap3A_84 {strides = array<i32>} : memref<128x128xf32, #tpu.memory_space<vmem>>, vector<1x16xf32>,
    }
    %scan3A_4 = arith.constant 128 : i32
    %mul3A = arith.constant 640 : i32
    %mul3A_5 = arith.muli %arg1, %mul3A : i32
    %scan3A_6 = arith.constant 0 : i32
    %scan3A_7 = arith.constant 0 : i32
    %scan3A_8 = arith.constant 5 : i32
    %scan3A_9 = arith.addi %scan3A_7, %scan3A_8 : i32
    %scan3A_10 = arith.constant 1 : i32
    scf.for %scan3A_30 = %scan3A_7 to %scan3A_9 step %scan3A_10  : i32 {
      %mul3A_31 = arith.constant 128 : i32
      %mul3A_32 = arith.muli %scan3A_30, %mul3A_31 : i32
      %add3A = arith.addi %mul3A_5, %mul3A_32 : i32
      "tpu.region"() ({
        %run_scoped3A = tpu.sem_alloc : memref<!tpu.dma_semaphore, #tpu.memory_space<semaphore_mem>>
        %dma_start3A = arith.constant 0 : i32
        %dma_start3A_33 = tpu.memref_slice %arg10[%add3A, %dma_start3A] : memref<10240x128xf32, #tpu.memory_space<vmem_shared>> -> memref<128x128xf32, #tpu.memory_space<vmem_shared>>
        %dma_start3A_34 = arith.constant 0 : i32
        %dma_start3A_35 = tpu.memref_slice %arg10[%add3A, %dma_start3A_34] : memref<10240x128xf32, #tpu.memory_space<vmem_shared>> -> memref<128x128xf32, #tpu.memory_space<vmem_shared>>
        tpu.enqueue_dma source(%arg8 : memref<128x128xf32, #tpu.memory_space<vmem>>) target(%dma_start3A_35 : memref<128x128xf32, #tpu.memory_space<vmem_shared>>) target_semaphore(%run_scoped3A : memref<!tpu.dma_semaphore, #tpu.memory_space<semaphore_mem>>)
        %dma_wait3A = arith.constant 0 : i32
        %dma_wait3A_36 = tpu.memref_slice %arg10[%add3A, %dma_wait3A] : memref<10240x128xf32, #tpu.memory_space<vmem_shared>> -> memref<128x128xf32, #tpu.memory_space<vmem_shared>>
        %dma_wait3A_37 = arith.constant 0 : i32
        %dma_wait3A_38 = tpu.memref_slice %arg10[%add3A, %dma_wait3A_37] : memref<10240x128xf32, #tpu.memory_space<vmem_shared>> -> memref<128x128xf32, #tpu.memory_space<vmem_shared>>
        tpu.wait_dma2 semaphore(%run_scoped3A : memref<!tpu.dma_semaphore, #tpu.memory_space<semaphore_mem>>) src(%arg8 : memref<128x128xf32, #tpu.memory_space<vmem>>) dst(%dma_wait3A_38 : memref<128x128xf32, #tpu.memory_space<vmem_shared>>)
        tpu.yield
      }) : () -> ()
    }
    %scan3A_11 = arith.constant 5 : i32
    %barrier3A = arith.constant 0 : index
    tpu.barrier barrier_id(%barrier3A)
    %eq3A = arith.constant 0 : i32
    %eq3A_12 = arith.cmpi eq, %arg0, %eq3A : i32
    %jit3A = arith.constant 9 : i32
    %jit3A_13 = arith.constant 1 : i32
    %select_n3A = arith.select %eq3A_12, %jit3A, %jit3A_13 : i32
    %while3A = arith.constant 0 : i32
    %while3A_14 = arith.constant 0 : i32
    %while3A_15 = arith.subi %select_n3A, %while3A_14 : i32
    %while3A_16 = arith.addi %while3A_14, %while3A_15 : i32
    %while3A_17 = arith.constant 1 : i32
    %while3A_18 = arith.divsi %while3A_15, %while3A_17 : i32
    %while3A_19 = arith.muli %while3A_18, %while3A_17 : i32
    %while3A_20 = arith.addi %while3A_14, %while3A_19 : i32
    %while3A_21 = arith.constant 1 : i32
    scf.for %while3A_30 = %while3A_14 to %while3A_20 step %while3A_21  : i32 {
      %mul3A_31 = arith.constant 16 : i32
      %mul3A_32 = arith.muli %while3A_30, %mul3A_31 : i32
      "tpu.region"() ({
        %run_scoped3A = tpu.sem_alloc : memref<!tpu.dma_semaphore, #tpu.memory_space<semaphore_mem>>
        %dma_start3A_95 = arith.constant 0 : i32
        %dma_start3A_96 = tpu.memref_slice %arg3[%arg0, %arg1, %mul3A_32, %dma_start3A_95] : memref<2x16x144x128xi32, #tpu.memory_space<hbm>> -> memref<1x1x16x128xi32, #tpu.memory_space<hbm>>
        %dma_start3A_97 = tpu.memref_squeeze %dma_start3A_96 : memref<1x1x16x128xi32, #tpu.memory_space<hbm>> -> memref<16x128xi32, #tpu.memory_space<hbm>>
        %dma_start3A_98 = arith.constant 0 : i32
        %dma_start3A_99 = tpu.memref_slice %arg3[%arg0, %arg1, %mul3A_32, %dma_start3A_98] : memref<2x16x144x128xi32, #tpu.memory_space<hbm>> -> memref<1x1x16x128xi32, #tpu.memory_space<hbm>>
        %dma_start3A_100 = tpu.memref_squeeze %dma_start3A_99 : memref<1x1x16x128xi32, #tpu.memory_space<hbm>> -> memref<16x128xi32, #tpu.memory_space<hbm>>
        tpu.enqueue_dma source(%dma_start3A_100 : memref<16x128xi32, #tpu.memory_space<hbm>>) target(%arg6 : memref<16x128xi32, #tpu.memory_space<vmem>>) target_semaphore(%run_scoped3A : memref<!tpu.dma_semaphore, #tpu.memory_space<semaphore_mem>>)
        %dma_wait3A_101 = arith.constant 0 : i32
        %dma_wait3A_102 = tpu.memref_slice %arg3[%arg0, %arg1, %mul3A_32, %dma_wait3A_101] : memref<2x16x144x128xi32, #tpu.memory_space<hbm>> -> memref<1x1x16x128xi32, #tpu.memory_space<hbm>>
        %dma_wait3A_103 = tpu.memref_squeeze %dma_wait3A_102 : memref<1x1x16x128xi32, #tpu.memory_space<hbm>> -> memref<16x128xi32, #tpu.memory_space<hbm>>
        %dma_wait3A_104 = arith.constant 0 : i32
        %dma_wait3A_105 = tpu.memref_slice %arg3[%arg0, %arg1, %mul3A_32, %dma_wait3A_104] : memref<2x16x144x128xi32, #tpu.memory_space<hbm>> -> memref<1x1x16x128xi32, #tpu.memory_space<hbm>>
        %dma_wait3A_106 = tpu.memref_squeeze %dma_wait3A_105 : memref<1x1x16x128xi32, #tpu.memory_space<hbm>> -> memref<16x128xi32, #tpu.memory_space<hbm>>
        tpu.wait_dma2 semaphore(%run_scoped3A : memref<!tpu.dma_semaphore, #tpu.memory_space<semaphore_mem>>) src(%dma_wait3A_106 : memref<16x128xi32, #tpu.memory_space<hbm>>) dst(%arg6 : memref<16x128xi32, #tpu.memory_space<vmem>>)
        tpu.yield
      }) : () -> ()
      %mul3A_33 = arith.constant 16 : i32
      %mul3A_34 = arith.muli %while3A_30, %mul3A_33 : i32
      "tpu.region"() ({
        %run_scoped3A = tpu.sem_alloc : memref<!tpu.dma_semaphore, #tpu.memory_space<semaphore_mem>>
        %dma_start3A_95 = arith.constant 0 : i32
        %dma_start3A_96 = tpu.memref_slice %arg4[%arg0, %arg1, %mul3A_34, %dma_start3A_95] : memref<2x16x144x128xi32, #tpu.memory_space<hbm>> -> memref<1x1x16x128xi32, #tpu.memory_space<hbm>>
        %dma_start3A_97 = tpu.memref_squeeze %dma_start3A_96 : memref<1x1x16x128xi32, #tpu.memory_space<hbm>> -> memref<16x128xi32, #tpu.memory_space<hbm>>
        %dma_start3A_98 = arith.constant 0 : i32
        %dma_start3A_99 = tpu.memref_slice %arg4[%arg0, %arg1, %mul3A_34, %dma_start3A_98] : memref<2x16x144x128xi32, #tpu.memory_space<hbm>> -> memref<1x1x16x128xi32, #tpu.memory_space<hbm>>
        %dma_start3A_100 = tpu.memref_squeeze %dma_start3A_99 : memref<1x1x16x128xi32, #tpu.memory_space<hbm>> -> memref<16x128xi32, #tpu.memory_space<hbm>>
        tpu.enqueue_dma source(%dma_start3A_100 : memref<16x128xi32, #tpu.memory_space<hbm>>) target(%arg7 : memref<16x128xi32, #tpu.memory_space<vmem>>) target_semaphore(%run_scoped3A : memref<!tpu.dma_semaphore, #tpu.memory_space<semaphore_mem>>)
        %dma_wait3A_101 = arith.constant 0 : i32
        %dma_wait3A_102 = tpu.memref_slice %arg4[%arg0, %arg1, %mul3A_34, %dma_wait3A_101] : memref<2x16x144x128xi32, #tpu.memory_space<hbm>> -> memref<1x1x16x128xi32, #tpu.memory_space<hbm>>
        %dma_wait3A_103 = tpu.memref_squeeze %dma_wait3A_102 : memref<1x1x16x128xi32, #tpu.memory_space<hbm>> -> memref<16x128xi32, #tpu.memory_space<hbm>>
        %dma_wait3A_104 = arith.constant 0 : i32
        %dma_wait3A_105 = tpu.memref_slice %arg4[%arg0, %arg1, %mul3A_34, %dma_wait3A_104] : memref<2x16x144x128xi32, #tpu.memory_space<hbm>> -> memref<1x1x16x128xi32, #tpu.memory_space<hbm>>
        %dma_wait3A_106 = tpu.memref_squeeze %dma_wait3A_105 : memref<1x1x16x128xi32, #tpu.memory_space<hbm>> -> memref<16x128xi32, #tpu.memory_space<hbm>>
        tpu.wait_dma2 semaphore(%run_scoped3A : memref<!tpu.dma_semaphore, #tpu.memory_space<semaphore_mem>>) src(%dma_wait3A_106 : memref<16x128xi32, #tpu.memory_space<hbm>>) dst(%arg7 : memref<16x128xi32, #tpu.memory_space<vmem>>)
        tpu.yield
      }) : () -> ()
      %dma_start3A = arith.constant 0 : i32
      %dma_start3A_35 = arith.constant 0 : i32
      %dma_start3A_36 = tpu.memref_slice %arg6[%dma_start3A, %dma_start3A_35] : memref<16x128xi32, #tpu.memory_space<vmem>> -> memref<1x128xi32, #tpu.memory_space<vmem>>
      %dma_start3A_37 = tpu.memref_squeeze %dma_start3A_36 : memref<1x128xi32, #tpu.memory_space<vmem>> -> memref<128xi32, #tpu.memory_space<vmem>>
      %dma_start3A_38 = arith.constant 0 : i32
      %dma_start3A_39 = arith.constant 0 : i32
      %dma_start3A_40 = tpu.memref_slice %arg2[%dma_start3A_38, %dma_start3A_39] : memref<10000x128xf32, #tpu.memory_space<hbm>> -> memref<10000x128xf32, #tpu.memory_space<hbm>>
      tpu.enqueue_indirect_dma source(%dma_start3A_40 : memref<10000x128xf32, #tpu.memory_space<hbm>>) target(%arg8 : memref<128x128xf32, #tpu.memory_space<vmem>>) offsets(%dma_start3A_37 : memref<128xi32, #tpu.memory_space<vmem>>) semaphore(%arg11 : memref<!tpu.dma_semaphore, #tpu.memory_space<semaphore_mem>>)
      %dma_start3A_41 = arith.constant 1 : i32
      %dma_start3A_42 = arith.constant 0 : i32
      %dma_start3A_43 = tpu.memref_slice %arg6[%dma_start3A_41, %dma_start3A_42] : memref<16x128xi32, #tpu.memory_space<vmem>> -> memref<1x128xi32, #tpu.memory_space<vmem>>
      %dma_start3A_44 = tpu.memref_squeeze %dma_start3A_43 : memref<1x128xi32, #tpu.memory_space<vmem>> -> memref<128xi32, #tpu.memory_space<vmem>>
      %dma_start3A_45 = arith.constant 0 : i32
      %dma_start3A_46 = arith.constant 0 : i32
      %dma_start3A_47 = tpu.memref_slice %arg2[%dma_start3A_45, %dma_start3A_46] : memref<10000x128xf32, #tpu.memory_space<hbm>> -> memref<10000x128xf32, #tpu.memory_space<hbm>>
      tpu.enqueue_indirect_dma source(%dma_start3A_47 : memref<10000x128xf32, #tpu.memory_space<hbm>>) target(%arg9 : memref<128x128xf32, #tpu.memory_space<vmem>>) offsets(%dma_start3A_44 : memref<128xi32, #tpu.memory_space<vmem>>) semaphore(%arg12 : memref<!tpu.dma_semaphore, #tpu.memory_space<semaphore_mem>>)
      %scan3A_48 = arith.constant 0 : i32
      %scan3A_49 = arith.constant 0 : i32
      %scan3A_50 = arith.constant 7 : i32
      %scan3A_51 = arith.addi %scan3A_49, %scan3A_50 : i32
      %scan3A_52 = arith.constant 1 : i32
      scf.for %scan3A_95 = %scan3A_49 to %scan3A_51 step %scan3A_52  : i32 {
        %mul3A_96 = arith.constant 2 : i32
        %mul3A_97 = arith.muli %scan3A_95, %mul3A_96 : i32
        %add3A = arith.constant 0 : i32
        %add3A_98 = arith.addi %mul3A_97, %add3A : i32
        %dma_wait3A_99 = arith.constant 0 : i32
        %dma_wait3A_100 = tpu.memref_slice %arg6[%add3A_98, %dma_wait3A_99] : memref<16x128xi32, #tpu.memory_space<vmem>> -> memref<1x128xi32, #tpu.memory_space<vmem>>
        %dma_wait3A_101 = tpu.memref_squeeze %dma_wait3A_100 : memref<1x128xi32, #tpu.memory_space<vmem>> -> memref<128xi32, #tpu.memory_space<vmem>>
        %dma_wait3A_102 = arith.constant 0 : i32
        %dma_wait3A_103 = arith.constant 0 : i32
        %dma_wait3A_104 = tpu.memref_slice %arg2[%dma_wait3A_102, %dma_wait3A_103] : memref<10000x128xf32, #tpu.memory_space<hbm>> -> memref<10000x128xf32, #tpu.memory_space<hbm>>
        tpu.wait_indirect_dma semaphore(%arg11 : memref<!tpu.dma_semaphore, #tpu.memory_space<semaphore_mem>>) src(%dma_wait3A_104 : memref<10000x128xf32, #tpu.memory_space<hbm>>) dst(%arg8 : memref<128x128xf32, #tpu.memory_space<vmem>>)
        %add3A_105 = arith.constant 0 : i32
        %add3A_106 = arith.addi %mul3A_97, %add3A_105 : i32
        %dma_start3A_107 = arith.constant 0 : i32
        %dma_start3A_108 = tpu.memref_slice %arg7[%add3A_106, %dma_start3A_107] : memref<16x128xi32, #tpu.memory_space<vmem>> -> memref<1x128xi32, #tpu.memory_space<vmem>>
        %dma_start3A_109 = tpu.memref_squeeze %dma_start3A_108 : memref<1x128xi32, #tpu.memory_space<vmem>> -> memref<128xi32, #tpu.memory_space<vmem>>
        %dma_start3A_110 = arith.constant 0 : i32
        %dma_start3A_111 = arith.constant 0 : i32
        %dma_start3A_112 = tpu.memref_slice %arg10[%dma_start3A_110, %dma_start3A_111] : memref<10240x128xf32, #tpu.memory_space<vmem_shared>> -> memref<10240x128xf32, #tpu.memory_space<vmem_shared>>
        tpu.enqueue_indirect_dma source(%arg8 : memref<128x128xf32, #tpu.memory_space<vmem>>) target(%dma_start3A_112 : memref<10240x128xf32, #tpu.memory_space<vmem_shared>>) offsets(%dma_start3A_109 : memref<128xi32, #tpu.memory_space<vmem>>) semaphore(%arg13 : memref<!tpu.dma_semaphore, #tpu.memory_space<semaphore_mem>>) {add = true}
        %add3A_113 = arith.constant 1 : i32
        %add3A_114 = arith.addi %mul3A_97, %add3A_113 : i32
        %dma_wait3A_115 = arith.constant 0 : i32
        %dma_wait3A_116 = tpu.memref_slice %arg6[%add3A_114, %dma_wait3A_115] : memref<16x128xi32, #tpu.memory_space<vmem>> -> memref<1x128xi32, #tpu.memory_space<vmem>>
        %dma_wait3A_117 = tpu.memref_squeeze %dma_wait3A_116 : memref<1x128xi32, #tpu.memory_space<vmem>> -> memref<128xi32, #tpu.memory_space<vmem>>
        %dma_wait3A_118 = arith.constant 0 : i32
        %dma_wait3A_119 = arith.constant 0 : i32
        %dma_wait3A_120 = tpu.memref_slice %arg2[%dma_wait3A_118, %dma_wait3A_119] : memref<10000x128xf32, #tpu.memory_space<hbm>> -> memref<10000x128xf32, #tpu.memory_space<hbm>>
        tpu.wait_indirect_dma semaphore(%arg12 : memref<!tpu.dma_semaphore, #tpu.memory_space<semaphore_mem>>) src(%dma_wait3A_120 : memref<10000x128xf32, #tpu.memory_space<hbm>>) dst(%arg9 : memref<128x128xf32, #tpu.memory_space<vmem>>)
        %add3A_121 = arith.constant 1 : i32
        %add3A_122 = arith.addi %mul3A_97, %add3A_121 : i32
        %dma_start3A_123 = arith.constant 0 : i32
        %dma_start3A_124 = tpu.memref_slice %arg7[%add3A_122, %dma_start3A_123] : memref<16x128xi32, #tpu.memory_space<vmem>> -> memref<1x128xi32, #tpu.memory_space<vmem>>
        %dma_start3A_125 = tpu.memref_squeeze %dma_start3A_124 : memref<1x128xi32, #tpu.memory_space<vmem>> -> memref<128xi32, #tpu.memory_space<vmem>>
        %dma_start3A_126 = arith.constant 0 : i32
        %dma_start3A_127 = arith.constant 0 : i32
        %dma_start3A_128 = tpu.memref_slice %arg10[%dma_start3A_126, %dma_start3A_127] : memref<10240x128xf32, #tpu.memory_space<vmem_shared>> -> memref<10240x128xf32, #tpu.memory_space<vmem_shared>>
        tpu.enqueue_indirect_dma source(%arg9 : memref<128x128xf32, #tpu.memory_space<vmem>>) target(%dma_start3A_128 : memref<10240x128xf32, #tpu.memory_space<vmem_shared>>) offsets(%dma_start3A_125 : memref<128xi32, #tpu.memory_space<vmem>>) semaphore(%arg14 : memref<!tpu.dma_semaphore, #tpu.memory_space<semaphore_mem>>) {add = true}
        %add3A_129 = arith.constant 2 : i32
        %add3A_130 = arith.addi %mul3A_97, %add3A_129 : i32
        %add3A_131 = arith.constant 0 : i32
        %add3A_132 = arith.addi %add3A_130, %add3A_131 : i32
        %add3A_133 = arith.constant 0 : i32
        %add3A_134 = arith.addi %mul3A_97, %add3A_133 : i32
        %dma_wait3A_135 = arith.constant 0 : i32
        %dma_wait3A_136 = tpu.memref_slice %arg7[%add3A_134, %dma_wait3A_135] : memref<16x128xi32, #tpu.memory_space<vmem>> -> memref<1x128xi32, #tpu.memory_space<vmem>>
        %dma_wait3A_137 = tpu.memref_squeeze %dma_wait3A_136 : memref<1x128xi32, #tpu.memory_space<vmem>> -> memref<128xi32, #tpu.memory_space<vmem>>
        %dma_wait3A_138 = arith.constant 0 : i32
        %dma_wait3A_139 = arith.constant 0 : i32
        %dma_wait3A_140 = tpu.memref_slice %arg10[%dma_wait3A_138, %dma_wait3A_139] : memref<10240x128xf32, #tpu.memory_space<vmem_shared>> -> memref<10240x128xf32, #tpu.memory_space<vmem_shared>>
        tpu.wait_indirect_dma semaphore(%arg13 : memref<!tpu.dma_semaphore, #tpu.memory_space<semaphore_mem>>) src(%arg8 : memref<128x128xf32, #tpu.memory_space<vmem>>) dst(%dma_wait3A_140 : memref<10240x128xf32, #tpu.memory_space<vmem_shared>>)
        %dma_start3A_141 = arith.constant 0 : i32
        %dma_start3A_142 = tpu.memref_slice %arg6[%add3A_132, %dma_start3A_141] : memref<16x128xi32, #tpu.memory_space<vmem>> -> memref<1x128xi32, #tpu.memory_space<vmem>>
        %dma_start3A_143 = tpu.memref_squeeze %dma_start3A_142 : memref<1x128xi32, #tpu.memory_space<vmem>> -> memref<128xi32, #tpu.memory_space<vmem>>
        %dma_start3A_144 = arith.constant 0 : i32
        %dma_start3A_145 = arith.constant 0 : i32
        %dma_start3A_146 = tpu.memref_slice %arg2[%dma_start3A_144, %dma_start3A_145] : memref<10000x128xf32, #tpu.memory_space<hbm>> -> memref<10000x128xf32, #tpu.memory_space<hbm>>
        tpu.enqueue_indirect_dma source(%dma_start3A_146 : memref<10000x128xf32, #tpu.memory_space<hbm>>) target(%arg8 : memref<128x128xf32, #tpu.memory_space<vmem>>) offsets(%dma_start3A_143 : memref<128xi32, #tpu.memory_space<vmem>>) semaphore(%arg11 : memref<!tpu.dma_semaphore, #tpu.memory_space<semaphore_mem>>)
        %add3A_147 = arith.constant 2 : i32
        %add3A_148 = arith.addi %mul3A_97, %add3A_147 : i32
        %add3A_149 = arith.constant 1 : i32
        %add3A_150 = arith.addi %add3A_148, %add3A_149 : i32
        %add3A_151 = arith.constant 1 : i32
        %add3A_152 = arith.addi %mul3A_97, %add3A_151 : i32
        %dma_wait3A_153 = arith.constant 0 : i32
        %dma_wait3A_154 = tpu.memref_slice %arg7[%add3A_152, %dma_wait3A_153] : memref<16x128xi32, #tpu.memory_space<vmem>> -> memref<1x128xi32, #tpu.memory_space<vmem>>
        %dma_wait3A_155 = tpu.memref_squeeze %dma_wait3A_154 : memref<1x128xi32, #tpu.memory_space<vmem>> -> memref<128xi32, #tpu.memory_space<vmem>>
        %dma_wait3A_156 = arith.constant 0 : i32
        %dma_wait3A_157 = arith.constant 0 : i32
        %dma_wait3A_158 = tpu.memref_slice %arg10[%dma_wait3A_156, %dma_wait3A_157] : memref<10240x128xf32, #tpu.memory_space<vmem_shared>> -> memref<10240x128xf32, #tpu.memory_space<vmem_shared>>
        tpu.wait_indirect_dma semaphore(%arg14 : memref<!tpu.dma_semaphore, #tpu.memory_space<semaphore_mem>>) src(%arg9 : memref<128x128xf32, #tpu.memory_space<vmem>>) dst(%dma_wait3A_158 : memref<10240x128xf32, #tpu.memory_space<vmem_shared>>)
        %dma_start3A_159 = arith.constant 0 : i32
        %dma_start3A_160 = tpu.memref_slice %arg6[%add3A_150, %dma_start3A_159] : memref<16x128xi32, #tpu.memory_space<vmem>> -> memref<1x128xi32, #tpu.memory_space<vmem>>
        %dma_start3A_161 = tpu.memref_squeeze %dma_start3A_160 : memref<1x128xi32, #tpu.memory_space<vmem>> -> memref<128xi32, #tpu.memory_space<vmem>>
        %dma_start3A_162 = arith.constant 0 : i32
        %dma_start3A_163 = arith.constant 0 : i32
        %dma_start3A_164 = tpu.memref_slice %arg2[%dma_start3A_162, %dma_start3A_163] : memref<10000x128xf32, #tpu.memory_space<hbm>> -> memref<10000x128xf32, #tpu.memory_space<hbm>>
        tpu.enqueue_indirect_dma source(%dma_start3A_164 : memref<10000x128xf32, #tpu.memory_space<hbm>>) target(%arg9 : memref<128x128xf32, #tpu.memory_space<vmem>>) offsets(%dma_start3A_161 : memref<128xi32, #tpu.memory_space<vmem>>) semaphore(%arg12 : memref<!tpu.dma_semaphore, #tpu.memory_space<semaphore_mem>>)
      }
      %scan3A_53 = arith.constant 7 : i32
      %dma_wait3A = arith.constant 14 : i32
      %dma_wait3A_54 = arith.constant 0 : i32
      %dma_wait3A_55 = tpu.memref_slice %arg6[%dma_wait3A, %dma_wait3A_54] : memref<16x128xi32, #tpu.memory_space<vmem>> -> memref<1x128xi32, #tpu.memory_space<vmem>>
      %dma_wait3A_56 = tpu.memref_squeeze %dma_wait3A_55 : memref<1x128xi32, #tpu.memory_space<vmem>> -> memref<128xi32, #tpu.memory_space<vmem>>
      %dma_wait3A_57 = arith.constant 0 : i32
      %dma_wait3A_58 = arith.constant 0 : i32
      %dma_wait3A_59 = tpu.memref_slice %arg2[%dma_wait3A_57, %dma_wait3A_58] : memref<10000x128xf32, #tpu.memory_space<hbm>> -> memref<10000x128xf32, #tpu.memory_space<hbm>>
      tpu.wait_indirect_dma semaphore(%arg11 : memref<!tpu.dma_semaphore, #tpu.memory_space<semaphore_mem>>) src(%dma_wait3A_59 : memref<10000x128xf32, #tpu.memory_space<hbm>>) dst(%arg8 : memref<128x128xf32, #tpu.memory_space<vmem>>)
      %dma_start3A_60 = arith.constant 14 : i32
      %dma_start3A_61 = arith.constant 0 : i32
      %dma_start3A_62 = tpu.memref_slice %arg7[%dma_start3A_60, %dma_start3A_61] : memref<16x128xi32, #tpu.memory_space<vmem>> -> memref<1x128xi32, #tpu.memory_space<vmem>>
      %dma_start3A_63 = tpu.memref_squeeze %dma_start3A_62 : memref<1x128xi32, #tpu.memory_space<vmem>> -> memref<128xi32, #tpu.memory_space<vmem>>
      %dma_start3A_64 = arith.constant 0 : i32
      %dma_start3A_65 = arith.constant 0 : i32
      %dma_start3A_66 = tpu.memref_slice %arg10[%dma_start3A_64, %dma_start3A_65] : memref<10240x128xf32, #tpu.memory_space<vmem_shared>> -> memref<10240x128xf32, #tpu.memory_space<vmem_shared>>
      tpu.enqueue_indirect_dma source(%arg8 : memref<128x128xf32, #tpu.memory_space<vmem>>) target(%dma_start3A_66 : memref<10240x128xf32, #tpu.memory_space<vmem_shared>>) offsets(%dma_start3A_63 : memref<128xi32, #tpu.memory_space<vmem>>) semaphore(%arg13 : memref<!tpu.dma_semaphore, #tpu.memory_space<semaphore_mem>>) {add = true}
      %dma_wait3A_67 = arith.constant 15 : i32
      %dma_wait3A_68 = arith.constant 0 : i32
      %dma_wait3A_69 = tpu.memref_slice %arg6[%dma_wait3A_67, %dma_wait3A_68] : memref<16x128xi32, #tpu.memory_space<vmem>> -> memref<1x128xi32, #tpu.memory_space<vmem>>
      %dma_wait3A_70 = tpu.memref_squeeze %dma_wait3A_69 : memref<1x128xi32, #tpu.memory_space<vmem>> -> memref<128xi32, #tpu.memory_space<vmem>>
      %dma_wait3A_71 = arith.constant 0 : i32
      %dma_wait3A_72 = arith.constant 0 : i32
      %dma_wait3A_73 = tpu.memref_slice %arg2[%dma_wait3A_71, %dma_wait3A_72] : memref<10000x128xf32, #tpu.memory_space<hbm>> -> memref<10000x128xf32, #tpu.memory_space<hbm>>
      tpu.wait_indirect_dma semaphore(%arg12 : memref<!tpu.dma_semaphore, #tpu.memory_space<semaphore_mem>>) src(%dma_wait3A_73 : memref<10000x128xf32, #tpu.memory_space<hbm>>) dst(%arg9 : memref<128x128xf32, #tpu.memory_space<vmem>>)
      %dma_start3A_74 = arith.constant 15 : i32
      %dma_start3A_75 = arith.constant 0 : i32
      %dma_start3A_76 = tpu.memref_slice %arg7[%dma_start3A_74, %dma_start3A_75] : memref<16x128xi32, #tpu.memory_space<vmem>> -> memref<1x128xi32, #tpu.memory_space<vmem>>
      %dma_start3A_77 = tpu.memref_squeeze %dma_start3A_76 : memref<1x128xi32, #tpu.memory_space<vmem>> -> memref<128xi32, #tpu.memory_space<vmem>>
      %dma_start3A_78 = arith.constant 0 : i32
      %dma_start3A_79 = arith.constant 0 : i32
      %dma_start3A_80 = tpu.memref_slice %arg10[%dma_start3A_78, %dma_start3A_79] : memref<10240x128xf32, #tpu.memory_space<vmem_shared>> -> memref<10240x128xf32, #tpu.memory_space<vmem_shared>>
      tpu.enqueue_indirect_dma source(%arg9 : memref<128x128xf32, #tpu.memory_space<vmem>>) target(%dma_start3A_80 : memref<10240x128xf32, #tpu.memory_space<vmem_shared>>) offsets(%dma_start3A_77 : memref<128xi32, #tpu.memory_space<vmem>>) semaphore(%arg14 : memref<!tpu.dma_semaphore, #tpu.memory_space<semaphore_mem>>) {add = true}
      %dma_wait3A_81 = arith.constant 14 : i32
      %dma_wait3A_82 = arith.constant 0 : i32
      %dma_wait3A_83 = tpu.memref_slice %arg7[%dma_wait3A_81, %dma_wait3A_82] : memref<16x128xi32, #tpu.memory_space<vmem>> -> memref<1x128xi32, #tpu.memory_space<vmem>>
      %dma_wait3A_84 = tpu.memref_squeeze %dma_wait3A_83 : memref<1x128xi32, #tpu.memory_space<vmem>> -> memref<128xi32, #tpu.memory_space<vmem>>
      %dma_wait3A_85 = arith.constant 0 : i32
      %dma_wait3A_86 = arith.constant 0 : i32
      %dma_wait3A_87 = tpu.memref_slice %arg10[%dma_wait3A_85, %dma_wait3A_86] : memref<10240x128xf32, #tpu.memory_space<vmem_shared>> -> memref<10240x128xf32, #tpu.memory_space<vmem_shared>>
      tpu.wait_indirect_dma semaphore(%arg13 : memref<!tpu.dma_semaphore, #tpu.memory_space<semaphore_mem>>) src(%arg8 : memref<128x128xf32, #tpu.memory_space<vmem>>) dst(%dma_wait3A_87 : memref<10240x128xf32, #tpu.memory_space<vmem_shared>>)
      %dma_wait3A_88 = arith.constant 15 : i32
      %dma_wait3A_89 = arith.constant 0 : i32
      %dma_wait3A_90 = tpu.memref_slice %arg7[%dma_wait3A_88, %dma_wait3A_89] : memref<16x128xi32, #tpu.memory_space<vmem>> -> memref<1x128xi32, #tpu.memory_space<vmem>>
      %dma_wait3A_91 = tpu.memref_squeeze %dma_wait3A_90 : memref<1x128xi32, #tpu.memory_space<vmem>> -> memref<128xi32, #tpu.memory_space<vmem>>
      %dma_wait3A_92 = arith.constant 0 : i32
      %dma_wait3A_93 = arith.constant 0 : i32
      %dma_wait3A_94 = tpu.memref_slice %arg10[%dma_wait3A_92, %dma_wait3A_93] : memref<10240x128xf32, #tpu.memory_space<vmem_shared>> -> memref<10240x128xf32, #tpu.memory_space<vmem_shared>>
      tpu.wait_indirect_dma semaphore(%arg14 : memref<!tpu.dma_semaphore, #tpu.memory_space<semaphore_mem>>) src(%arg9 : memref<128x128xf32, #tpu.memory_space<vmem>>) dst(%dma_wait3A_94 : memref<10240x128xf32, #tpu.memory_space<vmem_shared>>)
    }
    %while3A_22 = arith.constant 1 : i32
    scf.for %while3A_30 = %while3A_20 to %while3A_16 step %while3A_22  : i32 {
      %mul3A_31 = arith.constant 16 : i32
      %mul3A_32 = arith.muli %while3A_30, %mul3A_31 : i32
      "tpu.region"() ({
        %run_scoped3A = tpu.sem_alloc : memref<!tpu.dma_semaphore, #tpu.memory_space<semaphore_mem>>
        %dma_start3A_95 = arith.constant 0 : i32
        %dma_start3A_96 = tpu.memref_slice %arg3[%arg0, %arg1, %mul3A_32, %dma_start3A_95] : memref<2x16x144x128xi32, #tpu.memory_space<hbm>> -> memref<1x1x16x128xi32, #tpu.memory_space<hbm>>
        %dma_start3A_97 = tpu.memref_squeeze %dma_start3A_96 : memref<1x1x16x128xi32, #tpu.memory_space<hbm>> -> memref<16x128xi32, #tpu.memory_space<hbm>>
        %dma_start3A_98 = arith.constant 0 : i32
        %dma_start3A_99 = tpu.memref_slice %arg3[%arg0, %arg1, %mul3A_32, %dma_start3A_98] : memref<2x16x144x128xi32, #tpu.memory_space<hbm>> -> memref<1x1x16x128xi32, #tpu.memory_space<hbm>>
        %dma_start3A_100 = tpu.memref_squeeze %dma_start3A_99 : memref<1x1x16x128xi32, #tpu.memory_space<hbm>> -> memref<16x128xi32, #tpu.memory_space<hbm>>
        tpu.enqueue_dma source(%dma_start3A_100 : memref<16x128xi32, #tpu.memory_space<hbm>>) target(%arg6 : memref<16x128xi32, #tpu.memory_space<vmem>>) target_semaphore(%run_scoped3A : memref<!tpu.dma_semaphore, #tpu.memory_space<semaphore_mem>>)
        %dma_wait3A_101 = arith.constant 0 : i32
        %dma_wait3A_102 = tpu.memref_slice %arg3[%arg0, %arg1, %mul3A_32, %dma_wait3A_101] : memref<2x16x144x128xi32, #tpu.memory_space<hbm>> -> memref<1x1x16x128xi32, #tpu.memory_space<hbm>>
        %dma_wait3A_103 = tpu.memref_squeeze %dma_wait3A_102 : memref<1x1x16x128xi32, #tpu.memory_space<hbm>> -> memref<16x128xi32, #tpu.memory_space<hbm>>
        %dma_wait3A_104 = arith.constant 0 : i32
        %dma_wait3A_105 = tpu.memref_slice %arg3[%arg0, %arg1, %mul3A_32, %dma_wait3A_104] : memref<2x16x144x128xi32, #tpu.memory_space<hbm>> -> memref<1x1x16x128xi32, #tpu.memory_space<hbm>>
        %dma_wait3A_106 = tpu.memref_squeeze %dma_wait3A_105 : memref<1x1x16x128xi32, #tpu.memory_space<hbm>> -> memref<16x128xi32, #tpu.memory_space<hbm>>
        tpu.wait_dma2 semaphore(%run_scoped3A : memref<!tpu.dma_semaphore, #tpu.memory_space<semaphore_mem>>) src(%dma_wait3A_106 : memref<16x128xi32, #tpu.memory_space<hbm>>) dst(%arg6 : memref<16x128xi32, #tpu.memory_space<vmem>>)
        tpu.yield
      }) : () -> ()
      %mul3A_33 = arith.constant 16 : i32
      %mul3A_34 = arith.muli %while3A_30, %mul3A_33 : i32
      "tpu.region"() ({
        %run_scoped3A = tpu.sem_alloc : memref<!tpu.dma_semaphore, #tpu.memory_space<semaphore_mem>>
        %dma_start3A_95 = arith.constant 0 : i32
        %dma_start3A_96 = tpu.memref_slice %arg4[%arg0, %arg1, %mul3A_34, %dma_start3A_95] : memref<2x16x144x128xi32, #tpu.memory_space<hbm>> -> memref<1x1x16x128xi32, #tpu.memory_space<hbm>>
        %dma_start3A_97 = tpu.memref_squeeze %dma_start3A_96 : memref<1x1x16x128xi32, #tpu.memory_space<hbm>> -> memref<16x128xi32, #tpu.memory_space<hbm>>
        %dma_start3A_98 = arith.constant 0 : i32
        %dma_start3A_99 = tpu.memref_slice %arg4[%arg0, %arg1, %mul3A_34, %dma_start3A_98] : memref<2x16x144x128xi32, #tpu.memory_space<hbm>> -> memref<1x1x16x128xi32, #tpu.memory_space<hbm>>
        %dma_start3A_100 = tpu.memref_squeeze %dma_start3A_99 : memref<1x1x16x128xi32, #tpu.memory_space<hbm>> -> memref<16x128xi32, #tpu.memory_space<hbm>>
        tpu.enqueue_dma source(%dma_start3A_100 : memref<16x128xi32, #tpu.memory_space<hbm>>) target(%arg7 : memref<16x128xi32, #tpu.memory_space<vmem>>) target_semaphore(%run_scoped3A : memref<!tpu.dma_semaphore, #tpu.memory_space<semaphore_mem>>)
        %dma_wait3A_101 = arith.constant 0 : i32
        %dma_wait3A_102 = tpu.memref_slice %arg4[%arg0, %arg1, %mul3A_34, %dma_wait3A_101] : memref<2x16x144x128xi32, #tpu.memory_space<hbm>> -> memref<1x1x16x128xi32, #tpu.memory_space<hbm>>
        %dma_wait3A_103 = tpu.memref_squeeze %dma_wait3A_102 : memref<1x1x16x128xi32, #tpu.memory_space<hbm>> -> memref<16x128xi32, #tpu.memory_space<hbm>>
        %dma_wait3A_104 = arith.constant 0 : i32
        %dma_wait3A_105 = tpu.memref_slice %arg4[%arg0, %arg1, %mul3A_34, %dma_wait3A_104] : memref<2x16x144x128xi32, #tpu.memory_space<hbm>> -> memref<1x1x16x128xi32, #tpu.memory_space<hbm>>
        %dma_wait3A_106 = tpu.memref_squeeze %dma_wait3A_105 : memref<1x1x16x128xi32, #tpu.memory_space<hbm>> -> memref<16x128xi32, #tpu.memory_space<hbm>>
        tpu.wait_dma2 semaphore(%run_scoped3A : memref<!tpu.dma_semaphore, #tpu.memory_space<semaphore_mem>>) src(%dma_wait3A_106 : memref<16x128xi32, #tpu.memory_space<hbm>>) dst(%arg7 : memref<16x128xi32, #tpu.memory_space<vmem>>)
        tpu.yield
      }) : () -> ()
      %dma_start3A = arith.constant 0 : i32
      %dma_start3A_35 = arith.constant 0 : i32
      %dma_start3A_36 = tpu.memref_slice %arg6[%dma_start3A, %dma_start3A_35] : memref<16x128xi32, #tpu.memory_space<vmem>> -> memref<1x128xi32, #tpu.memory_space<vmem>>
      %dma_start3A_37 = tpu.memref_squeeze %dma_start3A_36 : memref<1x128xi32, #tpu.memory_space<vmem>> -> memref<128xi32, #tpu.memory_space<vmem>>
      %dma_start3A_38 = arith.constant 0 : i32
      %dma_start3A_39 = arith.constant 0 : i32
      %dma_start3A_40 = tpu.memref_slice %arg2[%dma_start3A_38, %dma_start3A_39] : memref<10000x128xf32, #tpu.memory_space<hbm>> -> memref<10000x128xf32, #tpu.memory_space<hbm>>
      tpu.enqueue_indirect_dma source(%dma_start3A_40 : memref<10000x128xf32, #tpu.memory_space<hbm>>) target(%arg8 : memref<128x128xf32, #tpu.memory_space<vmem>>) offsets(%dma_start3A_37 : memref<128xi32, #tpu.memory_space<vmem>>) semaphore(%arg11 : memref<!tpu.dma_semaphore, #tpu.memory_space<semaphore_mem>>)
      %dma_start3A_41 = arith.constant 1 : i32
      %dma_start3A_42 = arith.constant 0 : i32
      %dma_start3A_43 = tpu.memref_slice %arg6[%dma_start3A_41, %dma_start3A_42] : memref<16x128xi32, #tpu.memory_space<vmem>> -> memref<1x128xi32, #tpu.memory_space<vmem>>
      %dma_start3A_44 = tpu.memref_squeeze %dma_start3A_43 : memref<1x128xi32, #tpu.memory_space<vmem>> -> memref<128xi32, #tpu.memory_space<vmem>>
      %dma_start3A_45 = arith.constant 0 : i32
      %dma_start3A_46 = arith.constant 0 : i32
      %dma_start3A_47 = tpu.memref_slice %arg2[%dma_start3A_45, %dma_start3A_46] : memref<10000x128xf32, #tpu.memory_space<hbm>> -> memref<10000x128xf32, #tpu.memory_space<hbm>>
      tpu.enqueue_indirect_dma source(%dma_start3A_47 : memref<10000x128xf32, #tpu.memory_space<hbm>>) target(%arg9 : memref<128x128xf32, #tpu.memory_space<vmem>>) offsets(%dma_start3A_44 : memref<128xi32, #tpu.memory_space<vmem>>) semaphore(%arg12 : memref<!tpu.dma_semaphore, #tpu.memory_space<semaphore_mem>>)
      %scan3A_48 = arith.constant 0 : i32
      %scan3A_49 = arith.constant 0 : i32
      %scan3A_50 = arith.constant 7 : i32
      %scan3A_51 = arith.addi %scan3A_49, %scan3A_50 : i32
      %scan3A_52 = arith.constant 1 : i32
      scf.for %scan3A_95 = %scan3A_49 to %scan3A_51 step %scan3A_52  : i32 {
        %mul3A_96 = arith.constant 2 : i32
        %mul3A_97 = arith.muli %scan3A_95, %mul3A_96 : i32
        %add3A = arith.constant 0 : i32
        %add3A_98 = arith.addi %mul3A_97, %add3A : i32
        %dma_wait3A_99 = arith.constant 0 : i32
        %dma_wait3A_100 = tpu.memref_slice %arg6[%add3A_98, %dma_wait3A_99] : memref<16x128xi32, #tpu.memory_space<vmem>> -> memref<1x128xi32, #tpu.memory_space<vmem>>
        %dma_wait3A_101 = tpu.memref_squeeze %dma_wait3A_100 : memref<1x128xi32, #tpu.memory_space<vmem>> -> memref<128xi32, #tpu.memory_space<vmem>>
        %dma_wait3A_102 = arith.constant 0 : i32
        %dma_wait3A_103 = arith.constant 0 : i32
        %dma_wait3A_104 = tpu.memref_slice %arg2[%dma_wait3A_102, %dma_wait3A_103] : memref<10000x128xf32, #tpu.memory_space<hbm>> -> memref<10000x128xf32, #tpu.memory_space<hbm>>
        tpu.wait_indirect_dma semaphore(%arg11 : memref<!tpu.dma_semaphore, #tpu.memory_space<semaphore_mem>>) src(%dma_wait3A_104 : memref<10000x128xf32, #tpu.memory_space<hbm>>) dst(%arg8 : memref<128x128xf32, #tpu.memory_space<vmem>>)
        %add3A_105 = arith.constant 0 : i32
        %add3A_106 = arith.addi %mul3A_97, %add3A_105 : i32
        %dma_start3A_107 = arith.constant 0 : i32
        %dma_start3A_108 = tpu.memref_slice %arg7[%add3A_106, %dma_start3A_107] : memref<16x128xi32, #tpu.memory_space<vmem>> -> memref<1x128xi32, #tpu.memory_space<vmem>>
        %dma_start3A_109 = tpu.memref_squeeze %dma_start3A_108 : memref<1x128xi32, #tpu.memory_space<vmem>> -> memref<128xi32, #tpu.memory_space<vmem>>
        %dma_start3A_110 = arith.constant 0 : i32
        %dma_start3A_111 = arith.constant 0 : i32
        %dma_start3A_112 = tpu.memref_slice %arg10[%dma_start3A_110, %dma_start3A_111] : memref<10240x128xf32, #tpu.memory_space<vmem_shared>> -> memref<10240x128xf32, #tpu.memory_space<vmem_shared>>
        tpu.enqueue_indirect_dma source(%arg8 : memref<128x128xf32, #tpu.memory_space<vmem>>) target(%dma_start3A_112 : memref<10240x128xf32, #tpu.memory_space<vmem_shared>>) offsets(%dma_start3A_109 : memref<128xi32, #tpu.memory_space<vmem>>) semaphore(%arg13 : memref<!tpu.dma_semaphore, #tpu.memory_space<semaphore_mem>>) {add = true}
        %add3A_113 = arith.constant 1 : i32
        %add3A_114 = arith.addi %mul3A_97, %add3A_113 : i32
        %dma_wait3A_115 = arith.constant 0 : i32
        %dma_wait3A_116 = tpu.memref_slice %arg6[%add3A_114, %dma_wait3A_115] : memref<16x128xi32, #tpu.memory_space<vmem>> -> memref<1x128xi32, #tpu.memory_space<vmem>>
        %dma_wait3A_117 = tpu.memref_squeeze %dma_wait3A_116 : memref<1x128xi32, #tpu.memory_space<vmem>> -> memref<128xi32, #tpu.memory_space<vmem>>
        %dma_wait3A_118 = arith.constant 0 : i32
        %dma_wait3A_119 = arith.constant 0 : i32
        %dma_wait3A_120 = tpu.memref_slice %arg2[%dma_wait3A_118, %dma_wait3A_119] : memref<10000x128xf32, #tpu.memory_space<hbm>> -> memref<10000x128xf32, #tpu.memory_space<hbm>>
        tpu.wait_indirect_dma semaphore(%arg12 : memref<!tpu.dma_semaphore, #tpu.memory_space<semaphore_mem>>) src(%dma_wait3A_120 : memref<10000x128xf32, #tpu.memory_space<hbm>>) dst(%arg9 : memref<128x128xf32, #tpu.memory_space<vmem>>)
        %add3A_121 = arith.constant 1 : i32
        %add3A_122 = arith.addi %mul3A_97, %add3A_121 : i32
        %dma_start3A_123 = arith.constant 0 : i32
        %dma_start3A_124 = tpu.memref_slice %arg7[%add3A_122, %dma_start3A_123] : memref<16x128xi32, #tpu.memory_space<vmem>> -> memref<1x128xi32, #tpu.memory_space<vmem>>
        %dma_start3A_125 = tpu.memref_squeeze %dma_start3A_124 : memref<1x128xi32, #tpu.memory_space<vmem>> -> memref<128xi32, #tpu.memory_space<vmem>>
        %dma_start3A_126 = arith.constant 0 : i32
        %dma_start3A_127 = arith.constant 0 : i32
        %dma_start3A_128 = tpu.memref_slice %arg10[%dma_start3A_126, %dma_start3A_127] : memref<10240x128xf32, #tpu.memory_space<vmem_shared>> -> memref<10240x128xf32, #tpu.memory_space<vmem_shared>>
        tpu.enqueue_indirect_dma source(%arg9 : memref<128x128xf32, #tpu.memory_space<vmem>>) target(%dma_start3A_128 : memref<10240x128xf32, #tpu.memory_space<vmem_shared>>) offsets(%dma_start3A_125 : memref<128xi32, #tpu.memory_space<vmem>>) semaphore(%arg14 : memref<!tpu.dma_semaphore, #tpu.memory_space<semaphore_mem>>) {add = true}
        %add3A_129 = arith.constant 2 : i32
        %add3A_130 = arith.addi %mul3A_97, %add3A_129 : i32
        %add3A_131 = arith.constant 0 : i32
        %add3A_132 = arith.addi %add3A_130, %add3A_131 : i32
        %add3A_133 = arith.constant 0 : i32
        %add3A_134 = arith.addi %mul3A_97, %add3A_133 : i32
        %dma_wait3A_135 = arith.constant 0 : i32
        %dma_wait3A_136 = tpu.memref_slice %arg7[%add3A_134, %dma_wait3A_135] : memref<16x128xi32, #tpu.memory_space<vmem>> -> memref<1x128xi32, #tpu.memory_space<vmem>>
        %dma_wait3A_137 = tpu.memref_squeeze %dma_wait3A_136 : memref<1x128xi32, #tpu.memory_space<vmem>> -> memref<128xi32, #tpu.memory_space<vmem>>
        %dma_wait3A_138 = arith.constant 0 : i32
        %dma_wait3A_139 = arith.constant 0 : i32
        %dma_wait3A_140 = tpu.memref_slice %arg10[%dma_wait3A_138, %dma_wait3A_139] : memref<10240x128xf32, #tpu.memory_space<vmem_shared>> -> memref<10240x128xf32, #tpu.memory_space<vmem_shared>>
        tpu.wait_indirect_dma semaphore(%arg13 : memref<!tpu.dma_semaphore, #tpu.memory_space<semaphore_mem>>) src(%arg8 : memref<128x128xf32, #tpu.memory_space<vmem>>) dst(%dma_wait3A_140 : memref<10240x128xf32, #tpu.memory_space<vmem_shared>>)
        %dma_start3A_141 = arith.constant 0 : i32
        %dma_start3A_142 = tpu.memref_slice %arg6[%add3A_132, %dma_start3A_141] : memref<16x128xi32, #tpu.memory_space<vmem>> -> memref<1x128xi32, #tpu.memory_space<vmem>>
        %dma_start3A_143 = tpu.memref_squeeze %dma_start3A_142 : memref<1x128xi32, #tpu.memory_space<vmem>> -> memref<128xi32, #tpu.memory_space<vmem>>
        %dma_start3A_144 = arith.constant 0 : i32
        %dma_start3A_145 = arith.constant 0 : i32
        %dma_start3A_146 = tpu.memref_slice %arg2[%dma_start3A_144, %dma_start3A_145] : memref<10000x128xf32, #tpu.memory_space<hbm>> -> memref<10000x128xf32, #tpu.memory_space<hbm>>
        tpu.enqueue_indirect_dma source(%dma_start3A_146 : memref<10000x128xf32, #tpu.memory_space<hbm>>) target(%arg8 : memref<128x128xf32, #tpu.memory_space<vmem>>) offsets(%dma_start3A_143 : memref<128xi32, #tpu.memory_space<vmem>>) semaphore(%arg11 : memref<!tpu.dma_semaphore, #tpu.memory_space<semaphore_mem>>)
        %add3A_147 = arith.constant 2 : i32
        %add3A_148 = arith.addi %mul3A_97, %add3A_147 : i32
        %add3A_149 = arith.constant 1 : i32
        %add3A_150 = arith.addi %add3A_148, %add3A_149 : i32
        %add3A_151 = arith.constant 1 : i32
        %add3A_152 = arith.addi %mul3A_97, %add3A_151 : i32
        %dma_wait3A_153 = arith.constant 0 : i32
        %dma_wait3A_154 = tpu.memref_slice %arg7[%add3A_152, %dma_wait3A_153] : memref<16x128xi32, #tpu.memory_space<vmem>> -> memref<1x128xi32, #tpu.memory_space<vmem>>
        %dma_wait3A_155 = tpu.memref_squeeze %dma_wait3A_154 : memref<1x128xi32, #tpu.memory_space<vmem>> -> memref<128xi32, #tpu.memory_space<vmem>>
        %dma_wait3A_156 = arith.constant 0 : i32
        %dma_wait3A_157 = arith.constant 0 : i32
        %dma_wait3A_158 = tpu.memref_slice %arg10[%dma_wait3A_156, %dma_wait3A_157] : memref<10240x128xf32, #tpu.memory_space<vmem_shared>> -> memref<10240x128xf32, #tpu.memory_space<vmem_shared>>
        tpu.wait_indirect_dma semaphore(%arg14 : memref<!tpu.dma_semaphore, #tpu.memory_space<semaphore_mem>>) src(%arg9 : memref<128x128xf32, #tpu.memory_space<vmem>>) dst(%dma_wait3A_158 : memref<10240x128xf32, #tpu.memory_space<vmem_shared>>)
        %dma_start3A_159 = arith.constant 0 : i32
        %dma_start3A_160 = tpu.memref_slice %arg6[%add3A_150, %dma_start3A_159] : memref<16x128xi32, #tpu.memory_space<vmem>> -> memref<1x128xi32, #tpu.memory_space<vmem>>
        %dma_start3A_161 = tpu.memref_squeeze %dma_start3A_160 : memref<1x128xi32, #tpu.memory_space<vmem>> -> memref<128xi32, #tpu.memory_space<vmem>>
        %dma_start3A_162 = arith.constant 0 : i32
        %dma_start3A_163 = arith.constant 0 : i32
        %dma_start3A_164 = tpu.memref_slice %arg2[%dma_start3A_162, %dma_start3A_163] : memref<10000x128xf32, #tpu.memory_space<hbm>> -> memref<10000x128xf32, #tpu.memory_space<hbm>>
        tpu.enqueue_indirect_dma source(%dma_start3A_164 : memref<10000x128xf32, #tpu.memory_space<hbm>>) target(%arg9 : memref<128x128xf32, #tpu.memory_space<vmem>>) offsets(%dma_start3A_161 : memref<128xi32, #tpu.memory_space<vmem>>) semaphore(%arg12 : memref<!tpu.dma_semaphore, #tpu.memory_space<semaphore_mem>>)
      }
      %scan3A_53 = arith.constant 7 : i32
      %dma_wait3A = arith.constant 14 : i32
      %dma_wait3A_54 = arith.constant 0 : i32
      %dma_wait3A_55 = tpu.memref_slice %arg6[%dma_wait3A, %dma_wait3A_54] : memref<16x128xi32, #tpu.memory_space<vmem>> -> memref<1x128xi32, #tpu.memory_space<vmem>>
      %dma_wait3A_56 = tpu.memref_squeeze %dma_wait3A_55 : memref<1x128xi32, #tpu.memory_space<vmem>> -> memref<128xi32, #tpu.memory_space<vmem>>
      %dma_wait3A_57 = arith.constant 0 : i32
      %dma_wait3A_58 = arith.constant 0 : i32
      %dma_wait3A_59 = tpu.memref_slice %arg2[%dma_wait3A_57, %dma_wait3A_58] : memref<10000x128xf32, #tpu.memory_space<hbm>> -> memref<10000x128xf32, #tpu.memory_space<hbm>>
      tpu.wait_indirect_dma semaphore(%arg11 : memref<!tpu.dma_semaphore, #tpu.memory_space<semaphore_mem>>) src(%dma_wait3A_59 : memref<10000x128xf32, #tpu.memory_space<hbm>>) dst(%arg8 : memref<128x128xf32, #tpu.memory_space<vmem>>)
      %dma_start3A_60 = arith.constant 14 : i32
      %dma_start3A_61 = arith.constant 0 : i32
      %dma_start3A_62 = tpu.memref_slice %arg7[%dma_start3A_60, %dma_start3A_61] : memref<16x128xi32, #tpu.memory_space<vmem>> -> memref<1x128xi32, #tpu.memory_space<vmem>>
      %dma_start3A_63 = tpu.memref_squeeze %dma_start3A_62 : memref<1x128xi32, #tpu.memory_space<vmem>> -> memref<128xi32, #tpu.memory_space<vmem>>
      %dma_start3A_64 = arith.constant 0 : i32
      %dma_start3A_65 = arith.constant 0 : i32
      %dma_start3A_66 = tpu.memref_slice %arg10[%dma_start3A_64, %dma_start3A_65] : memref<10240x128xf32, #tpu.memory_space<vmem_shared>> -> memref<10240x128xf32, #tpu.memory_space<vmem_shared>>
      tpu.enqueue_indirect_dma source(%arg8 : memref<128x128xf32, #tpu.memory_space<vmem>>) target(%dma_start3A_66 : memref<10240x128xf32, #tpu.memory_space<vmem_shared>>) offsets(%dma_start3A_63 : memref<128xi32, #tpu.memory_space<vmem>>) semaphore(%arg13 : memref<!tpu.dma_semaphore, #tpu.memory_space<semaphore_mem>>) {add = true}
      %dma_wait3A_67 = arith.constant 15 : i32
      %dma_wait3A_68 = arith.constant 0 : i32
      %dma_wait3A_69 = tpu.memref_slice %arg6[%dma_wait3A_67, %dma_wait3A_68] : memref<16x128xi32, #tpu.memory_space<vmem>> -> memref<1x128xi32, #tpu.memory_space<vmem>>
      %dma_wait3A_70 = tpu.memref_squeeze %dma_wait3A_69 : memref<1x128xi32, #tpu.memory_space<vmem>> -> memref<128xi32, #tpu.memory_space<vmem>>
      %dma_wait3A_71 = arith.constant 0 : i32
      %dma_wait3A_72 = arith.constant 0 : i32
      %dma_wait3A_73 = tpu.memref_slice %arg2[%dma_wait3A_71, %dma_wait3A_72] : memref<10000x128xf32, #tpu.memory_space<hbm>> -> memref<10000x128xf32, #tpu.memory_space<hbm>>
      tpu.wait_indirect_dma semaphore(%arg12 : memref<!tpu.dma_semaphore, #tpu.memory_space<semaphore_mem>>) src(%dma_wait3A_73 : memref<10000x128xf32, #tpu.memory_space<hbm>>) dst(%arg9 : memref<128x128xf32, #tpu.memory_space<vmem>>)
      %dma_start3A_74 = arith.constant 15 : i32
      %dma_start3A_75 = arith.constant 0 : i32
      %dma_start3A_76 = tpu.memref_slice %arg7[%dma_start3A_74, %dma_start3A_75] : memref<16x128xi32, #tpu.memory_space<vmem>> -> memref<1x128xi32, #tpu.memory_space<vmem>>
      %dma_start3A_77 = tpu.memref_squeeze %dma_start3A_76 : memref<1x128xi32, #tpu.memory_space<vmem>> -> memref<128xi32, #tpu.memory_space<vmem>>
      %dma_start3A_78 = arith.constant 0 : i32
      %dma_start3A_79 = arith.constant 0 : i32
      %dma_start3A_80 = tpu.memref_slice %arg10[%dma_start3A_78, %dma_start3A_79] : memref<10240x128xf32, #tpu.memory_space<vmem_shared>> -> memref<10240x128xf32, #tpu.memory_space<vmem_shared>>
      tpu.enqueue_indirect_dma source(%arg9 : memref<128x128xf32, #tpu.memory_space<vmem>>) target(%dma_start3A_80 : memref<10240x128xf32, #tpu.memory_space<vmem_shared>>) offsets(%dma_start3A_77 : memref<128xi32, #tpu.memory_space<vmem>>) semaphore(%arg14 : memref<!tpu.dma_semaphore, #tpu.memory_space<semaphore_mem>>) {add = true}
      %dma_wait3A_81 = arith.constant 14 : i32
      %dma_wait3A_82 = arith.constant 0 : i32
      %dma_wait3A_83 = tpu.memref_slice %arg7[%dma_wait3A_81, %dma_wait3A_82] : memref<16x128xi32, #tpu.memory_space<vmem>> -> memref<1x128xi32, #tpu.memory_space<vmem>>
      %dma_wait3A_84 = tpu.memref_squeeze %dma_wait3A_83 : memref<1x128xi32, #tpu.memory_space<vmem>> -> memref<128xi32, #tpu.memory_space<vmem>>
      %dma_wait3A_85 = arith.constant 0 : i32
      %dma_wait3A_86 = arith.constant 0 : i32
      %dma_wait3A_87 = tpu.memref_slice %arg10[%dma_wait3A_85, %dma_wait3A_86] : memref<10240x128xf32, #tpu.memory_space<vmem_shared>> -> memref<10240x128xf32, #tpu.memory_space<vmem_shared>>
      tpu.wait_indirect_dma semaphore(%arg13 : memref<!tpu.dma_semaphore, #tpu.memory_space<semaphore_mem>>) src(%arg8 : memref<128x128xf32, #tpu.memory_space<vmem>>) dst(%dma_wait3A_87 : memref<10240x128xf32, #tpu.memory_space<vmem_shared>>)
      %dma_wait3A_88 = arith.constant 15 : i32
      %dma_wait3A_89 = arith.constant 0 : i32
      %dma_wait3A_90 = tpu.memref_slice %arg7[%dma_wait3A_88, %dma_wait3A_89] : memref<16x128xi32, #tpu.memory_space<vmem>> -> memref<1x128xi32, #tpu.memory_space<vmem>>
      %dma_wait3A_91 = tpu.memref_squeeze %dma_wait3A_90 : memref<1x128xi32, #tpu.memory_space<vmem>> -> memref<128xi32, #tpu.memory_space<vmem>>
      %dma_wait3A_92 = arith.constant 0 : i32
      %dma_wait3A_93 = arith.constant 0 : i32
      %dma_wait3A_94 = tpu.memref_slice %arg10[%dma_wait3A_92, %dma_wait3A_93] : memref<10240x128xf32, #tpu.memory_space<vmem_shared>> -> memref<10240x128xf32, #tpu.memory_space<vmem_shared>>
      tpu.wait_indirect_dma semaphore(%arg14 : memref<!tpu.dma_semaphore, #tpu.memory_space<semaphore_mem>>) src(%arg9 : memref<128x128xf32, #tpu.memory_space<vmem>>) dst(%dma_wait3A_94 : memref<10240x128xf32, #tpu.memory_space<vmem_shared>>)
    }
    %barrier3A_23 = arith.constant 0 : index
    tpu.barrier barrier_id(%barrier3A_23)
    %scan3A_24 = arith.constant 0 : i32
    %scan3A_25 = arith.constant 0 : i32
    %scan3A_26 = arith.constant 5 : i32
    %scan3A_27 = arith.addi %scan3A_25, %scan3A_26 : i32
    %scan3A_28 = arith.constant 1 : i32
    scf.for %scan3A_30 = %scan3A_25 to %scan3A_27 step %scan3A_28  : i32 {
      %mul3A_31 = arith.constant 128 : i32
      %mul3A_32 = arith.muli %scan3A_30, %mul3A_31 : i32
      %add3A = arith.addi %mul3A_5, %mul3A_32 : i32
      "tpu.region"() ({
        %run_scoped3A = tpu.sem_alloc : memref<!tpu.dma_semaphore, #tpu.memory_space<semaphore_mem>>
        %dma_start3A = arith.constant 0 : i32
        %dma_start3A_33 = tpu.memref_slice %arg10[%add3A, %dma_start3A] : memref<10240x128xf32, #tpu.memory_space<vmem_shared>> -> memref<128x128xf32, #tpu.memory_space<vmem_shared>>
        %dma_start3A_34 = arith.constant 0 : i32
        %dma_start3A_35 = tpu.memref_slice %arg10[%add3A, %dma_start3A_34] : memref<10240x128xf32, #tpu.memory_space<vmem_shared>> -> memref<128x128xf32, #tpu.memory_space<vmem_shared>>
        tpu.enqueue_dma source(%dma_start3A_35 : memref<128x128xf32, #tpu.memory_space<vmem_shared>>) target(%arg8 : memref<128x128xf32, #tpu.memory_space<vmem>>) target_semaphore(%run_scoped3A : memref<!tpu.dma_semaphore, #tpu.memory_space<semaphore_mem>>)
        %dma_wait3A = arith.constant 0 : i32
        %dma_wait3A_36 = tpu.memref_slice %arg10[%add3A, %dma_wait3A] : memref<10240x128xf32, #tpu.memory_space<vmem_shared>> -> memref<128x128xf32, #tpu.memory_space<vmem_shared>>
        %dma_wait3A_37 = arith.constant 0 : i32
        %dma_wait3A_38 = tpu.memref_slice %arg10[%add3A, %dma_wait3A_37] : memref<10240x128xf32, #tpu.memory_space<vmem_shared>> -> memref<128x128xf32, #tpu.memory_space<vmem_shared>>
        tpu.wait_dma2 semaphore(%run_scoped3A : memref<!tpu.dma_semaphore, #tpu.memory_space<semaphore_mem>>) src(%dma_wait3A_38 : memref<128x128xf32, #tpu.memory_space<vmem_shared>>) dst(%arg8 : memref<128x128xf32, #tpu.memory_space<vmem>>)
        tpu.yield
      }) : () -> ()
      "tpu.region"() ({
        %run_scoped3A = tpu.sem_alloc : memref<!tpu.dma_semaphore, #tpu.memory_space<semaphore_mem>>
        %dma_start3A = arith.constant 0 : i32
        %dma_start3A_33 = tpu.memref_slice %arg5[%arg0, %add3A, %dma_start3A] : memref<2x10240x128xf32, #tpu.memory_space<hbm>> -> memref<1x128x128xf32, #tpu.memory_space<hbm>>
        %dma_start3A_34 = tpu.memref_squeeze %dma_start3A_33 : memref<1x128x128xf32, #tpu.memory_space<hbm>> -> memref<128x128xf32, #tpu.memory_space<hbm>>
        %dma_start3A_35 = arith.constant 0 : i32
        %dma_start3A_36 = tpu.memref_slice %arg5[%arg0, %add3A, %dma_start3A_35] : memref<2x10240x128xf32, #tpu.memory_space<hbm>> -> memref<1x128x128xf32, #tpu.memory_space<hbm>>
        %dma_start3A_37 = tpu.memref_squeeze %dma_start3A_36 : memref<1x128x128xf32, #tpu.memory_space<hbm>> -> memref<128x128xf32, #tpu.memory_space<hbm>>
        tpu.enqueue_dma source(%arg8 : memref<128x128xf32, #tpu.memory_space<vmem>>) target(%dma_start3A_37 : memref<128x128xf32, #tpu.memory_space<hbm>>) target_semaphore(%run_scoped3A : memref<!tpu.dma_semaphore, #tpu.memory_space<semaphore_mem>>)
        %dma_wait3A = arith.constant 0 : i32
        %dma_wait3A_38 = tpu.memref_slice %arg5[%arg0, %add3A, %dma_wait3A] : memref<2x10240x128xf32, #tpu.memory_space<hbm>> -> memref<1x128x128xf32, #tpu.memory_space<hbm>>
        %dma_wait3A_39 = tpu.memref_squeeze %dma_wait3A_38 : memref<1x128x128xf32, #tpu.memory_space<hbm>> -> memref<128x128xf32, #tpu.memory_space<hbm>>
        %dma_wait3A_40 = arith.constant 0 : i32
        %dma_wait3A_41 = tpu.memref_slice %arg5[%arg0, %add3A, %dma_wait3A_40] : memref<2x10240x128xf32, #tpu.memory_space<hbm>> -> memref<1x128x128xf32, #tpu.memory_space<hbm>>
        %dma_wait3A_42 = tpu.memref_squeeze %dma_wait3A_41 : memref<1x128x128xf32, #tpu.memory_space<hbm>> -> memref<128x128xf32, #tpu.memory_space<hbm>>
        tpu.wait_dma2 semaphore(%run_scoped3A : memref<!tpu.dma_semaphore, #tpu.memory_space<semaphore_mem>>) src(%arg8 : memref<128x128xf32, #tpu.memory_space<vmem>>) dst(%dma_wait3A_42 : memref<128x128xf32, #tpu.memory_space<hbm>>)
        tpu.yield
      }) : () -> ()
    }
    %scan3A_29 = arith.constant 5 : i32
    return
  }
}

#map = affine_map<(d0, d1) -> (0, 0, 0, 0)>
#map1 = affine_map<(d0, d1) -> (0, 0, 0)>
module attributes {stable_mosaic.version = 14 : i64} {
  func.func @_deg_body(%arg0: i32, %arg1: i32, %arg2: memref<2x16x80x128xi32, #tpu.memory_space<hbm>>, %arg3: memref<2x10240x128xf32, #tpu.memory_space<hbm>>, %arg4: memref<16x128xi32, #tpu.memory_space<vmem>>, %arg5: memref<128x128xf32, #tpu.memory_space<vmem>>, %arg6: memref<10240x128xf32, #tpu.memory_space<vmem_shared>>) attributes {dimension_semantics = [#tpu.dimension_semantics<core_parallel>, #tpu.dimension_semantics<subcore_parallel>], iteration_bounds = array<i64: 2, 16>, scalar_prefetch = 0 : i64, scratch_operands = 3 : i64, tpu.core_type = #tpu.core_type<sc_vector_subcore>, window_params = [{transform_indices = #map}, {transform_indices = #map1}]} {
    %scan3A = arith.constant 0 : i32
    %scan3A_0 = arith.constant 0 : i32
    %scan3A_1 = arith.constant 128 : i32
    %scan3A_2 = arith.addi %scan3A_0, %scan3A_1 : i32
    %scan3A_3 = arith.constant 1 : i32
    scf.for %scan3A_31 = %scan3A_0 to %scan3A_2 step %scan3A_3  : i32 {
      %broadcast_in_dim3A = arith.constant 0.000000e+00 : f32
      %broadcast_in_dim3A_32 = vector.broadcast %broadcast_in_dim3A : f32 to vector<16xf32>
      %swap3A = arith.index_cast %scan3A_31 : i32 to index
      %swap3A_33 = arith.constant 0 : index
      %swap3A_34 = tpu.vector_load %arg5[%swap3A, %swap3A_33] {strides = array<i32>} : memref<128x128xf32, #tpu.memory_space<vmem>>, vector<1x16xf32>,
      %swap3A_35 = vector.shape_cast %swap3A_34 : vector<1x16xf32> to vector<16xf32>
      %swap3A_36 = vector.shape_cast %broadcast_in_dim3A_32 : vector<16xf32> to vector<1x16xf32>
      tpu.vector_store %arg5[%swap3A, %swap3A_33], %swap3A_36 {strides = array<i32>} : memref<128x128xf32, #tpu.memory_space<vmem>>, vector<1x16xf32>,
      %broadcast_in_dim3A_37 = arith.constant 0.000000e+00 : f32
      %broadcast_in_dim3A_38 = vector.broadcast %broadcast_in_dim3A_37 : f32 to vector<16xf32>
      %swap3A_39 = arith.index_cast %scan3A_31 : i32 to index
      %swap3A_40 = arith.constant 16 : index
      %swap3A_41 = tpu.vector_load %arg5[%swap3A_39, %swap3A_40] {strides = array<i32>} : memref<128x128xf32, #tpu.memory_space<vmem>>, vector<1x16xf32>,
      %swap3A_42 = vector.shape_cast %swap3A_41 : vector<1x16xf32> to vector<16xf32>
      %swap3A_43 = vector.shape_cast %broadcast_in_dim3A_38 : vector<16xf32> to vector<1x16xf32>
      tpu.vector_store %arg5[%swap3A_39, %swap3A_40], %swap3A_43 {strides = array<i32>} : memref<128x128xf32, #tpu.memory_space<vmem>>, vector<1x16xf32>,
      %broadcast_in_dim3A_44 = arith.constant 0.000000e+00 : f32
      %broadcast_in_dim3A_45 = vector.broadcast %broadcast_in_dim3A_44 : f32 to vector<16xf32>
      %swap3A_46 = arith.index_cast %scan3A_31 : i32 to index
      %swap3A_47 = arith.constant 32 : index
      %swap3A_48 = tpu.vector_load %arg5[%swap3A_46, %swap3A_47] {strides = array<i32>} : memref<128x128xf32, #tpu.memory_space<vmem>>, vector<1x16xf32>,
      %swap3A_49 = vector.shape_cast %swap3A_48 : vector<1x16xf32> to vector<16xf32>
      %swap3A_50 = vector.shape_cast %broadcast_in_dim3A_45 : vector<16xf32> to vector<1x16xf32>
      tpu.vector_store %arg5[%swap3A_46, %swap3A_47], %swap3A_50 {strides = array<i32>} : memref<128x128xf32, #tpu.memory_space<vmem>>, vector<1x16xf32>,
      %broadcast_in_dim3A_51 = arith.constant 0.000000e+00 : f32
      %broadcast_in_dim3A_52 = vector.broadcast %broadcast_in_dim3A_51 : f32 to vector<16xf32>
      %swap3A_53 = arith.index_cast %scan3A_31 : i32 to index
      %swap3A_54 = arith.constant 48 : index
      %swap3A_55 = tpu.vector_load %arg5[%swap3A_53, %swap3A_54] {strides = array<i32>} : memref<128x128xf32, #tpu.memory_space<vmem>>, vector<1x16xf32>,
      %swap3A_56 = vector.shape_cast %swap3A_55 : vector<1x16xf32> to vector<16xf32>
      %swap3A_57 = vector.shape_cast %broadcast_in_dim3A_52 : vector<16xf32> to vector<1x16xf32>
      tpu.vector_store %arg5[%swap3A_53, %swap3A_54], %swap3A_57 {strides = array<i32>} : memref<128x128xf32, #tpu.memory_space<vmem>>, vector<1x16xf32>,
      %broadcast_in_dim3A_58 = arith.constant 0.000000e+00 : f32
      %broadcast_in_dim3A_59 = vector.broadcast %broadcast_in_dim3A_58 : f32 to vector<16xf32>
      %swap3A_60 = arith.index_cast %scan3A_31 : i32 to index
      %swap3A_61 = arith.constant 64 : index
      %swap3A_62 = tpu.vector_load %arg5[%swap3A_60, %swap3A_61] {strides = array<i32>} : memref<128x128xf32, #tpu.memory_space<vmem>>, vector<1x16xf32>,
      %swap3A_63 = vector.shape_cast %swap3A_62 : vector<1x16xf32> to vector<16xf32>
      %swap3A_64 = vector.shape_cast %broadcast_in_dim3A_59 : vector<16xf32> to vector<1x16xf32>
      tpu.vector_store %arg5[%swap3A_60, %swap3A_61], %swap3A_64 {strides = array<i32>} : memref<128x128xf32, #tpu.memory_space<vmem>>, vector<1x16xf32>,
      %broadcast_in_dim3A_65 = arith.constant 0.000000e+00 : f32
      %broadcast_in_dim3A_66 = vector.broadcast %broadcast_in_dim3A_65 : f32 to vector<16xf32>
      %swap3A_67 = arith.index_cast %scan3A_31 : i32 to index
      %swap3A_68 = arith.constant 80 : index
      %swap3A_69 = tpu.vector_load %arg5[%swap3A_67, %swap3A_68] {strides = array<i32>} : memref<128x128xf32, #tpu.memory_space<vmem>>, vector<1x16xf32>,
      %swap3A_70 = vector.shape_cast %swap3A_69 : vector<1x16xf32> to vector<16xf32>
      %swap3A_71 = vector.shape_cast %broadcast_in_dim3A_66 : vector<16xf32> to vector<1x16xf32>
      tpu.vector_store %arg5[%swap3A_67, %swap3A_68], %swap3A_71 {strides = array<i32>} : memref<128x128xf32, #tpu.memory_space<vmem>>, vector<1x16xf32>,
      %broadcast_in_dim3A_72 = arith.constant 0.000000e+00 : f32
      %broadcast_in_dim3A_73 = vector.broadcast %broadcast_in_dim3A_72 : f32 to vector<16xf32>
      %swap3A_74 = arith.index_cast %scan3A_31 : i32 to index
      %swap3A_75 = arith.constant 96 : index
      %swap3A_76 = tpu.vector_load %arg5[%swap3A_74, %swap3A_75] {strides = array<i32>} : memref<128x128xf32, #tpu.memory_space<vmem>>, vector<1x16xf32>,
      %swap3A_77 = vector.shape_cast %swap3A_76 : vector<1x16xf32> to vector<16xf32>
      %swap3A_78 = vector.shape_cast %broadcast_in_dim3A_73 : vector<16xf32> to vector<1x16xf32>
      tpu.vector_store %arg5[%swap3A_74, %swap3A_75], %swap3A_78 {strides = array<i32>} : memref<128x128xf32, #tpu.memory_space<vmem>>, vector<1x16xf32>,
      %broadcast_in_dim3A_79 = arith.constant 0.000000e+00 : f32
      %broadcast_in_dim3A_80 = vector.broadcast %broadcast_in_dim3A_79 : f32 to vector<16xf32>
      %swap3A_81 = arith.index_cast %scan3A_31 : i32 to index
      %swap3A_82 = arith.constant 112 : index
      %swap3A_83 = tpu.vector_load %arg5[%swap3A_81, %swap3A_82] {strides = array<i32>} : memref<128x128xf32, #tpu.memory_space<vmem>>, vector<1x16xf32>,
      %swap3A_84 = vector.shape_cast %swap3A_83 : vector<1x16xf32> to vector<16xf32>
      %swap3A_85 = vector.shape_cast %broadcast_in_dim3A_80 : vector<16xf32> to vector<1x16xf32>
      tpu.vector_store %arg5[%swap3A_81, %swap3A_82], %swap3A_85 {strides = array<i32>} : memref<128x128xf32, #tpu.memory_space<vmem>>, vector<1x16xf32>,
    }
    %scan3A_4 = arith.constant 128 : i32
    %mul3A = arith.constant 640 : i32
    %mul3A_5 = arith.muli %arg1, %mul3A : i32
    %scan3A_6 = arith.constant 0 : i32
    %scan3A_7 = arith.constant 0 : i32
    %scan3A_8 = arith.constant 5 : i32
    %scan3A_9 = arith.addi %scan3A_7, %scan3A_8 : i32
    %scan3A_10 = arith.constant 1 : i32
    scf.for %scan3A_31 = %scan3A_7 to %scan3A_9 step %scan3A_10  : i32 {
      %mul3A_32 = arith.constant 128 : i32
      %mul3A_33 = arith.muli %scan3A_31, %mul3A_32 : i32
      %add3A = arith.addi %mul3A_5, %mul3A_33 : i32
      "tpu.region"() ({
        %run_scoped3A = tpu.sem_alloc : memref<!tpu.dma_semaphore, #tpu.memory_space<semaphore_mem>>
        %dma_start3A = arith.constant 0 : i32
        %dma_start3A_34 = tpu.memref_slice %arg6[%add3A, %dma_start3A] : memref<10240x128xf32, #tpu.memory_space<vmem_shared>> -> memref<128x128xf32, #tpu.memory_space<vmem_shared>>
        %dma_start3A_35 = arith.constant 0 : i32
        %dma_start3A_36 = tpu.memref_slice %arg6[%add3A, %dma_start3A_35] : memref<10240x128xf32, #tpu.memory_space<vmem_shared>> -> memref<128x128xf32, #tpu.memory_space<vmem_shared>>
        tpu.enqueue_dma source(%arg5 : memref<128x128xf32, #tpu.memory_space<vmem>>) target(%dma_start3A_36 : memref<128x128xf32, #tpu.memory_space<vmem_shared>>) target_semaphore(%run_scoped3A : memref<!tpu.dma_semaphore, #tpu.memory_space<semaphore_mem>>)
        %dma_wait3A = arith.constant 0 : i32
        %dma_wait3A_37 = tpu.memref_slice %arg6[%add3A, %dma_wait3A] : memref<10240x128xf32, #tpu.memory_space<vmem_shared>> -> memref<128x128xf32, #tpu.memory_space<vmem_shared>>
        %dma_wait3A_38 = arith.constant 0 : i32
        %dma_wait3A_39 = tpu.memref_slice %arg6[%add3A, %dma_wait3A_38] : memref<10240x128xf32, #tpu.memory_space<vmem_shared>> -> memref<128x128xf32, #tpu.memory_space<vmem_shared>>
        tpu.wait_dma2 semaphore(%run_scoped3A : memref<!tpu.dma_semaphore, #tpu.memory_space<semaphore_mem>>) src(%arg5 : memref<128x128xf32, #tpu.memory_space<vmem>>) dst(%dma_wait3A_39 : memref<128x128xf32, #tpu.memory_space<vmem_shared>>)
        tpu.yield
      }) : () -> ()
    }
    %scan3A_11 = arith.constant 5 : i32
    %scan3A_12 = arith.constant 0 : i32
    %scan3A_13 = arith.constant 0 : i32
    %scan3A_14 = arith.constant 128 : i32
    %scan3A_15 = arith.addi %scan3A_13, %scan3A_14 : i32
    %scan3A_16 = arith.constant 1 : i32
    scf.for %scan3A_31 = %scan3A_13 to %scan3A_15 step %scan3A_16  : i32 {
      %broadcast_in_dim3A = arith.constant 1.000000e+00 : f32
      %broadcast_in_dim3A_32 = vector.broadcast %broadcast_in_dim3A : f32 to vector<16xf32>
      %swap3A = arith.index_cast %scan3A_31 : i32 to index
      %swap3A_33 = arith.constant 0 : index
      %swap3A_34 = tpu.vector_load %arg5[%swap3A, %swap3A_33] {strides = array<i32>} : memref<128x128xf32, #tpu.memory_space<vmem>>, vector<1x16xf32>,
      %swap3A_35 = vector.shape_cast %swap3A_34 : vector<1x16xf32> to vector<16xf32>
      %swap3A_36 = vector.shape_cast %broadcast_in_dim3A_32 : vector<16xf32> to vector<1x16xf32>
      tpu.vector_store %arg5[%swap3A, %swap3A_33], %swap3A_36 {strides = array<i32>} : memref<128x128xf32, #tpu.memory_space<vmem>>, vector<1x16xf32>,
      %broadcast_in_dim3A_37 = arith.constant 1.000000e+00 : f32
      %broadcast_in_dim3A_38 = vector.broadcast %broadcast_in_dim3A_37 : f32 to vector<16xf32>
      %swap3A_39 = arith.index_cast %scan3A_31 : i32 to index
      %swap3A_40 = arith.constant 16 : index
      %swap3A_41 = tpu.vector_load %arg5[%swap3A_39, %swap3A_40] {strides = array<i32>} : memref<128x128xf32, #tpu.memory_space<vmem>>, vector<1x16xf32>,
      %swap3A_42 = vector.shape_cast %swap3A_41 : vector<1x16xf32> to vector<16xf32>
      %swap3A_43 = vector.shape_cast %broadcast_in_dim3A_38 : vector<16xf32> to vector<1x16xf32>
      tpu.vector_store %arg5[%swap3A_39, %swap3A_40], %swap3A_43 {strides = array<i32>} : memref<128x128xf32, #tpu.memory_space<vmem>>, vector<1x16xf32>,
      %broadcast_in_dim3A_44 = arith.constant 1.000000e+00 : f32
      %broadcast_in_dim3A_45 = vector.broadcast %broadcast_in_dim3A_44 : f32 to vector<16xf32>
      %swap3A_46 = arith.index_cast %scan3A_31 : i32 to index
      %swap3A_47 = arith.constant 32 : index
      %swap3A_48 = tpu.vector_load %arg5[%swap3A_46, %swap3A_47] {strides = array<i32>} : memref<128x128xf32, #tpu.memory_space<vmem>>, vector<1x16xf32>,
      %swap3A_49 = vector.shape_cast %swap3A_48 : vector<1x16xf32> to vector<16xf32>
      %swap3A_50 = vector.shape_cast %broadcast_in_dim3A_45 : vector<16xf32> to vector<1x16xf32>
      tpu.vector_store %arg5[%swap3A_46, %swap3A_47], %swap3A_50 {strides = array<i32>} : memref<128x128xf32, #tpu.memory_space<vmem>>, vector<1x16xf32>,
      %broadcast_in_dim3A_51 = arith.constant 1.000000e+00 : f32
      %broadcast_in_dim3A_52 = vector.broadcast %broadcast_in_dim3A_51 : f32 to vector<16xf32>
      %swap3A_53 = arith.index_cast %scan3A_31 : i32 to index
      %swap3A_54 = arith.constant 48 : index
      %swap3A_55 = tpu.vector_load %arg5[%swap3A_53, %swap3A_54] {strides = array<i32>} : memref<128x128xf32, #tpu.memory_space<vmem>>, vector<1x16xf32>,
      %swap3A_56 = vector.shape_cast %swap3A_55 : vector<1x16xf32> to vector<16xf32>
      %swap3A_57 = vector.shape_cast %broadcast_in_dim3A_52 : vector<16xf32> to vector<1x16xf32>
      tpu.vector_store %arg5[%swap3A_53, %swap3A_54], %swap3A_57 {strides = array<i32>} : memref<128x128xf32, #tpu.memory_space<vmem>>, vector<1x16xf32>,
      %broadcast_in_dim3A_58 = arith.constant 1.000000e+00 : f32
      %broadcast_in_dim3A_59 = vector.broadcast %broadcast_in_dim3A_58 : f32 to vector<16xf32>
      %swap3A_60 = arith.index_cast %scan3A_31 : i32 to index
      %swap3A_61 = arith.constant 64 : index
      %swap3A_62 = tpu.vector_load %arg5[%swap3A_60, %swap3A_61] {strides = array<i32>} : memref<128x128xf32, #tpu.memory_space<vmem>>, vector<1x16xf32>,
      %swap3A_63 = vector.shape_cast %swap3A_62 : vector<1x16xf32> to vector<16xf32>
      %swap3A_64 = vector.shape_cast %broadcast_in_dim3A_59 : vector<16xf32> to vector<1x16xf32>
      tpu.vector_store %arg5[%swap3A_60, %swap3A_61], %swap3A_64 {strides = array<i32>} : memref<128x128xf32, #tpu.memory_space<vmem>>, vector<1x16xf32>,
      %broadcast_in_dim3A_65 = arith.constant 1.000000e+00 : f32
      %broadcast_in_dim3A_66 = vector.broadcast %broadcast_in_dim3A_65 : f32 to vector<16xf32>
      %swap3A_67 = arith.index_cast %scan3A_31 : i32 to index
      %swap3A_68 = arith.constant 80 : index
      %swap3A_69 = tpu.vector_load %arg5[%swap3A_67, %swap3A_68] {strides = array<i32>} : memref<128x128xf32, #tpu.memory_space<vmem>>, vector<1x16xf32>,
      %swap3A_70 = vector.shape_cast %swap3A_69 : vector<1x16xf32> to vector<16xf32>
      %swap3A_71 = vector.shape_cast %broadcast_in_dim3A_66 : vector<16xf32> to vector<1x16xf32>
      tpu.vector_store %arg5[%swap3A_67, %swap3A_68], %swap3A_71 {strides = array<i32>} : memref<128x128xf32, #tpu.memory_space<vmem>>, vector<1x16xf32>,
      %broadcast_in_dim3A_72 = arith.constant 1.000000e+00 : f32
      %broadcast_in_dim3A_73 = vector.broadcast %broadcast_in_dim3A_72 : f32 to vector<16xf32>
      %swap3A_74 = arith.index_cast %scan3A_31 : i32 to index
      %swap3A_75 = arith.constant 96 : index
      %swap3A_76 = tpu.vector_load %arg5[%swap3A_74, %swap3A_75] {strides = array<i32>} : memref<128x128xf32, #tpu.memory_space<vmem>>, vector<1x16xf32>,
      %swap3A_77 = vector.shape_cast %swap3A_76 : vector<1x16xf32> to vector<16xf32>
      %swap3A_78 = vector.shape_cast %broadcast_in_dim3A_73 : vector<16xf32> to vector<1x16xf32>
      tpu.vector_store %arg5[%swap3A_74, %swap3A_75], %swap3A_78 {strides = array<i32>} : memref<128x128xf32, #tpu.memory_space<vmem>>, vector<1x16xf32>,
      %broadcast_in_dim3A_79 = arith.constant 1.000000e+00 : f32
      %broadcast_in_dim3A_80 = vector.broadcast %broadcast_in_dim3A_79 : f32 to vector<16xf32>
      %swap3A_81 = arith.index_cast %scan3A_31 : i32 to index
      %swap3A_82 = arith.constant 112 : index
      %swap3A_83 = tpu.vector_load %arg5[%swap3A_81, %swap3A_82] {strides = array<i32>} : memref<128x128xf32, #tpu.memory_space<vmem>>, vector<1x16xf32>,
      %swap3A_84 = vector.shape_cast %swap3A_83 : vector<1x16xf32> to vector<16xf32>
      %swap3A_85 = vector.shape_cast %broadcast_in_dim3A_80 : vector<16xf32> to vector<1x16xf32>
      tpu.vector_store %arg5[%swap3A_81, %swap3A_82], %swap3A_85 {strides = array<i32>} : memref<128x128xf32, #tpu.memory_space<vmem>>, vector<1x16xf32>,
    }
    %scan3A_17 = arith.constant 128 : i32
    %barrier3A = arith.constant 0 : index
    tpu.barrier barrier_id(%barrier3A)
    %scan3A_18 = arith.constant 0 : i32
    %scan3A_19 = arith.constant 0 : i32
    %scan3A_20 = arith.constant 5 : i32
    %scan3A_21 = arith.addi %scan3A_19, %scan3A_20 : i32
    %scan3A_22 = arith.constant 1 : i32
    scf.for %scan3A_31 = %scan3A_19 to %scan3A_21 step %scan3A_22  : i32 {
      %mul3A_32 = arith.constant 16 : i32
      %mul3A_33 = arith.muli %scan3A_31, %mul3A_32 : i32
      "tpu.region"() ({
        %run_scoped3A = tpu.sem_alloc : memref<!tpu.dma_semaphore, #tpu.memory_space<semaphore_mem>>
        %dma_start3A = arith.constant 0 : i32
        %dma_start3A_40 = tpu.memref_slice %arg2[%arg0, %arg1, %mul3A_33, %dma_start3A] : memref<2x16x80x128xi32, #tpu.memory_space<hbm>> -> memref<1x1x16x128xi32, #tpu.memory_space<hbm>>
        %dma_start3A_41 = tpu.memref_squeeze %dma_start3A_40 : memref<1x1x16x128xi32, #tpu.memory_space<hbm>> -> memref<16x128xi32, #tpu.memory_space<hbm>>
        %dma_start3A_42 = arith.constant 0 : i32
        %dma_start3A_43 = tpu.memref_slice %arg2[%arg0, %arg1, %mul3A_33, %dma_start3A_42] : memref<2x16x80x128xi32, #tpu.memory_space<hbm>> -> memref<1x1x16x128xi32, #tpu.memory_space<hbm>>
        %dma_start3A_44 = tpu.memref_squeeze %dma_start3A_43 : memref<1x1x16x128xi32, #tpu.memory_space<hbm>> -> memref<16x128xi32, #tpu.memory_space<hbm>>
        tpu.enqueue_dma source(%dma_start3A_44 : memref<16x128xi32, #tpu.memory_space<hbm>>) target(%arg4 : memref<16x128xi32, #tpu.memory_space<vmem>>) target_semaphore(%run_scoped3A : memref<!tpu.dma_semaphore, #tpu.memory_space<semaphore_mem>>)
        %dma_wait3A = arith.constant 0 : i32
        %dma_wait3A_45 = tpu.memref_slice %arg2[%arg0, %arg1, %mul3A_33, %dma_wait3A] : memref<2x16x80x128xi32, #tpu.memory_space<hbm>> -> memref<1x1x16x128xi32, #tpu.memory_space<hbm>>
        %dma_wait3A_46 = tpu.memref_squeeze %dma_wait3A_45 : memref<1x1x16x128xi32, #tpu.memory_space<hbm>> -> memref<16x128xi32, #tpu.memory_space<hbm>>
        %dma_wait3A_47 = arith.constant 0 : i32
        %dma_wait3A_48 = tpu.memref_slice %arg2[%arg0, %arg1, %mul3A_33, %dma_wait3A_47] : memref<2x16x80x128xi32, #tpu.memory_space<hbm>> -> memref<1x1x16x128xi32, #tpu.memory_space<hbm>>
        %dma_wait3A_49 = tpu.memref_squeeze %dma_wait3A_48 : memref<1x1x16x128xi32, #tpu.memory_space<hbm>> -> memref<16x128xi32, #tpu.memory_space<hbm>>
        tpu.wait_dma2 semaphore(%run_scoped3A : memref<!tpu.dma_semaphore, #tpu.memory_space<semaphore_mem>>) src(%dma_wait3A_49 : memref<16x128xi32, #tpu.memory_space<hbm>>) dst(%arg4 : memref<16x128xi32, #tpu.memory_space<vmem>>)
        tpu.yield
      }) : () -> ()
      %scan3A_34 = arith.constant 0 : i32
      %scan3A_35 = arith.constant 0 : i32
      %scan3A_36 = arith.constant 16 : i32
      %scan3A_37 = arith.addi %scan3A_35, %scan3A_36 : i32
      %scan3A_38 = arith.constant 1 : i32
      scf.for %scan3A_40 = %scan3A_35 to %scan3A_37 step %scan3A_38  : i32 {
        "tpu.region"() ({
          %run_scoped3A = tpu.sem_alloc : memref<!tpu.dma_semaphore, #tpu.memory_space<semaphore_mem>>
          %dma_start3A = arith.constant 0 : i32
          %dma_start3A_41 = tpu.memref_slice %arg4[%scan3A_40, %dma_start3A] : memref<16x128xi32, #tpu.memory_space<vmem>> -> memref<1x128xi32, #tpu.memory_space<vmem>>
          %dma_start3A_42 = tpu.memref_squeeze %dma_start3A_41 : memref<1x128xi32, #tpu.memory_space<vmem>> -> memref<128xi32, #tpu.memory_space<vmem>>
          %dma_start3A_43 = arith.constant 0 : i32
          %dma_start3A_44 = arith.constant 0 : i32
          %dma_start3A_45 = tpu.memref_slice %arg6[%dma_start3A_43, %dma_start3A_44] : memref<10240x128xf32, #tpu.memory_space<vmem_shared>> -> memref<10240x128xf32, #tpu.memory_space<vmem_shared>>
          tpu.enqueue_indirect_dma source(%arg5 : memref<128x128xf32, #tpu.memory_space<vmem>>) target(%dma_start3A_45 : memref<10240x128xf32, #tpu.memory_space<vmem_shared>>) offsets(%dma_start3A_42 : memref<128xi32, #tpu.memory_space<vmem>>) semaphore(%run_scoped3A : memref<!tpu.dma_semaphore, #tpu.memory_space<semaphore_mem>>) {add = true}
          %dma_wait3A = arith.constant 0 : i32
          %dma_wait3A_46 = tpu.memref_slice %arg4[%scan3A_40, %dma_wait3A] : memref<16x128xi32, #tpu.memory_space<vmem>> -> memref<1x128xi32, #tpu.memory_space<vmem>>
          %dma_wait3A_47 = tpu.memref_squeeze %dma_wait3A_46 : memref<1x128xi32, #tpu.memory_space<vmem>> -> memref<128xi32, #tpu.memory_space<vmem>>
          %dma_wait3A_48 = arith.constant 0 : i32
          %dma_wait3A_49 = arith.constant 0 : i32
          %dma_wait3A_50 = tpu.memref_slice %arg6[%dma_wait3A_48, %dma_wait3A_49] : memref<10240x128xf32, #tpu.memory_space<vmem_shared>> -> memref<10240x128xf32, #tpu.memory_space<vmem_shared>>
          tpu.wait_indirect_dma semaphore(%run_scoped3A : memref<!tpu.dma_semaphore, #tpu.memory_space<semaphore_mem>>) src(%arg5 : memref<128x128xf32, #tpu.memory_space<vmem>>) dst(%dma_wait3A_50 : memref<10240x128xf32, #tpu.memory_space<vmem_shared>>)
          tpu.yield
        }) : () -> ()
      }
      %scan3A_39 = arith.constant 16 : i32
    }
    %scan3A_23 = arith.constant 5 : i32
    %barrier3A_24 = arith.constant 0 : index
    tpu.barrier barrier_id(%barrier3A_24)
    %scan3A_25 = arith.constant 0 : i32
    %scan3A_26 = arith.constant 0 : i32
    %scan3A_27 = arith.constant 5 : i32
    %scan3A_28 = arith.addi %scan3A_26, %scan3A_27 : i32
    %scan3A_29 = arith.constant 1 : i32
    scf.for %scan3A_31 = %scan3A_26 to %scan3A_28 step %scan3A_29  : i32 {
      %mul3A_32 = arith.constant 128 : i32
      %mul3A_33 = arith.muli %scan3A_31, %mul3A_32 : i32
      %add3A = arith.addi %mul3A_5, %mul3A_33 : i32
      "tpu.region"() ({
        %run_scoped3A = tpu.sem_alloc : memref<!tpu.dma_semaphore, #tpu.memory_space<semaphore_mem>>
        %dma_start3A = arith.constant 0 : i32
        %dma_start3A_34 = tpu.memref_slice %arg6[%add3A, %dma_start3A] : memref<10240x128xf32, #tpu.memory_space<vmem_shared>> -> memref<128x128xf32, #tpu.memory_space<vmem_shared>>
        %dma_start3A_35 = arith.constant 0 : i32
        %dma_start3A_36 = tpu.memref_slice %arg6[%add3A, %dma_start3A_35] : memref<10240x128xf32, #tpu.memory_space<vmem_shared>> -> memref<128x128xf32, #tpu.memory_space<vmem_shared>>
        tpu.enqueue_dma source(%dma_start3A_36 : memref<128x128xf32, #tpu.memory_space<vmem_shared>>) target(%arg5 : memref<128x128xf32, #tpu.memory_space<vmem>>) target_semaphore(%run_scoped3A : memref<!tpu.dma_semaphore, #tpu.memory_space<semaphore_mem>>)
        %dma_wait3A = arith.constant 0 : i32
        %dma_wait3A_37 = tpu.memref_slice %arg6[%add3A, %dma_wait3A] : memref<10240x128xf32, #tpu.memory_space<vmem_shared>> -> memref<128x128xf32, #tpu.memory_space<vmem_shared>>
        %dma_wait3A_38 = arith.constant 0 : i32
        %dma_wait3A_39 = tpu.memref_slice %arg6[%add3A, %dma_wait3A_38] : memref<10240x128xf32, #tpu.memory_space<vmem_shared>> -> memref<128x128xf32, #tpu.memory_space<vmem_shared>>
        tpu.wait_dma2 semaphore(%run_scoped3A : memref<!tpu.dma_semaphore, #tpu.memory_space<semaphore_mem>>) src(%dma_wait3A_39 : memref<128x128xf32, #tpu.memory_space<vmem_shared>>) dst(%arg5 : memref<128x128xf32, #tpu.memory_space<vmem>>)
        tpu.yield
      }) : () -> ()
      "tpu.region"() ({
        %run_scoped3A = tpu.sem_alloc : memref<!tpu.dma_semaphore, #tpu.memory_space<semaphore_mem>>
        %dma_start3A = arith.constant 0 : i32
        %dma_start3A_34 = tpu.memref_slice %arg3[%arg0, %add3A, %dma_start3A] : memref<2x10240x128xf32, #tpu.memory_space<hbm>> -> memref<1x128x128xf32, #tpu.memory_space<hbm>>
        %dma_start3A_35 = tpu.memref_squeeze %dma_start3A_34 : memref<1x128x128xf32, #tpu.memory_space<hbm>> -> memref<128x128xf32, #tpu.memory_space<hbm>>
        %dma_start3A_36 = arith.constant 0 : i32
        %dma_start3A_37 = tpu.memref_slice %arg3[%arg0, %add3A, %dma_start3A_36] : memref<2x10240x128xf32, #tpu.memory_space<hbm>> -> memref<1x128x128xf32, #tpu.memory_space<hbm>>
        %dma_start3A_38 = tpu.memref_squeeze %dma_start3A_37 : memref<1x128x128xf32, #tpu.memory_space<hbm>> -> memref<128x128xf32, #tpu.memory_space<hbm>>
        tpu.enqueue_dma source(%arg5 : memref<128x128xf32, #tpu.memory_space<vmem>>) target(%dma_start3A_38 : memref<128x128xf32, #tpu.memory_space<hbm>>) target_semaphore(%run_scoped3A : memref<!tpu.dma_semaphore, #tpu.memory_space<semaphore_mem>>)
        %dma_wait3A = arith.constant 0 : i32
        %dma_wait3A_39 = tpu.memref_slice %arg3[%arg0, %add3A, %dma_wait3A] : memref<2x10240x128xf32, #tpu.memory_space<hbm>> -> memref<1x128x128xf32, #tpu.memory_space<hbm>>
        %dma_wait3A_40 = tpu.memref_squeeze %dma_wait3A_39 : memref<1x128x128xf32, #tpu.memory_space<hbm>> -> memref<128x128xf32, #tpu.memory_space<hbm>>
        %dma_wait3A_41 = arith.constant 0 : i32
        %dma_wait3A_42 = tpu.memref_slice %arg3[%arg0, %add3A, %dma_wait3A_41] : memref<2x10240x128xf32, #tpu.memory_space<hbm>> -> memref<1x128x128xf32, #tpu.memory_space<hbm>>
        %dma_wait3A_43 = tpu.memref_squeeze %dma_wait3A_42 : memref<1x128x128xf32, #tpu.memory_space<hbm>> -> memref<128x128xf32, #tpu.memory_space<hbm>>
        tpu.wait_dma2 semaphore(%run_scoped3A : memref<!tpu.dma_semaphore, #tpu.memory_space<semaphore_mem>>) src(%arg5 : memref<128x128xf32, #tpu.memory_space<vmem>>) dst(%dma_wait3A_43 : memref<128x128xf32, #tpu.memory_space<hbm>>)
        tpu.yield
      }) : () -> ()
    }
    %scan3A_30 = arith.constant 5 : i32
    return
  }
}

module attributes {stable_mosaic.version = 14 : i64} {
  func.func @_matmul_body(%arg0: i32, %arg1: memref<2000x128xf32, #tpu.memory_space<vmem>>, %arg2: memref<128x128xf32, #tpu.memory_space<vmem>>, %arg3: memref<2000x128xf32, #tpu.memory_space<vmem>>) attributes {dimension_semantics = [#tpu.dimension_semantics<arbitrary>], iteration_bounds = array<i64: 5>, scalar_prefetch = 0 : i64, scratch_operands = 0 : i64, tpu.core_type = #tpu.core_type<tc>, window_params = [{transform_indices = @transform_0, window_bounds = array<i64: 2000, 128>}, {pipeline_mode = #tpu.pipeline_mode<synchronous>, transform_indices = @transform_1, window_bounds = array<i64: 128, 128>}, {transform_indices = @transform_2, window_bounds = array<i64: 2000, 128>}]} {
    %get3A = arith.constant 0 : index
    %get3A_0 = arith.constant 0 : index
    %get3A_1 = vector.load %arg1[%get3A, %get3A_0] : memref<2000x128xf32, #tpu.memory_space<vmem>>, vector<2000x128xf32>
    %get3A_2 = arith.constant 0 : index
    %get3A_3 = arith.constant 0 : index
    %get3A_4 = vector.load %arg2[%get3A_2, %get3A_3] : memref<128x128xf32, #tpu.memory_space<vmem>>, vector<128x128xf32>
    %dot_general3A = arith.constant dense<0.000000e+00> : vector<2000x128xf32>
    %dot_general3A_5 = tpu.matmul %get3A_1, %get3A_4, %dot_general3A {dimension_numbers = #tpu.dot_dimension_numbers<[1], [0], [0], [1], [0, 0, 1, 1], [], []>, transpose_lhs_hint = false} : vector<2000x128xf32>, vector<128x128xf32>, vector<2000x128xf32> -> vector<2000x128xf32>
    %swap3A = arith.constant 0 : index
    %swap3A_6 = arith.constant 0 : index
    %swap3A_7 = vector.load %arg3[%swap3A, %swap3A_6] : memref<2000x128xf32, #tpu.memory_space<vmem>>, vector<2000x128xf32>
    tpu.vector_store %arg3[%swap3A, %swap3A_6], %dot_general3A_5 {strides = array<i32>} : memref<2000x128xf32, #tpu.memory_space<vmem>>, vector<2000x128xf32>,
    return
  }
  func.func @transform_0(%arg0: i32) -> (i32, i32) {
    %c0_i32 = arith.constant 0 : i32
    %c0_i32_0 = arith.constant 0 : i32
    return %arg0, %c0_i32 : i32, i32
  }
  func.func @transform_1(%arg0: i32) -> (i32, i32) {
    %c0_i32 = arith.constant 0 : i32
    %c0_i32_0 = arith.constant 0 : i32
    %c0_i32_1 = arith.constant 0 : i32
    return %c0_i32, %c0_i32_0 : i32, i32
  }
  func.func @transform_2(%arg0: i32) -> (i32, i32) {
    %c0_i32 = arith.constant 0 : i32
    %c0_i32_0 = arith.constant 0 : i32
    return %arg0, %c0_i32 : i32, i32
  }
}

module attributes {stable_mosaic.version = 14 : i64} {
  func.func @_combine_body(%arg0: i32, %arg1: memref<2000x128xf32, #tpu.memory_space<vmem>>, %arg2: memref<128x128xf32, #tpu.memory_space<vmem>>, %arg3: memref<1x128xf32, #tpu.memory_space<vmem>>, %arg4: memref<2x2000x128xf32, #tpu.memory_space<vmem>>, %arg5: memref<2x2000x128xf32, #tpu.memory_space<vmem>>, %arg6: memref<2000x128xf32, #tpu.memory_space<vmem>>) attributes {dimension_semantics = [#tpu.dimension_semantics<arbitrary>], iteration_bounds = array<i64: 5>, scalar_prefetch = 0 : i64, scratch_operands = 0 : i64, tpu.core_type = #tpu.core_type<tc>, window_params = [{transform_indices = @transform_0, window_bounds = array<i64: 2000, 128>}, {pipeline_mode = #tpu.pipeline_mode<synchronous>, transform_indices = @transform_1, window_bounds = array<i64: 128, 128>}, {pipeline_mode = #tpu.pipeline_mode<synchronous>, transform_indices = @transform_2, window_bounds = array<i64: 1, 128>}, {transform_indices = @transform_3, window_bounds = array<i64: 2, 2000, 128>}, {transform_indices = @transform_4, window_bounds = array<i64: 2, 2000, 128>}, {transform_indices = @transform_5, window_bounds = array<i64: 2000, 128>}]} {
    %get3A = arith.constant 0 : index
    %get3A_0 = arith.constant 0 : index
    %get3A_1 = arith.constant 0 : index
    %get3A_2 = vector.load %arg4[%get3A, %get3A_0, %get3A_1] : memref<2x2000x128xf32, #tpu.memory_space<vmem>>, vector<1x2000x128xf32>
    %get3A_3 = vector.shape_cast %get3A_2 : vector<1x2000x128xf32> to vector<2000x128xf32>
    %get3A_4 = arith.constant 1 : index
    %get3A_5 = arith.constant 0 : index
    %get3A_6 = arith.constant 0 : index
    %get3A_7 = vector.load %arg4[%get3A_4, %get3A_5, %get3A_6] : memref<2x2000x128xf32, #tpu.memory_space<vmem>>, vector<1x2000x128xf32>
    %get3A_8 = vector.shape_cast %get3A_7 : vector<1x2000x128xf32> to vector<2000x128xf32>
    %add3A = arith.addf %get3A_3, %get3A_8 : vector<2000x128xf32>
    %get3A_9 = arith.constant 0 : index
    %get3A_10 = arith.constant 0 : index
    %get3A_11 = arith.constant 0 : index
    %get3A_12 = vector.load %arg5[%get3A_9, %get3A_10, %get3A_11] : memref<2x2000x128xf32, #tpu.memory_space<vmem>>, vector<1x2000x1xf32>
    %get3A_13 = vector.shape_cast %get3A_12 : vector<1x2000x1xf32> to vector<2000x1xf32>
    %get3A_14 = arith.constant 1 : index
    %get3A_15 = arith.constant 0 : index
    %get3A_16 = arith.constant 0 : index
    %get3A_17 = vector.load %arg5[%get3A_14, %get3A_15, %get3A_16] : memref<2x2000x128xf32, #tpu.memory_space<vmem>>, vector<1x2000x1xf32>
    %get3A_18 = vector.shape_cast %get3A_17 : vector<1x2000x1xf32> to vector<2000x1xf32>
    %add3A_19 = arith.addf %get3A_13, %get3A_18 : vector<2000x1xf32>
    %max3A = arith.constant 1.000000e+00 : f32
    %max3A_20 = vector.broadcast %max3A : f32 to vector<2000x1xf32>
    %max3A_21 = arith.maximumf %add3A_19, %max3A_20 : vector<2000x1xf32>
    %div3A = arith.constant 1.000000e+00 : f32
    %div3A_22 = vector.broadcast %div3A : f32 to vector<2000x1xf32>
    %div3A_23 = arith.divf %div3A_22, %max3A_21 : vector<2000x1xf32>
    %get3A_24 = arith.constant 0 : index
    %get3A_25 = arith.constant 0 : index
    %get3A_26 = vector.load %arg1[%get3A_24, %get3A_25] : memref<2000x128xf32, #tpu.memory_space<vmem>>, vector<2000x128xf32>
    %get3A_27 = arith.constant 0 : index
    %get3A_28 = arith.constant 0 : index
    %get3A_29 = vector.load %arg2[%get3A_27, %get3A_28] : memref<128x128xf32, #tpu.memory_space<vmem>>, vector<128x128xf32>
    %dot_general3A = arith.constant dense<0.000000e+00> : vector<2000x128xf32>
    %dot_general3A_30 = tpu.matmul %get3A_26, %get3A_29, %dot_general3A {dimension_numbers = #tpu.dot_dimension_numbers<[1], [0], [0], [1], [0, 0, 1, 1], [], []>, transpose_lhs_hint = false} : vector<2000x128xf32>, vector<128x128xf32>, vector<2000x128xf32> -> vector<2000x128xf32>
    %get3A_31 = arith.constant 0 : index
    %get3A_32 = arith.constant 0 : index
    %get3A_33 = vector.load %arg3[%get3A_31, %get3A_32] : memref<1x128xf32, #tpu.memory_space<vmem>>, vector<1x128xf32>
    %add3A_34 = vector.broadcast %get3A_33 : vector<1x128xf32> to vector<2000x128xf32>
    %add3A_35 = arith.addf %dot_general3A_30, %add3A_34 : vector<2000x128xf32>
    %mul3A = vector.broadcast %div3A_23 : vector<2000x1xf32> to vector<2000x128xf32>
    %mul3A_36 = arith.mulf %mul3A, %add3A : vector<2000x128xf32>
    %add3A_37 = arith.addf %add3A_35, %mul3A_36 : vector<2000x128xf32>
    %max3A_38 = arith.constant 0.000000e+00 : f32
    %max3A_39 = vector.broadcast %max3A_38 : f32 to vector<2000x128xf32>
    %max3A_40 = arith.maximumf %add3A_37, %max3A_39 : vector<2000x128xf32>
    %swap3A = arith.constant 0 : index
    %swap3A_41 = arith.constant 0 : index
    %swap3A_42 = vector.load %arg6[%swap3A, %swap3A_41] : memref<2000x128xf32, #tpu.memory_space<vmem>>, vector<2000x128xf32>
    tpu.vector_store %arg6[%swap3A, %swap3A_41], %max3A_40 {strides = array<i32>} : memref<2000x128xf32, #tpu.memory_space<vmem>>, vector<2000x128xf32>,
    return
  }
  func.func @transform_0(%arg0: i32) -> (i32, i32) {
    %c0_i32 = arith.constant 0 : i32
    %c0_i32_0 = arith.constant 0 : i32
    return %arg0, %c0_i32 : i32, i32
  }
  func.func @transform_1(%arg0: i32) -> (i32, i32) {
    %c0_i32 = arith.constant 0 : i32
    %c0_i32_0 = arith.constant 0 : i32
    %c0_i32_1 = arith.constant 0 : i32
    return %c0_i32, %c0_i32_0 : i32, i32
  }
  func.func @transform_2(%arg0: i32) -> (i32, i32) {
    %c0_i32 = arith.constant 0 : i32
    %c0_i32_0 = arith.constant 0 : i32
    %c0_i32_1 = arith.constant 0 : i32
    return %c0_i32, %c0_i32_0 : i32, i32
  }
  func.func @transform_3(%arg0: i32) -> (i32, i32, i32) {
    %c0_i32 = arith.constant 0 : i32
    %c0_i32_0 = arith.constant 0 : i32
    %c0_i32_1 = arith.constant 0 : i32
    return %c0_i32, %arg0, %c0_i32_0 : i32, i32, i32
  }
  func.func @transform_4(%arg0: i32) -> (i32, i32, i32) {
    %c0_i32 = arith.constant 0 : i32
    %c0_i32_0 = arith.constant 0 : i32
    %c0_i32_1 = arith.constant 0 : i32
    return %c0_i32, %arg0, %c0_i32_0 : i32, i32, i32
  }
  func.func @transform_5(%arg0: i32) -> (i32, i32) {
    %c0_i32 = arith.constant 0 : i32
    %c0_i32_0 = arith.constant 0 : i32
    return %arg0, %c0_i32 : i32, i32
  }
}

module attributes {stable_mosaic.version = 14 : i64} {
  func.func @_combine_body(%arg0: i32, %arg1: memref<2000x128xf32, #tpu.memory_space<vmem>>, %arg2: memref<128x128xf32, #tpu.memory_space<vmem>>, %arg3: memref<1x128xf32, #tpu.memory_space<vmem>>, %arg4: memref<2x2000x128xf32, #tpu.memory_space<vmem>>, %arg5: memref<2x2000x128xf32, #tpu.memory_space<vmem>>, %arg6: memref<2000x128xf32, #tpu.memory_space<vmem>>) attributes {dimension_semantics = [#tpu.dimension_semantics<arbitrary>], iteration_bounds = array<i64: 5>, scalar_prefetch = 0 : i64, scratch_operands = 0 : i64, tpu.core_type = #tpu.core_type<tc>, window_params = [{transform_indices = @transform_0, window_bounds = array<i64: 2000, 128>}, {pipeline_mode = #tpu.pipeline_mode<synchronous>, transform_indices = @transform_1, window_bounds = array<i64: 128, 128>}, {pipeline_mode = #tpu.pipeline_mode<synchronous>, transform_indices = @transform_2, window_bounds = array<i64: 1, 128>}, {transform_indices = @transform_3, window_bounds = array<i64: 2, 2000, 128>}, {transform_indices = @transform_4, window_bounds = array<i64: 2, 2000, 128>}, {transform_indices = @transform_5, window_bounds = array<i64: 2000, 128>}]} {
    %get3A = arith.constant 0 : index
    %get3A_0 = arith.constant 0 : index
    %get3A_1 = arith.constant 0 : index
    %get3A_2 = vector.load %arg4[%get3A, %get3A_0, %get3A_1] : memref<2x2000x128xf32, #tpu.memory_space<vmem>>, vector<1x2000x128xf32>
    %get3A_3 = vector.shape_cast %get3A_2 : vector<1x2000x128xf32> to vector<2000x128xf32>
    %get3A_4 = arith.constant 1 : index
    %get3A_5 = arith.constant 0 : index
    %get3A_6 = arith.constant 0 : index
    %get3A_7 = vector.load %arg4[%get3A_4, %get3A_5, %get3A_6] : memref<2x2000x128xf32, #tpu.memory_space<vmem>>, vector<1x2000x128xf32>
    %get3A_8 = vector.shape_cast %get3A_7 : vector<1x2000x128xf32> to vector<2000x128xf32>
    %add3A = arith.addf %get3A_3, %get3A_8 : vector<2000x128xf32>
    %get3A_9 = arith.constant 0 : index
    %get3A_10 = arith.constant 0 : index
    %get3A_11 = arith.constant 0 : index
    %get3A_12 = vector.load %arg5[%get3A_9, %get3A_10, %get3A_11] : memref<2x2000x128xf32, #tpu.memory_space<vmem>>, vector<1x2000x1xf32>
    %get3A_13 = vector.shape_cast %get3A_12 : vector<1x2000x1xf32> to vector<2000x1xf32>
    %get3A_14 = arith.constant 1 : index
    %get3A_15 = arith.constant 0 : index
    %get3A_16 = arith.constant 0 : index
    %get3A_17 = vector.load %arg5[%get3A_14, %get3A_15, %get3A_16] : memref<2x2000x128xf32, #tpu.memory_space<vmem>>, vector<1x2000x1xf32>
    %get3A_18 = vector.shape_cast %get3A_17 : vector<1x2000x1xf32> to vector<2000x1xf32>
    %add3A_19 = arith.addf %get3A_13, %get3A_18 : vector<2000x1xf32>
    %max3A = arith.constant 1.000000e+00 : f32
    %max3A_20 = vector.broadcast %max3A : f32 to vector<2000x1xf32>
    %max3A_21 = arith.maximumf %add3A_19, %max3A_20 : vector<2000x1xf32>
    %div3A = arith.constant 1.000000e+00 : f32
    %div3A_22 = vector.broadcast %div3A : f32 to vector<2000x1xf32>
    %div3A_23 = arith.divf %div3A_22, %max3A_21 : vector<2000x1xf32>
    %get3A_24 = arith.constant 0 : index
    %get3A_25 = arith.constant 0 : index
    %get3A_26 = vector.load %arg1[%get3A_24, %get3A_25] : memref<2000x128xf32, #tpu.memory_space<vmem>>, vector<2000x128xf32>
    %get3A_27 = arith.constant 0 : index
    %get3A_28 = arith.constant 0 : index
    %get3A_29 = vector.load %arg2[%get3A_27, %get3A_28] : memref<128x128xf32, #tpu.memory_space<vmem>>, vector<128x128xf32>
    %dot_general3A = arith.constant dense<0.000000e+00> : vector<2000x128xf32>
    %dot_general3A_30 = tpu.matmul %get3A_26, %get3A_29, %dot_general3A {dimension_numbers = #tpu.dot_dimension_numbers<[1], [0], [0], [1], [0, 0, 1, 1], [], []>, transpose_lhs_hint = false} : vector<2000x128xf32>, vector<128x128xf32>, vector<2000x128xf32> -> vector<2000x128xf32>
    %get3A_31 = arith.constant 0 : index
    %get3A_32 = arith.constant 0 : index
    %get3A_33 = vector.load %arg3[%get3A_31, %get3A_32] : memref<1x128xf32, #tpu.memory_space<vmem>>, vector<1x128xf32>
    %add3A_34 = vector.broadcast %get3A_33 : vector<1x128xf32> to vector<2000x128xf32>
    %add3A_35 = arith.addf %dot_general3A_30, %add3A_34 : vector<2000x128xf32>
    %mul3A = vector.broadcast %div3A_23 : vector<2000x1xf32> to vector<2000x128xf32>
    %mul3A_36 = arith.mulf %mul3A, %add3A : vector<2000x128xf32>
    %add3A_37 = arith.addf %add3A_35, %mul3A_36 : vector<2000x128xf32>
    %swap3A = arith.constant 0 : index
    %swap3A_38 = arith.constant 0 : index
    %swap3A_39 = vector.load %arg6[%swap3A, %swap3A_38] : memref<2000x128xf32, #tpu.memory_space<vmem>>, vector<2000x128xf32>
    tpu.vector_store %arg6[%swap3A, %swap3A_38], %add3A_37 {strides = array<i32>} : memref<2000x128xf32, #tpu.memory_space<vmem>>, vector<2000x128xf32>,
    return
  }
  func.func @transform_0(%arg0: i32) -> (i32, i32) {
    %c0_i32 = arith.constant 0 : i32
    %c0_i32_0 = arith.constant 0 : i32
    return %arg0, %c0_i32 : i32, i32
  }
  func.func @transform_1(%arg0: i32) -> (i32, i32) {
    %c0_i32 = arith.constant 0 : i32
    %c0_i32_0 = arith.constant 0 : i32
    %c0_i32_1 = arith.constant 0 : i32
    return %c0_i32, %c0_i32_0 : i32, i32
  }
  func.func @transform_2(%arg0: i32) -> (i32, i32) {
    %c0_i32 = arith.constant 0 : i32
    %c0_i32_0 = arith.constant 0 : i32
    %c0_i32_1 = arith.constant 0 : i32
    return %c0_i32, %c0_i32_0 : i32, i32
  }
  func.func @transform_3(%arg0: i32) -> (i32, i32, i32) {
    %c0_i32 = arith.constant 0 : i32
    %c0_i32_0 = arith.constant 0 : i32
    %c0_i32_1 = arith.constant 0 : i32
    return %c0_i32, %arg0, %c0_i32_0 : i32, i32, i32
  }
  func.func @transform_4(%arg0: i32) -> (i32, i32, i32) {
    %c0_i32 = arith.constant 0 : i32
    %c0_i32_0 = arith.constant 0 : i32
    %c0_i32_1 = arith.constant 0 : i32
    return %c0_i32, %arg0, %c0_i32_0 : i32, i32, i32
  }
  func.func @transform_5(%arg0: i32) -> (i32, i32) {
    %c0_i32 = arith.constant 0 : i32
    %c0_i32_0 = arith.constant 0 : i32
    return %arg0, %c0_i32 : i32, i32
  }
}

</mosaic_0001>

<sc_bundles>
// kernel: kernel.12.cloned.1.call-start
scs
__scs_entry_jumppad:
0x0: {  	(pc) =	sbr.rel $0x88, $3  }
0x1: {  	(tag) =	ssettag $0x0;
	lr =	simm.s32 $0x1  }
0x2: {  	[smem:$0x3F96] =	sst lr;
	_ =	strace $0xD0000000  }
0x3: {  	_ = 	snop  }
0x4: {  	_ = 	snop  }
0x5: {  	_ = 	snop  }
0x6: {  	_ = 	snop  }
0x7: {  	_ = 	snop  }
__scs_overlays_trampoline_lowered:
0x8: {  	[smem:$0x3FA5] =	sst s0  }
0x9: {  	[smem:$0x3FA6] =	sst s1  }
0xa: {  	[smem:$0x3FA7] =	sst s2  }
0xb: {  	[smem:$0x3FA8] =	sst s3  }
0xc: {  	[smem:$0x3FA9] =	sst s4  }
0xd: {  	[smem:$0x3FAA] =	sst s5  }
0xe: {  	[smem:$0x3FAB] =	sst s6  }
0xf: {  	[smem:$0x3FAC] =	sst s7  }
0x10: {  	[smem:$0x3FAD] =	sst s8  }
0x11: {  	[smem:$0x3FAE] =	sst s9;
	s0 =	simm.s32 @!p0 $0x0  }
0x12: {  	s1 =	sld [smem:$0x3F94];
	s0 =	simm.s32 @p0 $0x1  }
0x13: {  	[smem:$0x3FAF] =	sst s0;
	s0 =	simm.s32 @!p1 $0x0  }
0x14: {  	s2 =	sld [smem:$0x3F93];
	s0 =	simm.s32 @p1 $0x1  }
0x15: {  	[smem:$0x3FB0] =	sst s0;
	s0 =	simm.s32 @!p2 $0x0  }
0x16: {  	s3 =	sld [smem:$0x3FDB];
	s0 =	simm.s32 @p2 $0x1  }
0x17: {  	s4 =	simm.s32 $0x1BF5;
	[smem:$0x3FB2] =	sst s0  }
0x18: {  	s0 =	sld [smem:$0x3F95];
	_ =	swait.ge [sflag:s4], $0x0  }
0x19: {  	s7 =	sld [smem:$0x3F96]  }
0x1a: {  	s8 =	sadd.s32 $0xFFFFE003, lr  }
0x1b: {  	s9 =	sadd.s32 $0xFFFFFEF7, lr;
	s5 =	simm.s32 $0xFFFFFFFF;
	p2 =	slt.u32 s8, $0xFFFFF086  }
0x1c: {  	p1 =	slt.u32 s9, $0xF7A;
	s5 =	simm.s32 @!p2 $0x0  }
0x1d: {  	s5 =	simm.s32 @p1 $0x1;
	p0 =	seq.s32 s7, s2  }
0x1e: {  	s7 =	smul.u32 @!p0 $0xF7A, s2;
	p2 =	seq.s32 @!p0 s5, $0x0  }
0x1f: {  	s9 =	smul.u32 $0xF7A, s1;
	s8 =	simm.s32 @!p0 $0x1BF5;
	p2 =	por !p2, p0  }
0x20: {  	[sflag:s8] =	ssyncset.s32 @!p0 $0xFFFFF086;
	s6 =	sadd.s32 @!p0 s3, s7;
	s7 =	simm.s32 @!p0 $0x108  }
0x21: {  	s3 =	sadd.s32 s3, s9;
	s6 =	sadd.s32 @!p0 $0x88, s6;
	s7 =	simm.s32 @p2 $0x1082  }
0x22: {  	[simem:s7], [sflag:s8] =	dma.local @!p0 [hbm:s6], $0xF7A  }
0x23: {  	s9 =	sor.u32 $0xD0000000, s2;
	s6 =	simm.s32 $0x108;
	_ =	swait.ge @!p0 [sflag:s8], $0x0  }
0x24: {  	s3 =	sadd.s32 $0x88, s3;
	s6 =	simm.s32 @!p1 $0x1082;
	[sflag:s4] =	ssyncset.s32 $0xFFFFF086  }
0x25: {  	[simem:s6], [sflag:s4] =	dma.local [hbm:s3], $0xF7A  }
0x26: {  	[smem:$0x3F96] =	sst s1;
	(tag) =	ssettag s2;
	_ =	strace s9  }
0x27: {  	s1 =	sld [smem:$0x3FA6]  }
0x28: {  	s2 =	sld [smem:$0x3FA7]  }
0x29: {  	s4 =	sld [smem:$0x3FA9]  }
0x2a: {  	p0 =	seq.s32 s5, $0x0;
	s5 =	sld [smem:$0x3FAA]  }
0x2b: {  	s6 =	sld [smem:$0x3FAB]  }
0x2c: {  	s7 =	sld [smem:$0x3FAC]  }
0x2d: {  	s3 =	simm.s32 $0x108;
	s8 =	sld [smem:$0x3FAD]  }
0x2e: {  	s3 =	simm.s32 @!p0 $0x1082;
	s9 =	sld [smem:$0x3FAE]  }
0x2f: {  	lr =	sadd.s32 s0, s3;
	s0 =	sld [smem:$0x3FA5]  }
0x30: {  	s3 =	sld [smem:$0x3FA8]  }
0x31: {  	[smem:$0x3FB1] =	sst s10  }
0x32: {  	s10 =	sld [smem:$0x3FAF];
	_ =	sdelay $0x3  }
0x33: {  	p0 =	seq.s32 s10, $0x1;
	s10 =	sld [smem:$0x3FB1];
	_ =	sdelay $0x3  }
0x34: {  	[smem:$0x3FB1] =	sst s10  }
0x35: {  	s10 =	sld [smem:$0x3FB0];
	_ =	sdelay $0x3  }
0x36: {  	p1 =	seq.s32 s10, $0x1;
	s10 =	sld [smem:$0x3FB1];
	_ =	sdelay $0x3  }
0x37: {  	[smem:$0x3FB1] =	sst s10  }
0x38: {  	s10 =	sld [smem:$0x3FB2]  }
0x39: {  	_ = 	snop;
	(pc) =	sbr.ind lr, $3  }
0x3a: {  	_ = 	snop  }
0x3b: {  	_ = 	snop  }
0x3c: {  	p2 =	seq.s32 s10, $0x1;
	s10 =	sld [smem:$0x3FB1]  }
0x3d: {  	_ =	shalt  }
0x3e: {  	_ =	shalt  }
0x3f: {  	_ =	shalt  }
0x40: {  	_ =	shalt  }
0x41: {  	_ =	shalt  }
0x42: {  	_ =	shalt  }
0x43: {  	_ =	shalt  }
0x44: {  	_ =	shalt  }
0x45: {  	_ =	shalt  }
0x46: {  	_ =	shalt  }
0x47: {  	_ =	shalt  }
0x48: {  	_ =	shalt  }
0x49: {  	_ =	shalt  }
0x4a: {  	_ =	shalt  }
0x4b: {  	_ =	shalt  }
0x4c: {  	_ =	shalt  }
0x4d: {  	_ =	shalt  }
0x4e: {  	_ =	shalt  }
0x4f: {  	_ =	shalt  }
0x50: {  	_ =	shalt  }
0x51: {  	_ =	shalt  }
0x52: {  	_ =	shalt  }
0x53: {  	_ =	shalt  }
0x54: {  	_ =	shalt  }
0x55: {  	_ =	shalt  }
0x56: {  	_ =	shalt  }
0x57: {  	_ =	shalt  }
0x58: {  	_ =	shalt  }
0x59: {  	_ =	shalt  }
0x5a: {  	_ =	shalt  }
0x5b: {  	_ =	shalt  }
0x5c: {  	_ =	shalt  }
0x5d: {  	_ =	shalt  }
0x5e: {  	_ =	shalt  }
0x5f: {  	_ =	shalt  }
0x60: {  	_ =	shalt  }
0x61: {  	_ =	shalt  }
0x62: {  	_ =	shalt  }
0x63: {  	_ =	shalt  }
0x64: {  	_ =	shalt  }
0x65: {  	_ =	shalt  }
0x66: {  	_ =	shalt  }
0x67: {  	_ =	shalt  }
0x68: {  	_ =	shalt  }
0x69: {  	_ =	shalt  }
0x6a: {  	_ =	shalt  }
0x6b: {  	_ =	shalt  }
0x6c: {  	_ =	shalt  }
0x6d: {  	_ =	shalt  }
0x6e: {  	_ =	shalt  }
0x6f: {  	_ =	shalt  }
0x70: {  	_ =	shalt  }
0x71: {  	_ =	shalt  }
0x72: {  	_ =	shalt  }
0x73: {  	_ =	shalt  }
0x74: {  	_ =	shalt  }
0x75: {  	_ =	shalt  }
0x76: {  	_ =	shalt  }
0x77: {  	_ =	shalt  }
0x78: {  	_ =	shalt  }
0x79: {  	_ =	shalt  }
0x7a: {  	_ =	shalt  }
0x7b: {  	_ =	shalt  }
0x7c: {  	_ =	shalt  }
0x7d: {  	_ =	shalt  }
0x7e: {  	_ =	shalt  }
0x7f: {  	_ =	shalt  }
0x80: {  	_ =	shalt  }
0x81: {  	_ =	shalt  }
0x82: {  	_ =	shalt  }
0x83: {  	_ =	shalt  }
0x84: {  	_ =	shalt  }
0x85: {  	_ =	shalt  }
0x86: {  	_ =	shalt  }
0x87: {  	_ =	shalt  }
.Lfunc_end0:
.L_simem_size_0:
called_computation_lowered:
.L_overlay_start_0:
0x88: {  	s2 =	sld [smem:$0x3FD9]  }
0x89: {  	s3 =	sld [smem:$0x3FFE];
	_ =	sdelay $0x1  }
0x8a: {  	s1 =	srdreg.scid  }
0x8b: {  	s0 =	sand.u32 $0x1, s1  }
0x8c: {  	s17 =	sshll.u32 s0, $0xA;
	s2 =	sadd.s32 s3, s2  }
0x8d: {  	s2 =	sadd.s32 s2, s17  }
0x8e: {  	[smem:$0x3FBD] =	sst s2  }
0x8f: {  	_ = 	snop  }
0x90: {  	(tm) =	ssettm $0x1  }
0x91: {  	s18 =	sld [smem:$0x3FFB];
	_ =	sdelay $0x3  }
0x92: {  	_ =	strace s18  }
0x93: {  	s2 =	sld [smem:$0x3FFC];
	_ =	sdelay $0x3  }
0x94: {  	_ =	strace s2  }
0x95: {  	s2 =	sld [smem:$0x3FFD];
	_ =	sdelay $0x3  }
0x96: {  	_ =	strace s2  }
0x97: {  	_ =	strace $0x8FFFFFFF  }
0x98: {  	s19 =	sld [smem:$0x3FDB];
	_ =	sdelay $0x1  }
0x99: {  	s20 =	simm.s32 $_scs_section_size  }
0x9a: {  	s4 =	simm.s32 $_size__tile_overlayer_lowered;
	s5 =	simm.s32 $_tile_overlayer_lowered  }
0x9b: {  	s6 =	simm.s32 $0x1BFF;
	s21 =	sshll.u32 s5, $0x1;
	s3 =	sadd.s32 s20, s19  }
0x9c: {  	s22 =	simm.s32 $0x0;
	s4 =	sshll.u32 s4, $0x1;
	s5 =	sadd.s32 s21, s3  }
0x9d: {  	[timem:s22], [sflag:s6] =	dma.local [hbm:s5], s4  }
0x9e: {  	_ =	swait.ge [sflag:s6], s4  }
0x9f: {  	s4 =	ssub.s32 $0x0, s4;
	[sflag:s6] =	ssyncset.done $0x0  }
0xa0: {  	[sflag:s6] =	ssyncadd.s32 s4;
	_ =	sdelay $0x1  }
0xa1: {  	s23 =	simm.s32 $0x1B8B  }
0xa2: {  	_ =	swait.ge [sflag:s23], $0x1  }
0xa3: {  	[sflag:s23] =	ssyncset.done $0x0  }
0xa4: {  	[sflag:s23] =	ssyncadd.s32 $0xFFFFFFFF  }
0xa5: {  	s4 =	sld [smem:$0x0]  }
0xa6: {  	s5 =	sand.u32 $0xFFFFFFFE, s1  }
0xa7: {  	p0 =	sne.s32 s1, s5  }
0xa8: {  	s5 =	sshll.u32 @p0 s5, $0xE  }
0xa9: {  	s5 =	sadd.s32 @p0 $0x11B8D, s5;
	s6 =	sshll.u32 @p0 s4, $0x11  }
0xaa: {  	s5 =	sor.u32 @p0 s6, s5  }
0xab: {  	[sflag:s5] =	ssyncadd.remote.s32 @p0 $0x1;
	_ =	sdelay $0x1  }
0xac: {  	s5 =	simm.s32 @p0 $0x1B8D  }
0xad: {  	_ =	swait.eq @p0 [sflag:s5], $0x1  }
0xae: {  	[sflag:s5] =	ssyncadd.s32 @p0 $0xFFFFFFFF  }
0xaf: {  	s6 =	sshll.u32 @!p0 s1, $0xE  }
0xb0: {  	s6 =	sor.u32 @!p0 $0x4000, s6;
	s5 =	simm.s32 @!p0 $0x1B8D  }
0xb1: {  	s4 =	sshll.u32 @!p0 s4, $0x11;
	s6 =	sadd.s32 @!p0 $0x11B8D, s6;
	_ =	swait.eq @!p0 [sflag:s5], $0x1  }
0xb2: {  	s4 =	sor.u32 @!p0 s4, s6;
	[sflag:s5] =	ssyncadd.s32 @!p0 $0xFFFFFFFF  }
0xb3: {  	s25 =	simm.s32 $0x1B8E;
	s24 =	sld [smem:$0x3FFE];
	[sflag:s4] =	ssyncadd.remote.s32 @!p0 $0x1  }
0xb4: {  	s26 =	simm.s32 $execute0_lowered;
	[smem:$0x3FD2] =	sst s25  }
0xb5: {  	s5 =	sshll.u32 s26, $0x1;
	_ =	strace $0x80000049;
	[dreg:$0x1] =	wrdreg $0xFFFFFFFF  }
0xb6: {  	s28 =	simm.s32 $_size_execute0_lowered;
	s3 =	sadd.s32 s3, s5;
	[dreg:$0x0] =	wrdreg $0x0  }
0xb7: {  	s5 =	sshll.u32 s28, $0x1;
	[dreg:$0x2] =	wrdreg s3  }
0xb8: {  	[dreg:$0x3] =	wrdreg s5  }
0xb9: {  	[dreg:$0x4] =	wrdreg $0xC0  }
0xba: {  	_ =	task [dreg:s22], $0x5FFFF  }
0xbb: {  	[dreg:$0x1] =	wrdreg $0xFFFFFFFF  }
0xbc: {  	[dreg:$0x0] =	wrdreg $0x60  }
0xbd: {  	[dreg:$0x2] =	wrdreg s24  }
0xbe: {  	[dreg:$0x3] =	wrdreg $0x48000  }
0xbf: {  	[dreg:$0x4] =	wrdreg $0x9  }
0xc0: {  	_ =	task.clear_ibuf [dreg:s22], $0x5FFFF;
	_ =	strace $0x90000049  }
0xc1: {  	s29 =	simm.s32 $0x9;
	_ =	strace $0x8000004B  }
0xc2: {  	_ =	swait.ge [sflag:s29], $0x1  }
0xc3: {  	[sflag:s29] =	ssyncadd.s32 $0xFFFFFFFF  }
0xc4: {  	_ =	strace $0x9000004B  }
0xc5: {  	_ =	sfence  }
0xc6: {  	s30 =	sld [smem:$0x0];
	_ =	sdelay $0x2  }
0xc7: {  	s31 =	sshll.u32 s1, $0xD;
	s1 =	sshrl.u32 s1, $0x2  }
0xc8: {  	s4 =	sand.u32 $0x4000, s31;
	s1 =	sadd.s32 s1, s30  }
0xc9: {  	s0 =	sor.u32 s4, s0;
	s1 =	sshll.u32 s1, $0x11  }
0xca: {  	s0 =	sor.u32 s1, s0  }
0xcb: {  	s0 =	sadd.s32 $0x8F2B, s0  }
0xcc: {  	[sflag:s0] =	ssyncadd.remote.s32 $0x1  }
0xcd: {  	_ =	sfence.sel $0xFFFF  }
0xce: {  	[dreg:$0x0] =	wrdreg $0xFFFFFFFF;
	(pc) =	sbr.abs _section_cstart, $3  }
0xcf: {  	[dreg:$0x1] =	wrdreg $0xFFFFFFFF  }
0xd0: {  	_ =	task.clear_ibuf [dreg:s22], $0x2FFFF;
	_ =	strace $0x9FFFFFFF  }
0xd1: {  	(tm) =	ssettm $0x7FFFFFFF  }
tec
execute0_lowered:
.L_overlay_start_1:
0x0: {  	(tag) =	ssettag $0x1  }
0x1: {  	s0 =	srdreg.scid  }
0x2: {  	s8 =	stileid.u32;
	s5 =	rddreg [dreg:$0x0]  }
0x3: {  	s2 =	rddreg [dreg:$0x1];
	s3 =	simm.s32 $0x0;
	s4 =	smul.u32 $0x2800, s8  }
0x4: {  	s28 =	simm.s32 $0x300;
	s29 =	simm.s32 $0x380;
	s15 =	smul.u32 $0x50000, s8  }
0x5: {  	s30 =	simm.s32 $0x400;
	s0 =	sand.u32 $0x1, s0;
	s16 =	smul.u32 $0x14000, s8  }
0x6: {  	s31 =	simm.s32 $0x480;
	[smem:$0x7FF] =	sst s3;
	s1 =	smul.u32 $0x28000, s0  }
0x7: {  	_ =	strace $0x8000004A;
	s6 =	ssub.s32 $0x2, s0;
	s0 =	smul.u32 $0x140000, s0  }
0x8: {  	s7 =	sshrl.u32 s6, $0x1;
	s8 =	sadd.s32 $0x4000, s16;
	s22 =	sadd.s32 $0x8000, s16  }
0x9: {  	s24 =	sadd.s32 $0xC000, s16;
	s1 =	sadd.s32 s4, s1;
	s4 =	sshrl.u32 s15, $0x2  }
0xa: {  	s6 =	ssub.s32 s6, s7;
	s19 =	sadd.s32 s0, s16;
	s20 =	sadd.s32 s0, s8  }
0xb: {  	s8 =	sadd.s32 s8, s2;
	s23 =	sadd.s32 s22, s2;
	s25 =	sadd.s32 s0, s24  }
0xc: {  	s7 =	sadd.s32 $0x10000, s16;
	s15 =	sadd.s32 s24, s2;
	s24 =	simm.s32 $0x180  }
0xd: {  	s1 =	sshrl.u32 s1, $0x3;
	s4 =	sadd.s32 s4, s2;
	[dreg:$0x9] =	wrdreg s8  }
0xe: {  	s6 =	smax.u32 s6, $0x1;
	s21 =	sshrl.u32 s20, $0x3;
	[dreg:$0xb] =	wrdreg s23  }
0xf: {  	s26 =	sshrl.u32 s25, $0x3;
	s20 =	simm.s32 $0x800;
	s23 =	simm.s32 $0x100  }
0x10: {  	s25 =	simm.s32 $0x200;
	[dreg:$0x3] =	wrdreg s6;
	s17 =	sadd.s32 $0x4000, s4  }
0x11: {  	s1 =	sadd.s32 s1, s5;
	s18 =	sadd.s32 $0x8000, s4;
	[dreg:$0x4] =	wrdreg s17  }
0x12: {  	s5 =	sadd.s32 $0x81600, s5;
	s9 =	sadd.s32 $0xC000, s4;
	[dreg:$0x5] =	wrdreg s18  }
0x13: {  	s6 =	sshrl.u32 s19, $0x3;
	s10 =	sadd.s32 $0x10000, s4;
	[dreg:$0x6] =	wrdreg s9  }
0x14: {  	s8 =	simm.s32 $0x780;
	[dreg:$0x7] =	wrdreg s10;
	s6 =	sadd.s32 s5, s6  }
0x15: {  	s16 =	sadd.s32 s5, s26;
	s17 =	sadd.s32 s7, s2;
	s19 =	sadd.s32 $0x3600, s1  }
0x16: {  	s26 =	simm.s32 $0x280;
	s1 =	simm.s32 $0x500;
	s9 =	simm.s32 $0x0  }
0x17: {  	[dreg:$0x8] =	wrdreg s6;
	s6 =	sadd.s32 s5, s21;
	s21 =	simm.s32 $0x1  }
0x18: {  	[dreg:$0xa] =	wrdreg s6;
	s6 =	sadd.s32 s0, s22;
	s0 =	sadd.s32 s0, s7  }
0x19: {  	s22 =	simm.s32 $0x80;
	s6 =	sshrl.u32 s6, $0x3;
	s0 =	sshrl.u32 s0, $0x3  }
0x1a: {  	s7 =	simm.s32 $0x700;
	s14 =	sadd.s32 s5, s6;
	s18 =	sadd.s32 s5, s0  }
0x1b: {  	v0 =	vimm.f32 $0.0e+00;
	v1 =	vimm.f32 $1.000000000e+00;
	s0 =	simm.s32 $0x580;
	s5 =	simm.s32 $0x600;
	s6 =	simm.s32 $0x680  }
.LBB2_1:
0x1c: {  	s10 =	simm.s32 $0x0;
	s11 =	simm.s32 $0x200  }
.LBB2_2:
0x1d: {  	p0 =	sne.s32 s11, $0xFE00;
	[tilespmem:s10+$0x870] =	vst v0  }
0x1e: {  	[tilespmem:s10+$0x800] =	vst v0  }
0x1f: {  	[tilespmem:s10+$0x810] =	vst v0  }
.Ltmp0:
0x20: {  	[tilespmem:s10+$0x820] =	vst v0;
	(pc) =	sbr.rel @p0 .LBB2_2-.Ltmp0, $4  }
0x21: {  	[tilespmem:s10+$0x830] =	vst v0  }
0x22: {  	[tilespmem:s10+$0x840] =	vst v0  }
0x23: {  	[tilespmem:s10+$0x850] =	vst v0  }
0x24: {  	[tilespmem:s10+$0x860] =	vst v0;
	s10 =	sshra.s32 s11, $0x2;
	s11 =	sadd.s32 $0x200, s11  }
0x25: {  	[tilespmem:s10+$0x870] =	vst v0  }
0x26: {  	[tilespmem:s10+$0x800] =	vst v0  }
0x27: {  	[tilespmem:s10+$0x810] =	vst v0  }
0x28: {  	[tilespmem:s10+$0x820] =	vst v0  }
0x29: {  	[tilespmem:s10+$0x830] =	vst v0  }
0x2a: {  	[tilespmem:s10+$0x840] =	vst v0  }
0x2b: {  	[tilespmem:s10+$0x850] =	vst v0  }
0x2c: {  	[tilespmem:s10+$0x860] =	vst v0  }
0x2d: {  	[spmem:s4] =	stream.linear.scatter [tilespmem:s20], [sflag:$0x1], $0x4000, $0x38;
	[tilespmem:$0x18800] =	vst v63  }
0x2e: {  	_ =	swait.ge [sflag:s21], $0x4000  }
0x2f: {  	[sflag:s21] =	ssyncset.done $0x0  }
0x30: {  	s13 =	rddreg [dreg:$0x4];
	[sflag:s21] =	ssyncadd.s32 $0xFFFFC000  }
0x31: {  	[spmem:s13] =	stream.linear.scatter [tilespmem:s20], [sflag:$0x1], $0x4000, $0x38;
	[tilespmem:$0x18800] =	vst v63  }
0x32: {  	_ =	swait.ge [sflag:s21], $0x4000  }
0x33: {  	[sflag:s21] =	ssyncset.done $0x0  }
0x34: {  	s11 =	rddreg [dreg:$0x5];
	[sflag:s21] =	ssyncadd.s32 $0xFFFFC000  }
0x35: {  	[spmem:s11] =	stream.linear.scatter [tilespmem:s20], [sflag:$0x1], $0x4000, $0x38;
	[tilespmem:$0x18800] =	vst v63  }
0x36: {  	_ =	swait.ge [sflag:s21], $0x4000  }
0x37: {  	[sflag:s21] =	ssyncset.done $0x0  }
0x38: {  	s12 =	rddreg [dreg:$0x6];
	[sflag:s21] =	ssyncadd.s32 $0xFFFFC000  }
0x39: {  	[spmem:s12] =	stream.linear.scatter [tilespmem:s20], [sflag:$0x1], $0x4000, $0x38;
	[tilespmem:$0x18800] =	vst v63  }
0x3a: {  	_ =	swait.ge [sflag:s21], $0x4000  }
0x3b: {  	[sflag:s21] =	ssyncset.done $0x0  }
0x3c: {  	s13 =	rddreg [dreg:$0x7];
	[sflag:s21] =	ssyncadd.s32 $0xFFFFC000  }
0x3d: {  	[spmem:s13] =	stream.linear.scatter [tilespmem:s20], [sflag:$0x1], $0x4000, $0x38;
	[tilespmem:$0x18800] =	vst v63  }
0x3e: {  	_ =	swait.ge [sflag:s21], $0x4000  }
0x3f: {  	[sflag:s21] =	ssyncset.done $0x0  }
0x40: {  	s10 =	simm.s32 $0x0;
	s11 =	simm.s32 $0x200;
	[sflag:s21] =	ssyncadd.s32 $0xFFFFC000  }
.LBB2_4:
0x41: {  	p0 =	sne.s32 s11, $0xFE00;
	[tilespmem:s10+$0x870] =	vst v1  }
0x42: {  	[tilespmem:s10+$0x800] =	vst v1  }
0x43: {  	[tilespmem:s10+$0x810] =	vst v1  }
.Ltmp1:
0x44: {  	[tilespmem:s10+$0x820] =	vst v1;
	(pc) =	sbr.rel @p0 .LBB2_4-.Ltmp1, $4  }
0x45: {  	[tilespmem:s10+$0x830] =	vst v1  }
0x46: {  	[tilespmem:s10+$0x840] =	vst v1  }
0x47: {  	[tilespmem:s10+$0x850] =	vst v1  }
0x48: {  	[tilespmem:s10+$0x860] =	vst v1;
	s10 =	sshra.s32 s11, $0x2;
	s11 =	sadd.s32 $0x200, s11  }
0x49: {  	[tilespmem:s10+$0x870] =	vst v1  }
0x4a: {  	[tilespmem:s10+$0x800] =	vst v1  }
0x4b: {  	[tilespmem:s10+$0x810] =	vst v1  }
0x4c: {  	[tilespmem:s10+$0x820] =	vst v1  }
0x4d: {  	[tilespmem:s10+$0x830] =	vst v1  }
0x4e: {  	[tilespmem:s10+$0x840] =	vst v1  }
0x4f: {  	[tilespmem:s10+$0x850] =	vst v1  }
0x50: {  	[tilespmem:s10+$0x860] =	vst v1  }
0x51: {  	s13 =	sadd.s32 $0x0, s19;
	[bflag:$0x0] =	sbarrier.arrive $0xFFFF  }
0x52: {  	[tilespmem:s3], [sflag:$0x1] =	stream.linear.gather [hbm4b:s13+s3], $0x800, $0x38;
	[tilespmem:$0x18800] =	vst v63  }
0x53: {  	_ =	swait.ge [sflag:s21], $0x800  }
0x54: {  	[sflag:s21] =	ssyncset.done $0x0  }
0x55: {  	[sflag:s21] =	ssyncadd.s32 $0xFFFFF800  }
0x56: {  	[spmem:s2] =	stream.indirect.scatter.add.f32 [tilespmem:s20], [sflag:$0x1], $0x80, s3, s22, $0xb8;
	[tilespmem:$0x18800] =	vst v63  }
0x57: {  	_ =	swait.ge [sflag:s21], $0x4000  }
0x58: {  	[sflag:s21] =	ssyncset.done $0x0  }
0x59: {  	[sflag:s21] =	ssyncadd.s32 $0xFFFFC000  }
0x5a: {  	[spmem:s2] =	stream.indirect.scatter.add.f32 [tilespmem:s20], [sflag:$0x1], $0x80, s22, s22, $0xb8;
	[tilespmem:$0x18800] =	vst v63  }
0x5b: {  	_ =	swait.ge [sflag:s21], $0x4000  }
0x5c: {  	[sflag:s21] =	ssyncset.done $0x0  }
0x5d: {  	[sflag:s21] =	ssyncadd.s32 $0xFFFFC000  }
0x5e: {  	[spmem:s2] =	stream.indirect.scatter.add.f32 [tilespmem:s20], [sflag:$0x1], $0x80, s23, s22, $0xb8;
	[tilespmem:$0x18800] =	vst v63  }
0x5f: {  	_ =	swait.ge [sflag:s21], $0x4000  }
0x60: {  	[sflag:s21] =	ssyncset.done $0x0  }
0x61: {  	[sflag:s21] =	ssyncadd.s32 $0xFFFFC000  }
0x62: {  	[spmem:s2] =	stream.indirect.scatter.add.f32 [tilespmem:s20], [sflag:$0x1], $0x80, s24, s22, $0xb8;
	[tilespmem:$0x18800] =	vst v63  }
0x63: {  	_ =	swait.ge [sflag:s21], $0x4000  }
0x64: {  	[sflag:s21] =	ssyncset.done $0x0  }
0x65: {  	[sflag:s21] =	ssyncadd.s32 $0xFFFFC000  }
0x66: {  	[spmem:s2] =	stream.indirect.scatter.add.f32 [tilespmem:s20], [sflag:$0x1], $0x80, s25, s22, $0xb8;
	[tilespmem:$0x18800] =	vst v63  }
0x67: {  	_ =	swait.ge [sflag:s21], $0x4000  }
0x68: {  	[sflag:s21] =	ssyncset.done $0x0  }
0x69: {  	[sflag:s21] =	ssyncadd.s32 $0xFFFFC000  }
0x6a: {  	[spmem:s2] =	stream.indirect.scatter.add.f32 [tilespmem:s20], [sflag:$0x1], $0x80, s26, s22, $0xb8;
	[tilespmem:$0x18800] =	vst v63  }
0x6b: {  	_ =	swait.ge [sflag:s21], $0x4000  }
0x6c: {  	[sflag:s21] =	ssyncset.done $0x0  }
0x6d: {  	[sflag:s21] =	ssyncadd.s32 $0xFFFFC000  }
0x6e: {  	[spmem:s2] =	stream.indirect.scatter.add.f32 [tilespmem:s20], [sflag:$0x1], $0x80, s28, s22, $0xb8;
	[tilespmem:$0x18800] =	vst v63  }
0x6f: {  	_ =	swait.ge [sflag:s21], $0x4000  }
0x70: {  	[sflag:s21] =	ssyncset.done $0x0  }
0x71: {  	[sflag:s21] =	ssyncadd.s32 $0xFFFFC000  }
0x72: {  	[spmem:s2] =	stream.indirect.scatter.add.f32 [tilespmem:s20], [sflag:$0x1], $0x80, s29, s22, $0xb8;
	[tilespmem:$0x18800] =	vst v63  }
0x73: {  	_ =	swait.ge [sflag:s21], $0x4000  }
0x74: {  	[sflag:s21] =	ssyncset.done $0x0  }
0x75: {  	[sflag:s21] =	ssyncadd.s32 $0xFFFFC000  }
0x76: {  	[spmem:s2] =	stream.indirect.scatter.add.f32 [tilespmem:s20], [sflag:$0x1], $0x80, s30, s22, $0xb8;
	[tilespmem:$0x18800] =	vst v63  }
0x77: {  	_ =	swait.ge [sflag:s21], $0x4000  }
0x78: {  	[sflag:s21] =	ssyncset.done $0x0  }
0x79: {  	[sflag:s21] =	ssyncadd.s32 $0xFFFFC000  }
0x7a: {  	[spmem:s2] =	stream.indirect.scatter.add.f32 [tilespmem:s20], [sflag:$0x1], $0x80, s31, s22, $0xb8;
	[tilespmem:$0x18800] =	vst v63  }
0x7b: {  	_ =	swait.ge [sflag:s21], $0x4000  }
0x7c: {  	[sflag:s21] =	ssyncset.done $0x0  }
0x7d: {  	[sflag:s21] =	ssyncadd.s32 $0xFFFFC000  }
0x7e: {  	[spmem:s2] =	stream.indirect.scatter.add.f32 [tilespmem:s20], [sflag:$0x1], $0x80, s1, s22, $0xb8;
	[tilespmem:$0x18800] =	vst v63  }
0x7f: {  	_ =	swait.ge [sflag:s21], $0x4000  }
0x80: {  	[sflag:s21] =	ssyncset.done $0x0  }
0x81: {  	[sflag:s21] =	ssyncadd.s32 $0xFFFFC000  }
0x82: {  	[spmem:s2] =	stream.indirect.scatter.add.f32 [tilespmem:s20], [sflag:$0x1], $0x80, s0, s22, $0xb8;
	[tilespmem:$0x18800] =	vst v63  }
0x83: {  	_ =	swait.ge [sflag:s21], $0x4000  }
0x84: {  	[sflag:s21] =	ssyncset.done $0x0  }
0x85: {  	[sflag:s21] =	ssyncadd.s32 $0xFFFFC000  }
0x86: {  	[spmem:s2] =	stream.indirect.scatter.add.f32 [tilespmem:s20], [sflag:$0x1], $0x80, s5, s22, $0xb8;
	[tilespmem:$0x18800] =	vst v63  }
0x87: {  	_ =	swait.ge [sflag:s21], $0x4000  }
0x88: {  	[sflag:s21] =	ssyncset.done $0x0  }
0x89: {  	[sflag:s21] =	ssyncadd.s32 $0xFFFFC000  }
0x8a: {  	[spmem:s2] =	stream.indirect.scatter.add.f32 [tilespmem:s20], [sflag:$0x1], $0x80, s6, s22, $0xb8;
	[tilespmem:$0x18800] =	vst v63  }
0x8b: {  	_ =	swait.ge [sflag:s21], $0x4000  }
0x8c: {  	[sflag:s21] =	ssyncset.done $0x0  }
0x8d: {  	[sflag:s21] =	ssyncadd.s32 $0xFFFFC000  }
0x8e: {  	[spmem:s2] =	stream.indirect.scatter.add.f32 [tilespmem:s20], [sflag:$0x1], $0x80, s7, s22, $0xb8;
	[tilespmem:$0x18800] =	vst v63  }
0x8f: {  	_ =	swait.ge [sflag:s21], $0x4000  }
0x90: {  	[sflag:s21] =	ssyncset.done $0x0  }
0x91: {  	[sflag:s21] =	ssyncadd.s32 $0xFFFFC000  }
0x92: {  	[spmem:s2] =	stream.indirect.scatter.add.f32 [tilespmem:s20], [sflag:$0x1], $0x80, s8, s22, $0xb8;
	[tilespmem:$0x18800] =	vst v63  }
0x93: {  	_ =	swait.ge [sflag:s21], $0x4000  }
0x94: {  	s10 =	simm.s32 $0x100;
	s11 =	simm.s32 $0x200;
	[sflag:s21] =	ssyncset.done $0x0  }
.LBB2_6:
0x95: {  	s13 =	sadd.s32 s10, s19  }
0x96: {  	[sflag:s21] =	ssyncadd.s32 $0xFFFFC000;
	s10 =	smov.u32 s11;
	s12 =	sadd.s32 $0x100, s11  }
0x97: {  	[tilespmem:s3], [sflag:$0x1] =	stream.linear.gather [hbm4b:s13+s3], $0x800, $0x38;
	[tilespmem:$0x18800] =	vst v63  }
0x98: {  	p0 =	sne.s32 s11, $0x400;
	_ =	swait.ge [sflag:s21], $0x800  }
0x99: {  	[sflag:s21] =	ssyncset.done $0x0  }
0x9a: {  	[sflag:s21] =	ssyncadd.s32 $0xFFFFF800  }
0x9b: {  	[spmem:s2] =	stream.indirect.scatter.add.f32 [tilespmem:s20], [sflag:$0x1], $0x80, s3, s22, $0xb8;
	[tilespmem:$0x18800] =	vst v63  }
0x9c: {  	_ =	swait.ge [sflag:s21], $0x4000  }
0x9d: {  	[sflag:s21] =	ssyncset.done $0x0  }
0x9e: {  	[sflag:s21] =	ssyncadd.s32 $0xFFFFC000  }
0x9f: {  	[spmem:s2] =	stream.indirect.scatter.add.f32 [tilespmem:s20], [sflag:$0x1], $0x80, s22, s22, $0xb8;
	[tilespmem:$0x18800] =	vst v63  }
0xa0: {  	_ =	swait.ge [sflag:s21], $0x4000  }
0xa1: {  	[sflag:s21] =	ssyncset.done $0x0  }
0xa2: {  	[sflag:s21] =	ssyncadd.s32 $0xFFFFC000  }
0xa3: {  	[spmem:s2] =	stream.indirect.scatter.add.f32 [tilespmem:s20], [sflag:$0x1], $0x80, s23, s22, $0xb8;
	[tilespmem:$0x18800] =	vst v63  }
0xa4: {  	_ =	swait.ge [sflag:s21], $0x4000  }
0xa5: {  	[sflag:s21] =	ssyncset.done $0x0  }
0xa6: {  	[sflag:s21] =	ssyncadd.s32 $0xFFFFC000  }
0xa7: {  	[spmem:s2] =	stream.indirect.scatter.add.f32 [tilespmem:s20], [sflag:$0x1], $0x80, s24, s22, $0xb8;
	[tilespmem:$0x18800] =	vst v63  }
0xa8: {  	_ =	swait.ge [sflag:s21], $0x4000  }
0xa9: {  	[sflag:s21] =	ssyncset.done $0x0  }
0xaa: {  	[sflag:s21] =	ssyncadd.s32 $0xFFFFC000  }
0xab: {  	[spmem:s2] =	stream.indirect.scatter.add.f32 [tilespmem:s20], [sflag:$0x1], $0x80, s25, s22, $0xb8;
	[tilespmem:$0x18800] =	vst v63  }
0xac: {  	_ =	swait.ge [sflag:s21], $0x4000  }
0xad: {  	[sflag:s21] =	ssyncset.done $0x0  }
0xae: {  	[sflag:s21] =	ssyncadd.s32 $0xFFFFC000  }
0xaf: {  	[spmem:s2] =	stream.indirect.scatter.add.f32 [tilespmem:s20], [sflag:$0x1], $0x80, s26, s22, $0xb8;
	[tilespmem:$0x18800] =	vst v63  }
0xb0: {  	_ =	swait.ge [sflag:s21], $0x4000  }
0xb1: {  	[sflag:s21] =	ssyncset.done $0x0  }
0xb2: {  	[sflag:s21] =	ssyncadd.s32 $0xFFFFC000  }
0xb3: {  	[spmem:s2] =	stream.indirect.scatter.add.f32 [tilespmem:s20], [sflag:$0x1], $0x80, s28, s22, $0xb8;
	[tilespmem:$0x18800] =	vst v63  }
0xb4: {  	_ =	swait.ge [sflag:s21], $0x4000  }
0xb5: {  	[sflag:s21] =	ssyncset.done $0x0  }
0xb6: {  	[sflag:s21] =	ssyncadd.s32 $0xFFFFC000  }
0xb7: {  	[spmem:s2] =	stream.indirect.scatter.add.f32 [tilespmem:s20], [sflag:$0x1], $0x80, s29, s22, $0xb8;
	[tilespmem:$0x18800] =	vst v63  }
0xb8: {  	_ =	swait.ge [sflag:s21], $0x4000  }
0xb9: {  	[sflag:s21] =	ssyncset.done $0x0  }
0xba: {  	[sflag:s21] =	ssyncadd.s32 $0xFFFFC000  }
0xbb: {  	[spmem:s2] =	stream.indirect.scatter.add.f32 [tilespmem:s20], [sflag:$0x1], $0x80, s30, s22, $0xb8;
	[tilespmem:$0x18800] =	vst v63  }
0xbc: {  	_ =	swait.ge [sflag:s21], $0x4000  }
0xbd: {  	[sflag:s21] =	ssyncset.done $0x0  }
0xbe: {  	[sflag:s21] =	ssyncadd.s32 $0xFFFFC000  }
0xbf: {  	[spmem:s2] =	stream.indirect.scatter.add.f32 [tilespmem:s20], [sflag:$0x1], $0x80, s31, s22, $0xb8;
	[tilespmem:$0x18800] =	vst v63  }
0xc0: {  	_ =	swait.ge [sflag:s21], $0x4000  }
0xc1: {  	[sflag:s21] =	ssyncset.done $0x0  }
0xc2: {  	[sflag:s21] =	ssyncadd.s32 $0xFFFFC000  }
0xc3: {  	[spmem:s2] =	stream.indirect.scatter.add.f32 [tilespmem:s20], [sflag:$0x1], $0x80, s1, s22, $0xb8;
	[tilespmem:$0x18800] =	vst v63  }
0xc4: {  	_ =	swait.ge [sflag:s21], $0x4000  }
0xc5: {  	[sflag:s21] =	ssyncset.done $0x0  }
0xc6: {  	[sflag:s21] =	ssyncadd.s32 $0xFFFFC000  }
0xc7: {  	[spmem:s2] =	stream.indirect.scatter.add.f32 [tilespmem:s20], [sflag:$0x1], $0x80, s0, s22, $0xb8;
	[tilespmem:$0x18800] =	vst v63  }
0xc8: {  	_ =	swait.ge [sflag:s21], $0x4000  }
0xc9: {  	[sflag:s21] =	ssyncset.done $0x0  }
0xca: {  	[sflag:s21] =	ssyncadd.s32 $0xFFFFC000  }
0xcb: {  	[spmem:s2] =	stream.indirect.scatter.add.f32 [tilespmem:s20], [sflag:$0x1], $0x80, s5, s22, $0xb8;
	[tilespmem:$0x18800] =	vst v63  }
0xcc: {  	_ =	swait.ge [sflag:s21], $0x4000  }
0xcd: {  	[sflag:s21] =	ssyncset.done $0x0  }
0xce: {  	[sflag:s21] =	ssyncadd.s32 $0xFFFFC000  }
0xcf: {  	[spmem:s2] =	stream.indirect.scatter.add.f32 [tilespmem:s20], [sflag:$0x1], $0x80, s6, s22, $0xb8;
	[tilespmem:$0x18800] =	vst v63  }
0xd0: {  	_ =	swait.ge [sflag:s21], $0x4000  }
0xd1: {  	[sflag:s21] =	ssyncset.done $0x0  }
0xd2: {  	[sflag:s21] =	ssyncadd.s32 $0xFFFFC000  }
0xd3: {  	[spmem:s2] =	stream.indirect.scatter.add.f32 [tilespmem:s20], [sflag:$0x1], $0x80, s7, s22, $0xb8;
	[tilespmem:$0x18800] =	vst v63  }
0xd4: {  	_ =	swait.ge [sflag:s21], $0x4000  }
.Ltmp2:
0xd5: {  	[sflag:s21] =	ssyncset.done $0x0;
	(pc) =	sbr.rel @p0 .LBB2_6-.Ltmp2, $4  }
0xd6: {  	[sflag:s21] =	ssyncadd.s32 $0xFFFFC000  }
0xd7: {  	[spmem:s2] =	stream.indirect.scatter.add.f32 [tilespmem:s20], [sflag:$0x1], $0x80, s8, s22, $0xb8;
	[tilespmem:$0x18800] =	vst v63  }
0xd8: {  	_ =	swait.ge [sflag:s21], $0x4000  }
0xd9: {  	s11 =	smov.u32 s12;
	[sflag:s21] =	ssyncset.done $0x0  }
0xda: {  	s10 =	sadd.s32 s10, s19;
	[sflag:s21] =	ssyncadd.s32 $0xFFFFC000  }
0xdb: {  	[tilespmem:s3], [sflag:$0x1] =	stream.linear.gather [hbm4b:s10+s3], $0x800, $0x38;
	[tilespmem:$0x18800] =	vst v63  }
0xdc: {  	_ =	swait.ge [sflag:s21], $0x800  }
0xdd: {  	[sflag:s21] =	ssyncset.done $0x0  }
0xde: {  	[sflag:s21] =	ssyncadd.s32 $0xFFFFF800  }
0xdf: {  	[spmem:s2] =	stream.indirect.scatter.add.f32 [tilespmem:s20], [sflag:$0x1], $0x80, s3, s22, $0xb8;
	[tilespmem:$0x18800] =	vst v63  }
0xe0: {  	_ =	swait.ge [sflag:s21], $0x4000  }
0xe1: {  	[sflag:s21] =	ssyncset.done $0x0  }
0xe2: {  	[sflag:s21] =	ssyncadd.s32 $0xFFFFC000  }
0xe3: {  	[spmem:s2] =	stream.indirect.scatter.add.f32 [tilespmem:s20], [sflag:$0x1], $0x80, s22, s22, $0xb8;
	[tilespmem:$0x18800] =	vst v63  }
0xe4: {  	_ =	swait.ge [sflag:s21], $0x4000  }
0xe5: {  	[sflag:s21] =	ssyncset.done $0x0  }
0xe6: {  	[sflag:s21] =	ssyncadd.s32 $0xFFFFC000  }
0xe7: {  	[spmem:s2] =	stream.indirect.scatter.add.f32 [tilespmem:s20], [sflag:$0x1], $0x80, s23, s22, $0xb8;
	[tilespmem:$0x18800] =	vst v63  }
0xe8: {  	_ =	swait.ge [sflag:s21], $0x4000  }
0xe9: {  	[sflag:s21] =	ssyncset.done $0x0  }
0xea: {  	[sflag:s21] =	ssyncadd.s32 $0xFFFFC000  }
0xeb: {  	[spmem:s2] =	stream.indirect.scatter.add.f32 [tilespmem:s20], [sflag:$0x1], $0x80, s24, s22, $0xb8;
	[tilespmem:$0x18800] =	vst v63  }
0xec: {  	_ =	swait.ge [sflag:s21], $0x4000  }
0xed: {  	[sflag:s21] =	ssyncset.done $0x0  }
0xee: {  	[sflag:s21] =	ssyncadd.s32 $0xFFFFC000  }
0xef: {  	[spmem:s2] =	stream.indirect.scatter.add.f32 [tilespmem:s20], [sflag:$0x1], $0x80, s25, s22, $0xb8;
	[tilespmem:$0x18800] =	vst v63  }
0xf0: {  	_ =	swait.ge [sflag:s21], $0x4000  }
0xf1: {  	[sflag:s21] =	ssyncset.done $0x0  }
0xf2: {  	[sflag:s21] =	ssyncadd.s32 $0xFFFFC000  }
0xf3: {  	[spmem:s2] =	stream.indirect.scatter.add.f32 [tilespmem:s20], [sflag:$0x1], $0x80, s26, s22, $0xb8;
	[tilespmem:$0x18800] =	vst v63  }
0xf4: {  	_ =	swait.ge [sflag:s21], $0x4000  }
0xf5: {  	[sflag:s21] =	ssyncset.done $0x0  }
0xf6: {  	[sflag:s21] =	ssyncadd.s32 $0xFFFFC000  }
0xf7: {  	[spmem:s2] =	stream.indirect.scatter.add.f32 [tilespmem:s20], [sflag:$0x1], $0x80, s28, s22, $0xb8;
	[tilespmem:$0x18800] =	vst v63  }
0xf8: {  	_ =	swait.ge [sflag:s21], $0x4000  }
0xf9: {  	[sflag:s21] =	ssyncset.done $0x0  }
0xfa: {  	[sflag:s21] =	ssyncadd.s32 $0xFFFFC000  }
0xfb: {  	[spmem:s2] =	stream.indirect.scatter.add.f32 [tilespmem:s20], [sflag:$0x1], $0x80, s29, s22, $0xb8;
	[tilespmem:$0x18800] =	vst v63  }
0xfc: {  	_ =	swait.ge [sflag:s21], $0x4000  }
0xfd: {  	[sflag:s21] =	ssyncset.done $0x0  }
0xfe: {  	[sflag:s21] =	ssyncadd.s32 $0xFFFFC000  }
0xff: {  	[spmem:s2] =	stream.indirect.scatter.add.f32 [tilespmem:s20], [sflag:$0x1], $0x80, s30, s22, $0xb8;
	[tilespmem:$0x18800] =	vst v63  }
0x100: {  	_ =	swait.ge [sflag:s21], $0x4000  }
0x101: {  	[sflag:s21] =	ssyncset.done $0x0  }
0x102: {  	[sflag:s21] =	ssyncadd.s32 $0xFFFFC000  }
0x103: {  	[spmem:s2] =	stream.indirect.scatter.add.f32 [tilespmem:s20], [sflag:$0x1], $0x80, s31, s22, $0xb8;
	[tilespmem:$0x18800] =	vst v63  }
0x104: {  	_ =	swait.ge [sflag:s21], $0x4000  }
0x105: {  	[sflag:s21] =	ssyncset.done $0x0  }
0x106: {  	[sflag:s21] =	ssyncadd.s32 $0xFFFFC000  }
0x107: {  	[spmem:s2] =	stream.indirect.scatter.add.f32 [tilespmem:s20], [sflag:$0x1], $0x80, s1, s22, $0xb8;
	[tilespmem:$0x18800] =	vst v63  }
0x108: {  	_ =	swait.ge [sflag:s21], $0x4000  }
0x109: {  	[sflag:s21] =	ssyncset.done $0x0  }
0x10a: {  	[sflag:s21] =	ssyncadd.s32 $0xFFFFC000  }
0x10b: {  	[spmem:s2] =	stream.indirect.scatter.add.f32 [tilespmem:s20], [sflag:$0x1], $0x80, s0, s22, $0xb8;
	[tilespmem:$0x18800] =	vst v63  }
0x10c: {  	_ =	swait.ge [sflag:s21], $0x4000  }
0x10d: {  	[sflag:s21] =	ssyncset.done $0x0  }
0x10e: {  	[sflag:s21] =	ssyncadd.s32 $0xFFFFC000  }
0x10f: {  	[spmem:s2] =	stream.indirect.scatter.add.f32 [tilespmem:s20], [sflag:$0x1], $0x80, s5, s22, $0xb8;
	[tilespmem:$0x18800] =	vst v63  }
0x110: {  	_ =	swait.ge [sflag:s21], $0x4000  }
0x111: {  	[sflag:s21] =	ssyncset.done $0x0  }
0x112: {  	[sflag:s21] =	ssyncadd.s32 $0xFFFFC000  }
0x113: {  	[spmem:s2] =	stream.indirect.scatter.add.f32 [tilespmem:s20], [sflag:$0x1], $0x80, s6, s22, $0xb8;
	[tilespmem:$0x18800] =	vst v63  }
0x114: {  	_ =	swait.ge [sflag:s21], $0x4000  }
0x115: {  	[sflag:s21] =	ssyncset.done $0x0  }
0x116: {  	[sflag:s21] =	ssyncadd.s32 $0xFFFFC000  }
0x117: {  	[spmem:s2] =	stream.indirect.scatter.add.f32 [tilespmem:s20], [sflag:$0x1], $0x80, s7, s22, $0xb8;
	[tilespmem:$0x18800] =	vst v63  }
0x118: {  	_ =	swait.ge [sflag:s21], $0x4000  }
0x119: {  	[sflag:s21] =	ssyncset.done $0x0  }
0x11a: {  	[sflag:s21] =	ssyncadd.s32 $0xFFFFC000  }
0x11b: {  	[spmem:s2] =	stream.indirect.scatter.add.f32 [tilespmem:s20], [sflag:$0x1], $0x80, s8, s22, $0xb8;
	[tilespmem:$0x18800] =	vst v63  }
0x11c: {  	_ =	swait.ge [sflag:s21], $0x4000  }
0x11d: {  	[sflag:s21] =	ssyncset.done $0x0  }
0x11e: {  	[sflag:s21] =	ssyncadd.s32 $0xFFFFC000  }
0x11f: {  	[bflag:$0x0] =	sbarrier.arrive $0xFFFF  }
0x120: {  	[tilespmem:s20], [sflag:$0x1] =	stream.linear.gather [spmem:s4], $0x4000, $0x38;
	[tilespmem:$0x18800] =	vst v63  }
0x121: {  	_ =	swait.ge [sflag:s21], $0x4000  }
0x122: {  	[sflag:s21] =	ssyncset.done $0x0  }
0x123: {  	s12 =	rddreg [dreg:$0x8];
	[sflag:s21] =	ssyncadd.s32 $0xFFFFC000  }
0x124: {  	[hbm4b:s12+s3] =	stream.linear.scatter [tilespmem:s20], [sflag:$0x1], $0x4000, $0x38;
	[tilespmem:$0x18800] =	vst v63  }
0x125: {  	_ =	swait.ge [sflag:s21], $0x4000  }
0x126: {  	[sflag:s21] =	ssyncset.done $0x0  }
0x127: {  	s13 =	rddreg [dreg:$0x9];
	[sflag:s21] =	ssyncadd.s32 $0xFFFFC000  }
0x128: {  	[tilespmem:s20], [sflag:$0x1] =	stream.linear.gather [spmem:s13], $0x4000, $0x38;
	[tilespmem:$0x18800] =	vst v63  }
0x129: {  	_ =	swait.ge [sflag:s21], $0x4000  }
0x12a: {  	[sflag:s21] =	ssyncset.done $0x0  }
0x12b: {  	s11 =	rddreg [dreg:$0xa];
	[sflag:s21] =	ssyncadd.s32 $0xFFFFC000  }
0x12c: {  	[hbm4b:s11+s3] =	stream.linear.scatter [tilespmem:s20], [sflag:$0x1], $0x4000, $0x38;
	[tilespmem:$0x18800] =	vst v63  }
0x12d: {  	_ =	swait.ge [sflag:s21], $0x4000  }
0x12e: {  	[sflag:s21] =	ssyncset.done $0x0  }
0x12f: {  	s12 =	rddreg [dreg:$0xb];
	[sflag:s21] =	ssyncadd.s32 $0xFFFFC000  }
0x130: {  	[tilespmem:s20], [sflag:$0x1] =	stream.linear.gather [spmem:s12], $0x4000, $0x38;
	[tilespmem:$0x18800] =	vst v63  }
0x131: {  	_ =	swait.ge [sflag:s21], $0x4000  }
0x132: {  	[sflag:s21] =	ssyncset.done $0x0  }
0x133: {  	[sflag:s21] =	ssyncadd.s32 $0xFFFFC000  }
0x134: {  	[hbm4b:s14+s3] =	stream.linear.scatter [tilespmem:s20], [sflag:$0x1], $0x4000, $0x38;
	[tilespmem:$0x18800] =	vst v63  }
0x135: {  	_ =	swait.ge [sflag:s21], $0x4000  }
0x136: {  	[sflag:s21] =	ssyncset.done $0x0  }
0x137: {  	[sflag:s21] =	ssyncadd.s32 $0xFFFFC000  }
0x138: {  	[tilespmem:s20], [sflag:$0x1] =	stream.linear.gather [spmem:s15], $0x4000, $0x38;
	[tilespmem:$0x18800] =	vst v63  }
0x139: {  	_ =	swait.ge [sflag:s21], $0x4000  }
0x13a: {  	[sflag:s21] =	ssyncset.done $0x0  }
0x13b: {  	[sflag:s21] =	ssyncadd.s32 $0xFFFFC000  }
0x13c: {  	[hbm4b:s16+s3] =	stream.linear.scatter [tilespmem:s20], [sflag:$0x1], $0x4000, $0x38;
	[tilespmem:$0x18800] =	vst v63  }
0x13d: {  	_ =	swait.ge [sflag:s21], $0x4000  }
0x13e: {  	[sflag:s21] =	ssyncset.done $0x0  }
0x13f: {  	[sflag:s21] =	ssyncadd.s32 $0xFFFFC000  }
0x140: {  	[tilespmem:s20], [sflag:$0x1] =	stream.linear.gather [spmem:s17], $0x4000, $0x38;
	[tilespmem:$0x18800] =	vst v63  }
0x141: {  	_ =	swait.ge [sflag:s21], $0x4000  }
0x142: {  	[sflag:s21] =	ssyncset.done $0x0  }
0x143: {  	[sflag:s21] =	ssyncadd.s32 $0xFFFFC000  }
0x144: {  	[hbm4b:s18+s3] =	stream.linear.scatter [tilespmem:s20], [sflag:$0x1], $0x4000, $0x38;
	[tilespmem:$0x18800] =	vst v63  }
0x145: {  	_ =	swait.ge [sflag:s21], $0x4000  }
0x146: {  	s9 =	sadd.s32 $0x1, s9;
	s13 =	rddreg [dreg:$0x3]  }
0x147: {  	p0 =	sne.s32 s9, s13  }
.Ltmp3:
0x148: {  	_ = 	snop;
	(pc) =	sbr.rel @p0 .LBB2_1-.Ltmp3, $3  }
0x149: {  	_ =	sdelay $0x1  }
0x14a: {  	[sflag:s21] =	ssyncset.done $0x0  }
0x14b: {  	[sflag:s21] =	ssyncadd.s32 $0xFFFFC000  }
0x14c: {  	_ =	sfence.sel $0x180000  }
0x14d: {  	[bflag:$0x0] =	sbarrier.arrive $0xFFFF  }
0x14e: {  	_ =	strace $0x9000004A  }
0x14f: {  	s0 =	stileid.u32;
	[bflag:$0x2] =	sbarrier.arrive $0xFFFF  }
0x150: {  	p0 =	sne.s32 s0, $0x0;
	s0 =	rddreg [dreg:$0x2]  }
0x151: {  	s0 =	sadd.s32 @!p0 $0x100000, s0  }
0x152: {  	[sflag:s0] =	ssyncadd.tile.s32 @!p0 $0x1;
	_ =	shalt  }
.Lfunc_end2:
_tile_overlayer_lowered:
.L_overlay_start_2:
0x153: {  	(tag) =	ssettag $0x2  }
0x154: {  	s0 =	rddreg [dreg:$0x0];
	s2 =	stileid.u32  }
0x155: {  	s1 =	rddreg [dreg:$0x1];
	p0 =	sne.s32 s2, $0x0  }
0x156: {  	s3 =	rddreg [dreg:$0x2];
	[bflag:$0x3] =	sbarrier.arrive $0xFFFF;
	s2 =	simm.s32 @!p0 $0x1C01  }
0x157: {  	[timem:s3], [sflag:s2] =	dma.local @!p0 [hbm:s0], s1  }
0x158: {  	s0 =	simm.s32 @!p0 $0x1  }
0x159: {  	_ =	swait.ge @!p0 [sflag:s0], s1  }
0x15a: {  	s1 =	ssub.s32 @!p0 $0x0, s1;
	[sflag:s0] =	ssyncset.done @!p0 $0x0  }
0x15b: {  	[sflag:s0] =	ssyncadd.s32 @!p0 s1  }
0x15c: {  	[bflag:$0x3] =	sbarrier.arrive $0xFFFF  }
0x15d: {  	_ =	shalt  }

// kernel: kernel.15.cloned.1.call-start
scs
__scs_entry_jumppad:
0x0: {  	(pc) =	sbr.rel $0x88, $3  }
0x1: {  	(tag) =	ssettag $0x0;
	lr =	simm.s32 $0x1  }
0x2: {  	[smem:$0x3F96] =	sst lr;
	_ =	strace $0xD0000000  }
0x3: {  	_ = 	snop  }
0x4: {  	_ = 	snop  }
0x5: {  	_ = 	snop  }
0x6: {  	_ = 	snop  }
0x7: {  	_ = 	snop  }
__scs_overlays_trampoline_lowered:
0x8: {  	[smem:$0x3FA5] =	sst s0  }
0x9: {  	[smem:$0x3FA6] =	sst s1  }
0xa: {  	[smem:$0x3FA7] =	sst s2  }
0xb: {  	[smem:$0x3FA8] =	sst s3  }
0xc: {  	[smem:$0x3FA9] =	sst s4  }
0xd: {  	[smem:$0x3FAA] =	sst s5  }
0xe: {  	[smem:$0x3FAB] =	sst s6  }
0xf: {  	[smem:$0x3FAC] =	sst s7  }
0x10: {  	[smem:$0x3FAD] =	sst s8  }
0x11: {  	[smem:$0x3FAE] =	sst s9;
	s0 =	simm.s32 @!p0 $0x0  }
0x12: {  	s1 =	sld [smem:$0x3F94];
	s0 =	simm.s32 @p0 $0x1  }
0x13: {  	[smem:$0x3FAF] =	sst s0;
	s0 =	simm.s32 @!p1 $0x0  }
0x14: {  	s2 =	sld [smem:$0x3F93];
	s0 =	simm.s32 @p1 $0x1  }
0x15: {  	[smem:$0x3FB0] =	sst s0;
	s0 =	simm.s32 @!p2 $0x0  }
0x16: {  	s3 =	sld [smem:$0x3FDB];
	s0 =	simm.s32 @p2 $0x1  }
0x17: {  	s4 =	simm.s32 $0x1BF5;
	[smem:$0x3FB2] =	sst s0  }
0x18: {  	s0 =	sld [smem:$0x3F95];
	_ =	swait.ge [sflag:s4], $0x0  }
0x19: {  	s7 =	sld [smem:$0x3F96]  }
0x1a: {  	s8 =	sadd.s32 $0xFFFFE003, lr  }
0x1b: {  	s9 =	sadd.s32 $0xFFFFFEF7, lr;
	s5 =	simm.s32 $0xFFFFFFFF;
	p2 =	slt.u32 s8, $0xFFFFF086  }
0x1c: {  	p1 =	slt.u32 s9, $0xF7A;
	s5 =	simm.s32 @!p2 $0x0  }
0x1d: {  	s5 =	simm.s32 @p1 $0x1;
	p0 =	seq.s32 s7, s2  }
0x1e: {  	s7 =	smul.u32 @!p0 $0xF7A, s2;
	p2 =	seq.s32 @!p0 s5, $0x0  }
0x1f: {  	s9 =	smul.u32 $0xF7A, s1;
	s8 =	simm.s32 @!p0 $0x1BF5;
	p2 =	por !p2, p0  }
0x20: {  	[sflag:s8] =	ssyncset.s32 @!p0 $0xFFFFF086;
	s6 =	sadd.s32 @!p0 s3, s7;
	s7 =	simm.s32 @!p0 $0x108  }
0x21: {  	s3 =	sadd.s32 s3, s9;
	s6 =	sadd.s32 @!p0 $0x88, s6;
	s7 =	simm.s32 @p2 $0x1082  }
0x22: {  	[simem:s7], [sflag:s8] =	dma.local @!p0 [hbm:s6], $0xF7A  }
0x23: {  	s9 =	sor.u32 $0xD0000000, s2;
	s6 =	simm.s32 $0x108;
	_ =	swait.ge @!p0 [sflag:s8], $0x0  }
0x24: {  	s3 =	sadd.s32 $0x88, s3;
	s6 =	simm.s32 @!p1 $0x1082;
	[sflag:s4] =	ssyncset.s32 $0xFFFFF086  }
0x25: {  	[simem:s6], [sflag:s4] =	dma.local [hbm:s3], $0xF7A  }
0x26: {  	[smem:$0x3F96] =	sst s1;
	(tag) =	ssettag s2;
	_ =	strace s9  }
0x27: {  	s1 =	sld [smem:$0x3FA6]  }
0x28: {  	s2 =	sld [smem:$0x3FA7]  }
0x29: {  	s4 =	sld [smem:$0x3FA9]  }
0x2a: {  	p0 =	seq.s32 s5, $0x0;
	s5 =	sld [smem:$0x3FAA]  }
0x2b: {  	s6 =	sld [smem:$0x3FAB]  }
0x2c: {  	s7 =	sld [smem:$0x3FAC]  }
0x2d: {  	s3 =	simm.s32 $0x108;
	s8 =	sld [smem:$0x3FAD]  }
0x2e: {  	s3 =	simm.s32 @!p0 $0x1082;
	s9 =	sld [smem:$0x3FAE]  }
0x2f: {  	lr =	sadd.s32 s0, s3;
	s0 =	sld [smem:$0x3FA5]  }
0x30: {  	s3 =	sld [smem:$0x3FA8]  }
0x31: {  	[smem:$0x3FB1] =	sst s10  }
0x32: {  	s10 =	sld [smem:$0x3FAF];
	_ =	sdelay $0x3  }
0x33: {  	p0 =	seq.s32 s10, $0x1;
	s10 =	sld [smem:$0x3FB1];
	_ =	sdelay $0x3  }
0x34: {  	[smem:$0x3FB1] =	sst s10  }
0x35: {  	s10 =	sld [smem:$0x3FB0];
	_ =	sdelay $0x3  }
0x36: {  	p1 =	seq.s32 s10, $0x1;
	s10 =	sld [smem:$0x3FB1];
	_ =	sdelay $0x3  }
0x37: {  	[smem:$0x3FB1] =	sst s10  }
0x38: {  	s10 =	sld [smem:$0x3FB2]  }
0x39: {  	_ = 	snop;
	(pc) =	sbr.ind lr, $3  }
0x3a: {  	_ = 	snop  }
0x3b: {  	_ = 	snop  }
0x3c: {  	p2 =	seq.s32 s10, $0x1;
	s10 =	sld [smem:$0x3FB1]  }
0x3d: {  	_ =	shalt  }
0x3e: {  	_ =	shalt  }
0x3f: {  	_ =	shalt  }
0x40: {  	_ =	shalt  }
0x41: {  	_ =	shalt  }
0x42: {  	_ =	shalt  }
0x43: {  	_ =	shalt  }
0x44: {  	_ =	shalt  }
0x45: {  	_ =	shalt  }
0x46: {  	_ =	shalt  }
0x47: {  	_ =	shalt  }
0x48: {  	_ =	shalt  }
0x49: {  	_ =	shalt  }
0x4a: {  	_ =	shalt  }
0x4b: {  	_ =	shalt  }
0x4c: {  	_ =	shalt  }
0x4d: {  	_ =	shalt  }
0x4e: {  	_ =	shalt  }
0x4f: {  	_ =	shalt  }
0x50: {  	_ =	shalt  }
0x51: {  	_ =	shalt  }
0x52: {  	_ =	shalt  }
0x53: {  	_ =	shalt  }
0x54: {  	_ =	shalt  }
0x55: {  	_ =	shalt  }
0x56: {  	_ =	shalt  }
0x57: {  	_ =	shalt  }
0x58: {  	_ =	shalt  }
0x59: {  	_ =	shalt  }
0x5a: {  	_ =	shalt  }
0x5b: {  	_ =	shalt  }
0x5c: {  	_ =	shalt  }
0x5d: {  	_ =	shalt  }
0x5e: {  	_ =	shalt  }
0x5f: {  	_ =	shalt  }
0x60: {  	_ =	shalt  }
0x61: {  	_ =	shalt  }
0x62: {  	_ =	shalt  }
0x63: {  	_ =	shalt  }
0x64: {  	_ =	shalt  }
0x65: {  	_ =	shalt  }
0x66: {  	_ =	shalt  }
0x67: {  	_ =	shalt  }
0x68: {  	_ =	shalt  }
0x69: {  	_ =	shalt  }
0x6a: {  	_ =	shalt  }
0x6b: {  	_ =	shalt  }
0x6c: {  	_ =	shalt  }
0x6d: {  	_ =	shalt  }
0x6e: {  	_ =	shalt  }
0x6f: {  	_ =	shalt  }
0x70: {  	_ =	shalt  }
0x71: {  	_ =	shalt  }
0x72: {  	_ =	shalt  }
0x73: {  	_ =	shalt  }
0x74: {  	_ =	shalt  }
0x75: {  	_ =	shalt  }
0x76: {  	_ =	shalt  }
0x77: {  	_ =	shalt  }
0x78: {  	_ =	shalt  }
0x79: {  	_ =	shalt  }
0x7a: {  	_ =	shalt  }
0x7b: {  	_ =	shalt  }
0x7c: {  	_ =	shalt  }
0x7d: {  	_ =	shalt  }
0x7e: {  	_ =	shalt  }
0x7f: {  	_ =	shalt  }
0x80: {  	_ =	shalt  }
0x81: {  	_ =	shalt  }
0x82: {  	_ =	shalt  }
0x83: {  	_ =	shalt  }
0x84: {  	_ =	shalt  }
0x85: {  	_ =	shalt  }
0x86: {  	_ =	shalt  }
0x87: {  	_ =	shalt  }
.Lfunc_end0:
.L_simem_size_0:
called_computation.1_lowered:
.L_overlay_start_0:
0x88: {  	s2 =	sld [smem:$0x3FD9]  }
0x89: {  	s3 =	sld [smem:$0x3FFE];
	_ =	sdelay $0x1  }
0x8a: {  	s1 =	srdreg.scid  }
0x8b: {  	s0 =	sand.u32 $0x1, s1  }
0x8c: {  	s17 =	sshll.u32 s0, $0xA;
	s2 =	sadd.s32 s3, s2  }
0x8d: {  	s2 =	sadd.s32 s2, s17  }
0x8e: {  	[smem:$0x3FBD] =	sst s2  }
0x8f: {  	_ = 	snop  }
0x90: {  	s2 =	sld [smem:$0x3FD0];
	(tm) =	ssettm $0x1  }
0x91: {  	s18 =	sld [smem:$0x3FFB];
	_ =	sdelay $0x3  }
0x92: {  	_ =	strace s18  }
0x93: {  	s3 =	sld [smem:$0x3FFC];
	_ =	sdelay $0x3  }
0x94: {  	_ =	strace s3  }
0x95: {  	s3 =	sld [smem:$0x3FFD];
	_ =	sdelay $0x3  }
0x96: {  	_ =	strace s3  }
0x97: {  	_ =	strace $0x8FFFFFFF  }
0x98: {  	s19 =	sld [smem:$0x3FDB];
	_ =	sdelay $0x1  }
0x99: {  	s4 =	simm.s32 $_scs_section_size  }
0x9a: {  	s5 =	simm.s32 $_size__tile_overlayer_lowered;
	s6 =	simm.s32 $_tile_overlayer_lowered  }
0x9b: {  	s22 =	simm.s32 $0x1BFF;
	s21 =	sshll.u32 s6, $0x1;
	s3 =	sadd.s32 s4, s19  }
0x9c: {  	s7 =	simm.s32 $0x0;
	s20 =	sshll.u32 s5, $0x1;
	s5 =	sadd.s32 s21, s3  }
0x9d: {  	[timem:s7], [sflag:s22] =	dma.local [hbm:s5], s20  }
0x9e: {  	_ =	swait.ge [sflag:s22], s20  }
0x9f: {  	s4 =	ssub.s32 $0x0, s20;
	[sflag:s22] =	ssyncset.done $0x0  }
0xa0: {  	[sflag:s22] =	ssyncadd.s32 s4;
	_ =	sdelay $0x1  }
0xa1: {  	s23 =	simm.s32 $0x1B8B  }
0xa2: {  	_ =	swait.ge [sflag:s23], $0x1  }
0xa3: {  	[sflag:s23] =	ssyncset.done $0x0  }
0xa4: {  	s25 =	simm.s32 $0x1B8E;
	s24 =	sld [smem:$0x3FFE];
	[sflag:s23] =	ssyncadd.s32 $0xFFFFFFFF  }
0xa5: {  	s26 =	simm.s32 $execute0_lowered;
	[smem:$0x3FD2] =	sst s25  }
0xa6: {  	s5 =	sshll.u32 s26, $0x1;
	_ =	strace $0x80000046;
	[dreg:$0x1] =	wrdreg $0xFFFFFFFF  }
0xa7: {  	s28 =	simm.s32 $_size_execute0_lowered;
	s3 =	sadd.s32 s3, s5;
	[dreg:$0x0] =	wrdreg $0x0  }
0xa8: {  	s5 =	sshll.u32 s28, $0x1;
	[dreg:$0x2] =	wrdreg s3  }
0xa9: {  	[dreg:$0x3] =	wrdreg s5  }
0xaa: {  	[dreg:$0x4] =	wrdreg $0xC0  }
0xab: {  	_ =	task [dreg:s7], $0x5FFFF  }
0xac: {  	[dreg:$0x1] =	wrdreg $0xFFFFFFFF  }
0xad: {  	[dreg:$0x0] =	wrdreg $0x60  }
0xae: {  	[dreg:$0x2] =	wrdreg s2  }
0xaf: {  	[dreg:$0x3] =	wrdreg s24  }
0xb0: {  	[dreg:$0x4] =	wrdreg $0x90000  }
0xb1: {  	[dreg:$0x5] =	wrdreg $0xA  }
0xb2: {  	_ =	task.clear_ibuf [dreg:s7], $0x6FFFF;
	_ =	strace $0x90000046  }
0xb3: {  	s29 =	simm.s32 $0xA;
	_ =	strace $0x80000048  }
0xb4: {  	_ =	swait.ge [sflag:s29], $0x1  }
0xb5: {  	[sflag:s29] =	ssyncadd.s32 $0xFFFFFFFF  }
0xb6: {  	_ =	strace $0x90000048  }
0xb7: {  	_ =	sfence  }
0xb8: {  	s30 =	sld [smem:$0x0];
	_ =	sdelay $0x2  }
0xb9: {  	s31 =	sshll.u32 s1, $0xD;
	s1 =	sshrl.u32 s1, $0x2  }
0xba: {  	s3 =	sand.u32 $0x4000, s31;
	s1 =	sadd.s32 s1, s30  }
0xbb: {  	s0 =	sor.u32 s3, s0;
	s1 =	sshll.u32 s1, $0x11  }
0xbc: {  	s0 =	sor.u32 s1, s0  }
0xbd: {  	s0 =	sadd.s32 $0x8F2B, s0  }
0xbe: {  	[sflag:s0] =	ssyncadd.remote.s32 $0x1  }
0xbf: {  	_ =	sfence.sel $0xFFFF  }
0xc0: {  	[dreg:$0x0] =	wrdreg $0xFFFFFFFF;
	(pc) =	sbr.abs _section_cstart, $3  }
0xc1: {  	[dreg:$0x1] =	wrdreg $0xFFFFFFFF  }
0xc2: {  	_ =	task.clear_ibuf [dreg:s7], $0x2FFFF;
	_ =	strace $0x9FFFFFFF  }
0xc3: {  	(tm) =	ssettm $0x7FFFFFFF  }
tec
execute0_lowered:
.L_overlay_start_1:
0x0: {  	(tag) =	ssettag $0x1  }
0x1: {  	s0 =	rddreg [dreg:$0x0]  }
0x2: {  	s1 =	rddreg [dreg:$0x1];
	s2 =	srdreg.scid  }
0x3: {  	s3 =	rddreg [dreg:$0x2];
	s10 =	stileid.u32  }
0x4: {  	s4 =	simm.s32 $0x0;
	s28 =	simm.s32 $0x1;
	s6 =	smul.u32 $0x4800, s10  }
0x5: {  	s29 =	simm.s32 $0x2;
	s31 =	simm.s32 $0x3;
	s7 =	smul.u32 $0x50000, s10  }
0x6: {  	s30 =	simm.s32 $0x680;
	s2 =	sand.u32 $0x1, s2;
	s26 =	smul.u32 $0x14000, s10  }
0x7: {  	[smem:$0x7FF] =	sst s4;
	s10 =	simm.s32 $0xF80;
	s5 =	smul.u32 $0x48000, s2  }
0x8: {  	_ =	strace $0x80000047;
	s25 =	ssub.s32 $0x2, s2;
	s9 =	smul.u32 $0x140000, s2  }
0x9: {  	p0 =	sne.s32 s2, $0x0;
	s2 =	simm.s32 $0x4;
	s8 =	sshrl.u32 s25, $0x1  }
0xa: {  	s7 =	sshrl.u32 s7, $0x2;
	s14 =	sadd.s32 $0x4000, s26;
	s18 =	sadd.s32 $0x8000, s26  }
0xb: {  	s21 =	sadd.s32 $0xC000, s26;
	s5 =	sadd.s32 s6, s5;
	s6 =	ssub.s32 s25, s8  }
0xc: {  	s16 =	sadd.s32 s7, s3;
	s13 =	sadd.s32 s9, s26;
	s17 =	sadd.s32 s9, s14  }
0xd: {  	s19 =	sadd.s32 s18, s3;
	s20 =	sadd.s32 s9, s18;
	s8 =	sadd.s32 $0x10000, s26  }
0xe: {  	s22 =	sadd.s32 s9, s21;
	s18 =	simm.s32 $0x500;
	s5 =	sshrl.u32 s5, $0x3  }
0xf: {  	s6 =	smax.u32 s6, $0x1;
	s11 =	sadd.s32 $0x4000, s16;
	[dreg:$0xd] =	wrdreg s19  }
0x10: {  	s12 =	sadd.s32 $0x8000, s16;
	s7 =	sadd.s32 $0xC000, s16;
	[dreg:$0x4] =	wrdreg s16  }
0x11: {  	s15 =	sadd.s32 $0x10000, s16;
	s9 =	sadd.s32 s9, s8;
	[dreg:$0x5] =	wrdreg s6  }
0x12: {  	s24 =	sadd.s32 s8, s3;
	s19 =	simm.s32 $0x580;
	[dreg:$0x6] =	wrdreg s11  }
0x13: {  	s8 =	simm.s32 $0x780;
	s5 =	sadd.s32 s5, s1;
	[dreg:$0x7] =	wrdreg s12  }
0x14: {  	s1 =	sadd.s32 $0x31600, s1;
	[dreg:$0x8] =	wrdreg s7;
	s6 =	sshrl.u32 s13, $0x3  }
0x15: {  	[dreg:$0x9] =	wrdreg s15;
	s7 =	sadd.s32 s14, s3;
	s23 =	sshrl.u32 s9, $0x3  }
0x16: {  	[dreg:$0x11] =	wrdreg s24;
	s24 =	simm.s32 $0x800;
	s12 =	simm.s32 $0x480  }
0x17: {  	s13 =	simm.s32 $0xC00;
	s6 =	sadd.s32 s1, s6;
	[dreg:$0xb] =	wrdreg s7  }
0x18: {  	s9 =	simm.s32 $0xF00;
	s7 =	sadd.s32 s21, s3;
	[dreg:$0xa] =	wrdreg s6  }
0x19: {  	s25 =	sadd.s32 $0x1F600, s5;
	s26 =	sadd.s32 $0xD600, s5;
	[dreg:$0xf] =	wrdreg s7  }
0x1a: {  	s21 =	simm.s32 $0xD80;
	s6 =	sshrl.u32 s17, $0x3;
	[dreg:$0x13] =	wrdreg s25  }
0x1b: {  	s5 =	simm.s32 $0x600;
	[dreg:$0x14] =	wrdreg s26;
	s6 =	sadd.s32 s1, s6  }
0x1c: {  	s25 =	simm.s32 $0x80;
	[dreg:$0xc] =	wrdreg s6;
	s6 =	sshrl.u32 s20, $0x3  }
0x1d: {  	s26 =	simm.s32 $0x5000;
	s17 =	simm.s32 $0xC80;
	s6 =	sadd.s32 s1, s6  }
0x1e: {  	s7 =	simm.s32 $0x700;
	[dreg:$0xe] =	wrdreg s6;
	s6 =	sshrl.u32 s22, $0x3  }
0x1f: {  	s20 =	simm.s32 $0xD00;
	s22 =	simm.s32 $0x1000;
	s6 =	sadd.s32 s1, s6  }
0x20: {  	s1 =	sadd.s32 s1, s23;
	s23 =	simm.s32 $0x5;
	[dreg:$0x10] =	wrdreg s6  }
0x21: {  	v0 =	vimm.f32 $0.0e+00;
	[dreg:$0x12] =	wrdreg s1;
	s1 =	simm.s32 $0x0;
	s6 =	simm.s32 $0xE80  }
.LBB2_1:
0x22: {  	[dreg:$0x15] =	wrdreg s1;
	s14 =	simm.s32 $0x0;
	s15 =	simm.s32 $0x200  }
.LBB2_2:
0x23: {  	p1 =	sne.s32 s15, $0xFE00;
	[tilespmem:s14+$0x1070] =	vst v0  }
0x24: {  	[tilespmem:s14+$0x1000] =	vst v0  }
0x25: {  	[tilespmem:s14+$0x1010] =	vst v0  }
.Ltmp0:
0x26: {  	[tilespmem:s14+$0x1020] =	vst v0;
	(pc) =	sbr.rel @p1 .LBB2_2-.Ltmp0, $4  }
0x27: {  	[tilespmem:s14+$0x1030] =	vst v0  }
0x28: {  	[tilespmem:s14+$0x1040] =	vst v0  }
0x29: {  	[tilespmem:s14+$0x1050] =	vst v0  }
0x2a: {  	[tilespmem:s14+$0x1060] =	vst v0;
	s14 =	sshra.s32 s15, $0x2;
	s15 =	sadd.s32 $0x200, s15  }
0x2b: {  	[tilespmem:s14+$0x1070] =	vst v0  }
0x2c: {  	[tilespmem:s14+$0x1000] =	vst v0  }
0x2d: {  	[tilespmem:s14+$0x1010] =	vst v0  }
0x2e: {  	[tilespmem:s14+$0x1020] =	vst v0  }
0x2f: {  	[tilespmem:s14+$0x1030] =	vst v0  }
0x30: {  	[tilespmem:s14+$0x1040] =	vst v0  }
0x31: {  	[tilespmem:s14+$0x1050] =	vst v0  }
0x32: {  	[tilespmem:s14+$0x1060] =	vst v0  }
0x33: {  	[spmem:s16] =	stream.linear.scatter [tilespmem:s22], [sflag:$0x5], $0x4000, $0x38;
	[tilespmem:$0x1D000] =	vst v63  }
0x34: {  	_ =	swait.ge [sflag:s23], $0x4000  }
0x35: {  	[sflag:s23] =	ssyncset.done $0x0  }
0x36: {  	s1 =	rddreg [dreg:$0x6];
	[sflag:s23] =	ssyncadd.s32 $0xFFFFC000  }
0x37: {  	[spmem:s1] =	stream.linear.scatter [tilespmem:s22], [sflag:$0x5], $0x4000, $0x38;
	[tilespmem:$0x1D000] =	vst v63  }
0x38: {  	_ =	swait.ge [sflag:s23], $0x4000  }
0x39: {  	[sflag:s23] =	ssyncset.done $0x0  }
0x3a: {  	s11 =	rddreg [dreg:$0x7];
	[sflag:s23] =	ssyncadd.s32 $0xFFFFC000  }
0x3b: {  	[spmem:s11] =	stream.linear.scatter [tilespmem:s22], [sflag:$0x5], $0x4000, $0x38;
	[tilespmem:$0x1D000] =	vst v63  }
0x3c: {  	_ =	swait.ge [sflag:s23], $0x4000  }
0x3d: {  	[sflag:s23] =	ssyncset.done $0x0  }
0x3e: {  	s15 =	rddreg [dreg:$0x8];
	[sflag:s23] =	ssyncadd.s32 $0xFFFFC000  }
0x3f: {  	[spmem:s15] =	stream.linear.scatter [tilespmem:s22], [sflag:$0x5], $0x4000, $0x38;
	[tilespmem:$0x1D000] =	vst v63  }
0x40: {  	_ =	swait.ge [sflag:s23], $0x4000  }
0x41: {  	[sflag:s23] =	ssyncset.done $0x0  }
0x42: {  	s16 =	rddreg [dreg:$0x9];
	[sflag:s23] =	ssyncadd.s32 $0xFFFFC000  }
0x43: {  	[spmem:s16] =	stream.linear.scatter [tilespmem:s22], [sflag:$0x5], $0x4000, $0x38;
	[tilespmem:$0x1D000] =	vst v63  }
0x44: {  	_ =	swait.ge [sflag:s23], $0x4000  }
0x45: {  	[sflag:s23] =	ssyncset.done $0x0  }
0x46: {  	[sflag:s23] =	ssyncadd.s32 $0xFFFFC000  }
0x47: {  	[bflag:$0x0] =	sbarrier.arrive $0xFFFF  }
0x48: {  	s14 =	rddreg [dreg:$0x14]  }
0x49: {  	s1 =	simm.s32 $0xE00;
	s16 =	simm.s32 $0x0;
	s15 =	rddreg [dreg:$0x13]  }
.LBB2_4:
0x4a: {  	[tilespmem:s4], [sflag:$0x5] =	stream.linear.gather [hbm4b:s14+s4], $0x800, $0x38;
	[tilespmem:$0x1D000] =	vst v63  }
0x4b: {  	_ =	swait.ge [sflag:s23], $0x800  }
0x4c: {  	[sflag:s23] =	ssyncset.done $0x0  }
0x4d: {  	[sflag:s23] =	ssyncadd.s32 $0xFFFFF800  }
0x4e: {  	[tilespmem:s24], [sflag:$0x5] =	stream.linear.gather [hbm4b:s15+s4], $0x800, $0x38;
	[tilespmem:$0x1D000] =	vst v63  }
0x4f: {  	_ =	swait.ge [sflag:s23], $0x800  }
0x50: {  	[sflag:s23] =	ssyncset.done $0x0  }
0x51: {  	[sflag:s23] =	ssyncadd.s32 $0xFFFFF800  }
0x52: {  	[tilespmem:s22], [sflag:$0x1] =	stream.indirect.gather [hbm4b:s0+s25], $0x80, s4, s25, $0xb8;
	[tilespmem:$0x1D000] =	vst v63  }
0x53: {  	_ = 	snop  }
0x54: {  	[tilespmem:s26], [sflag:$0x2] =	stream.indirect.gather [hbm4b:s0+s25], $0x80, s25, s25, $0xb8;
	[tilespmem:$0x1D000] =	vst v63  }
0x55: {  	_ =	swait.ge [sflag:s28], $0x4000  }
0x56: {  	[sflag:s28] =	ssyncset.done $0x0  }
0x57: {  	[sflag:s28] =	ssyncadd.s32 $0xFFFFC000  }
0x58: {  	[spmem:s3] =	stream.indirect.scatter.add.f32 [tilespmem:s22], [sflag:$0x3], $0x80, s24, s25, $0xb8;
	[tilespmem:$0x1D000] =	vst v63  }
0x59: {  	_ =	swait.ge [sflag:s29], $0x4000  }
0x5a: {  	[sflag:s29] =	ssyncset.done $0x0  }
0x5b: {  	s11 =	simm.s32 $0x880;
	[sflag:s29] =	ssyncadd.s32 $0xFFFFC000  }
0x5c: {  	[spmem:s3] =	stream.indirect.scatter.add.f32 [tilespmem:s26], [sflag:$0x4], $0x80, s11, s25, $0xb8;
	[tilespmem:$0x1D000] =	vst v63  }
0x5d: {  	_ =	swait.ge [sflag:s31], $0x4000  }
0x5e: {  	[sflag:s31] =	ssyncset.done $0x0  }
0x5f: {  	s11 =	simm.s32 $0x100;
	[sflag:s31] =	ssyncadd.s32 $0xFFFFC000  }
0x60: {  	[tilespmem:s22], [sflag:$0x1] =	stream.indirect.gather [hbm4b:s0+s25], $0x80, s11, s25, $0xb8;
	[tilespmem:$0x1D000] =	vst v63  }
0x61: {  	_ =	swait.ge [sflag:s2], $0x4000  }
0x62: {  	[sflag:s2] =	ssyncset.done $0x0  }
0x63: {  	s11 =	simm.s32 $0x180;
	[sflag:s2] =	ssyncadd.s32 $0xFFFFC000  }
0x64: {  	[tilespmem:s26], [sflag:$0x2] =	stream.indirect.gather [hbm4b:s0+s25], $0x80, s11, s25, $0xb8;
	[tilespmem:$0x1D000] =	vst v63  }
0x65: {  	_ =	swait.ge [sflag:s28], $0x4000  }
0x66: {  	[sflag:s28] =	ssyncset.done $0x0  }
0x67: {  	s11 =	simm.s32 $0x900;
	[sflag:s28] =	ssyncadd.s32 $0xFFFFC000  }
0x68: {  	[spmem:s3] =	stream.indirect.scatter.add.f32 [tilespmem:s22], [sflag:$0x3], $0x80, s11, s25, $0xb8;
	[tilespmem:$0x1D000] =	vst v63  }
0x69: {  	_ =	swait.ge [sflag:s29], $0x4000  }
0x6a: {  	[sflag:s29] =	ssyncset.done $0x0  }
0x6b: {  	s11 =	simm.s32 $0x980;
	[sflag:s29] =	ssyncadd.s32 $0xFFFFC000  }
0x6c: {  	[spmem:s3] =	stream.indirect.scatter.add.f32 [tilespmem:s26], [sflag:$0x4], $0x80, s11, s25, $0xb8;
	[tilespmem:$0x1D000] =	vst v63  }
0x6d: {  	_ =	swait.ge [sflag:s31], $0x4000  }
0x6e: {  	[sflag:s31] =	ssyncset.done $0x0  }
0x6f: {  	s11 =	simm.s32 $0x200;
	[sflag:s31] =	ssyncadd.s32 $0xFFFFC000  }
0x70: {  	[tilespmem:s22], [sflag:$0x1] =	stream.indirect.gather [hbm4b:s0+s25], $0x80, s11, s25, $0xb8;
	[tilespmem:$0x1D000] =	vst v63  }
0x71: {  	_ =	swait.ge [sflag:s2], $0x4000  }
0x72: {  	[sflag:s2] =	ssyncset.done $0x0  }
0x73: {  	s11 =	simm.s32 $0x280;
	[sflag:s2] =	ssyncadd.s32 $0xFFFFC000  }
0x74: {  	[tilespmem:s26], [sflag:$0x2] =	stream.indirect.gather [hbm4b:s0+s25], $0x80, s11, s25, $0xb8;
	[tilespmem:$0x1D000] =	vst v63  }
0x75: {  	_ =	swait.ge [sflag:s28], $0x4000  }
0x76: {  	[sflag:s28] =	ssyncset.done $0x0  }
0x77: {  	s11 =	simm.s32 $0xA00;
	[sflag:s28] =	ssyncadd.s32 $0xFFFFC000  }
0x78: {  	[spmem:s3] =	stream.indirect.scatter.add.f32 [tilespmem:s22], [sflag:$0x3], $0x80, s11, s25, $0xb8;
	[tilespmem:$0x1D000] =	vst v63  }
0x79: {  	_ =	swait.ge [sflag:s29], $0x4000  }
0x7a: {  	[sflag:s29] =	ssyncset.done $0x0  }
0x7b: {  	s11 =	simm.s32 $0xA80;
	[sflag:s29] =	ssyncadd.s32 $0xFFFFC000  }
0x7c: {  	[spmem:s3] =	stream.indirect.scatter.add.f32 [tilespmem:s26], [sflag:$0x4], $0x80, s11, s25, $0xb8;
	[tilespmem:$0x1D000] =	vst v63  }
0x7d: {  	_ =	swait.ge [sflag:s31], $0x4000  }
0x7e: {  	[sflag:s31] =	ssyncset.done $0x0  }
0x7f: {  	s11 =	simm.s32 $0x300;
	[sflag:s31] =	ssyncadd.s32 $0xFFFFC000  }
0x80: {  	[tilespmem:s22], [sflag:$0x1] =	stream.indirect.gather [hbm4b:s0+s25], $0x80, s11, s25, $0xb8;
	[tilespmem:$0x1D000] =	vst v63  }
0x81: {  	_ =	swait.ge [sflag:s2], $0x4000  }
0x82: {  	[sflag:s2] =	ssyncset.done $0x0  }
0x83: {  	s11 =	simm.s32 $0x380;
	[sflag:s2] =	ssyncadd.s32 $0xFFFFC000  }
0x84: {  	[tilespmem:s26], [sflag:$0x2] =	stream.indirect.gather [hbm4b:s0+s25], $0x80, s11, s25, $0xb8;
	[tilespmem:$0x1D000] =	vst v63  }
0x85: {  	_ =	swait.ge [sflag:s28], $0x4000  }
0x86: {  	[sflag:s28] =	ssyncset.done $0x0  }
0x87: {  	s11 =	simm.s32 $0xB00;
	[sflag:s28] =	ssyncadd.s32 $0xFFFFC000  }
0x88: {  	[spmem:s3] =	stream.indirect.scatter.add.f32 [tilespmem:s22], [sflag:$0x3], $0x80, s11, s25, $0xb8;
	[tilespmem:$0x1D000] =	vst v63  }
0x89: {  	_ =	swait.ge [sflag:s29], $0x4000  }
0x8a: {  	[sflag:s29] =	ssyncset.done $0x0  }
0x8b: {  	s11 =	simm.s32 $0xB80;
	[sflag:s29] =	ssyncadd.s32 $0xFFFFC000  }
0x8c: {  	[spmem:s3] =	stream.indirect.scatter.add.f32 [tilespmem:s26], [sflag:$0x4], $0x80, s11, s25, $0xb8;
	[tilespmem:$0x1D000] =	vst v63  }
0x8d: {  	_ =	swait.ge [sflag:s31], $0x4000  }
0x8e: {  	[sflag:s31] =	ssyncset.done $0x0  }
0x8f: {  	s11 =	simm.s32 $0x400;
	[sflag:s31] =	ssyncadd.s32 $0xFFFFC000  }
0x90: {  	[tilespmem:s22], [sflag:$0x1] =	stream.indirect.gather [hbm4b:s0+s25], $0x80, s11, s25, $0xb8;
	[tilespmem:$0x1D000] =	vst v63  }
0x91: {  	_ =	swait.ge [sflag:s2], $0x4000  }
0x92: {  	[sflag:s2] =	ssyncset.done $0x0  }
0x93: {  	[sflag:s2] =	ssyncadd.s32 $0xFFFFC000  }
0x94: {  	[tilespmem:s26], [sflag:$0x2] =	stream.indirect.gather [hbm4b:s0+s25], $0x80, s12, s25, $0xb8;
	[tilespmem:$0x1D000] =	vst v63  }
0x95: {  	_ =	swait.ge [sflag:s28], $0x4000  }
0x96: {  	[sflag:s28] =	ssyncset.done $0x0  }
0x97: {  	[sflag:s28] =	ssyncadd.s32 $0xFFFFC000  }
0x98: {  	[spmem:s3] =	stream.indirect.scatter.add.f32 [tilespmem:s22], [sflag:$0x3], $0x80, s13, s25, $0xb8;
	[tilespmem:$0x1D000] =	vst v63  }
0x99: {  	_ =	swait.ge [sflag:s29], $0x4000  }
0x9a: {  	[sflag:s29] =	ssyncset.done $0x0  }
0x9b: {  	[sflag:s29] =	ssyncadd.s32 $0xFFFFC000  }
0x9c: {  	[spmem:s3] =	stream.indirect.scatter.add.f32 [tilespmem:s26], [sflag:$0x4], $0x80, s17, s25, $0xb8;
	[tilespmem:$0x1D000] =	vst v63  }
0x9d: {  	_ =	swait.ge [sflag:s31], $0x4000  }
0x9e: {  	[sflag:s31] =	ssyncset.done $0x0  }
0x9f: {  	[sflag:s31] =	ssyncadd.s32 $0xFFFFC000  }
0xa0: {  	[tilespmem:s22], [sflag:$0x1] =	stream.indirect.gather [hbm4b:s0+s25], $0x80, s18, s25, $0xb8;
	[tilespmem:$0x1D000] =	vst v63  }
0xa1: {  	_ =	swait.ge [sflag:s2], $0x4000  }
0xa2: {  	[sflag:s2] =	ssyncset.done $0x0  }
0xa3: {  	[sflag:s2] =	ssyncadd.s32 $0xFFFFC000  }
0xa4: {  	[tilespmem:s26], [sflag:$0x2] =	stream.indirect.gather [hbm4b:s0+s25], $0x80, s19, s25, $0xb8;
	[tilespmem:$0x1D000] =	vst v63  }
0xa5: {  	_ =	swait.ge [sflag:s28], $0x4000  }
0xa6: {  	[sflag:s28] =	ssyncset.done $0x0  }
0xa7: {  	[sflag:s28] =	ssyncadd.s32 $0xFFFFC000  }
0xa8: {  	[spmem:s3] =	stream.indirect.scatter.add.f32 [tilespmem:s22], [sflag:$0x3], $0x80, s20, s25, $0xb8;
	[tilespmem:$0x1D000] =	vst v63  }
0xa9: {  	_ =	swait.ge [sflag:s29], $0x4000  }
0xaa: {  	[sflag:s29] =	ssyncset.done $0x0  }
0xab: {  	[sflag:s29] =	ssyncadd.s32 $0xFFFFC000  }
0xac: {  	[spmem:s3] =	stream.indirect.scatter.add.f32 [tilespmem:s26], [sflag:$0x4], $0x80, s21, s25, $0xb8;
	[tilespmem:$0x1D000] =	vst v63  }
0xad: {  	_ =	swait.ge [sflag:s31], $0x4000  }
0xae: {  	[sflag:s31] =	ssyncset.done $0x0  }
0xaf: {  	[sflag:s31] =	ssyncadd.s32 $0xFFFFC000  }
0xb0: {  	[tilespmem:s22], [sflag:$0x1] =	stream.indirect.gather [hbm4b:s0+s25], $0x80, s5, s25, $0xb8;
	[tilespmem:$0x1D000] =	vst v63  }
0xb1: {  	_ =	swait.ge [sflag:s2], $0x4000  }
0xb2: {  	[sflag:s2] =	ssyncset.done $0x0  }
0xb3: {  	[sflag:s2] =	ssyncadd.s32 $0xFFFFC000  }
0xb4: {  	[tilespmem:s26], [sflag:$0x2] =	stream.indirect.gather [hbm4b:s0+s25], $0x80, s30, s25, $0xb8;
	[tilespmem:$0x1D000] =	vst v63  }
0xb5: {  	_ =	swait.ge [sflag:s28], $0x4000  }
0xb6: {  	[sflag:s28] =	ssyncset.done $0x0  }
0xb7: {  	[sflag:s28] =	ssyncadd.s32 $0xFFFFC000  }
0xb8: {  	[spmem:s3] =	stream.indirect.scatter.add.f32 [tilespmem:s22], [sflag:$0x3], $0x80, s1, s25, $0xb8;
	[tilespmem:$0x1D000] =	vst v63  }
0xb9: {  	_ =	swait.ge [sflag:s29], $0x4000  }
0xba: {  	[sflag:s29] =	ssyncset.done $0x0  }
0xbb: {  	[sflag:s29] =	ssyncadd.s32 $0xFFFFC000  }
0xbc: {  	[spmem:s3] =	stream.indirect.scatter.add.f32 [tilespmem:s26], [sflag:$0x4], $0x80, s6, s25, $0xb8;
	[tilespmem:$0x1D000] =	vst v63  }
0xbd: {  	_ =	swait.ge [sflag:s31], $0x4000  }
0xbe: {  	[sflag:s31] =	ssyncset.done $0x0  }
0xbf: {  	[sflag:s31] =	ssyncadd.s32 $0xFFFFC000  }
0xc0: {  	[tilespmem:s22], [sflag:$0x1] =	stream.indirect.gather [hbm4b:s0+s25], $0x80, s7, s25, $0xb8;
	[tilespmem:$0x1D000] =	vst v63  }
0xc1: {  	_ =	swait.ge [sflag:s2], $0x4000  }
0xc2: {  	[sflag:s2] =	ssyncset.done $0x0  }
0xc3: {  	[sflag:s2] =	ssyncadd.s32 $0xFFFFC000  }
0xc4: {  	[tilespmem:s26], [sflag:$0x2] =	stream.indirect.gather [hbm4b:s0+s25], $0x80, s8, s25, $0xb8;
	[tilespmem:$0x1D000] =	vst v63  }
0xc5: {  	_ =	swait.ge [sflag:s28], $0x4000  }
0xc6: {  	[sflag:s28] =	ssyncset.done $0x0  }
0xc7: {  	[sflag:s28] =	ssyncadd.s32 $0xFFFFC000  }
0xc8: {  	[spmem:s3] =	stream.indirect.scatter.add.f32 [tilespmem:s22], [sflag:$0x3], $0x80, s9, s25, $0xb8;
	[tilespmem:$0x1D000] =	vst v63  }
0xc9: {  	_ =	swait.ge [sflag:s29], $0x4000  }
0xca: {  	[sflag:s29] =	ssyncset.done $0x0  }
0xcb: {  	p1 =	slt.u32 @!p0 s16, $0x8;
	[sflag:s29] =	ssyncadd.s32 $0xFFFFC000  }
0xcc: {  	[spmem:s3] =	stream.indirect.scatter.add.f32 [tilespmem:s26], [sflag:$0x4], $0x80, s10, s25, $0xb8;
	[tilespmem:$0x1D000] =	vst v63  }
0xcd: {  	p1 =	por p0, !p1;
	_ =	swait.ge [sflag:s31], $0x4000  }
.Ltmp1:
0xce: {  	[sflag:s31] =	ssyncset.done $0x0;
	(pc) =	sbr.rel @!p1 .LBB2_4-.Ltmp1, $4  }
0xcf: {  	[sflag:s31] =	ssyncadd.s32 $0xFFFFC000  }
0xd0: {  	_ =	swait.ge [sflag:s2], $0x4000  }
0xd1: {  	s16 =	sadd.s32 $0x1, s16;
	[sflag:s2] =	ssyncset.done $0x0  }
0xd2: {  	s14 =	sadd.s32 $0x100, s14;
	s15 =	sadd.s32 $0x100, s15;
	[sflag:s2] =	ssyncadd.s32 $0xFFFFC000  }
0xd3: {  	[bflag:$0x0] =	sbarrier.arrive $0xFFFF  }
0xd4: {  	s16 =	rddreg [dreg:$0x4]  }
0xd5: {  	[tilespmem:s22], [sflag:$0x5] =	stream.linear.gather [spmem:s16], $0x4000, $0x38;
	[tilespmem:$0x1D000] =	vst v63  }
0xd6: {  	_ =	swait.ge [sflag:s23], $0x4000  }
0xd7: {  	[sflag:s23] =	ssyncset.done $0x0  }
0xd8: {  	s14 =	rddreg [dreg:$0xa];
	[sflag:s23] =	ssyncadd.s32 $0xFFFFC000  }
0xd9: {  	[hbm4b:s14+s4] =	stream.linear.scatter [tilespmem:s22], [sflag:$0x5], $0x4000, $0x38;
	[tilespmem:$0x1D000] =	vst v63  }
0xda: {  	_ =	swait.ge [sflag:s23], $0x4000  }
0xdb: {  	[sflag:s23] =	ssyncset.done $0x0  }
0xdc: {  	s1 =	rddreg [dreg:$0xb];
	[sflag:s23] =	ssyncadd.s32 $0xFFFFC000  }
0xdd: {  	[tilespmem:s22], [sflag:$0x5] =	stream.linear.gather [spmem:s1], $0x4000, $0x38;
	[tilespmem:$0x1D000] =	vst v63  }
0xde: {  	_ =	swait.ge [sflag:s23], $0x4000  }
0xdf: {  	[sflag:s23] =	ssyncset.done $0x0  }
0xe0: {  	s11 =	rddreg [dreg:$0xc];
	[sflag:s23] =	ssyncadd.s32 $0xFFFFC000  }
0xe1: {  	[hbm4b:s11+s4] =	stream.linear.scatter [tilespmem:s22], [sflag:$0x5], $0x4000, $0x38;
	[tilespmem:$0x1D000] =	vst v63  }
0xe2: {  	_ =	swait.ge [sflag:s23], $0x4000  }
0xe3: {  	[sflag:s23] =	ssyncset.done $0x0  }
0xe4: {  	s15 =	rddreg [dreg:$0xd];
	[sflag:s23] =	ssyncadd.s32 $0xFFFFC000  }
0xe5: {  	[tilespmem:s22], [sflag:$0x5] =	stream.linear.gather [spmem:s15], $0x4000, $0x38;
	[tilespmem:$0x1D000] =	vst v63  }
0xe6: {  	_ =	swait.ge [sflag:s23], $0x4000  }
0xe7: {  	[sflag:s23] =	ssyncset.done $0x0  }
0xe8: {  	s1 =	rddreg [dreg:$0xe];
	[sflag:s23] =	ssyncadd.s32 $0xFFFFC000  }
0xe9: {  	[hbm4b:s1+s4] =	stream.linear.scatter [tilespmem:s22], [sflag:$0x5], $0x4000, $0x38;
	[tilespmem:$0x1D000] =	vst v63  }
0xea: {  	_ =	swait.ge [sflag:s23], $0x4000  }
0xeb: {  	[sflag:s23] =	ssyncset.done $0x0  }
0xec: {  	s11 =	rddreg [dreg:$0xf];
	[sflag:s23] =	ssyncadd.s32 $0xFFFFC000  }
0xed: {  	[tilespmem:s22], [sflag:$0x5] =	stream.linear.gather [spmem:s11], $0x4000, $0x38;
	[tilespmem:$0x1D000] =	vst v63  }
0xee: {  	_ =	swait.ge [sflag:s23], $0x4000  }
0xef: {  	[sflag:s23] =	ssyncset.done $0x0  }
0xf0: {  	s15 =	rddreg [dreg:$0x10];
	[sflag:s23] =	ssyncadd.s32 $0xFFFFC000  }
0xf1: {  	[hbm4b:s15+s4] =	stream.linear.scatter [tilespmem:s22], [sflag:$0x5], $0x4000, $0x38;
	[tilespmem:$0x1D000] =	vst v63  }
0xf2: {  	_ =	swait.ge [sflag:s23], $0x4000  }
0xf3: {  	[sflag:s23] =	ssyncset.done $0x0  }
0xf4: {  	s1 =	rddreg [dreg:$0x11];
	[sflag:s23] =	ssyncadd.s32 $0xFFFFC000  }
0xf5: {  	[tilespmem:s22], [sflag:$0x5] =	stream.linear.gather [spmem:s1], $0x4000, $0x38;
	[tilespmem:$0x1D000] =	vst v63  }
0xf6: {  	_ =	swait.ge [sflag:s23], $0x4000  }
0xf7: {  	[sflag:s23] =	ssyncset.done $0x0  }
0xf8: {  	s11 =	rddreg [dreg:$0x12];
	[sflag:s23] =	ssyncadd.s32 $0xFFFFC000  }
0xf9: {  	[hbm4b:s11+s4] =	stream.linear.scatter [tilespmem:s22], [sflag:$0x5], $0x4000, $0x38;
	[tilespmem:$0x1D000] =	vst v63  }
0xfa: {  	_ =	swait.ge [sflag:s23], $0x4000  }
0xfb: {  	s1 =	rddreg [dreg:$0x15]  }
0xfc: {  	s15 =	rddreg [dreg:$0x5];
	s1 =	sadd.s32 $0x1, s1  }
0xfd: {  	p1 =	sne.s32 s1, s15  }
.Ltmp2:
0xfe: {  	_ = 	snop;
	(pc) =	sbr.rel @p1 .LBB2_1-.Ltmp2, $3  }
0xff: {  	_ =	sdelay $0x1  }
0x100: {  	[sflag:s23] =	ssyncset.done $0x0  }
0x101: {  	[sflag:s23] =	ssyncadd.s32 $0xFFFFC000  }
0x102: {  	_ =	sfence.sel $0x180000  }
0x103: {  	[bflag:$0x0] =	sbarrier.arrive $0xFFFF  }
0x104: {  	_ =	strace $0x90000047  }
0x105: {  	s0 =	stileid.u32;
	[bflag:$0x2] =	sbarrier.arrive $0xFFFF  }
0x106: {  	p0 =	sne.s32 s0, $0x0;
	s0 =	rddreg [dreg:$0x3]  }
0x107: {  	s0 =	sadd.s32 @!p0 $0x100000, s0  }
0x108: {  	[sflag:s0] =	ssyncadd.tile.s32 @!p0 $0x1;
	_ =	shalt  }
.Lfunc_end2:
_tile_overlayer_lowered:
.L_overlay_start_2:
0x109: {  	(tag) =	ssettag $0x2  }
0x10a: {  	s0 =	rddreg [dreg:$0x0];
	s2 =	stileid.u32  }
0x10b: {  	s1 =	rddreg [dreg:$0x1];
	p0 =	sne.s32 s2, $0x0  }
0x10c: {  	s3 =	rddreg [dreg:$0x2];
	[bflag:$0x3] =	sbarrier.arrive $0xFFFF;
	s2 =	simm.s32 @!p0 $0x1C05  }
0x10d: {  	[timem:s3], [sflag:s2] =	dma.local @!p0 [hbm:s0], s1  }
0x10e: {  	s0 =	simm.s32 @!p0 $0x5  }
0x10f: {  	_ =	swait.ge @!p0 [sflag:s0], s1  }
0x110: {  	s1 =	ssub.s32 @!p0 $0x0, s1;
	[sflag:s0] =	ssyncset.done @!p0 $0x0  }
0x111: {  	[sflag:s0] =	ssyncadd.s32 @!p0 s1  }
0x112: {  	[bflag:$0x3] =	sbarrier.arrive $0xFFFF  }
0x113: {  	_ =	shalt  }

// kernel: kernel.18.cloned.1.call-start
scs
__scs_entry_jumppad:
0x0: {  	(pc) =	sbr.rel $0x88, $3  }
0x1: {  	(tag) =	ssettag $0x0;
	lr =	simm.s32 $0x1  }
0x2: {  	[smem:$0x3F96] =	sst lr;
	_ =	strace $0xD0000000  }
0x3: {  	_ = 	snop  }
0x4: {  	_ = 	snop  }
0x5: {  	_ = 	snop  }
0x6: {  	_ = 	snop  }
0x7: {  	_ = 	snop  }
__scs_overlays_trampoline_lowered:
0x8: {  	[smem:$0x3FA5] =	sst s0  }
0x9: {  	[smem:$0x3FA6] =	sst s1  }
0xa: {  	[smem:$0x3FA7] =	sst s2  }
0xb: {  	[smem:$0x3FA8] =	sst s3  }
0xc: {  	[smem:$0x3FA9] =	sst s4  }
0xd: {  	[smem:$0x3FAA] =	sst s5  }
0xe: {  	[smem:$0x3FAB] =	sst s6  }
0xf: {  	[smem:$0x3FAC] =	sst s7  }
0x10: {  	[smem:$0x3FAD] =	sst s8  }
0x11: {  	[smem:$0x3FAE] =	sst s9;
	s0 =	simm.s32 @!p0 $0x0  }
0x12: {  	s1 =	sld [smem:$0x3F94];
	s0 =	simm.s32 @p0 $0x1  }
0x13: {  	[smem:$0x3FAF] =	sst s0;
	s0 =	simm.s32 @!p1 $0x0  }
0x14: {  	s2 =	sld [smem:$0x3F93];
	s0 =	simm.s32 @p1 $0x1  }
0x15: {  	[smem:$0x3FB0] =	sst s0;
	s0 =	simm.s32 @!p2 $0x0  }
0x16: {  	s3 =	sld [smem:$0x3FDB];
	s0 =	simm.s32 @p2 $0x1  }
0x17: {  	s4 =	simm.s32 $0x1BF5;
	[smem:$0x3FB2] =	sst s0  }
0x18: {  	s0 =	sld [smem:$0x3F95];
	_ =	swait.ge [sflag:s4], $0x0  }
0x19: {  	s7 =	sld [smem:$0x3F96]  }
0x1a: {  	s8 =	sadd.s32 $0xFFFFE003, lr  }
0x1b: {  	s9 =	sadd.s32 $0xFFFFFEF7, lr;
	s5 =	simm.s32 $0xFFFFFFFF;
	p2 =	slt.u32 s8, $0xFFFFF086  }
0x1c: {  	p1 =	slt.u32 s9, $0xF7A;
	s5 =	simm.s32 @!p2 $0x0  }
0x1d: {  	s5 =	simm.s32 @p1 $0x1;
	p0 =	seq.s32 s7, s2  }
0x1e: {  	s7 =	smul.u32 @!p0 $0xF7A, s2;
	p2 =	seq.s32 @!p0 s5, $0x0  }
0x1f: {  	s9 =	smul.u32 $0xF7A, s1;
	s8 =	simm.s32 @!p0 $0x1BF5;
	p2 =	por !p2, p0  }
0x20: {  	[sflag:s8] =	ssyncset.s32 @!p0 $0xFFFFF086;
	s6 =	sadd.s32 @!p0 s3, s7;
	s7 =	simm.s32 @!p0 $0x108  }
0x21: {  	s3 =	sadd.s32 s3, s9;
	s6 =	sadd.s32 @!p0 $0x88, s6;
	s7 =	simm.s32 @p2 $0x1082  }
0x22: {  	[simem:s7], [sflag:s8] =	dma.local @!p0 [hbm:s6], $0xF7A  }
0x23: {  	s9 =	sor.u32 $0xD0000000, s2;
	s6 =	simm.s32 $0x108;
	_ =	swait.ge @!p0 [sflag:s8], $0x0  }
0x24: {  	s3 =	sadd.s32 $0x88, s3;
	s6 =	simm.s32 @!p1 $0x1082;
	[sflag:s4] =	ssyncset.s32 $0xFFFFF086  }
0x25: {  	[simem:s6], [sflag:s4] =	dma.local [hbm:s3], $0xF7A  }
0x26: {  	[smem:$0x3F96] =	sst s1;
	(tag) =	ssettag s2;
	_ =	strace s9  }
0x27: {  	s1 =	sld [smem:$0x3FA6]  }
0x28: {  	s2 =	sld [smem:$0x3FA7]  }
0x29: {  	s4 =	sld [smem:$0x3FA9]  }
0x2a: {  	p0 =	seq.s32 s5, $0x0;
	s5 =	sld [smem:$0x3FAA]  }
0x2b: {  	s6 =	sld [smem:$0x3FAB]  }
0x2c: {  	s7 =	sld [smem:$0x3FAC]  }
0x2d: {  	s3 =	simm.s32 $0x108;
	s8 =	sld [smem:$0x3FAD]  }
0x2e: {  	s3 =	simm.s32 @!p0 $0x1082;
	s9 =	sld [smem:$0x3FAE]  }
0x2f: {  	lr =	sadd.s32 s0, s3;
	s0 =	sld [smem:$0x3FA5]  }
0x30: {  	s3 =	sld [smem:$0x3FA8]  }
0x31: {  	[smem:$0x3FB1] =	sst s10  }
0x32: {  	s10 =	sld [smem:$0x3FAF];
	_ =	sdelay $0x3  }
0x33: {  	p0 =	seq.s32 s10, $0x1;
	s10 =	sld [smem:$0x3FB1];
	_ =	sdelay $0x3  }
0x34: {  	[smem:$0x3FB1] =	sst s10  }
0x35: {  	s10 =	sld [smem:$0x3FB0];
	_ =	sdelay $0x3  }
0x36: {  	p1 =	seq.s32 s10, $0x1;
	s10 =	sld [smem:$0x3FB1];
	_ =	sdelay $0x3  }
0x37: {  	[smem:$0x3FB1] =	sst s10  }
0x38: {  	s10 =	sld [smem:$0x3FB2]  }
0x39: {  	_ = 	snop;
	(pc) =	sbr.ind lr, $3  }
0x3a: {  	_ = 	snop  }
0x3b: {  	_ = 	snop  }
0x3c: {  	p2 =	seq.s32 s10, $0x1;
	s10 =	sld [smem:$0x3FB1]  }
0x3d: {  	_ =	shalt  }
0x3e: {  	_ =	shalt  }
0x3f: {  	_ =	shalt  }
0x40: {  	_ =	shalt  }
0x41: {  	_ =	shalt  }
0x42: {  	_ =	shalt  }
0x43: {  	_ =	shalt  }
0x44: {  	_ =	shalt  }
0x45: {  	_ =	shalt  }
0x46: {  	_ =	shalt  }
0x47: {  	_ =	shalt  }
0x48: {  	_ =	shalt  }
0x49: {  	_ =	shalt  }
0x4a: {  	_ =	shalt  }
0x4b: {  	_ =	shalt  }
0x4c: {  	_ =	shalt  }
0x4d: {  	_ =	shalt  }
0x4e: {  	_ =	shalt  }
0x4f: {  	_ =	shalt  }
0x50: {  	_ =	shalt  }
0x51: {  	_ =	shalt  }
0x52: {  	_ =	shalt  }
0x53: {  	_ =	shalt  }
0x54: {  	_ =	shalt  }
0x55: {  	_ =	shalt  }
0x56: {  	_ =	shalt  }
0x57: {  	_ =	shalt  }
0x58: {  	_ =	shalt  }
0x59: {  	_ =	shalt  }
0x5a: {  	_ =	shalt  }
0x5b: {  	_ =	shalt  }
0x5c: {  	_ =	shalt  }
0x5d: {  	_ =	shalt  }
0x5e: {  	_ =	shalt  }
0x5f: {  	_ =	shalt  }
0x60: {  	_ =	shalt  }
0x61: {  	_ =	shalt  }
0x62: {  	_ =	shalt  }
0x63: {  	_ =	shalt  }
0x64: {  	_ =	shalt  }
0x65: {  	_ =	shalt  }
0x66: {  	_ =	shalt  }
0x67: {  	_ =	shalt  }
0x68: {  	_ =	shalt  }
0x69: {  	_ =	shalt  }
0x6a: {  	_ =	shalt  }
0x6b: {  	_ =	shalt  }
0x6c: {  	_ =	shalt  }
0x6d: {  	_ =	shalt  }
0x6e: {  	_ =	shalt  }
0x6f: {  	_ =	shalt  }
0x70: {  	_ =	shalt  }
0x71: {  	_ =	shalt  }
0x72: {  	_ =	shalt  }
0x73: {  	_ =	shalt  }
0x74: {  	_ =	shalt  }
0x75: {  	_ =	shalt  }
0x76: {  	_ =	shalt  }
0x77: {  	_ =	shalt  }
0x78: {  	_ =	shalt  }
0x79: {  	_ =	shalt  }
0x7a: {  	_ =	shalt  }
0x7b: {  	_ =	shalt  }
0x7c: {  	_ =	shalt  }
0x7d: {  	_ =	shalt  }
0x7e: {  	_ =	shalt  }
0x7f: {  	_ =	shalt  }
0x80: {  	_ =	shalt  }
0x81: {  	_ =	shalt  }
0x82: {  	_ =	shalt  }
0x83: {  	_ =	shalt  }
0x84: {  	_ =	shalt  }
0x85: {  	_ =	shalt  }
0x86: {  	_ =	shalt  }
0x87: {  	_ =	shalt  }
.Lfunc_end0:
.L_simem_size_0:
called_computation.2_lowered:
.L_overlay_start_0:
0x88: {  	s2 =	sld [smem:$0x3FD9]  }
0x89: {  	s3 =	sld [smem:$0x3FFE];
	_ =	sdelay $0x1  }
0x8a: {  	s1 =	srdreg.scid  }
0x8b: {  	s0 =	sand.u32 $0x1, s1  }
0x8c: {  	s17 =	sshll.u32 s0, $0xA;
	s2 =	sadd.s32 s3, s2  }
0x8d: {  	s2 =	sadd.s32 s2, s17  }
0x8e: {  	[smem:$0x3FBD] =	sst s2  }
0x8f: {  	_ = 	snop  }
0x90: {  	s2 =	sld [smem:$0x3FD0];
	(tm) =	ssettm $0x1  }
0x91: {  	s18 =	sld [smem:$0x3FFB];
	_ =	sdelay $0x3  }
0x92: {  	_ =	strace s18  }
0x93: {  	s3 =	sld [smem:$0x3FFC];
	_ =	sdelay $0x3  }
0x94: {  	_ =	strace s3  }
0x95: {  	s3 =	sld [smem:$0x3FFD];
	_ =	sdelay $0x3  }
0x96: {  	_ =	strace s3  }
0x97: {  	_ =	strace $0x8FFFFFFF  }
0x98: {  	s19 =	sld [smem:$0x3FDB];
	_ =	sdelay $0x1  }
0x99: {  	s4 =	simm.s32 $_scs_section_size  }
0x9a: {  	s5 =	simm.s32 $_size__tile_overlayer_lowered;
	s6 =	simm.s32 $_tile_overlayer_lowered  }
0x9b: {  	s22 =	simm.s32 $0x1BFF;
	s21 =	sshll.u32 s6, $0x1;
	s3 =	sadd.s32 s4, s19  }
0x9c: {  	s7 =	simm.s32 $0x0;
	s20 =	sshll.u32 s5, $0x1;
	s5 =	sadd.s32 s21, s3  }
0x9d: {  	[timem:s7], [sflag:s22] =	dma.local [hbm:s5], s20  }
0x9e: {  	_ =	swait.ge [sflag:s22], s20  }
0x9f: {  	s4 =	ssub.s32 $0x0, s20;
	[sflag:s22] =	ssyncset.done $0x0  }
0xa0: {  	[sflag:s22] =	ssyncadd.s32 s4;
	_ =	sdelay $0x1  }
0xa1: {  	s23 =	simm.s32 $0x1B8B  }
0xa2: {  	_ =	swait.ge [sflag:s23], $0x1  }
0xa3: {  	[sflag:s23] =	ssyncset.done $0x0  }
0xa4: {  	s25 =	simm.s32 $0x1B8E;
	s24 =	sld [smem:$0x3FFE];
	[sflag:s23] =	ssyncadd.s32 $0xFFFFFFFF  }
0xa5: {  	s26 =	simm.s32 $execute0_lowered;
	[smem:$0x3FD2] =	sst s25  }
0xa6: {  	s5 =	sshll.u32 s26, $0x1;
	_ =	strace $0x8000004C;
	[dreg:$0x1] =	wrdreg $0xFFFFFFFF  }
0xa7: {  	s28 =	simm.s32 $_size_execute0_lowered;
	s3 =	sadd.s32 s3, s5;
	[dreg:$0x0] =	wrdreg $0x0  }
0xa8: {  	s5 =	sshll.u32 s28, $0x1;
	[dreg:$0x2] =	wrdreg s3  }
0xa9: {  	[dreg:$0x3] =	wrdreg s5  }
0xaa: {  	[dreg:$0x4] =	wrdreg $0xC0  }
0xab: {  	_ =	task [dreg:s7], $0x5FFFF  }
0xac: {  	[dreg:$0x1] =	wrdreg $0xFFFFFFFF  }
0xad: {  	[dreg:$0x0] =	wrdreg $0x60  }
0xae: {  	[dreg:$0x2] =	wrdreg s2  }
0xaf: {  	[dreg:$0x3] =	wrdreg s24  }
0xb0: {  	[dreg:$0x4] =	wrdreg $0x90000  }
0xb1: {  	[dreg:$0x5] =	wrdreg $0x9  }
0xb2: {  	_ =	task.clear_ibuf [dreg:s7], $0x6FFFF;
	_ =	strace $0x9000004C  }
0xb3: {  	s29 =	simm.s32 $0x9;
	_ =	strace $0x8000004E  }
0xb4: {  	_ =	swait.ge [sflag:s29], $0x1  }
0xb5: {  	[sflag:s29] =	ssyncadd.s32 $0xFFFFFFFF  }
0xb6: {  	_ =	strace $0x9000004E  }
0xb7: {  	_ =	sfence  }
0xb8: {  	s30 =	sld [smem:$0x0];
	_ =	sdelay $0x2  }
0xb9: {  	s31 =	sshll.u32 s1, $0xD;
	s1 =	sshrl.u32 s1, $0x2  }
0xba: {  	s3 =	sand.u32 $0x4000, s31;
	s1 =	sadd.s32 s1, s30  }
0xbb: {  	s0 =	sor.u32 s3, s0;
	s1 =	sshll.u32 s1, $0x11  }
0xbc: {  	s0 =	sor.u32 s1, s0  }
0xbd: {  	s0 =	sadd.s32 $0x8F2B, s0  }
0xbe: {  	[sflag:s0] =	ssyncadd.remote.s32 $0x1  }
0xbf: {  	_ =	sfence.sel $0xFFFF  }
0xc0: {  	[dreg:$0x0] =	wrdreg $0xFFFFFFFF;
	(pc) =	sbr.abs _section_cstart, $3  }
0xc1: {  	[dreg:$0x1] =	wrdreg $0xFFFFFFFF  }
0xc2: {  	_ =	task.clear_ibuf [dreg:s7], $0x2FFFF;
	_ =	strace $0x9FFFFFFF  }
0xc3: {  	(tm) =	ssettm $0x7FFFFFFF  }
tec
execute0_lowered:
.L_overlay_start_1:
0x0: {  	(tag) =	ssettag $0x1  }
0x1: {  	s0 =	rddreg [dreg:$0x0]  }
0x2: {  	s1 =	rddreg [dreg:$0x1];
	s2 =	srdreg.scid  }
0x3: {  	s3 =	rddreg [dreg:$0x2];
	s10 =	stileid.u32  }
0x4: {  	s4 =	simm.s32 $0x0;
	s28 =	simm.s32 $0x1;
	s6 =	smul.u32 $0x4800, s10  }
0x5: {  	s29 =	simm.s32 $0x2;
	s31 =	simm.s32 $0x3;
	s7 =	smul.u32 $0x50000, s10  }
0x6: {  	s30 =	simm.s32 $0x680;
	s2 =	sand.u32 $0x1, s2;
	s26 =	smul.u32 $0x14000, s10  }
0x7: {  	[smem:$0x7FF] =	sst s4;
	s10 =	simm.s32 $0xF80;
	s5 =	smul.u32 $0x48000, s2  }
0x8: {  	_ =	strace $0x8000004D;
	s25 =	ssub.s32 $0x2, s2;
	s9 =	smul.u32 $0x140000, s2  }
0x9: {  	p0 =	sne.s32 s2, $0x0;
	s2 =	simm.s32 $0x4;
	s8 =	sshrl.u32 s25, $0x1  }
0xa: {  	s7 =	sshrl.u32 s7, $0x2;
	s14 =	sadd.s32 $0x4000, s26;
	s18 =	sadd.s32 $0x8000, s26  }
0xb: {  	s21 =	sadd.s32 $0xC000, s26;
	s5 =	sadd.s32 s6, s5;
	s6 =	ssub.s32 s25, s8  }
0xc: {  	s16 =	sadd.s32 s7, s3;
	s13 =	sadd.s32 s9, s26;
	s17 =	sadd.s32 s9, s14  }
0xd: {  	s19 =	sadd.s32 s18, s3;
	s20 =	sadd.s32 s9, s18;
	s8 =	sadd.s32 $0x10000, s26  }
0xe: {  	s22 =	sadd.s32 s9, s21;
	s18 =	simm.s32 $0x500;
	s5 =	sshrl.u32 s5, $0x3  }
0xf: {  	s6 =	smax.u32 s6, $0x1;
	s11 =	sadd.s32 $0x4000, s16;
	[dreg:$0xd] =	wrdreg s19  }
0x10: {  	s12 =	sadd.s32 $0x8000, s16;
	s7 =	sadd.s32 $0xC000, s16;
	[dreg:$0x4] =	wrdreg s16  }
0x11: {  	s15 =	sadd.s32 $0x10000, s16;
	s9 =	sadd.s32 s9, s8;
	[dreg:$0x5] =	wrdreg s6  }
0x12: {  	s24 =	sadd.s32 s8, s3;
	s19 =	simm.s32 $0x580;
	[dreg:$0x6] =	wrdreg s11  }
0x13: {  	s8 =	simm.s32 $0x780;
	s5 =	sadd.s32 s5, s1;
	[dreg:$0x7] =	wrdreg s12  }
0x14: {  	s1 =	sadd.s32 $0x31600, s1;
	[dreg:$0x8] =	wrdreg s7;
	s6 =	sshrl.u32 s13, $0x3  }
0x15: {  	[dreg:$0x9] =	wrdreg s15;
	s7 =	sadd.s32 s14, s3;
	s23 =	sshrl.u32 s9, $0x3  }
0x16: {  	[dreg:$0x11] =	wrdreg s24;
	s24 =	simm.s32 $0x800;
	s12 =	simm.s32 $0x480  }
0x17: {  	s13 =	simm.s32 $0xC00;
	s6 =	sadd.s32 s1, s6;
	[dreg:$0xb] =	wrdreg s7  }
0x18: {  	s9 =	simm.s32 $0xF00;
	s7 =	sadd.s32 s21, s3;
	[dreg:$0xa] =	wrdreg s6  }
0x19: {  	s25 =	sadd.s32 $0x1F600, s5;
	s26 =	sadd.s32 $0xD600, s5;
	[dreg:$0xf] =	wrdreg s7  }
0x1a: {  	s21 =	simm.s32 $0xD80;
	s6 =	sshrl.u32 s17, $0x3;
	[dreg:$0x13] =	wrdreg s25  }
0x1b: {  	s5 =	simm.s32 $0x600;
	[dreg:$0x14] =	wrdreg s26;
	s6 =	sadd.s32 s1, s6  }
0x1c: {  	s25 =	simm.s32 $0x80;
	[dreg:$0xc] =	wrdreg s6;
	s6 =	sshrl.u32 s20, $0x3  }
0x1d: {  	s26 =	simm.s32 $0x5000;
	s17 =	simm.s32 $0xC80;
	s6 =	sadd.s32 s1, s6  }
0x1e: {  	s7 =	simm.s32 $0x700;
	[dreg:$0xe] =	wrdreg s6;
	s6 =	sshrl.u32 s22, $0x3  }
0x1f: {  	s20 =	simm.s32 $0xD00;
	s22 =	simm.s32 $0x1000;
	s6 =	sadd.s32 s1, s6  }
0x20: {  	s1 =	sadd.s32 s1, s23;
	s23 =	simm.s32 $0x5;
	[dreg:$0x10] =	wrdreg s6  }
0x21: {  	v0 =	vimm.f32 $0.0e+00;
	[dreg:$0x12] =	wrdreg s1;
	s1 =	simm.s32 $0x0;
	s6 =	simm.s32 $0xE80  }
.LBB2_1:
0x22: {  	[dreg:$0x15] =	wrdreg s1;
	s14 =	simm.s32 $0x0;
	s15 =	simm.s32 $0x200  }
.LBB2_2:
0x23: {  	p1 =	sne.s32 s15, $0xFE00;
	[tilespmem:s14+$0x1070] =	vst v0  }
0x24: {  	[tilespmem:s14+$0x1000] =	vst v0  }
0x25: {  	[tilespmem:s14+$0x1010] =	vst v0  }
.Ltmp0:
0x26: {  	[tilespmem:s14+$0x1020] =	vst v0;
	(pc) =	sbr.rel @p1 .LBB2_2-.Ltmp0, $4  }
0x27: {  	[tilespmem:s14+$0x1030] =	vst v0  }
0x28: {  	[tilespmem:s14+$0x1040] =	vst v0  }
0x29: {  	[tilespmem:s14+$0x1050] =	vst v0  }
0x2a: {  	[tilespmem:s14+$0x1060] =	vst v0;
	s14 =	sshra.s32 s15, $0x2;
	s15 =	sadd.s32 $0x200, s15  }
0x2b: {  	[tilespmem:s14+$0x1070] =	vst v0  }
0x2c: {  	[tilespmem:s14+$0x1000] =	vst v0  }
0x2d: {  	[tilespmem:s14+$0x1010] =	vst v0  }
0x2e: {  	[tilespmem:s14+$0x1020] =	vst v0  }
0x2f: {  	[tilespmem:s14+$0x1030] =	vst v0  }
0x30: {  	[tilespmem:s14+$0x1040] =	vst v0  }
0x31: {  	[tilespmem:s14+$0x1050] =	vst v0  }
0x32: {  	[tilespmem:s14+$0x1060] =	vst v0  }
0x33: {  	[spmem:s16] =	stream.linear.scatter [tilespmem:s22], [sflag:$0x5], $0x4000, $0x38;
	[tilespmem:$0x1D000] =	vst v63  }
0x34: {  	_ =	swait.ge [sflag:s23], $0x4000  }
0x35: {  	[sflag:s23] =	ssyncset.done $0x0  }
0x36: {  	s1 =	rddreg [dreg:$0x6];
	[sflag:s23] =	ssyncadd.s32 $0xFFFFC000  }
0x37: {  	[spmem:s1] =	stream.linear.scatter [tilespmem:s22], [sflag:$0x5], $0x4000, $0x38;
	[tilespmem:$0x1D000] =	vst v63  }
0x38: {  	_ =	swait.ge [sflag:s23], $0x4000  }
0x39: {  	[sflag:s23] =	ssyncset.done $0x0  }
0x3a: {  	s11 =	rddreg [dreg:$0x7];
	[sflag:s23] =	ssyncadd.s32 $0xFFFFC000  }
0x3b: {  	[spmem:s11] =	stream.linear.scatter [tilespmem:s22], [sflag:$0x5], $0x4000, $0x38;
	[tilespmem:$0x1D000] =	vst v63  }
0x3c: {  	_ =	swait.ge [sflag:s23], $0x4000  }
0x3d: {  	[sflag:s23] =	ssyncset.done $0x0  }
0x3e: {  	s15 =	rddreg [dreg:$0x8];
	[sflag:s23] =	ssyncadd.s32 $0xFFFFC000  }
0x3f: {  	[spmem:s15] =	stream.linear.scatter [tilespmem:s22], [sflag:$0x5], $0x4000, $0x38;
	[tilespmem:$0x1D000] =	vst v63  }
0x40: {  	_ =	swait.ge [sflag:s23], $0x4000  }
0x41: {  	[sflag:s23] =	ssyncset.done $0x0  }
0x42: {  	s16 =	rddreg [dreg:$0x9];
	[sflag:s23] =	ssyncadd.s32 $0xFFFFC000  }
0x43: {  	[spmem:s16] =	stream.linear.scatter [tilespmem:s22], [sflag:$0x5], $0x4000, $0x38;
	[tilespmem:$0x1D000] =	vst v63  }
0x44: {  	_ =	swait.ge [sflag:s23], $0x4000  }
0x45: {  	[sflag:s23] =	ssyncset.done $0x0  }
0x46: {  	[sflag:s23] =	ssyncadd.s32 $0xFFFFC000  }
0x47: {  	[bflag:$0x0] =	sbarrier.arrive $0xFFFF  }
0x48: {  	s14 =	rddreg [dreg:$0x14]  }
0x49: {  	s1 =	simm.s32 $0xE00;
	s16 =	simm.s32 $0x0;
	s15 =	rddreg [dreg:$0x13]  }
.LBB2_4:
0x4a: {  	[tilespmem:s4], [sflag:$0x5] =	stream.linear.gather [hbm4b:s14+s4], $0x800, $0x38;
	[tilespmem:$0x1D000] =	vst v63  }
0x4b: {  	_ =	swait.ge [sflag:s23], $0x800  }
0x4c: {  	[sflag:s23] =	ssyncset.done $0x0  }
0x4d: {  	[sflag:s23] =	ssyncadd.s32 $0xFFFFF800  }
0x4e: {  	[tilespmem:s24], [sflag:$0x5] =	stream.linear.gather [hbm4b:s15+s4], $0x800, $0x38;
	[tilespmem:$0x1D000] =	vst v63  }
0x4f: {  	_ =	swait.ge [sflag:s23], $0x800  }
0x50: {  	[sflag:s23] =	ssyncset.done $0x0  }
0x51: {  	[sflag:s23] =	ssyncadd.s32 $0xFFFFF800  }
0x52: {  	[tilespmem:s22], [sflag:$0x1] =	stream.indirect.gather [hbm4b:s0+s25], $0x80, s4, s25, $0xb8;
	[tilespmem:$0x1D000] =	vst v63  }
0x53: {  	_ = 	snop  }
0x54: {  	[tilespmem:s26], [sflag:$0x2] =	stream.indirect.gather [hbm4b:s0+s25], $0x80, s25, s25, $0xb8;
	[tilespmem:$0x1D000] =	vst v63  }
0x55: {  	_ =	swait.ge [sflag:s28], $0x4000  }
0x56: {  	[sflag:s28] =	ssyncset.done $0x0  }
0x57: {  	[sflag:s28] =	ssyncadd.s32 $0xFFFFC000  }
0x58: {  	[spmem:s3] =	stream.indirect.scatter.add.f32 [tilespmem:s22], [sflag:$0x3], $0x80, s24, s25, $0xb8;
	[tilespmem:$0x1D000] =	vst v63  }
0x59: {  	_ =	swait.ge [sflag:s29], $0x4000  }
0x5a: {  	[sflag:s29] =	ssyncset.done $0x0  }
0x5b: {  	s11 =	simm.s32 $0x880;
	[sflag:s29] =	ssyncadd.s32 $0xFFFFC000  }
0x5c: {  	[spmem:s3] =	stream.indirect.scatter.add.f32 [tilespmem:s26], [sflag:$0x4], $0x80, s11, s25, $0xb8;
	[tilespmem:$0x1D000] =	vst v63  }
0x5d: {  	_ =	swait.ge [sflag:s31], $0x4000  }
0x5e: {  	[sflag:s31] =	ssyncset.done $0x0  }
0x5f: {  	s11 =	simm.s32 $0x100;
	[sflag:s31] =	ssyncadd.s32 $0xFFFFC000  }
0x60: {  	[tilespmem:s22], [sflag:$0x1] =	stream.indirect.gather [hbm4b:s0+s25], $0x80, s11, s25, $0xb8;
	[tilespmem:$0x1D000] =	vst v63  }
0x61: {  	_ =	swait.ge [sflag:s2], $0x4000  }
0x62: {  	[sflag:s2] =	ssyncset.done $0x0  }
0x63: {  	s11 =	simm.s32 $0x180;
	[sflag:s2] =	ssyncadd.s32 $0xFFFFC000  }
0x64: {  	[tilespmem:s26], [sflag:$0x2] =	stream.indirect.gather [hbm4b:s0+s25], $0x80, s11, s25, $0xb8;
	[tilespmem:$0x1D000] =	vst v63  }
0x65: {  	_ =	swait.ge [sflag:s28], $0x4000  }
0x66: {  	[sflag:s28] =	ssyncset.done $0x0  }
0x67: {  	s11 =	simm.s32 $0x900;
	[sflag:s28] =	ssyncadd.s32 $0xFFFFC000  }
0x68: {  	[spmem:s3] =	stream.indirect.scatter.add.f32 [tilespmem:s22], [sflag:$0x3], $0x80, s11, s25, $0xb8;
	[tilespmem:$0x1D000] =	vst v63  }
0x69: {  	_ =	swait.ge [sflag:s29], $0x4000  }
0x6a: {  	[sflag:s29] =	ssyncset.done $0x0  }
0x6b: {  	s11 =	simm.s32 $0x980;
	[sflag:s29] =	ssyncadd.s32 $0xFFFFC000  }
0x6c: {  	[spmem:s3] =	stream.indirect.scatter.add.f32 [tilespmem:s26], [sflag:$0x4], $0x80, s11, s25, $0xb8;
	[tilespmem:$0x1D000] =	vst v63  }
0x6d: {  	_ =	swait.ge [sflag:s31], $0x4000  }
0x6e: {  	[sflag:s31] =	ssyncset.done $0x0  }
0x6f: {  	s11 =	simm.s32 $0x200;
	[sflag:s31] =	ssyncadd.s32 $0xFFFFC000  }
0x70: {  	[tilespmem:s22], [sflag:$0x1] =	stream.indirect.gather [hbm4b:s0+s25], $0x80, s11, s25, $0xb8;
	[tilespmem:$0x1D000] =	vst v63  }
0x71: {  	_ =	swait.ge [sflag:s2], $0x4000  }
0x72: {  	[sflag:s2] =	ssyncset.done $0x0  }
0x73: {  	s11 =	simm.s32 $0x280;
	[sflag:s2] =	ssyncadd.s32 $0xFFFFC000  }
0x74: {  	[tilespmem:s26], [sflag:$0x2] =	stream.indirect.gather [hbm4b:s0+s25], $0x80, s11, s25, $0xb8;
	[tilespmem:$0x1D000] =	vst v63  }
0x75: {  	_ =	swait.ge [sflag:s28], $0x4000  }
0x76: {  	[sflag:s28] =	ssyncset.done $0x0  }
0x77: {  	s11 =	simm.s32 $0xA00;
	[sflag:s28] =	ssyncadd.s32 $0xFFFFC000  }
0x78: {  	[spmem:s3] =	stream.indirect.scatter.add.f32 [tilespmem:s22], [sflag:$0x3], $0x80, s11, s25, $0xb8;
	[tilespmem:$0x1D000] =	vst v63  }
0x79: {  	_ =	swait.ge [sflag:s29], $0x4000  }
0x7a: {  	[sflag:s29] =	ssyncset.done $0x0  }
0x7b: {  	s11 =	simm.s32 $0xA80;
	[sflag:s29] =	ssyncadd.s32 $0xFFFFC000  }
0x7c: {  	[spmem:s3] =	stream.indirect.scatter.add.f32 [tilespmem:s26], [sflag:$0x4], $0x80, s11, s25, $0xb8;
	[tilespmem:$0x1D000] =	vst v63  }
0x7d: {  	_ =	swait.ge [sflag:s31], $0x4000  }
0x7e: {  	[sflag:s31] =	ssyncset.done $0x0  }
0x7f: {  	s11 =	simm.s32 $0x300;
	[sflag:s31] =	ssyncadd.s32 $0xFFFFC000  }
0x80: {  	[tilespmem:s22], [sflag:$0x1] =	stream.indirect.gather [hbm4b:s0+s25], $0x80, s11, s25, $0xb8;
	[tilespmem:$0x1D000] =	vst v63  }
0x81: {  	_ =	swait.ge [sflag:s2], $0x4000  }
0x82: {  	[sflag:s2] =	ssyncset.done $0x0  }
0x83: {  	s11 =	simm.s32 $0x380;
	[sflag:s2] =	ssyncadd.s32 $0xFFFFC000  }
0x84: {  	[tilespmem:s26], [sflag:$0x2] =	stream.indirect.gather [hbm4b:s0+s25], $0x80, s11, s25, $0xb8;
	[tilespmem:$0x1D000] =	vst v63  }
0x85: {  	_ =	swait.ge [sflag:s28], $0x4000  }
0x86: {  	[sflag:s28] =	ssyncset.done $0x0  }
0x87: {  	s11 =	simm.s32 $0xB00;
	[sflag:s28] =	ssyncadd.s32 $0xFFFFC000  }
0x88: {  	[spmem:s3] =	stream.indirect.scatter.add.f32 [tilespmem:s22], [sflag:$0x3], $0x80, s11, s25, $0xb8;
	[tilespmem:$0x1D000] =	vst v63  }
0x89: {  	_ =	swait.ge [sflag:s29], $0x4000  }
0x8a: {  	[sflag:s29] =	ssyncset.done $0x0  }
0x8b: {  	s11 =	simm.s32 $0xB80;
	[sflag:s29] =	ssyncadd.s32 $0xFFFFC000  }
0x8c: {  	[spmem:s3] =	stream.indirect.scatter.add.f32 [tilespmem:s26], [sflag:$0x4], $0x80, s11, s25, $0xb8;
	[tilespmem:$0x1D000] =	vst v63  }
0x8d: {  	_ =	swait.ge [sflag:s31], $0x4000  }
0x8e: {  	[sflag:s31] =	ssyncset.done $0x0  }
0x8f: {  	s11 =	simm.s32 $0x400;
	[sflag:s31] =	ssyncadd.s32 $0xFFFFC000  }
0x90: {  	[tilespmem:s22], [sflag:$0x1] =	stream.indirect.gather [hbm4b:s0+s25], $0x80, s11, s25, $0xb8;
	[tilespmem:$0x1D000] =	vst v63  }
0x91: {  	_ =	swait.ge [sflag:s2], $0x4000  }
0x92: {  	[sflag:s2] =	ssyncset.done $0x0  }
0x93: {  	[sflag:s2] =	ssyncadd.s32 $0xFFFFC000  }
0x94: {  	[tilespmem:s26], [sflag:$0x2] =	stream.indirect.gather [hbm4b:s0+s25], $0x80, s12, s25, $0xb8;
	[tilespmem:$0x1D000] =	vst v63  }
0x95: {  	_ =	swait.ge [sflag:s28], $0x4000  }
0x96: {  	[sflag:s28] =	ssyncset.done $0x0  }
0x97: {  	[sflag:s28] =	ssyncadd.s32 $0xFFFFC000  }
0x98: {  	[spmem:s3] =	stream.indirect.scatter.add.f32 [tilespmem:s22], [sflag:$0x3], $0x80, s13, s25, $0xb8;
	[tilespmem:$0x1D000] =	vst v63  }
0x99: {  	_ =	swait.ge [sflag:s29], $0x4000  }
0x9a: {  	[sflag:s29] =	ssyncset.done $0x0  }
0x9b: {  	[sflag:s29] =	ssyncadd.s32 $0xFFFFC000  }
0x9c: {  	[spmem:s3] =	stream.indirect.scatter.add.f32 [tilespmem:s26], [sflag:$0x4], $0x80, s17, s25, $0xb8;
	[tilespmem:$0x1D000] =	vst v63  }
0x9d: {  	_ =	swait.ge [sflag:s31], $0x4000  }
0x9e: {  	[sflag:s31] =	ssyncset.done $0x0  }
0x9f: {  	[sflag:s31] =	ssyncadd.s32 $0xFFFFC000  }
0xa0: {  	[tilespmem:s22], [sflag:$0x1] =	stream.indirect.gather [hbm4b:s0+s25], $0x80, s18, s25, $0xb8;
	[tilespmem:$0x1D000] =	vst v63  }
0xa1: {  	_ =	swait.ge [sflag:s2], $0x4000  }
0xa2: {  	[sflag:s2] =	ssyncset.done $0x0  }
0xa3: {  	[sflag:s2] =	ssyncadd.s32 $0xFFFFC000  }
0xa4: {  	[tilespmem:s26], [sflag:$0x2] =	stream.indirect.gather [hbm4b:s0+s25], $0x80, s19, s25, $0xb8;
	[tilespmem:$0x1D000] =	vst v63  }
0xa5: {  	_ =	swait.ge [sflag:s28], $0x4000  }
0xa6: {  	[sflag:s28] =	ssyncset.done $0x0  }
0xa7: {  	[sflag:s28] =	ssyncadd.s32 $0xFFFFC000  }
0xa8: {  	[spmem:s3] =	stream.indirect.scatter.add.f32 [tilespmem:s22], [sflag:$0x3], $0x80, s20, s25, $0xb8;
	[tilespmem:$0x1D000] =	vst v63  }
0xa9: {  	_ =	swait.ge [sflag:s29], $0x4000  }
0xaa: {  	[sflag:s29] =	ssyncset.done $0x0  }
0xab: {  	[sflag:s29] =	ssyncadd.s32 $0xFFFFC000  }
0xac: {  	[spmem:s3] =	stream.indirect.scatter.add.f32 [tilespmem:s26], [sflag:$0x4], $0x80, s21, s25, $0xb8;
	[tilespmem:$0x1D000] =	vst v63  }
0xad: {  	_ =	swait.ge [sflag:s31], $0x4000  }
0xae: {  	[sflag:s31] =	ssyncset.done $0x0  }
0xaf: {  	[sflag:s31] =	ssyncadd.s32 $0xFFFFC000  }
0xb0: {  	[tilespmem:s22], [sflag:$0x1] =	stream.indirect.gather [hbm4b:s0+s25], $0x80, s5, s25, $0xb8;
	[tilespmem:$0x1D000] =	vst v63  }
0xb1: {  	_ =	swait.ge [sflag:s2], $0x4000  }
0xb2: {  	[sflag:s2] =	ssyncset.done $0x0  }
0xb3: {  	[sflag:s2] =	ssyncadd.s32 $0xFFFFC000  }
0xb4: {  	[tilespmem:s26], [sflag:$0x2] =	stream.indirect.gather [hbm4b:s0+s25], $0x80, s30, s25, $0xb8;
	[tilespmem:$0x1D000] =	vst v63  }
0xb5: {  	_ =	swait.ge [sflag:s28], $0x4000  }
0xb6: {  	[sflag:s28] =	ssyncset.done $0x0  }
0xb7: {  	[sflag:s28] =	ssyncadd.s32 $0xFFFFC000  }
0xb8: {  	[spmem:s3] =	stream.indirect.scatter.add.f32 [tilespmem:s22], [sflag:$0x3], $0x80, s1, s25, $0xb8;
	[tilespmem:$0x1D000] =	vst v63  }
0xb9: {  	_ =	swait.ge [sflag:s29], $0x4000  }
0xba: {  	[sflag:s29] =	ssyncset.done $0x0  }
0xbb: {  	[sflag:s29] =	ssyncadd.s32 $0xFFFFC000  }
0xbc: {  	[spmem:s3] =	stream.indirect.scatter.add.f32 [tilespmem:s26], [sflag:$0x4], $0x80, s6, s25, $0xb8;
	[tilespmem:$0x1D000] =	vst v63  }
0xbd: {  	_ =	swait.ge [sflag:s31], $0x4000  }
0xbe: {  	[sflag:s31] =	ssyncset.done $0x0  }
0xbf: {  	[sflag:s31] =	ssyncadd.s32 $0xFFFFC000  }
0xc0: {  	[tilespmem:s22], [sflag:$0x1] =	stream.indirect.gather [hbm4b:s0+s25], $0x80, s7, s25, $0xb8;
	[tilespmem:$0x1D000] =	vst v63  }
0xc1: {  	_ =	swait.ge [sflag:s2], $0x4000  }
0xc2: {  	[sflag:s2] =	ssyncset.done $0x0  }
0xc3: {  	[sflag:s2] =	ssyncadd.s32 $0xFFFFC000  }
0xc4: {  	[tilespmem:s26], [sflag:$0x2] =	stream.indirect.gather [hbm4b:s0+s25], $0x80, s8, s25, $0xb8;
	[tilespmem:$0x1D000] =	vst v63  }
0xc5: {  	_ =	swait.ge [sflag:s28], $0x4000  }
0xc6: {  	[sflag:s28] =	ssyncset.done $0x0  }
0xc7: {  	[sflag:s28] =	ssyncadd.s32 $0xFFFFC000  }
0xc8: {  	[spmem:s3] =	stream.indirect.scatter.add.f32 [tilespmem:s22], [sflag:$0x3], $0x80, s9, s25, $0xb8;
	[tilespmem:$0x1D000] =	vst v63  }
0xc9: {  	_ =	swait.ge [sflag:s29], $0x4000  }
0xca: {  	[sflag:s29] =	ssyncset.done $0x0  }
0xcb: {  	p1 =	slt.u32 @!p0 s16, $0x8;
	[sflag:s29] =	ssyncadd.s32 $0xFFFFC000  }
0xcc: {  	[spmem:s3] =	stream.indirect.scatter.add.f32 [tilespmem:s26], [sflag:$0x4], $0x80, s10, s25, $0xb8;
	[tilespmem:$0x1D000] =	vst v63  }
0xcd: {  	p1 =	por p0, !p1;
	_ =	swait.ge [sflag:s31], $0x4000  }
.Ltmp1:
0xce: {  	[sflag:s31] =	ssyncset.done $0x0;
	(pc) =	sbr.rel @!p1 .LBB2_4-.Ltmp1, $4  }
0xcf: {  	[sflag:s31] =	ssyncadd.s32 $0xFFFFC000  }
0xd0: {  	_ =	swait.ge [sflag:s2], $0x4000  }
0xd1: {  	s16 =	sadd.s32 $0x1, s16;
	[sflag:s2] =	ssyncset.done $0x0  }
0xd2: {  	s14 =	sadd.s32 $0x100, s14;
	s15 =	sadd.s32 $0x100, s15;
	[sflag:s2] =	ssyncadd.s32 $0xFFFFC000  }
0xd3: {  	[bflag:$0x0] =	sbarrier.arrive $0xFFFF  }
0xd4: {  	s16 =	rddreg [dreg:$0x4]  }
0xd5: {  	[tilespmem:s22], [sflag:$0x5] =	stream.linear.gather [spmem:s16], $0x4000, $0x38;
	[tilespmem:$0x1D000] =	vst v63  }
0xd6: {  	_ =	swait.ge [sflag:s23], $0x4000  }
0xd7: {  	[sflag:s23] =	ssyncset.done $0x0  }
0xd8: {  	s14 =	rddreg [dreg:$0xa];
	[sflag:s23] =	ssyncadd.s32 $0xFFFFC000  }
0xd9: {  	[hbm4b:s14+s4] =	stream.linear.scatter [tilespmem:s22], [sflag:$0x5], $0x4000, $0x38;
	[tilespmem:$0x1D000] =	vst v63  }
0xda: {  	_ =	swait.ge [sflag:s23], $0x4000  }
0xdb: {  	[sflag:s23] =	ssyncset.done $0x0  }
0xdc: {  	s1 =	rddreg [dreg:$0xb];
	[sflag:s23] =	ssyncadd.s32 $0xFFFFC000  }
0xdd: {  	[tilespmem:s22], [sflag:$0x5] =	stream.linear.gather [spmem:s1], $0x4000, $0x38;
	[tilespmem:$0x1D000] =	vst v63  }
0xde: {  	_ =	swait.ge [sflag:s23], $0x4000  }
0xdf: {  	[sflag:s23] =	ssyncset.done $0x0  }
0xe0: {  	s11 =	rddreg [dreg:$0xc];
	[sflag:s23] =	ssyncadd.s32 $0xFFFFC000  }
0xe1: {  	[hbm4b:s11+s4] =	stream.linear.scatter [tilespmem:s22], [sflag:$0x5], $0x4000, $0x38;
	[tilespmem:$0x1D000] =	vst v63  }
0xe2: {  	_ =	swait.ge [sflag:s23], $0x4000  }
0xe3: {  	[sflag:s23] =	ssyncset.done $0x0  }
0xe4: {  	s15 =	rddreg [dreg:$0xd];
	[sflag:s23] =	ssyncadd.s32 $0xFFFFC000  }
0xe5: {  	[tilespmem:s22], [sflag:$0x5] =	stream.linear.gather [spmem:s15], $0x4000, $0x38;
	[tilespmem:$0x1D000] =	vst v63  }
0xe6: {  	_ =	swait.ge [sflag:s23], $0x4000  }
0xe7: {  	[sflag:s23] =	ssyncset.done $0x0  }
0xe8: {  	s1 =	rddreg [dreg:$0xe];
	[sflag:s23] =	ssyncadd.s32 $0xFFFFC000  }
0xe9: {  	[hbm4b:s1+s4] =	stream.linear.scatter [tilespmem:s22], [sflag:$0x5], $0x4000, $0x38;
	[tilespmem:$0x1D000] =	vst v63  }
0xea: {  	_ =	swait.ge [sflag:s23], $0x4000  }
0xeb: {  	[sflag:s23] =	ssyncset.done $0x0  }
0xec: {  	s11 =	rddreg [dreg:$0xf];
	[sflag:s23] =	ssyncadd.s32 $0xFFFFC000  }
0xed: {  	[tilespmem:s22], [sflag:$0x5] =	stream.linear.gather [spmem:s11], $0x4000, $0x38;
	[tilespmem:$0x1D000] =	vst v63  }
0xee: {  	_ =	swait.ge [sflag:s23], $0x4000  }
0xef: {  	[sflag:s23] =	ssyncset.done $0x0  }
0xf0: {  	s15 =	rddreg [dreg:$0x10];
	[sflag:s23] =	ssyncadd.s32 $0xFFFFC000  }
0xf1: {  	[hbm4b:s15+s4] =	stream.linear.scatter [tilespmem:s22], [sflag:$0x5], $0x4000, $0x38;
	[tilespmem:$0x1D000] =	vst v63  }
0xf2: {  	_ =	swait.ge [sflag:s23], $0x4000  }
0xf3: {  	[sflag:s23] =	ssyncset.done $0x0  }
0xf4: {  	s1 =	rddreg [dreg:$0x11];
	[sflag:s23] =	ssyncadd.s32 $0xFFFFC000  }
0xf5: {  	[tilespmem:s22], [sflag:$0x5] =	stream.linear.gather [spmem:s1], $0x4000, $0x38;
	[tilespmem:$0x1D000] =	vst v63  }
0xf6: {  	_ =	swait.ge [sflag:s23], $0x4000  }
0xf7: {  	[sflag:s23] =	ssyncset.done $0x0  }
0xf8: {  	s11 =	rddreg [dreg:$0x12];
	[sflag:s23] =	ssyncadd.s32 $0xFFFFC000  }
0xf9: {  	[hbm4b:s11+s4] =	stream.linear.scatter [tilespmem:s22], [sflag:$0x5], $0x4000, $0x38;
	[tilespmem:$0x1D000] =	vst v63  }
0xfa: {  	_ =	swait.ge [sflag:s23], $0x4000  }
0xfb: {  	s1 =	rddreg [dreg:$0x15]  }
0xfc: {  	s15 =	rddreg [dreg:$0x5];
	s1 =	sadd.s32 $0x1, s1  }
0xfd: {  	p1 =	sne.s32 s1, s15  }
.Ltmp2:
0xfe: {  	_ = 	snop;
	(pc) =	sbr.rel @p1 .LBB2_1-.Ltmp2, $3  }
0xff: {  	_ =	sdelay $0x1  }
0x100: {  	[sflag:s23] =	ssyncset.done $0x0  }
0x101: {  	[sflag:s23] =	ssyncadd.s32 $0xFFFFC000  }
0x102: {  	_ =	sfence.sel $0x180000  }
0x103: {  	[bflag:$0x0] =	sbarrier.arrive $0xFFFF  }
0x104: {  	_ =	strace $0x9000004D  }
0x105: {  	s0 =	stileid.u32;
	[bflag:$0x2] =	sbarrier.arrive $0xFFFF  }
0x106: {  	p0 =	sne.s32 s0, $0x0;
	s0 =	rddreg [dreg:$0x3]  }
0x107: {  	s0 =	sadd.s32 @!p0 $0x100000, s0  }
0x108: {  	[sflag:s0] =	ssyncadd.tile.s32 @!p0 $0x1;
	_ =	shalt  }
.Lfunc_end2:
_tile_overlayer_lowered:
.L_overlay_start_2:
0x109: {  	(tag) =	ssettag $0x2  }
0x10a: {  	s0 =	rddreg [dreg:$0x0];
	s2 =	stileid.u32  }
0x10b: {  	s1 =	rddreg [dreg:$0x1];
	p0 =	sne.s32 s2, $0x0  }
0x10c: {  	s3 =	rddreg [dreg:$0x2];
	[bflag:$0x3] =	sbarrier.arrive $0xFFFF;
	s2 =	simm.s32 @!p0 $0x1C05  }
0x10d: {  	[timem:s3], [sflag:s2] =	dma.local @!p0 [hbm:s0], s1  }
0x10e: {  	s0 =	simm.s32 @!p0 $0x5  }
0x10f: {  	_ =	swait.ge @!p0 [sflag:s0], s1  }
0x110: {  	s1 =	ssub.s32 @!p0 $0x0, s1;
	[sflag:s0] =	ssyncset.done @!p0 $0x0  }
0x111: {  	[sflag:s0] =	ssyncadd.s32 @!p0 s1  }
0x112: {  	[bflag:$0x3] =	sbarrier.arrive $0xFFFF  }
0x113: {  	_ =	shalt  }

// kernel: kernel.21.cloned.1.call-start
scs
__scs_entry_jumppad:
0x0: {  	(pc) =	sbr.rel $0x88, $3  }
0x1: {  	(tag) =	ssettag $0x0;
	lr =	simm.s32 $0x1  }
0x2: {  	[smem:$0x3F96] =	sst lr;
	_ =	strace $0xD0000000  }
0x3: {  	_ = 	snop  }
0x4: {  	_ = 	snop  }
0x5: {  	_ = 	snop  }
0x6: {  	_ = 	snop  }
0x7: {  	_ = 	snop  }
__scs_overlays_trampoline_lowered:
0x8: {  	[smem:$0x3FA5] =	sst s0  }
0x9: {  	[smem:$0x3FA6] =	sst s1  }
0xa: {  	[smem:$0x3FA7] =	sst s2  }
0xb: {  	[smem:$0x3FA8] =	sst s3  }
0xc: {  	[smem:$0x3FA9] =	sst s4  }
0xd: {  	[smem:$0x3FAA] =	sst s5  }
0xe: {  	[smem:$0x3FAB] =	sst s6  }
0xf: {  	[smem:$0x3FAC] =	sst s7  }
0x10: {  	[smem:$0x3FAD] =	sst s8  }
0x11: {  	[smem:$0x3FAE] =	sst s9;
	s0 =	simm.s32 @!p0 $0x0  }
0x12: {  	s1 =	sld [smem:$0x3F94];
	s0 =	simm.s32 @p0 $0x1  }
0x13: {  	[smem:$0x3FAF] =	sst s0;
	s0 =	simm.s32 @!p1 $0x0  }
0x14: {  	s2 =	sld [smem:$0x3F93];
	s0 =	simm.s32 @p1 $0x1  }
0x15: {  	[smem:$0x3FB0] =	sst s0;
	s0 =	simm.s32 @!p2 $0x0  }
0x16: {  	s3 =	sld [smem:$0x3FDB];
	s0 =	simm.s32 @p2 $0x1  }
0x17: {  	s4 =	simm.s32 $0x1BF5;
	[smem:$0x3FB2] =	sst s0  }
0x18: {  	s0 =	sld [smem:$0x3F95];
	_ =	swait.ge [sflag:s4], $0x0  }
0x19: {  	s7 =	sld [smem:$0x3F96]  }
0x1a: {  	s8 =	sadd.s32 $0xFFFFE003, lr  }
0x1b: {  	s9 =	sadd.s32 $0xFFFFFEF7, lr;
	s5 =	simm.s32 $0xFFFFFFFF;
	p2 =	slt.u32 s8, $0xFFFFF086  }
0x1c: {  	p1 =	slt.u32 s9, $0xF7A;
	s5 =	simm.s32 @!p2 $0x0  }
0x1d: {  	s5 =	simm.s32 @p1 $0x1;
	p0 =	seq.s32 s7, s2  }
0x1e: {  	s7 =	smul.u32 @!p0 $0xF7A, s2;
	p2 =	seq.s32 @!p0 s5, $0x0  }
0x1f: {  	s9 =	smul.u32 $0xF7A, s1;
	s8 =	simm.s32 @!p0 $0x1BF5;
	p2 =	por !p2, p0  }
0x20: {  	[sflag:s8] =	ssyncset.s32 @!p0 $0xFFFFF086;
	s6 =	sadd.s32 @!p0 s3, s7;
	s7 =	simm.s32 @!p0 $0x108  }
0x21: {  	s3 =	sadd.s32 s3, s9;
	s6 =	sadd.s32 @!p0 $0x88, s6;
	s7 =	simm.s32 @p2 $0x1082  }
0x22: {  	[simem:s7], [sflag:s8] =	dma.local @!p0 [hbm:s6], $0xF7A  }
0x23: {  	s9 =	sor.u32 $0xD0000000, s2;
	s6 =	simm.s32 $0x108;
	_ =	swait.ge @!p0 [sflag:s8], $0x0  }
0x24: {  	s3 =	sadd.s32 $0x88, s3;
	s6 =	simm.s32 @!p1 $0x1082;
	[sflag:s4] =	ssyncset.s32 $0xFFFFF086  }
0x25: {  	[simem:s6], [sflag:s4] =	dma.local [hbm:s3], $0xF7A  }
0x26: {  	[smem:$0x3F96] =	sst s1;
	(tag) =	ssettag s2;
	_ =	strace s9  }
0x27: {  	s1 =	sld [smem:$0x3FA6]  }
0x28: {  	s2 =	sld [smem:$0x3FA7]  }
0x29: {  	s4 =	sld [smem:$0x3FA9]  }
0x2a: {  	p0 =	seq.s32 s5, $0x0;
	s5 =	sld [smem:$0x3FAA]  }
0x2b: {  	s6 =	sld [smem:$0x3FAB]  }
0x2c: {  	s7 =	sld [smem:$0x3FAC]  }
0x2d: {  	s3 =	simm.s32 $0x108;
	s8 =	sld [smem:$0x3FAD]  }
0x2e: {  	s3 =	simm.s32 @!p0 $0x1082;
	s9 =	sld [smem:$0x3FAE]  }
0x2f: {  	lr =	sadd.s32 s0, s3;
	s0 =	sld [smem:$0x3FA5]  }
0x30: {  	s3 =	sld [smem:$0x3FA8]  }
0x31: {  	[smem:$0x3FB1] =	sst s10  }
0x32: {  	s10 =	sld [smem:$0x3FAF];
	_ =	sdelay $0x3  }
0x33: {  	p0 =	seq.s32 s10, $0x1;
	s10 =	sld [smem:$0x3FB1];
	_ =	sdelay $0x3  }
0x34: {  	[smem:$0x3FB1] =	sst s10  }
0x35: {  	s10 =	sld [smem:$0x3FB0];
	_ =	sdelay $0x3  }
0x36: {  	p1 =	seq.s32 s10, $0x1;
	s10 =	sld [smem:$0x3FB1];
	_ =	sdelay $0x3  }
0x37: {  	[smem:$0x3FB1] =	sst s10  }
0x38: {  	s10 =	sld [smem:$0x3FB2]  }
0x39: {  	_ = 	snop;
	(pc) =	sbr.ind lr, $3  }
0x3a: {  	_ = 	snop  }
0x3b: {  	_ = 	snop  }
0x3c: {  	p2 =	seq.s32 s10, $0x1;
	s10 =	sld [smem:$0x3FB1]  }
0x3d: {  	_ =	shalt  }
0x3e: {  	_ =	shalt  }
0x3f: {  	_ =	shalt  }
0x40: {  	_ =	shalt  }
0x41: {  	_ =	shalt  }
0x42: {  	_ =	shalt  }
0x43: {  	_ =	shalt  }
0x44: {  	_ =	shalt  }
0x45: {  	_ =	shalt  }
0x46: {  	_ =	shalt  }
0x47: {  	_ =	shalt  }
0x48: {  	_ =	shalt  }
0x49: {  	_ =	shalt  }
0x4a: {  	_ =	shalt  }
0x4b: {  	_ =	shalt  }
0x4c: {  	_ =	shalt  }
0x4d: {  	_ =	shalt  }
0x4e: {  	_ =	shalt  }
0x4f: {  	_ =	shalt  }
0x50: {  	_ =	shalt  }
0x51: {  	_ =	shalt  }
0x52: {  	_ =	shalt  }
0x53: {  	_ =	shalt  }
0x54: {  	_ =	shalt  }
0x55: {  	_ =	shalt  }
0x56: {  	_ =	shalt  }
0x57: {  	_ =	shalt  }
0x58: {  	_ =	shalt  }
0x59: {  	_ =	shalt  }
0x5a: {  	_ =	shalt  }
0x5b: {  	_ =	shalt  }
0x5c: {  	_ =	shalt  }
0x5d: {  	_ =	shalt  }
0x5e: {  	_ =	shalt  }
0x5f: {  	_ =	shalt  }
0x60: {  	_ =	shalt  }
0x61: {  	_ =	shalt  }
0x62: {  	_ =	shalt  }
0x63: {  	_ =	shalt  }
0x64: {  	_ =	shalt  }
0x65: {  	_ =	shalt  }
0x66: {  	_ =	shalt  }
0x67: {  	_ =	shalt  }
0x68: {  	_ =	shalt  }
0x69: {  	_ =	shalt  }
0x6a: {  	_ =	shalt  }
0x6b: {  	_ =	shalt  }
0x6c: {  	_ =	shalt  }
0x6d: {  	_ =	shalt  }
0x6e: {  	_ =	shalt  }
0x6f: {  	_ =	shalt  }
0x70: {  	_ =	shalt  }
0x71: {  	_ =	shalt  }
0x72: {  	_ =	shalt  }
0x73: {  	_ =	shalt  }
0x74: {  	_ =	shalt  }
0x75: {  	_ =	shalt  }
0x76: {  	_ =	shalt  }
0x77: {  	_ =	shalt  }
0x78: {  	_ =	shalt  }
0x79: {  	_ =	shalt  }
0x7a: {  	_ =	shalt  }
0x7b: {  	_ =	shalt  }
0x7c: {  	_ =	shalt  }
0x7d: {  	_ =	shalt  }
0x7e: {  	_ =	shalt  }
0x7f: {  	_ =	shalt  }
0x80: {  	_ =	shalt  }
0x81: {  	_ =	shalt  }
0x82: {  	_ =	shalt  }
0x83: {  	_ =	shalt  }
0x84: {  	_ =	shalt  }
0x85: {  	_ =	shalt  }
0x86: {  	_ =	shalt  }
0x87: {  	_ =	shalt  }
.Lfunc_end0:
.L_simem_size_0:
called_computation.3_lowered:
.L_overlay_start_0:
0x88: {  	s2 =	sld [smem:$0x3FD9]  }
0x89: {  	s3 =	sld [smem:$0x3FFE];
	_ =	sdelay $0x1  }
0x8a: {  	s1 =	srdreg.scid  }
0x8b: {  	s0 =	sand.u32 $0x1, s1  }
0x8c: {  	s17 =	sshll.u32 s0, $0xA;
	s2 =	sadd.s32 s3, s2  }
0x8d: {  	s2 =	sadd.s32 s2, s17  }
0x8e: {  	[smem:$0x3FBD] =	sst s2  }
0x8f: {  	_ = 	snop  }
0x90: {  	s2 =	sld [smem:$0x3FD0];
	(tm) =	ssettm $0x1  }
0x91: {  	s18 =	sld [smem:$0x3FFB];
	_ =	sdelay $0x3  }
0x92: {  	_ =	strace s18  }
0x93: {  	s3 =	sld [smem:$0x3FFC];
	_ =	sdelay $0x3  }
0x94: {  	_ =	strace s3  }
0x95: {  	s3 =	sld [smem:$0x3FFD];
	_ =	sdelay $0x3  }
0x96: {  	_ =	strace s3  }
0x97: {  	_ =	strace $0x8FFFFFFF  }
0x98: {  	s19 =	sld [smem:$0x3FDB];
	_ =	sdelay $0x1  }
0x99: {  	s4 =	simm.s32 $_scs_section_size  }
0x9a: {  	s5 =	simm.s32 $_size__tile_overlayer_lowered;
	s6 =	simm.s32 $_tile_overlayer_lowered  }
0x9b: {  	s22 =	simm.s32 $0x1BFF;
	s21 =	sshll.u32 s6, $0x1;
	s3 =	sadd.s32 s4, s19  }
0x9c: {  	s7 =	simm.s32 $0x0;
	s20 =	sshll.u32 s5, $0x1;
	s5 =	sadd.s32 s21, s3  }
0x9d: {  	[timem:s7], [sflag:s22] =	dma.local [hbm:s5], s20  }
0x9e: {  	_ =	swait.ge [sflag:s22], s20  }
0x9f: {  	s4 =	ssub.s32 $0x0, s20;
	[sflag:s22] =	ssyncset.done $0x0  }
0xa0: {  	[sflag:s22] =	ssyncadd.s32 s4;
	_ =	sdelay $0x1  }
0xa1: {  	s23 =	simm.s32 $0x1B8B  }
0xa2: {  	_ =	swait.ge [sflag:s23], $0x1  }
0xa3: {  	[sflag:s23] =	ssyncset.done $0x0  }
0xa4: {  	s25 =	simm.s32 $0x1B8E;
	s24 =	sld [smem:$0x3FFE];
	[sflag:s23] =	ssyncadd.s32 $0xFFFFFFFF  }
0xa5: {  	s26 =	simm.s32 $execute0_lowered;
	[smem:$0x3FD2] =	sst s25  }
0xa6: {  	s5 =	sshll.u32 s26, $0x1;
	_ =	strace $0x8000004F;
	[dreg:$0x1] =	wrdreg $0xFFFFFFFF  }
0xa7: {  	s28 =	simm.s32 $_size_execute0_lowered;
	s3 =	sadd.s32 s3, s5;
	[dreg:$0x0] =	wrdreg $0x0  }
0xa8: {  	s5 =	sshll.u32 s28, $0x1;
	[dreg:$0x2] =	wrdreg s3  }
0xa9: {  	[dreg:$0x3] =	wrdreg s5  }
0xaa: {  	[dreg:$0x4] =	wrdreg $0xC0  }
0xab: {  	_ =	task [dreg:s7], $0x5FFFF  }
0xac: {  	[dreg:$0x1] =	wrdreg $0xFFFFFFFF  }
0xad: {  	[dreg:$0x0] =	wrdreg $0x60  }
0xae: {  	[dreg:$0x2] =	wrdreg s2  }
0xaf: {  	[dreg:$0x3] =	wrdreg s24  }
0xb0: {  	[dreg:$0x4] =	wrdreg $0x90000  }
0xb1: {  	[dreg:$0x5] =	wrdreg $0x9  }
0xb2: {  	_ =	task.clear_ibuf [dreg:s7], $0x6FFFF;
	_ =	strace $0x9000004F  }
0xb3: {  	s29 =	simm.s32 $0x9;
	_ =	strace $0x80000051  }
0xb4: {  	_ =	swait.ge [sflag:s29], $0x1  }
0xb5: {  	[sflag:s29] =	ssyncadd.s32 $0xFFFFFFFF  }
0xb6: {  	_ =	strace $0x90000051  }
0xb7: {  	_ =	sfence  }
0xb8: {  	s30 =	sld [smem:$0x0];
	_ =	sdelay $0x2  }
0xb9: {  	s31 =	sshll.u32 s1, $0xD;
	s1 =	sshrl.u32 s1, $0x2  }
0xba: {  	s3 =	sand.u32 $0x4000, s31;
	s1 =	sadd.s32 s1, s30  }
0xbb: {  	s0 =	sor.u32 s3, s0;
	s1 =	sshll.u32 s1, $0x11  }
0xbc: {  	s0 =	sor.u32 s1, s0  }
0xbd: {  	s0 =	sadd.s32 $0x8F2B, s0  }
0xbe: {  	[sflag:s0] =	ssyncadd.remote.s32 $0x1  }
0xbf: {  	_ =	sfence.sel $0xFFFF  }
0xc0: {  	[dreg:$0x0] =	wrdreg $0xFFFFFFFF;
	(pc) =	sbr.abs _section_cstart, $3  }
0xc1: {  	[dreg:$0x1] =	wrdreg $0xFFFFFFFF  }
0xc2: {  	_ =	task.clear_ibuf [dreg:s7], $0x2FFFF;
	_ =	strace $0x9FFFFFFF  }
0xc3: {  	(tm) =	ssettm $0x7FFFFFFF  }
tec
execute0_lowered:
.L_overlay_start_1:
0x0: {  	(tag) =	ssettag $0x1  }
0x1: {  	s0 =	rddreg [dreg:$0x0]  }
0x2: {  	s1 =	rddreg [dreg:$0x1];
	s2 =	srdreg.scid  }
0x3: {  	s3 =	rddreg [dreg:$0x2];
	s10 =	stileid.u32  }
0x4: {  	s4 =	simm.s32 $0x0;
	s28 =	simm.s32 $0x1;
	s6 =	smul.u32 $0x4800, s10  }
0x5: {  	s29 =	simm.s32 $0x2;
	s31 =	simm.s32 $0x3;
	s7 =	smul.u32 $0x50000, s10  }
0x6: {  	s30 =	simm.s32 $0x680;
	s2 =	sand.u32 $0x1, s2;
	s26 =	smul.u32 $0x14000, s10  }
0x7: {  	[smem:$0x7FF] =	sst s4;
	s10 =	simm.s32 $0xF80;
	s5 =	smul.u32 $0x48000, s2  }
0x8: {  	_ =	strace $0x80000050;
	s25 =	ssub.s32 $0x2, s2;
	s9 =	smul.u32 $0x140000, s2  }
0x9: {  	p0 =	sne.s32 s2, $0x0;
	s2 =	simm.s32 $0x4;
	s8 =	sshrl.u32 s25, $0x1  }
0xa: {  	s7 =	sshrl.u32 s7, $0x2;
	s14 =	sadd.s32 $0x4000, s26;
	s18 =	sadd.s32 $0x8000, s26  }
0xb: {  	s21 =	sadd.s32 $0xC000, s26;
	s5 =	sadd.s32 s6, s5;
	s6 =	ssub.s32 s25, s8  }
0xc: {  	s16 =	sadd.s32 s7, s3;
	s13 =	sadd.s32 s9, s26;
	s17 =	sadd.s32 s9, s14  }
0xd: {  	s19 =	sadd.s32 s18, s3;
	s20 =	sadd.s32 s9, s18;
	s8 =	sadd.s32 $0x10000, s26  }
0xe: {  	s22 =	sadd.s32 s9, s21;
	s18 =	simm.s32 $0x500;
	s5 =	sshrl.u32 s5, $0x3  }
0xf: {  	s6 =	smax.u32 s6, $0x1;
	s11 =	sadd.s32 $0x4000, s16;
	[dreg:$0xd] =	wrdreg s19  }
0x10: {  	s12 =	sadd.s32 $0x8000, s16;
	s7 =	sadd.s32 $0xC000, s16;
	[dreg:$0x4] =	wrdreg s16  }
0x11: {  	s15 =	sadd.s32 $0x10000, s16;
	s9 =	sadd.s32 s9, s8;
	[dreg:$0x5] =	wrdreg s6  }
0x12: {  	s24 =	sadd.s32 s8, s3;
	s19 =	simm.s32 $0x580;
	[dreg:$0x6] =	wrdreg s11  }
0x13: {  	s8 =	simm.s32 $0x780;
	s5 =	sadd.s32 s5, s1;
	[dreg:$0x7] =	wrdreg s12  }
0x14: {  	s1 =	sadd.s32 $0x31600, s1;
	[dreg:$0x8] =	wrdreg s7;
	s6 =	sshrl.u32 s13, $0x3  }
0x15: {  	[dreg:$0x9] =	wrdreg s15;
	s7 =	sadd.s32 s14, s3;
	s23 =	sshrl.u32 s9, $0x3  }
0x16: {  	[dreg:$0x11] =	wrdreg s24;
	s24 =	simm.s32 $0x800;
	s12 =	simm.s32 $0x480  }
0x17: {  	s13 =	simm.s32 $0xC00;
	s6 =	sadd.s32 s1, s6;
	[dreg:$0xb] =	wrdreg s7  }
0x18: {  	s9 =	simm.s32 $0xF00;
	s7 =	sadd.s32 s21, s3;
	[dreg:$0xa] =	wrdreg s6  }
0x19: {  	s25 =	sadd.s32 $0x1F600, s5;
	s26 =	sadd.s32 $0xD600, s5;
	[dreg:$0xf] =	wrdreg s7  }
0x1a: {  	s21 =	simm.s32 $0xD80;
	s6 =	sshrl.u32 s17, $0x3;
	[dreg:$0x13] =	wrdreg s25  }
0x1b: {  	s5 =	simm.s32 $0x600;
	[dreg:$0x14] =	wrdreg s26;
	s6 =	sadd.s32 s1, s6  }
0x1c: {  	s25 =	simm.s32 $0x80;
	[dreg:$0xc] =	wrdreg s6;
	s6 =	sshrl.u32 s20, $0x3  }
0x1d: {  	s26 =	simm.s32 $0x5000;
	s17 =	simm.s32 $0xC80;
	s6 =	sadd.s32 s1, s6  }
0x1e: {  	s7 =	simm.s32 $0x700;
	[dreg:$0xe] =	wrdreg s6;
	s6 =	sshrl.u32 s22, $0x3  }
0x1f: {  	s20 =	simm.s32 $0xD00;
	s22 =	simm.s32 $0x1000;
	s6 =	sadd.s32 s1, s6  }
0x20: {  	s1 =	sadd.s32 s1, s23;
	s23 =	simm.s32 $0x5;
	[dreg:$0x10] =	wrdreg s6  }
0x21: {  	v0 =	vimm.f32 $0.0e+00;
	[dreg:$0x12] =	wrdreg s1;
	s1 =	simm.s32 $0x0;
	s6 =	simm.s32 $0xE80  }
.LBB2_1:
0x22: {  	[dreg:$0x15] =	wrdreg s1;
	s14 =	simm.s32 $0x0;
	s15 =	simm.s32 $0x200  }
.LBB2_2:
0x23: {  	p1 =	sne.s32 s15, $0xFE00;
	[tilespmem:s14+$0x1070] =	vst v0  }
0x24: {  	[tilespmem:s14+$0x1000] =	vst v0  }
0x25: {  	[tilespmem:s14+$0x1010] =	vst v0  }
.Ltmp0:
0x26: {  	[tilespmem:s14+$0x1020] =	vst v0;
	(pc) =	sbr.rel @p1 .LBB2_2-.Ltmp0, $4  }
0x27: {  	[tilespmem:s14+$0x1030] =	vst v0  }
0x28: {  	[tilespmem:s14+$0x1040] =	vst v0  }
0x29: {  	[tilespmem:s14+$0x1050] =	vst v0  }
0x2a: {  	[tilespmem:s14+$0x1060] =	vst v0;
	s14 =	sshra.s32 s15, $0x2;
	s15 =	sadd.s32 $0x200, s15  }
0x2b: {  	[tilespmem:s14+$0x1070] =	vst v0  }
0x2c: {  	[tilespmem:s14+$0x1000] =	vst v0  }
0x2d: {  	[tilespmem:s14+$0x1010] =	vst v0  }
0x2e: {  	[tilespmem:s14+$0x1020] =	vst v0  }
0x2f: {  	[tilespmem:s14+$0x1030] =	vst v0  }
0x30: {  	[tilespmem:s14+$0x1040] =	vst v0  }
0x31: {  	[tilespmem:s14+$0x1050] =	vst v0  }
0x32: {  	[tilespmem:s14+$0x1060] =	vst v0  }
0x33: {  	[spmem:s16] =	stream.linear.scatter [tilespmem:s22], [sflag:$0x5], $0x4000, $0x38;
	[tilespmem:$0x1D000] =	vst v63  }
0x34: {  	_ =	swait.ge [sflag:s23], $0x4000  }
0x35: {  	[sflag:s23] =	ssyncset.done $0x0  }
0x36: {  	s1 =	rddreg [dreg:$0x6];
	[sflag:s23] =	ssyncadd.s32 $0xFFFFC000  }
0x37: {  	[spmem:s1] =	stream.linear.scatter [tilespmem:s22], [sflag:$0x5], $0x4000, $0x38;
	[tilespmem:$0x1D000] =	vst v63  }
0x38: {  	_ =	swait.ge [sflag:s23], $0x4000  }
0x39: {  	[sflag:s23] =	ssyncset.done $0x0  }
0x3a: {  	s11 =	rddreg [dreg:$0x7];
	[sflag:s23] =	ssyncadd.s32 $0xFFFFC000  }
0x3b: {  	[spmem:s11] =	stream.linear.scatter [tilespmem:s22], [sflag:$0x5], $0x4000, $0x38;
	[tilespmem:$0x1D000] =	vst v63  }
0x3c: {  	_ =	swait.ge [sflag:s23], $0x4000  }
0x3d: {  	[sflag:s23] =	ssyncset.done $0x0  }
0x3e: {  	s15 =	rddreg [dreg:$0x8];
	[sflag:s23] =	ssyncadd.s32 $0xFFFFC000  }
0x3f: {  	[spmem:s15] =	stream.linear.scatter [tilespmem:s22], [sflag:$0x5], $0x4000, $0x38;
	[tilespmem:$0x1D000] =	vst v63  }
0x40: {  	_ =	swait.ge [sflag:s23], $0x4000  }
0x41: {  	[sflag:s23] =	ssyncset.done $0x0  }
0x42: {  	s16 =	rddreg [dreg:$0x9];
	[sflag:s23] =	ssyncadd.s32 $0xFFFFC000  }
0x43: {  	[spmem:s16] =	stream.linear.scatter [tilespmem:s22], [sflag:$0x5], $0x4000, $0x38;
	[tilespmem:$0x1D000] =	vst v63  }
0x44: {  	_ =	swait.ge [sflag:s23], $0x4000  }
0x45: {  	[sflag:s23] =	ssyncset.done $0x0  }
0x46: {  	[sflag:s23] =	ssyncadd.s32 $0xFFFFC000  }
0x47: {  	[bflag:$0x0] =	sbarrier.arrive $0xFFFF  }
0x48: {  	s14 =	rddreg [dreg:$0x14]  }
0x49: {  	s1 =	simm.s32 $0xE00;
	s16 =	simm.s32 $0x0;
	s15 =	rddreg [dreg:$0x13]  }
.LBB2_4:
0x4a: {  	[tilespmem:s4], [sflag:$0x5] =	stream.linear.gather [hbm4b:s14+s4], $0x800, $0x38;
	[tilespmem:$0x1D000] =	vst v63  }
0x4b: {  	_ =	swait.ge [sflag:s23], $0x800  }
0x4c: {  	[sflag:s23] =	ssyncset.done $0x0  }
0x4d: {  	[sflag:s23] =	ssyncadd.s32 $0xFFFFF800  }
0x4e: {  	[tilespmem:s24], [sflag:$0x5] =	stream.linear.gather [hbm4b:s15+s4], $0x800, $0x38;
	[tilespmem:$0x1D000] =	vst v63  }
0x4f: {  	_ =	swait.ge [sflag:s23], $0x800  }
0x50: {  	[sflag:s23] =	ssyncset.done $0x0  }
0x51: {  	[sflag:s23] =	ssyncadd.s32 $0xFFFFF800  }
0x52: {  	[tilespmem:s22], [sflag:$0x1] =	stream.indirect.gather [hbm4b:s0+s25], $0x80, s4, s25, $0xb8;
	[tilespmem:$0x1D000] =	vst v63  }
0x53: {  	_ = 	snop  }
0x54: {  	[tilespmem:s26], [sflag:$0x2] =	stream.indirect.gather [hbm4b:s0+s25], $0x80, s25, s25, $0xb8;
	[tilespmem:$0x1D000] =	vst v63  }
0x55: {  	_ =	swait.ge [sflag:s28], $0x4000  }
0x56: {  	[sflag:s28] =	ssyncset.done $0x0  }
0x57: {  	[sflag:s28] =	ssyncadd.s32 $0xFFFFC000  }
0x58: {  	[spmem:s3] =	stream.indirect.scatter.add.f32 [tilespmem:s22], [sflag:$0x3], $0x80, s24, s25, $0xb8;
	[tilespmem:$0x1D000] =	vst v63  }
0x59: {  	_ =	swait.ge [sflag:s29], $0x4000  }
0x5a: {  	[sflag:s29] =	ssyncset.done $0x0  }
0x5b: {  	s11 =	simm.s32 $0x880;
	[sflag:s29] =	ssyncadd.s32 $0xFFFFC000  }
0x5c: {  	[spmem:s3] =	stream.indirect.scatter.add.f32 [tilespmem:s26], [sflag:$0x4], $0x80, s11, s25, $0xb8;
	[tilespmem:$0x1D000] =	vst v63  }
0x5d: {  	_ =	swait.ge [sflag:s31], $0x4000  }
0x5e: {  	[sflag:s31] =	ssyncset.done $0x0  }
0x5f: {  	s11 =	simm.s32 $0x100;
	[sflag:s31] =	ssyncadd.s32 $0xFFFFC000  }
0x60: {  	[tilespmem:s22], [sflag:$0x1] =	stream.indirect.gather [hbm4b:s0+s25], $0x80, s11, s25, $0xb8;
	[tilespmem:$0x1D000] =	vst v63  }
0x61: {  	_ =	swait.ge [sflag:s2], $0x4000  }
0x62: {  	[sflag:s2] =	ssyncset.done $0x0  }
0x63: {  	s11 =	simm.s32 $0x180;
	[sflag:s2] =	ssyncadd.s32 $0xFFFFC000  }
0x64: {  	[tilespmem:s26], [sflag:$0x2] =	stream.indirect.gather [hbm4b:s0+s25], $0x80, s11, s25, $0xb8;
	[tilespmem:$0x1D000] =	vst v63  }
0x65: {  	_ =	swait.ge [sflag:s28], $0x4000  }
0x66: {  	[sflag:s28] =	ssyncset.done $0x0  }
0x67: {  	s11 =	simm.s32 $0x900;
	[sflag:s28] =	ssyncadd.s32 $0xFFFFC000  }
0x68: {  	[spmem:s3] =	stream.indirect.scatter.add.f32 [tilespmem:s22], [sflag:$0x3], $0x80, s11, s25, $0xb8;
	[tilespmem:$0x1D000] =	vst v63  }
0x69: {  	_ =	swait.ge [sflag:s29], $0x4000  }
0x6a: {  	[sflag:s29] =	ssyncset.done $0x0  }
0x6b: {  	s11 =	simm.s32 $0x980;
	[sflag:s29] =	ssyncadd.s32 $0xFFFFC000  }
0x6c: {  	[spmem:s3] =	stream.indirect.scatter.add.f32 [tilespmem:s26], [sflag:$0x4], $0x80, s11, s25, $0xb8;
	[tilespmem:$0x1D000] =	vst v63  }
0x6d: {  	_ =	swait.ge [sflag:s31], $0x4000  }
0x6e: {  	[sflag:s31] =	ssyncset.done $0x0  }
0x6f: {  	s11 =	simm.s32 $0x200;
	[sflag:s31] =	ssyncadd.s32 $0xFFFFC000  }
0x70: {  	[tilespmem:s22], [sflag:$0x1] =	stream.indirect.gather [hbm4b:s0+s25], $0x80, s11, s25, $0xb8;
	[tilespmem:$0x1D000] =	vst v63  }
0x71: {  	_ =	swait.ge [sflag:s2], $0x4000  }
0x72: {  	[sflag:s2] =	ssyncset.done $0x0  }
0x73: {  	s11 =	simm.s32 $0x280;
	[sflag:s2] =	ssyncadd.s32 $0xFFFFC000  }
0x74: {  	[tilespmem:s26], [sflag:$0x2] =	stream.indirect.gather [hbm4b:s0+s25], $0x80, s11, s25, $0xb8;
	[tilespmem:$0x1D000] =	vst v63  }
0x75: {  	_ =	swait.ge [sflag:s28], $0x4000  }
0x76: {  	[sflag:s28] =	ssyncset.done $0x0  }
0x77: {  	s11 =	simm.s32 $0xA00;
	[sflag:s28] =	ssyncadd.s32 $0xFFFFC000  }
0x78: {  	[spmem:s3] =	stream.indirect.scatter.add.f32 [tilespmem:s22], [sflag:$0x3], $0x80, s11, s25, $0xb8;
	[tilespmem:$0x1D000] =	vst v63  }
0x79: {  	_ =	swait.ge [sflag:s29], $0x4000  }
0x7a: {  	[sflag:s29] =	ssyncset.done $0x0  }
0x7b: {  	s11 =	simm.s32 $0xA80;
	[sflag:s29] =	ssyncadd.s32 $0xFFFFC000  }
0x7c: {  	[spmem:s3] =	stream.indirect.scatter.add.f32 [tilespmem:s26], [sflag:$0x4], $0x80, s11, s25, $0xb8;
	[tilespmem:$0x1D000] =	vst v63  }
0x7d: {  	_ =	swait.ge [sflag:s31], $0x4000  }
0x7e: {  	[sflag:s31] =	ssyncset.done $0x0  }
0x7f: {  	s11 =	simm.s32 $0x300;
	[sflag:s31] =	ssyncadd.s32 $0xFFFFC000  }
0x80: {  	[tilespmem:s22], [sflag:$0x1] =	stream.indirect.gather [hbm4b:s0+s25], $0x80, s11, s25, $0xb8;
	[tilespmem:$0x1D000] =	vst v63  }
0x81: {  	_ =	swait.ge [sflag:s2], $0x4000  }
0x82: {  	[sflag:s2] =	ssyncset.done $0x0  }
0x83: {  	s11 =	simm.s32 $0x380;
	[sflag:s2] =	ssyncadd.s32 $0xFFFFC000  }
0x84: {  	[tilespmem:s26], [sflag:$0x2] =	stream.indirect.gather [hbm4b:s0+s25], $0x80, s11, s25, $0xb8;
	[tilespmem:$0x1D000] =	vst v63  }
0x85: {  	_ =	swait.ge [sflag:s28], $0x4000  }
0x86: {  	[sflag:s28] =	ssyncset.done $0x0  }
0x87: {  	s11 =	simm.s32 $0xB00;
	[sflag:s28] =	ssyncadd.s32 $0xFFFFC000  }
0x88: {  	[spmem:s3] =	stream.indirect.scatter.add.f32 [tilespmem:s22], [sflag:$0x3], $0x80, s11, s25, $0xb8;
	[tilespmem:$0x1D000] =	vst v63  }
0x89: {  	_ =	swait.ge [sflag:s29], $0x4000  }
0x8a: {  	[sflag:s29] =	ssyncset.done $0x0  }
0x8b: {  	s11 =	simm.s32 $0xB80;
	[sflag:s29] =	ssyncadd.s32 $0xFFFFC000  }
0x8c: {  	[spmem:s3] =	stream.indirect.scatter.add.f32 [tilespmem:s26], [sflag:$0x4], $0x80, s11, s25, $0xb8;
	[tilespmem:$0x1D000] =	vst v63  }
0x8d: {  	_ =	swait.ge [sflag:s31], $0x4000  }
0x8e: {  	[sflag:s31] =	ssyncset.done $0x0  }
0x8f: {  	s11 =	simm.s32 $0x400;
	[sflag:s31] =	ssyncadd.s32 $0xFFFFC000  }
0x90: {  	[tilespmem:s22], [sflag:$0x1] =	stream.indirect.gather [hbm4b:s0+s25], $0x80, s11, s25, $0xb8;
	[tilespmem:$0x1D000] =	vst v63  }
0x91: {  	_ =	swait.ge [sflag:s2], $0x4000  }
0x92: {  	[sflag:s2] =	ssyncset.done $0x0  }
0x93: {  	[sflag:s2] =	ssyncadd.s32 $0xFFFFC000  }
0x94: {  	[tilespmem:s26], [sflag:$0x2] =	stream.indirect.gather [hbm4b:s0+s25], $0x80, s12, s25, $0xb8;
	[tilespmem:$0x1D000] =	vst v63  }
0x95: {  	_ =	swait.ge [sflag:s28], $0x4000  }
0x96: {  	[sflag:s28] =	ssyncset.done $0x0  }
0x97: {  	[sflag:s28] =	ssyncadd.s32 $0xFFFFC000  }
0x98: {  	[spmem:s3] =	stream.indirect.scatter.add.f32 [tilespmem:s22], [sflag:$0x3], $0x80, s13, s25, $0xb8;
	[tilespmem:$0x1D000] =	vst v63  }
0x99: {  	_ =	swait.ge [sflag:s29], $0x4000  }
0x9a: {  	[sflag:s29] =	ssyncset.done $0x0  }
0x9b: {  	[sflag:s29] =	ssyncadd.s32 $0xFFFFC000  }
0x9c: {  	[spmem:s3] =	stream.indirect.scatter.add.f32 [tilespmem:s26], [sflag:$0x4], $0x80, s17, s25, $0xb8;
	[tilespmem:$0x1D000] =	vst v63  }
0x9d: {  	_ =	swait.ge [sflag:s31], $0x4000  }
0x9e: {  	[sflag:s31] =	ssyncset.done $0x0  }
0x9f: {  	[sflag:s31] =	ssyncadd.s32 $0xFFFFC000  }
0xa0: {  	[tilespmem:s22], [sflag:$0x1] =	stream.indirect.gather [hbm4b:s0+s25], $0x80, s18, s25, $0xb8;
	[tilespmem:$0x1D000] =	vst v63  }
0xa1: {  	_ =	swait.ge [sflag:s2], $0x4000  }
0xa2: {  	[sflag:s2] =	ssyncset.done $0x0  }
0xa3: {  	[sflag:s2] =	ssyncadd.s32 $0xFFFFC000  }
0xa4: {  	[tilespmem:s26], [sflag:$0x2] =	stream.indirect.gather [hbm4b:s0+s25], $0x80, s19, s25, $0xb8;
	[tilespmem:$0x1D000] =	vst v63  }
0xa5: {  	_ =	swait.ge [sflag:s28], $0x4000  }
0xa6: {  	[sflag:s28] =	ssyncset.done $0x0  }
0xa7: {  	[sflag:s28] =	ssyncadd.s32 $0xFFFFC000  }
0xa8: {  	[spmem:s3] =	stream.indirect.scatter.add.f32 [tilespmem:s22], [sflag:$0x3], $0x80, s20, s25, $0xb8;
	[tilespmem:$0x1D000] =	vst v63  }
0xa9: {  	_ =	swait.ge [sflag:s29], $0x4000  }
0xaa: {  	[sflag:s29] =	ssyncset.done $0x0  }
0xab: {  	[sflag:s29] =	ssyncadd.s32 $0xFFFFC000  }
0xac: {  	[spmem:s3] =	stream.indirect.scatter.add.f32 [tilespmem:s26], [sflag:$0x4], $0x80, s21, s25, $0xb8;
	[tilespmem:$0x1D000] =	vst v63  }
0xad: {  	_ =	swait.ge [sflag:s31], $0x4000  }
0xae: {  	[sflag:s31] =	ssyncset.done $0x0  }
0xaf: {  	[sflag:s31] =	ssyncadd.s32 $0xFFFFC000  }
0xb0: {  	[tilespmem:s22], [sflag:$0x1] =	stream.indirect.gather [hbm4b:s0+s25], $0x80, s5, s25, $0xb8;
	[tilespmem:$0x1D000] =	vst v63  }
0xb1: {  	_ =	swait.ge [sflag:s2], $0x4000  }
0xb2: {  	[sflag:s2] =	ssyncset.done $0x0  }
0xb3: {  	[sflag:s2] =	ssyncadd.s32 $0xFFFFC000  }
0xb4: {  	[tilespmem:s26], [sflag:$0x2] =	stream.indirect.gather [hbm4b:s0+s25], $0x80, s30, s25, $0xb8;
	[tilespmem:$0x1D000] =	vst v63  }
0xb5: {  	_ =	swait.ge [sflag:s28], $0x4000  }
0xb6: {  	[sflag:s28] =	ssyncset.done $0x0  }
0xb7: {  	[sflag:s28] =	ssyncadd.s32 $0xFFFFC000  }
0xb8: {  	[spmem:s3] =	stream.indirect.scatter.add.f32 [tilespmem:s22], [sflag:$0x3], $0x80, s1, s25, $0xb8;
	[tilespmem:$0x1D000] =	vst v63  }
0xb9: {  	_ =	swait.ge [sflag:s29], $0x4000  }
0xba: {  	[sflag:s29] =	ssyncset.done $0x0  }
0xbb: {  	[sflag:s29] =	ssyncadd.s32 $0xFFFFC000  }
0xbc: {  	[spmem:s3] =	stream.indirect.scatter.add.f32 [tilespmem:s26], [sflag:$0x4], $0x80, s6, s25, $0xb8;
	[tilespmem:$0x1D000] =	vst v63  }
0xbd: {  	_ =	swait.ge [sflag:s31], $0x4000  }
0xbe: {  	[sflag:s31] =	ssyncset.done $0x0  }
0xbf: {  	[sflag:s31] =	ssyncadd.s32 $0xFFFFC000  }
0xc0: {  	[tilespmem:s22], [sflag:$0x1] =	stream.indirect.gather [hbm4b:s0+s25], $0x80, s7, s25, $0xb8;
	[tilespmem:$0x1D000] =	vst v63  }
0xc1: {  	_ =	swait.ge [sflag:s2], $0x4000  }
0xc2: {  	[sflag:s2] =	ssyncset.done $0x0  }
0xc3: {  	[sflag:s2] =	ssyncadd.s32 $0xFFFFC000  }
0xc4: {  	[tilespmem:s26], [sflag:$0x2] =	stream.indirect.gather [hbm4b:s0+s25], $0x80, s8, s25, $0xb8;
	[tilespmem:$0x1D000] =	vst v63  }
0xc5: {  	_ =	swait.ge [sflag:s28], $0x4000  }
0xc6: {  	[sflag:s28] =	ssyncset.done $0x0  }
0xc7: {  	[sflag:s28] =	ssyncadd.s32 $0xFFFFC000  }
0xc8: {  	[spmem:s3] =	stream.indirect.scatter.add.f32 [tilespmem:s22], [sflag:$0x3], $0x80, s9, s25, $0xb8;
	[tilespmem:$0x1D000] =	vst v63  }
0xc9: {  	_ =	swait.ge [sflag:s29], $0x4000  }
0xca: {  	[sflag:s29] =	ssyncset.done $0x0  }
0xcb: {  	p1 =	slt.u32 @!p0 s16, $0x8;
	[sflag:s29] =	ssyncadd.s32 $0xFFFFC000  }
0xcc: {  	[spmem:s3] =	stream.indirect.scatter.add.f32 [tilespmem:s26], [sflag:$0x4], $0x80, s10, s25, $0xb8;
	[tilespmem:$0x1D000] =	vst v63  }
0xcd: {  	p1 =	por p0, !p1;
	_ =	swait.ge [sflag:s31], $0x4000  }
.Ltmp1:
0xce: {  	[sflag:s31] =	ssyncset.done $0x0;
	(pc) =	sbr.rel @!p1 .LBB2_4-.Ltmp1, $4  }
0xcf: {  	[sflag:s31] =	ssyncadd.s32 $0xFFFFC000  }
0xd0: {  	_ =	swait.ge [sflag:s2], $0x4000  }
0xd1: {  	s16 =	sadd.s32 $0x1, s16;
	[sflag:s2] =	ssyncset.done $0x0  }
0xd2: {  	s14 =	sadd.s32 $0x100, s14;
	s15 =	sadd.s32 $0x100, s15;
	[sflag:s2] =	ssyncadd.s32 $0xFFFFC000  }
0xd3: {  	[bflag:$0x0] =	sbarrier.arrive $0xFFFF  }
0xd4: {  	s16 =	rddreg [dreg:$0x4]  }
0xd5: {  	[tilespmem:s22], [sflag:$0x5] =	stream.linear.gather [spmem:s16], $0x4000, $0x38;
	[tilespmem:$0x1D000] =	vst v63  }
0xd6: {  	_ =	swait.ge [sflag:s23], $0x4000  }
0xd7: {  	[sflag:s23] =	ssyncset.done $0x0  }
0xd8: {  	s14 =	rddreg [dreg:$0xa];
	[sflag:s23] =	ssyncadd.s32 $0xFFFFC000  }
0xd9: {  	[hbm4b:s14+s4] =	stream.linear.scatter [tilespmem:s22], [sflag:$0x5], $0x4000, $0x38;
	[tilespmem:$0x1D000] =	vst v63  }
0xda: {  	_ =	swait.ge [sflag:s23], $0x4000  }
0xdb: {  	[sflag:s23] =	ssyncset.done $0x0  }
0xdc: {  	s1 =	rddreg [dreg:$0xb];
	[sflag:s23] =	ssyncadd.s32 $0xFFFFC000  }
0xdd: {  	[tilespmem:s22], [sflag:$0x5] =	stream.linear.gather [spmem:s1], $0x4000, $0x38;
	[tilespmem:$0x1D000] =	vst v63  }
0xde: {  	_ =	swait.ge [sflag:s23], $0x4000  }
0xdf: {  	[sflag:s23] =	ssyncset.done $0x0  }
0xe0: {  	s11 =	rddreg [dreg:$0xc];
	[sflag:s23] =	ssyncadd.s32 $0xFFFFC000  }
0xe1: {  	[hbm4b:s11+s4] =	stream.linear.scatter [tilespmem:s22], [sflag:$0x5], $0x4000, $0x38;
	[tilespmem:$0x1D000] =	vst v63  }
0xe2: {  	_ =	swait.ge [sflag:s23], $0x4000  }
0xe3: {  	[sflag:s23] =	ssyncset.done $0x0  }
0xe4: {  	s15 =	rddreg [dreg:$0xd];
	[sflag:s23] =	ssyncadd.s32 $0xFFFFC000  }
0xe5: {  	[tilespmem:s22], [sflag:$0x5] =	stream.linear.gather [spmem:s15], $0x4000, $0x38;
	[tilespmem:$0x1D000] =	vst v63  }
0xe6: {  	_ =	swait.ge [sflag:s23], $0x4000  }
0xe7: {  	[sflag:s23] =	ssyncset.done $0x0  }
0xe8: {  	s1 =	rddreg [dreg:$0xe];
	[sflag:s23] =	ssyncadd.s32 $0xFFFFC000  }
0xe9: {  	[hbm4b:s1+s4] =	stream.linear.scatter [tilespmem:s22], [sflag:$0x5], $0x4000, $0x38;
	[tilespmem:$0x1D000] =	vst v63  }
0xea: {  	_ =	swait.ge [sflag:s23], $0x4000  }
0xeb: {  	[sflag:s23] =	ssyncset.done $0x0  }
0xec: {  	s11 =	rddreg [dreg:$0xf];
	[sflag:s23] =	ssyncadd.s32 $0xFFFFC000  }
0xed: {  	[tilespmem:s22], [sflag:$0x5] =	stream.linear.gather [spmem:s11], $0x4000, $0x38;
	[tilespmem:$0x1D000] =	vst v63  }
0xee: {  	_ =	swait.ge [sflag:s23], $0x4000  }
0xef: {  	[sflag:s23] =	ssyncset.done $0x0  }
0xf0: {  	s15 =	rddreg [dreg:$0x10];
	[sflag:s23] =	ssyncadd.s32 $0xFFFFC000  }
0xf1: {  	[hbm4b:s15+s4] =	stream.linear.scatter [tilespmem:s22], [sflag:$0x5], $0x4000, $0x38;
	[tilespmem:$0x1D000] =	vst v63  }
0xf2: {  	_ =	swait.ge [sflag:s23], $0x4000  }
0xf3: {  	[sflag:s23] =	ssyncset.done $0x0  }
0xf4: {  	s1 =	rddreg [dreg:$0x11];
	[sflag:s23] =	ssyncadd.s32 $0xFFFFC000  }
0xf5: {  	[tilespmem:s22], [sflag:$0x5] =	stream.linear.gather [spmem:s1], $0x4000, $0x38;
	[tilespmem:$0x1D000] =	vst v63  }
0xf6: {  	_ =	swait.ge [sflag:s23], $0x4000  }
0xf7: {  	[sflag:s23] =	ssyncset.done $0x0  }
0xf8: {  	s11 =	rddreg [dreg:$0x12];
	[sflag:s23] =	ssyncadd.s32 $0xFFFFC000  }
0xf9: {  	[hbm4b:s11+s4] =	stream.linear.scatter [tilespmem:s22], [sflag:$0x5], $0x4000, $0x38;
	[tilespmem:$0x1D000] =	vst v63  }
0xfa: {  	_ =	swait.ge [sflag:s23], $0x4000  }
0xfb: {  	s1 =	rddreg [dreg:$0x15]  }
0xfc: {  	s15 =	rddreg [dreg:$0x5];
	s1 =	sadd.s32 $0x1, s1  }
0xfd: {  	p1 =	sne.s32 s1, s15  }
.Ltmp2:
0xfe: {  	_ = 	snop;
	(pc) =	sbr.rel @p1 .LBB2_1-.Ltmp2, $3  }
0xff: {  	_ =	sdelay $0x1  }
0x100: {  	[sflag:s23] =	ssyncset.done $0x0  }
0x101: {  	[sflag:s23] =	ssyncadd.s32 $0xFFFFC000  }
0x102: {  	_ =	sfence.sel $0x180000  }
0x103: {  	[bflag:$0x0] =	sbarrier.arrive $0xFFFF  }
0x104: {  	_ =	strace $0x90000050  }
0x105: {  	s0 =	stileid.u32;
	[bflag:$0x2] =	sbarrier.arrive $0xFFFF  }
0x106: {  	p0 =	sne.s32 s0, $0x0;
	s0 =	rddreg [dreg:$0x3]  }
0x107: {  	s0 =	sadd.s32 @!p0 $0x100000, s0  }
0x108: {  	[sflag:s0] =	ssyncadd.tile.s32 @!p0 $0x1;
	_ =	shalt  }
.Lfunc_end2:
_tile_overlayer_lowered:
.L_overlay_start_2:
0x109: {  	(tag) =	ssettag $0x2  }
0x10a: {  	s0 =	rddreg [dreg:$0x0];
	s2 =	stileid.u32  }
0x10b: {  	s1 =	rddreg [dreg:$0x1];
	p0 =	sne.s32 s2, $0x0  }
0x10c: {  	s3 =	rddreg [dreg:$0x2];
	[bflag:$0x3] =	sbarrier.arrive $0xFFFF;
	s2 =	simm.s32 @!p0 $0x1C05  }
0x10d: {  	[timem:s3], [sflag:s2] =	dma.local @!p0 [hbm:s0], s1  }
0x10e: {  	s0 =	simm.s32 @!p0 $0x5  }
0x10f: {  	_ =	swait.ge @!p0 [sflag:s0], s1  }
0x110: {  	s1 =	ssub.s32 @!p0 $0x0, s1;
	[sflag:s0] =	ssyncset.done @!p0 $0x0  }
0x111: {  	[sflag:s0] =	ssyncadd.s32 @!p0 s1  }
0x112: {  	[bflag:$0x3] =	sbarrier.arrive $0xFFFF  }
0x113: {  	_ =	shalt  }

</sc_bundles>
